<compile_context>
chip_gen: v7x
topology: tpu7x:2x2x1
jax: 0.10.2.dev20260603
libtpu: 0.0.44.dev20260713+nightly
codegen_flags: <defaults>
</compile_context>

<pallas_src>
import functools

import jax
import jax.numpy as jnp
from jax import lax
from jax.experimental import pallas as pl
from jax.experimental.pallas import tpu as pltpu
from jax.experimental.pallas import tpu_sc as plsc

B, L, H = 1024, 200, 128
NW = 32
TOK = B * L
TPW = TOK // NW
CHUNK = 64
NCHUNK = TPW // CHUNK
NB = 5

_MESH = plsc.VectorSubcoreMesh(core_axis_name="c", subcore_axis_name="s")

_F32 = jnp.float32
_I32 = jnp.int32

_BCAST_DNUMS = lax.GatherDimensionNumbers(
    offset_dims=(), collapsed_slice_dims=(0,), start_index_map=(0,))


def _lane_bcast(vec, k):
    idx = jnp.full((16, 1), k, _I32)
    return lax.gather(vec, idx, _BCAST_DNUMS, slice_sizes=(1,),
                      mode=lax.GatherScatterMode.PROMISE_IN_BOUNDS)


@functools.partial(
    pl.kernel,
    out_type=jax.ShapeDtypeStruct((TOK, H), _F32),
    mesh=_MESH,
    scratch_types=[
        pltpu.VMEM((TPW,), _I32),
        pltpu.VMEM((TPW,), _I32),
        pltpu.VMEM((L, H), _F32),
        pltpu.VMEM((H,), _F32),
        [pltpu.VMEM((CHUNK, H), _F32)] * NB,
        [pltpu.VMEM((CHUNK, H), _F32)] * NB,
        [pltpu.SemaphoreType.DMA] * NB,
        [pltpu.SemaphoreType.DMA] * NB,
    ],
)
def _sc_embed(ids_hbm, tt_hbm, w_hbm, p0_hbm, d_hbm, out_hbm,
              idw, ttb, p0res, dbuf, wbufs, obufs, sem_w, sem_o):
    c = lax.axis_index("c")
    s = lax.axis_index("s")
    wid = s * 2 + c
    base0 = wid * TPW
    sls = [pl.ds(j * 16, 16) for j in range(H // 16)]

    pltpu.sync_copy(ids_hbm.at[pl.ds(base0, TPW)], idw)

    def launch(g, b):
        pltpu.async_copy(w_hbm.at[idw.at[pl.ds(g * CHUNK, CHUNK)]],
                         wbufs[b], sem_w[b])

    def wait_gather(b):
        pltpu.make_async_copy(w_hbm.at[pl.ds(0, CHUNK)], wbufs[b],
                              sem_w[b]).wait()

    def wait_out(b):
        pltpu.make_async_copy(obufs[b], out_hbm.at[pl.ds(0, CHUNK)],
                              sem_o[b]).wait()

    def compute(g, b):
        wb, ob = wbufs[b], obufs[b]
        off = lax.rem(g * CHUNK, L)

        @plsc.parallel_loop(0, CHUNK, unroll=2)
        def row_body(r):
            pos = off + r
            pos = lax.select(pos >= L, pos - L, pos)
            rbase = (r // 16) * 16
            ttv = ttb[pl.ds(g * CHUNK + rbase, 16)]
            tk = _lane_bcast(ttv, r - rbase).astype(_F32)
            ws = [wb[r, sl] for sl in sls]
            ps = [p0res[pos, sl] for sl in sls]
            for j in range(H // 16):
                v = ws[j] + ps[j] + tk * dvals[j]
                ob[r, sls[j]] = jnp.minimum(jnp.maximum(v, -1.0), 1.0)

    def store(g, b):
        pltpu.async_copy(obufs[b], out_hbm.at[pl.ds(base0 + g * CHUNK, CHUNK)],
                         sem_o[b])

    def step(g, b, *, first):
        wait_gather(b)
        if not first:
            wait_out(b)
        compute(g, b)
        store(g, b)

        @pl.when(g + NB < NCHUNK)
        def _():
            launch(g + NB, b)

    for b in range(NB):
        launch(b, b)
    pltpu.sync_copy(tt_hbm.at[pl.ds(base0, TPW)], ttb)
    pltpu.sync_copy(p0_hbm, p0res)
    pltpu.sync_copy(d_hbm, dbuf)
    dvals = [dbuf[sl] for sl in sls]
    for b in range(NB):
        step(b, b, first=True)

    def quad_body(go, carry):
        for b in range(NB):
            step(NB * go + b, b, first=False)
        return carry

    lax.fori_loop(1, NCHUNK // NB, quad_body, 0)

    for b in range(NB):
        wait_out(b)


def kernel(input_ids, attention_mask, token_type_ids, word_embeddings,
           position_embeddings, token_type_embeddings):
    del attention_mask
    ids = input_ids.reshape(TOK).astype(_I32)
    tt = token_type_ids.reshape(TOK).astype(_I32)
    p0 = position_embeddings[:L] + token_type_embeddings[0]
    d = token_type_embeddings[1] - token_type_embeddings[0]
    out = _sc_embed(ids, tt, word_embeddings, p0, d)
    return out.reshape(B, L, H)

# --- scband reference (transcript-rebuilt; emitter-appended) ---
"""Pipeline reference for scband-bert-embeddings-26345329393763 (READ-ONLY COPY).

The authoritative reference and input builder live on the scoring server;
editing this copy changes nothing except your own understanding.
"""

import jax, jax.numpy as jnp
import numpy as np

VOCAB_SIZE = 100000
HIDDEN_SIZE = 128
MAX_POS = 512
TYPE_VOCAB = 2
B, L = 1024, 200


def setup_inputs(seed: int = 0) -> dict:
    key = jax.random.key(seed)
    k1, k2, k3, k4, k5, k6 = jax.random.split(key, 6)
    input_ids = jax.random.randint(k1, (B, L), 0, VOCAB_SIZE, dtype=jnp.int64 if jax.config.jax_enable_x64 else jnp.int32)
    attention_mask = jnp.ones((B, L), dtype=input_ids.dtype)
    token_type_ids = jax.random.randint(k2, (B, L), 0, TYPE_VOCAB, dtype=input_ids.dtype)
    word_embeddings = jax.random.normal(k3, (VOCAB_SIZE, HIDDEN_SIZE), dtype=jnp.float32) * 0.02
    position_embeddings = jax.random.normal(k4, (MAX_POS, HIDDEN_SIZE), dtype=jnp.float32) * 0.02
    token_type_embeddings = jax.random.normal(k5, (TYPE_VOCAB, HIDDEN_SIZE), dtype=jnp.float32) * 0.02
    return {
        "input_ids": input_ids,
        "attention_mask": attention_mask,
        "token_type_ids": token_type_ids,
        "word_embeddings": word_embeddings,
        "position_embeddings": position_embeddings,
        "token_type_embeddings": token_type_embeddings,
    }


def reference(input_ids, attention_mask, token_type_ids, word_embeddings, position_embeddings, token_type_embeddings):
    seq_length = input_ids.shape[1]
    position_ids = jnp.arange(seq_length, dtype=input_ids.dtype)
    position_ids = jnp.broadcast_to(position_ids[None, :], input_ids.shape)
    words_emb = jnp.take(word_embeddings, input_ids, axis=0)
    pos_emb = jnp.take(position_embeddings, position_ids, axis=0)
    type_emb = jnp.take(token_type_embeddings, token_type_ids, axis=0)
    embeddings = words_emb + pos_emb + type_emb
    # nn.Hardtanh() used as 'LayerNorm': clamp to [-1, 1]
    embeddings = jnp.clip(embeddings, -1.0, 1.0)
    return embeddings

if __name__ == "__main__":
    import jax
    _d = setup_inputs()
    print(jax.jit(kernel)(*tuple(_d.values())))

</pallas_src>

<mosaic_0001>
#map = affine_map<(d0, d1) -> (0)>
#map1 = affine_map<(d0, d1) -> (0, 0)>
module attributes {stable_mosaic.version = 14 : i64} {
  func.func @_sc_embed(%arg0: i32, %arg1: i32, %arg2: memref<204800xi32, #tpu.memory_space<hbm>>, %arg3: memref<204800xi32, #tpu.memory_space<hbm>>, %arg4: memref<100000x128xf32, #tpu.memory_space<hbm>>, %arg5: memref<200x128xf32, #tpu.memory_space<hbm>>, %arg6: memref<128xf32, #tpu.memory_space<hbm>>, %arg7: memref<204800x128xf32, #tpu.memory_space<hbm>>, %arg8: memref<6400xi32, #tpu.memory_space<vmem>>, %arg9: memref<6400xi32, #tpu.memory_space<vmem>>, %arg10: memref<200x128xf32, #tpu.memory_space<vmem>>, %arg11: memref<128xf32, #tpu.memory_space<vmem>>, %arg12: memref<64x128xf32, #tpu.memory_space<vmem>>, %arg13: memref<64x128xf32, #tpu.memory_space<vmem>>, %arg14: memref<64x128xf32, #tpu.memory_space<vmem>>, %arg15: memref<64x128xf32, #tpu.memory_space<vmem>>, %arg16: memref<64x128xf32, #tpu.memory_space<vmem>>, %arg17: memref<64x128xf32, #tpu.memory_space<vmem>>, %arg18: memref<64x128xf32, #tpu.memory_space<vmem>>, %arg19: memref<64x128xf32, #tpu.memory_space<vmem>>, %arg20: memref<64x128xf32, #tpu.memory_space<vmem>>, %arg21: memref<64x128xf32, #tpu.memory_space<vmem>>, %arg22: memref<!tpu.dma_semaphore, #tpu.memory_space<semaphore_mem>>, %arg23: memref<!tpu.dma_semaphore, #tpu.memory_space<semaphore_mem>>, %arg24: memref<!tpu.dma_semaphore, #tpu.memory_space<semaphore_mem>>, %arg25: memref<!tpu.dma_semaphore, #tpu.memory_space<semaphore_mem>>, %arg26: memref<!tpu.dma_semaphore, #tpu.memory_space<semaphore_mem>>, %arg27: memref<!tpu.dma_semaphore, #tpu.memory_space<semaphore_mem>>, %arg28: memref<!tpu.dma_semaphore, #tpu.memory_space<semaphore_mem>>, %arg29: memref<!tpu.dma_semaphore, #tpu.memory_space<semaphore_mem>>, %arg30: memref<!tpu.dma_semaphore, #tpu.memory_space<semaphore_mem>>, %arg31: memref<!tpu.dma_semaphore, #tpu.memory_space<semaphore_mem>>) attributes {dimension_semantics = [#tpu.dimension_semantics<core_parallel>, #tpu.dimension_semantics<subcore_parallel>], iteration_bounds = array<i64: 2, 16>, scalar_prefetch = 0 : i64, scratch_operands = 24 : i64, tpu.core_type = #tpu.core_type<sc_vector_subcore>, window_params = [{transform_indices = #map}, {transform_indices = #map}, {transform_indices = #map1}, {transform_indices = #map1}, {transform_indices = #map}, {transform_indices = #map1}]} {
    %mul3A = arith.constant 2 : i32
    %mul3A_0 = arith.muli %arg1, %mul3A : i32
    %add3A = arith.addi %mul3A_0, %arg0 : i32
    %mul3A_1 = arith.constant 6400 : i32
    %mul3A_2 = arith.muli %add3A, %mul3A_1 : i32
    "tpu.region"() ({
      %run_scoped3A = tpu.sem_alloc : memref<!tpu.dma_semaphore, #tpu.memory_space<semaphore_mem>>
      %dma_start3A_197 = tpu.memref_slice %arg2[%mul3A_2] : memref<204800xi32, #tpu.memory_space<hbm>> -> memref<6400xi32, #tpu.memory_space<hbm>>
      %dma_start3A_198 = tpu.memref_slice %arg2[%mul3A_2] : memref<204800xi32, #tpu.memory_space<hbm>> -> memref<6400xi32, #tpu.memory_space<hbm>>
      tpu.enqueue_dma source(%dma_start3A_198 : memref<6400xi32, #tpu.memory_space<hbm>>) target(%arg8 : memref<6400xi32, #tpu.memory_space<vmem>>) target_semaphore(%run_scoped3A : memref<!tpu.dma_semaphore, #tpu.memory_space<semaphore_mem>>)
      %dma_wait3A_199 = tpu.memref_slice %arg2[%mul3A_2] : memref<204800xi32, #tpu.memory_space<hbm>> -> memref<6400xi32, #tpu.memory_space<hbm>>
      %dma_wait3A_200 = tpu.memref_slice %arg2[%mul3A_2] : memref<204800xi32, #tpu.memory_space<hbm>> -> memref<6400xi32, #tpu.memory_space<hbm>>
      tpu.wait_dma2 semaphore(%run_scoped3A : memref<!tpu.dma_semaphore, #tpu.memory_space<semaphore_mem>>) src(%dma_wait3A_200 : memref<6400xi32, #tpu.memory_space<hbm>>) dst(%arg8 : memref<6400xi32, #tpu.memory_space<vmem>>)
      tpu.yield
    }) : () -> ()
    %dma_start3A = arith.constant 0 : i32
    %dma_start3A_3 = tpu.memref_slice %arg8[%dma_start3A] : memref<6400xi32, #tpu.memory_space<vmem>> -> memref<64xi32, #tpu.memory_space<vmem>>
    %dma_start3A_4 = arith.constant 0 : i32
    %dma_start3A_5 = arith.constant 0 : i32
    %dma_start3A_6 = tpu.memref_slice %arg4[%dma_start3A_4, %dma_start3A_5] : memref<100000x128xf32, #tpu.memory_space<hbm>> -> memref<100000x128xf32, #tpu.memory_space<hbm>>
    tpu.enqueue_indirect_dma source(%dma_start3A_6 : memref<100000x128xf32, #tpu.memory_space<hbm>>) target(%arg12 : memref<64x128xf32, #tpu.memory_space<vmem>>) offsets(%dma_start3A_3 : memref<64xi32, #tpu.memory_space<vmem>>) semaphore(%arg22 : memref<!tpu.dma_semaphore, #tpu.memory_space<semaphore_mem>>)
    %dma_start3A_7 = arith.constant 64 : i32
    %dma_start3A_8 = tpu.memref_slice %arg8[%dma_start3A_7] : memref<6400xi32, #tpu.memory_space<vmem>> -> memref<64xi32, #tpu.memory_space<vmem>>
    %dma_start3A_9 = arith.constant 0 : i32
    %dma_start3A_10 = arith.constant 0 : i32
    %dma_start3A_11 = tpu.memref_slice %arg4[%dma_start3A_9, %dma_start3A_10] : memref<100000x128xf32, #tpu.memory_space<hbm>> -> memref<100000x128xf32, #tpu.memory_space<hbm>>
    tpu.enqueue_indirect_dma source(%dma_start3A_11 : memref<100000x128xf32, #tpu.memory_space<hbm>>) target(%arg13 : memref<64x128xf32, #tpu.memory_space<vmem>>) offsets(%dma_start3A_8 : memref<64xi32, #tpu.memory_space<vmem>>) semaphore(%arg23 : memref<!tpu.dma_semaphore, #tpu.memory_space<semaphore_mem>>)
    %dma_start3A_12 = arith.constant 128 : i32
    %dma_start3A_13 = tpu.memref_slice %arg8[%dma_start3A_12] : memref<6400xi32, #tpu.memory_space<vmem>> -> memref<64xi32, #tpu.memory_space<vmem>>
    %dma_start3A_14 = arith.constant 0 : i32
    %dma_start3A_15 = arith.constant 0 : i32
    %dma_start3A_16 = tpu.memref_slice %arg4[%dma_start3A_14, %dma_start3A_15] : memref<100000x128xf32, #tpu.memory_space<hbm>> -> memref<100000x128xf32, #tpu.memory_space<hbm>>
    tpu.enqueue_indirect_dma source(%dma_start3A_16 : memref<100000x128xf32, #tpu.memory_space<hbm>>) target(%arg14 : memref<64x128xf32, #tpu.memory_space<vmem>>) offsets(%dma_start3A_13 : memref<64xi32, #tpu.memory_space<vmem>>) semaphore(%arg24 : memref<!tpu.dma_semaphore, #tpu.memory_space<semaphore_mem>>)
    %dma_start3A_17 = arith.constant 192 : i32
    %dma_start3A_18 = tpu.memref_slice %arg8[%dma_start3A_17] : memref<6400xi32, #tpu.memory_space<vmem>> -> memref<64xi32, #tpu.memory_space<vmem>>
    %dma_start3A_19 = arith.constant 0 : i32
    %dma_start3A_20 = arith.constant 0 : i32
    %dma_start3A_21 = tpu.memref_slice %arg4[%dma_start3A_19, %dma_start3A_20] : memref<100000x128xf32, #tpu.memory_space<hbm>> -> memref<100000x128xf32, #tpu.memory_space<hbm>>
    tpu.enqueue_indirect_dma source(%dma_start3A_21 : memref<100000x128xf32, #tpu.memory_space<hbm>>) target(%arg15 : memref<64x128xf32, #tpu.memory_space<vmem>>) offsets(%dma_start3A_18 : memref<64xi32, #tpu.memory_space<vmem>>) semaphore(%arg25 : memref<!tpu.dma_semaphore, #tpu.memory_space<semaphore_mem>>)
    %dma_start3A_22 = arith.constant 256 : i32
    %dma_start3A_23 = tpu.memref_slice %arg8[%dma_start3A_22] : memref<6400xi32, #tpu.memory_space<vmem>> -> memref<64xi32, #tpu.memory_space<vmem>>
    %dma_start3A_24 = arith.constant 0 : i32
    %dma_start3A_25 = arith.constant 0 : i32
    %dma_start3A_26 = tpu.memref_slice %arg4[%dma_start3A_24, %dma_start3A_25] : memref<100000x128xf32, #tpu.memory_space<hbm>> -> memref<100000x128xf32, #tpu.memory_space<hbm>>
    tpu.enqueue_indirect_dma source(%dma_start3A_26 : memref<100000x128xf32, #tpu.memory_space<hbm>>) target(%arg16 : memref<64x128xf32, #tpu.memory_space<vmem>>) offsets(%dma_start3A_23 : memref<64xi32, #tpu.memory_space<vmem>>) semaphore(%arg26 : memref<!tpu.dma_semaphore, #tpu.memory_space<semaphore_mem>>)
    "tpu.region"() ({
      %run_scoped3A = tpu.sem_alloc : memref<!tpu.dma_semaphore, #tpu.memory_space<semaphore_mem>>
      %dma_start3A_197 = tpu.memref_slice %arg3[%mul3A_2] : memref<204800xi32, #tpu.memory_space<hbm>> -> memref<6400xi32, #tpu.memory_space<hbm>>
      %dma_start3A_198 = tpu.memref_slice %arg3[%mul3A_2] : memref<204800xi32, #tpu.memory_space<hbm>> -> memref<6400xi32, #tpu.memory_space<hbm>>
      tpu.enqueue_dma source(%dma_start3A_198 : memref<6400xi32, #tpu.memory_space<hbm>>) target(%arg9 : memref<6400xi32, #tpu.memory_space<vmem>>) target_semaphore(%run_scoped3A : memref<!tpu.dma_semaphore, #tpu.memory_space<semaphore_mem>>)
      %dma_wait3A_199 = tpu.memref_slice %arg3[%mul3A_2] : memref<204800xi32, #tpu.memory_space<hbm>> -> memref<6400xi32, #tpu.memory_space<hbm>>
      %dma_wait3A_200 = tpu.memref_slice %arg3[%mul3A_2] : memref<204800xi32, #tpu.memory_space<hbm>> -> memref<6400xi32, #tpu.memory_space<hbm>>
      tpu.wait_dma2 semaphore(%run_scoped3A : memref<!tpu.dma_semaphore, #tpu.memory_space<semaphore_mem>>) src(%dma_wait3A_200 : memref<6400xi32, #tpu.memory_space<hbm>>) dst(%arg9 : memref<6400xi32, #tpu.memory_space<vmem>>)
      tpu.yield
    }) : () -> ()
    "tpu.region"() ({
      %run_scoped3A = tpu.sem_alloc : memref<!tpu.dma_semaphore, #tpu.memory_space<semaphore_mem>>
      tpu.enqueue_dma source(%arg5 : memref<200x128xf32, #tpu.memory_space<hbm>>) target(%arg10 : memref<200x128xf32, #tpu.memory_space<vmem>>) target_semaphore(%run_scoped3A : memref<!tpu.dma_semaphore, #tpu.memory_space<semaphore_mem>>)
      tpu.wait_dma2 semaphore(%run_scoped3A : memref<!tpu.dma_semaphore, #tpu.memory_space<semaphore_mem>>) src(%arg5 : memref<200x128xf32, #tpu.memory_space<hbm>>) dst(%arg10 : memref<200x128xf32, #tpu.memory_space<vmem>>)
      tpu.yield
    }) : () -> ()
    "tpu.region"() ({
      %run_scoped3A = tpu.sem_alloc : memref<!tpu.dma_semaphore, #tpu.memory_space<semaphore_mem>>
      tpu.enqueue_dma source(%arg6 : memref<128xf32, #tpu.memory_space<hbm>>) target(%arg11 : memref<128xf32, #tpu.memory_space<vmem>>) target_semaphore(%run_scoped3A : memref<!tpu.dma_semaphore, #tpu.memory_space<semaphore_mem>>)
      tpu.wait_dma2 semaphore(%run_scoped3A : memref<!tpu.dma_semaphore, #tpu.memory_space<semaphore_mem>>) src(%arg6 : memref<128xf32, #tpu.memory_space<hbm>>) dst(%arg11 : memref<128xf32, #tpu.memory_space<vmem>>)
      tpu.yield
    }) : () -> ()
    %get3A = arith.constant 0 : index
    %get3A_27 = tpu.vector_load %arg11[%get3A] {strides = array<i32>} : memref<128xf32, #tpu.memory_space<vmem>>, vector<16xf32>,
    %get3A_28 = vector.shape_cast %get3A_27 : vector<16xf32> to vector<16xf32>
    %get3A_29 = arith.constant 16 : index
    %get3A_30 = tpu.vector_load %arg11[%get3A_29] {strides = array<i32>} : memref<128xf32, #tpu.memory_space<vmem>>, vector<16xf32>,
    %get3A_31 = vector.shape_cast %get3A_30 : vector<16xf32> to vector<16xf32>
    %get3A_32 = arith.constant 32 : index
    %get3A_33 = tpu.vector_load %arg11[%get3A_32] {strides = array<i32>} : memref<128xf32, #tpu.memory_space<vmem>>, vector<16xf32>,
    %get3A_34 = vector.shape_cast %get3A_33 : vector<16xf32> to vector<16xf32>
    %get3A_35 = arith.constant 48 : index
    %get3A_36 = tpu.vector_load %arg11[%get3A_35] {strides = array<i32>} : memref<128xf32, #tpu.memory_space<vmem>>, vector<16xf32>,
    %get3A_37 = vector.shape_cast %get3A_36 : vector<16xf32> to vector<16xf32>
    %get3A_38 = arith.constant 64 : index
    %get3A_39 = tpu.vector_load %arg11[%get3A_38] {strides = array<i32>} : memref<128xf32, #tpu.memory_space<vmem>>, vector<16xf32>,
    %get3A_40 = vector.shape_cast %get3A_39 : vector<16xf32> to vector<16xf32>
    %get3A_41 = arith.constant 80 : index
    %get3A_42 = tpu.vector_load %arg11[%get3A_41] {strides = array<i32>} : memref<128xf32, #tpu.memory_space<vmem>>, vector<16xf32>,
    %get3A_43 = vector.shape_cast %get3A_42 : vector<16xf32> to vector<16xf32>
    %get3A_44 = arith.constant 96 : index
    %get3A_45 = tpu.vector_load %arg11[%get3A_44] {strides = array<i32>} : memref<128xf32, #tpu.memory_space<vmem>>, vector<16xf32>,
    %get3A_46 = vector.shape_cast %get3A_45 : vector<16xf32> to vector<16xf32>
    %get3A_47 = arith.constant 112 : index
    %get3A_48 = tpu.vector_load %arg11[%get3A_47] {strides = array<i32>} : memref<128xf32, #tpu.memory_space<vmem>>, vector<16xf32>,
    %get3A_49 = vector.shape_cast %get3A_48 : vector<16xf32> to vector<16xf32>
    %dma_wait3A = arith.constant 0 : i32
    %dma_wait3A_50 = arith.constant 0 : i32
    %dma_wait3A_51 = tpu.memref_slice %arg4[%dma_wait3A, %dma_wait3A_50] : memref<100000x128xf32, #tpu.memory_space<hbm>> -> memref<64x128xf32, #tpu.memory_space<hbm>>
    %dma_wait3A_52 = arith.constant 0 : i32
    %dma_wait3A_53 = arith.constant 0 : i32
    %dma_wait3A_54 = tpu.memref_slice %arg4[%dma_wait3A_52, %dma_wait3A_53] : memref<100000x128xf32, #tpu.memory_space<hbm>> -> memref<64x128xf32, #tpu.memory_space<hbm>>
    tpu.wait_dma2 semaphore(%arg22 : memref<!tpu.dma_semaphore, #tpu.memory_space<semaphore_mem>>) src(%dma_wait3A_54 : memref<64x128xf32, #tpu.memory_space<hbm>>) dst(%arg12 : memref<64x128xf32, #tpu.memory_space<vmem>>)
    %rem3A = arith.constant 0 : i32
    %rem3A_55 = arith.constant 200 : i32
    %rem3A_56 = arith.remsi %rem3A, %rem3A_55 : i32
    %parallel_loop3A = arith.constant 0 : i32
    %parallel_loop3A_57 = arith.constant 64 : i32
    %parallel_loop3A_58 = arith.constant 1 : i32
    scf.for %parallel_loop3A_197 = %parallel_loop3A to %parallel_loop3A_57 step %parallel_loop3A_58  : i32 {
      %parallel_loop3A_198 = arith.addi %rem3A_56, %parallel_loop3A_197 : i32
      %parallel_loop3A_199 = arith.constant 200 : i32
      %parallel_loop3A_200 = arith.cmpi sge, %parallel_loop3A_198, %parallel_loop3A_199 : i32
      %parallel_loop3A_201 = arith.constant 200 : i32
      %parallel_loop3A_202 = arith.subi %parallel_loop3A_198, %parallel_loop3A_201 : i32
      %parallel_loop3A_203 = arith.select %parallel_loop3A_200, %parallel_loop3A_202, %parallel_loop3A_198 : i32
      %parallel_loop3A_204 = arith.constant 16 : i32
      %parallel_loop3A_205 = arith.divsi %parallel_loop3A_197, %parallel_loop3A_204 : i32
      %parallel_loop3A_206 = arith.constant 0 : i32
      %parallel_loop3A_207 = arith.cmpi sgt, %parallel_loop3A_197, %parallel_loop3A_206 : i32
      %parallel_loop3A_208 = arith.extui %parallel_loop3A_207 : i1 to i32
      %parallel_loop3A_209 = arith.constant 0 : i32
      %parallel_loop3A_210 = arith.cmpi slt, %parallel_loop3A_197, %parallel_loop3A_209 : i32
      %parallel_loop3A_211 = arith.extui %parallel_loop3A_210 : i1 to i32
      %parallel_loop3A_212 = arith.subi %parallel_loop3A_208, %parallel_loop3A_211 : i32
      %parallel_loop3A_213 = arith.constant 0 : i32
      %parallel_loop3A_214 = arith.cmpi sgt, %parallel_loop3A_204, %parallel_loop3A_213 : i32
      %parallel_loop3A_215 = arith.extui %parallel_loop3A_214 : i1 to i32
      %parallel_loop3A_216 = arith.constant 0 : i32
      %parallel_loop3A_217 = arith.cmpi slt, %parallel_loop3A_204, %parallel_loop3A_216 : i32
      %parallel_loop3A_218 = arith.extui %parallel_loop3A_217 : i1 to i32
      %parallel_loop3A_219 = arith.subi %parallel_loop3A_215, %parallel_loop3A_218 : i32
      %parallel_loop3A_220 = arith.cmpi ne, %parallel_loop3A_212, %parallel_loop3A_219 : i32
      %parallel_loop3A_221 = arith.remsi %parallel_loop3A_197, %parallel_loop3A_204 : i32
      %parallel_loop3A_222 = arith.constant 0 : i32
      %parallel_loop3A_223 = arith.cmpi ne, %parallel_loop3A_221, %parallel_loop3A_222 : i32
      %parallel_loop3A_224 = arith.andi %parallel_loop3A_220, %parallel_loop3A_223 : i1
      %parallel_loop3A_225 = arith.constant 1 : i32
      %parallel_loop3A_226 = arith.subi %parallel_loop3A_205, %parallel_loop3A_225 : i32
      %parallel_loop3A_227 = arith.select %parallel_loop3A_224, %parallel_loop3A_226, %parallel_loop3A_205 : i32
      %parallel_loop3A_228 = arith.constant 16 : i32
      %parallel_loop3A_229 = arith.muli %parallel_loop3A_227, %parallel_loop3A_228 : i32
      %parallel_loop3A_230 = arith.constant 0 : i32
      %parallel_loop3A_231 = arith.addi %parallel_loop3A_230, %parallel_loop3A_229 : i32
      %parallel_loop3A_232 = arith.index_cast %parallel_loop3A_231 : i32 to index
      %parallel_loop3A_233 = tpu.vector_load %arg9[%parallel_loop3A_232] {strides = array<i32>} : memref<6400xi32, #tpu.memory_space<vmem>>, vector<16xi32>,
      %parallel_loop3A_234 = vector.shape_cast %parallel_loop3A_233 : vector<16xi32> to vector<16xi32>
      %parallel_loop3A_235 = arith.subi %parallel_loop3A_197, %parallel_loop3A_229 : i32
      %parallel_loop3A_236 = vector.broadcast %parallel_loop3A_235 : i32 to vector<16x1xi32>
      %parallel_loop3A_237 = vector.shape_cast %parallel_loop3A_236 : vector<16x1xi32> to vector<16xi32>
      %parallel_loop3A_238 = tpu.dynamic_gather %parallel_loop3A_234[%parallel_loop3A_237] in [0] : vector<16xi32>, vector<16xi32> -> vector<16xi32>
      %parallel_loop3A_239 = arith.sitofp %parallel_loop3A_238 : vector<16xi32> to vector<16xf32>
      %parallel_loop3A_240 = arith.index_cast %parallel_loop3A_197 : i32 to index
      %parallel_loop3A_241 = arith.constant 0 : index
      %parallel_loop3A_242 = tpu.vector_load %arg12[%parallel_loop3A_240, %parallel_loop3A_241] {strides = array<i32>} : memref<64x128xf32, #tpu.memory_space<vmem>>, vector<1x16xf32>,
      %parallel_loop3A_243 = vector.shape_cast %parallel_loop3A_242 : vector<1x16xf32> to vector<16xf32>
      %parallel_loop3A_244 = arith.index_cast %parallel_loop3A_197 : i32 to index
      %parallel_loop3A_245 = arith.constant 16 : index
      %parallel_loop3A_246 = tpu.vector_load %arg12[%parallel_loop3A_244, %parallel_loop3A_245] {strides = array<i32>} : memref<64x128xf32, #tpu.memory_space<vmem>>, vector<1x16xf32>,
      %parallel_loop3A_247 = vector.shape_cast %parallel_loop3A_246 : vector<1x16xf32> to vector<16xf32>
      %parallel_loop3A_248 = arith.index_cast %parallel_loop3A_197 : i32 to index
      %parallel_loop3A_249 = arith.constant 32 : index
      %parallel_loop3A_250 = tpu.vector_load %arg12[%parallel_loop3A_248, %parallel_loop3A_249] {strides = array<i32>} : memref<64x128xf32, #tpu.memory_space<vmem>>, vector<1x16xf32>,
      %parallel_loop3A_251 = vector.shape_cast %parallel_loop3A_250 : vector<1x16xf32> to vector<16xf32>
      %parallel_loop3A_252 = arith.index_cast %parallel_loop3A_197 : i32 to index
      %parallel_loop3A_253 = arith.constant 48 : index
      %parallel_loop3A_254 = tpu.vector_load %arg12[%parallel_loop3A_252, %parallel_loop3A_253] {strides = array<i32>} : memref<64x128xf32, #tpu.memory_space<vmem>>, vector<1x16xf32>,
      %parallel_loop3A_255 = vector.shape_cast %parallel_loop3A_254 : vector<1x16xf32> to vector<16xf32>
      %parallel_loop3A_256 = arith.index_cast %parallel_loop3A_197 : i32 to index
      %parallel_loop3A_257 = arith.constant 64 : index
      %parallel_loop3A_258 = tpu.vector_load %arg12[%parallel_loop3A_256, %parallel_loop3A_257] {strides = array<i32>} : memref<64x128xf32, #tpu.memory_space<vmem>>, vector<1x16xf32>,
      %parallel_loop3A_259 = vector.shape_cast %parallel_loop3A_258 : vector<1x16xf32> to vector<16xf32>
      %parallel_loop3A_260 = arith.index_cast %parallel_loop3A_197 : i32 to index
      %parallel_loop3A_261 = arith.constant 80 : index
      %parallel_loop3A_262 = tpu.vector_load %arg12[%parallel_loop3A_260, %parallel_loop3A_261] {strides = array<i32>} : memref<64x128xf32, #tpu.memory_space<vmem>>, vector<1x16xf32>,
      %parallel_loop3A_263 = vector.shape_cast %parallel_loop3A_262 : vector<1x16xf32> to vector<16xf32>
      %parallel_loop3A_264 = arith.index_cast %parallel_loop3A_197 : i32 to index
      %parallel_loop3A_265 = arith.constant 96 : index
      %parallel_loop3A_266 = tpu.vector_load %arg12[%parallel_loop3A_264, %parallel_loop3A_265] {strides = array<i32>} : memref<64x128xf32, #tpu.memory_space<vmem>>, vector<1x16xf32>,
      %parallel_loop3A_267 = vector.shape_cast %parallel_loop3A_266 : vector<1x16xf32> to vector<16xf32>
      %parallel_loop3A_268 = arith.index_cast %parallel_loop3A_197 : i32 to index
      %parallel_loop3A_269 = arith.constant 112 : index
      %parallel_loop3A_270 = tpu.vector_load %arg12[%parallel_loop3A_268, %parallel_loop3A_269] {strides = array<i32>} : memref<64x128xf32, #tpu.memory_space<vmem>>, vector<1x16xf32>,
      %parallel_loop3A_271 = vector.shape_cast %parallel_loop3A_270 : vector<1x16xf32> to vector<16xf32>
      %parallel_loop3A_272 = arith.index_cast %parallel_loop3A_203 : i32 to index
      %parallel_loop3A_273 = arith.constant 0 : index
      %parallel_loop3A_274 = tpu.vector_load %arg10[%parallel_loop3A_272, %parallel_loop3A_273] {strides = array<i32>} : memref<200x128xf32, #tpu.memory_space<vmem>>, vector<1x16xf32>,
      %parallel_loop3A_275 = vector.shape_cast %parallel_loop3A_274 : vector<1x16xf32> to vector<16xf32>
      %parallel_loop3A_276 = arith.index_cast %parallel_loop3A_203 : i32 to index
      %parallel_loop3A_277 = arith.constant 16 : index
      %parallel_loop3A_278 = tpu.vector_load %arg10[%parallel_loop3A_276, %parallel_loop3A_277] {strides = array<i32>} : memref<200x128xf32, #tpu.memory_space<vmem>>, vector<1x16xf32>,
      %parallel_loop3A_279 = vector.shape_cast %parallel_loop3A_278 : vector<1x16xf32> to vector<16xf32>
      %parallel_loop3A_280 = arith.index_cast %parallel_loop3A_203 : i32 to index
      %parallel_loop3A_281 = arith.constant 32 : index
      %parallel_loop3A_282 = tpu.vector_load %arg10[%parallel_loop3A_280, %parallel_loop3A_281] {strides = array<i32>} : memref<200x128xf32, #tpu.memory_space<vmem>>, vector<1x16xf32>,
      %parallel_loop3A_283 = vector.shape_cast %parallel_loop3A_282 : vector<1x16xf32> to vector<16xf32>
      %parallel_loop3A_284 = arith.index_cast %parallel_loop3A_203 : i32 to index
      %parallel_loop3A_285 = arith.constant 48 : index
      %parallel_loop3A_286 = tpu.vector_load %arg10[%parallel_loop3A_284, %parallel_loop3A_285] {strides = array<i32>} : memref<200x128xf32, #tpu.memory_space<vmem>>, vector<1x16xf32>,
      %parallel_loop3A_287 = vector.shape_cast %parallel_loop3A_286 : vector<1x16xf32> to vector<16xf32>
      %parallel_loop3A_288 = arith.index_cast %parallel_loop3A_203 : i32 to index
      %parallel_loop3A_289 = arith.constant 64 : index
      %parallel_loop3A_290 = tpu.vector_load %arg10[%parallel_loop3A_288, %parallel_loop3A_289] {strides = array<i32>} : memref<200x128xf32, #tpu.memory_space<vmem>>, vector<1x16xf32>,
      %parallel_loop3A_291 = vector.shape_cast %parallel_loop3A_290 : vector<1x16xf32> to vector<16xf32>
      %parallel_loop3A_292 = arith.index_cast %parallel_loop3A_203 : i32 to index
      %parallel_loop3A_293 = arith.constant 80 : index
      %parallel_loop3A_294 = tpu.vector_load %arg10[%parallel_loop3A_292, %parallel_loop3A_293] {strides = array<i32>} : memref<200x128xf32, #tpu.memory_space<vmem>>, vector<1x16xf32>,
      %parallel_loop3A_295 = vector.shape_cast %parallel_loop3A_294 : vector<1x16xf32> to vector<16xf32>
      %parallel_loop3A_296 = arith.index_cast %parallel_loop3A_203 : i32 to index
      %parallel_loop3A_297 = arith.constant 96 : index
      %parallel_loop3A_298 = tpu.vector_load %arg10[%parallel_loop3A_296, %parallel_loop3A_297] {strides = array<i32>} : memref<200x128xf32, #tpu.memory_space<vmem>>, vector<1x16xf32>,
      %parallel_loop3A_299 = vector.shape_cast %parallel_loop3A_298 : vector<1x16xf32> to vector<16xf32>
      %parallel_loop3A_300 = arith.index_cast %parallel_loop3A_203 : i32 to index
      %parallel_loop3A_301 = arith.constant 112 : index
      %parallel_loop3A_302 = tpu.vector_load %arg10[%parallel_loop3A_300, %parallel_loop3A_301] {strides = array<i32>} : memref<200x128xf32, #tpu.memory_space<vmem>>, vector<1x16xf32>,
      %parallel_loop3A_303 = vector.shape_cast %parallel_loop3A_302 : vector<1x16xf32> to vector<16xf32>
      %parallel_loop3A_304 = arith.addf %parallel_loop3A_243, %parallel_loop3A_275 : vector<16xf32>
      %parallel_loop3A_305 = arith.mulf %parallel_loop3A_239, %get3A_28 : vector<16xf32>
      %parallel_loop3A_306 = arith.addf %parallel_loop3A_304, %parallel_loop3A_305 : vector<16xf32>
      %parallel_loop3A_307 = arith.constant -1.000000e+00 : f32
      %parallel_loop3A_308 = vector.broadcast %parallel_loop3A_307 : f32 to vector<16xf32>
      %parallel_loop3A_309 = arith.maximumf %parallel_loop3A_306, %parallel_loop3A_308 : vector<16xf32>
      %parallel_loop3A_310 = arith.constant 1.000000e+00 : f32
      %parallel_loop3A_311 = vector.broadcast %parallel_loop3A_310 : f32 to vector<16xf32>
      %parallel_loop3A_312 = arith.minimumf %parallel_loop3A_309, %parallel_loop3A_311 : vector<16xf32>
      %parallel_loop3A_313 = arith.index_cast %parallel_loop3A_197 : i32 to index
      %parallel_loop3A_314 = arith.constant 0 : index
      %parallel_loop3A_315 = tpu.vector_load %arg17[%parallel_loop3A_313, %parallel_loop3A_314] {strides = array<i32>} : memref<64x128xf32, #tpu.memory_space<vmem>>, vector<1x16xf32>,
      %parallel_loop3A_316 = vector.shape_cast %parallel_loop3A_315 : vector<1x16xf32> to vector<16xf32>
      %parallel_loop3A_317 = vector.shape_cast %parallel_loop3A_312 : vector<16xf32> to vector<1x16xf32>
      tpu.vector_store %arg17[%parallel_loop3A_313, %parallel_loop3A_314], %parallel_loop3A_317 {strides = array<i32>} : memref<64x128xf32, #tpu.memory_space<vmem>>, vector<1x16xf32>,
      %parallel_loop3A_318 = arith.addf %parallel_loop3A_247, %parallel_loop3A_279 : vector<16xf32>
      %parallel_loop3A_319 = arith.mulf %parallel_loop3A_239, %get3A_31 : vector<16xf32>
      %parallel_loop3A_320 = arith.addf %parallel_loop3A_318, %parallel_loop3A_319 : vector<16xf32>
      %parallel_loop3A_321 = arith.constant -1.000000e+00 : f32
      %parallel_loop3A_322 = vector.broadcast %parallel_loop3A_321 : f32 to vector<16xf32>
      %parallel_loop3A_323 = arith.maximumf %parallel_loop3A_320, %parallel_loop3A_322 : vector<16xf32>
      %parallel_loop3A_324 = arith.constant 1.000000e+00 : f32
      %parallel_loop3A_325 = vector.broadcast %parallel_loop3A_324 : f32 to vector<16xf32>
      %parallel_loop3A_326 = arith.minimumf %parallel_loop3A_323, %parallel_loop3A_325 : vector<16xf32>
      %parallel_loop3A_327 = arith.index_cast %parallel_loop3A_197 : i32 to index
      %parallel_loop3A_328 = arith.constant 16 : index
      %parallel_loop3A_329 = tpu.vector_load %arg17[%parallel_loop3A_327, %parallel_loop3A_328] {strides = array<i32>} : memref<64x128xf32, #tpu.memory_space<vmem>>, vector<1x16xf32>,
      %parallel_loop3A_330 = vector.shape_cast %parallel_loop3A_329 : vector<1x16xf32> to vector<16xf32>
      %parallel_loop3A_331 = vector.shape_cast %parallel_loop3A_326 : vector<16xf32> to vector<1x16xf32>
      tpu.vector_store %arg17[%parallel_loop3A_327, %parallel_loop3A_328], %parallel_loop3A_331 {strides = array<i32>} : memref<64x128xf32, #tpu.memory_space<vmem>>, vector<1x16xf32>,
      %parallel_loop3A_332 = arith.addf %parallel_loop3A_251, %parallel_loop3A_283 : vector<16xf32>
      %parallel_loop3A_333 = arith.mulf %parallel_loop3A_239, %get3A_34 : vector<16xf32>
      %parallel_loop3A_334 = arith.addf %parallel_loop3A_332, %parallel_loop3A_333 : vector<16xf32>
      %parallel_loop3A_335 = arith.constant -1.000000e+00 : f32
      %parallel_loop3A_336 = vector.broadcast %parallel_loop3A_335 : f32 to vector<16xf32>
      %parallel_loop3A_337 = arith.maximumf %parallel_loop3A_334, %parallel_loop3A_336 : vector<16xf32>
      %parallel_loop3A_338 = arith.constant 1.000000e+00 : f32
      %parallel_loop3A_339 = vector.broadcast %parallel_loop3A_338 : f32 to vector<16xf32>
      %parallel_loop3A_340 = arith.minimumf %parallel_loop3A_337, %parallel_loop3A_339 : vector<16xf32>
      %parallel_loop3A_341 = arith.index_cast %parallel_loop3A_197 : i32 to index
      %parallel_loop3A_342 = arith.constant 32 : index
      %parallel_loop3A_343 = tpu.vector_load %arg17[%parallel_loop3A_341, %parallel_loop3A_342] {strides = array<i32>} : memref<64x128xf32, #tpu.memory_space<vmem>>, vector<1x16xf32>,
      %parallel_loop3A_344 = vector.shape_cast %parallel_loop3A_343 : vector<1x16xf32> to vector<16xf32>
      %parallel_loop3A_345 = vector.shape_cast %parallel_loop3A_340 : vector<16xf32> to vector<1x16xf32>
      tpu.vector_store %arg17[%parallel_loop3A_341, %parallel_loop3A_342], %parallel_loop3A_345 {strides = array<i32>} : memref<64x128xf32, #tpu.memory_space<vmem>>, vector<1x16xf32>,
      %parallel_loop3A_346 = arith.addf %parallel_loop3A_255, %parallel_loop3A_287 : vector<16xf32>
      %parallel_loop3A_347 = arith.mulf %parallel_loop3A_239, %get3A_37 : vector<16xf32>
      %parallel_loop3A_348 = arith.addf %parallel_loop3A_346, %parallel_loop3A_347 : vector<16xf32>
      %parallel_loop3A_349 = arith.constant -1.000000e+00 : f32
      %parallel_loop3A_350 = vector.broadcast %parallel_loop3A_349 : f32 to vector<16xf32>
      %parallel_loop3A_351 = arith.maximumf %parallel_loop3A_348, %parallel_loop3A_350 : vector<16xf32>
      %parallel_loop3A_352 = arith.constant 1.000000e+00 : f32
      %parallel_loop3A_353 = vector.broadcast %parallel_loop3A_352 : f32 to vector<16xf32>
      %parallel_loop3A_354 = arith.minimumf %parallel_loop3A_351, %parallel_loop3A_353 : vector<16xf32>
      %parallel_loop3A_355 = arith.index_cast %parallel_loop3A_197 : i32 to index
      %parallel_loop3A_356 = arith.constant 48 : index
      %parallel_loop3A_357 = tpu.vector_load %arg17[%parallel_loop3A_355, %parallel_loop3A_356] {strides = array<i32>} : memref<64x128xf32, #tpu.memory_space<vmem>>, vector<1x16xf32>,
      %parallel_loop3A_358 = vector.shape_cast %parallel_loop3A_357 : vector<1x16xf32> to vector<16xf32>
      %parallel_loop3A_359 = vector.shape_cast %parallel_loop3A_354 : vector<16xf32> to vector<1x16xf32>
      tpu.vector_store %arg17[%parallel_loop3A_355, %parallel_loop3A_356], %parallel_loop3A_359 {strides = array<i32>} : memref<64x128xf32, #tpu.memory_space<vmem>>, vector<1x16xf32>,
      %parallel_loop3A_360 = arith.addf %parallel_loop3A_259, %parallel_loop3A_291 : vector<16xf32>
      %parallel_loop3A_361 = arith.mulf %parallel_loop3A_239, %get3A_40 : vector<16xf32>
      %parallel_loop3A_362 = arith.addf %parallel_loop3A_360, %parallel_loop3A_361 : vector<16xf32>
      %parallel_loop3A_363 = arith.constant -1.000000e+00 : f32
      %parallel_loop3A_364 = vector.broadcast %parallel_loop3A_363 : f32 to vector<16xf32>
      %parallel_loop3A_365 = arith.maximumf %parallel_loop3A_362, %parallel_loop3A_364 : vector<16xf32>
      %parallel_loop3A_366 = arith.constant 1.000000e+00 : f32
      %parallel_loop3A_367 = vector.broadcast %parallel_loop3A_366 : f32 to vector<16xf32>
      %parallel_loop3A_368 = arith.minimumf %parallel_loop3A_365, %parallel_loop3A_367 : vector<16xf32>
      %parallel_loop3A_369 = arith.index_cast %parallel_loop3A_197 : i32 to index
      %parallel_loop3A_370 = arith.constant 64 : index
      %parallel_loop3A_371 = tpu.vector_load %arg17[%parallel_loop3A_369, %parallel_loop3A_370] {strides = array<i32>} : memref<64x128xf32, #tpu.memory_space<vmem>>, vector<1x16xf32>,
      %parallel_loop3A_372 = vector.shape_cast %parallel_loop3A_371 : vector<1x16xf32> to vector<16xf32>
      %parallel_loop3A_373 = vector.shape_cast %parallel_loop3A_368 : vector<16xf32> to vector<1x16xf32>
      tpu.vector_store %arg17[%parallel_loop3A_369, %parallel_loop3A_370], %parallel_loop3A_373 {strides = array<i32>} : memref<64x128xf32, #tpu.memory_space<vmem>>, vector<1x16xf32>,
      %parallel_loop3A_374 = arith.addf %parallel_loop3A_263, %parallel_loop3A_295 : vector<16xf32>
      %parallel_loop3A_375 = arith.mulf %parallel_loop3A_239, %get3A_43 : vector<16xf32>
      %parallel_loop3A_376 = arith.addf %parallel_loop3A_374, %parallel_loop3A_375 : vector<16xf32>
      %parallel_loop3A_377 = arith.constant -1.000000e+00 : f32
      %parallel_loop3A_378 = vector.broadcast %parallel_loop3A_377 : f32 to vector<16xf32>
      %parallel_loop3A_379 = arith.maximumf %parallel_loop3A_376, %parallel_loop3A_378 : vector<16xf32>
      %parallel_loop3A_380 = arith.constant 1.000000e+00 : f32
      %parallel_loop3A_381 = vector.broadcast %parallel_loop3A_380 : f32 to vector<16xf32>
      %parallel_loop3A_382 = arith.minimumf %parallel_loop3A_379, %parallel_loop3A_381 : vector<16xf32>
      %parallel_loop3A_383 = arith.index_cast %parallel_loop3A_197 : i32 to index
      %parallel_loop3A_384 = arith.constant 80 : index
      %parallel_loop3A_385 = tpu.vector_load %arg17[%parallel_loop3A_383, %parallel_loop3A_384] {strides = array<i32>} : memref<64x128xf32, #tpu.memory_space<vmem>>, vector<1x16xf32>,
      %parallel_loop3A_386 = vector.shape_cast %parallel_loop3A_385 : vector<1x16xf32> to vector<16xf32>
      %parallel_loop3A_387 = vector.shape_cast %parallel_loop3A_382 : vector<16xf32> to vector<1x16xf32>
      tpu.vector_store %arg17[%parallel_loop3A_383, %parallel_loop3A_384], %parallel_loop3A_387 {strides = array<i32>} : memref<64x128xf32, #tpu.memory_space<vmem>>, vector<1x16xf32>,
      %parallel_loop3A_388 = arith.addf %parallel_loop3A_267, %parallel_loop3A_299 : vector<16xf32>
      %parallel_loop3A_389 = arith.mulf %parallel_loop3A_239, %get3A_46 : vector<16xf32>
      %parallel_loop3A_390 = arith.addf %parallel_loop3A_388, %parallel_loop3A_389 : vector<16xf32>
      %parallel_loop3A_391 = arith.constant -1.000000e+00 : f32
      %parallel_loop3A_392 = vector.broadcast %parallel_loop3A_391 : f32 to vector<16xf32>
      %parallel_loop3A_393 = arith.maximumf %parallel_loop3A_390, %parallel_loop3A_392 : vector<16xf32>
      %parallel_loop3A_394 = arith.constant 1.000000e+00 : f32
      %parallel_loop3A_395 = vector.broadcast %parallel_loop3A_394 : f32 to vector<16xf32>
      %parallel_loop3A_396 = arith.minimumf %parallel_loop3A_393, %parallel_loop3A_395 : vector<16xf32>
      %parallel_loop3A_397 = arith.index_cast %parallel_loop3A_197 : i32 to index
      %parallel_loop3A_398 = arith.constant 96 : index
      %parallel_loop3A_399 = tpu.vector_load %arg17[%parallel_loop3A_397, %parallel_loop3A_398] {strides = array<i32>} : memref<64x128xf32, #tpu.memory_space<vmem>>, vector<1x16xf32>,
      %parallel_loop3A_400 = vector.shape_cast %parallel_loop3A_399 : vector<1x16xf32> to vector<16xf32>
      %parallel_loop3A_401 = vector.shape_cast %parallel_loop3A_396 : vector<16xf32> to vector<1x16xf32>
      tpu.vector_store %arg17[%parallel_loop3A_397, %parallel_loop3A_398], %parallel_loop3A_401 {strides = array<i32>} : memref<64x128xf32, #tpu.memory_space<vmem>>, vector<1x16xf32>,
      %parallel_loop3A_402 = arith.addf %parallel_loop3A_271, %parallel_loop3A_303 : vector<16xf32>
      %parallel_loop3A_403 = arith.mulf %parallel_loop3A_239, %get3A_49 : vector<16xf32>
      %parallel_loop3A_404 = arith.addf %parallel_loop3A_402, %parallel_loop3A_403 : vector<16xf32>
      %parallel_loop3A_405 = arith.constant -1.000000e+00 : f32
      %parallel_loop3A_406 = vector.broadcast %parallel_loop3A_405 : f32 to vector<16xf32>
      %parallel_loop3A_407 = arith.maximumf %parallel_loop3A_404, %parallel_loop3A_406 : vector<16xf32>
      %parallel_loop3A_408 = arith.constant 1.000000e+00 : f32
      %parallel_loop3A_409 = vector.broadcast %parallel_loop3A_408 : f32 to vector<16xf32>
      %parallel_loop3A_410 = arith.minimumf %parallel_loop3A_407, %parallel_loop3A_409 : vector<16xf32>
      %parallel_loop3A_411 = arith.index_cast %parallel_loop3A_197 : i32 to index
      %parallel_loop3A_412 = arith.constant 112 : index
      %parallel_loop3A_413 = tpu.vector_load %arg17[%parallel_loop3A_411, %parallel_loop3A_412] {strides = array<i32>} : memref<64x128xf32, #tpu.memory_space<vmem>>, vector<1x16xf32>,
      %parallel_loop3A_414 = vector.shape_cast %parallel_loop3A_413 : vector<1x16xf32> to vector<16xf32>
      %parallel_loop3A_415 = vector.shape_cast %parallel_loop3A_410 : vector<16xf32> to vector<1x16xf32>
      tpu.vector_store %arg17[%parallel_loop3A_411, %parallel_loop3A_412], %parallel_loop3A_415 {strides = array<i32>} : memref<64x128xf32, #tpu.memory_space<vmem>>, vector<1x16xf32>,
    } {sc.loop_unroll_factor = 2 : i64, sc.parallel_access}
    %add3A_59 = arith.constant 0 : i32
    %add3A_60 = arith.addi %mul3A_2, %add3A_59 : i32
    %dma_start3A_61 = arith.constant 0 : i32
    %dma_start3A_62 = tpu.memref_slice %arg7[%add3A_60, %dma_start3A_61] : memref<204800x128xf32, #tpu.memory_space<hbm>> -> memref<64x128xf32, #tpu.memory_space<hbm>>
    %dma_start3A_63 = arith.constant 0 : i32
    %dma_start3A_64 = tpu.memref_slice %arg7[%add3A_60, %dma_start3A_63] : memref<204800x128xf32, #tpu.memory_space<hbm>> -> memref<64x128xf32, #tpu.memory_space<hbm>>
    tpu.enqueue_dma source(%arg17 : memref<64x128xf32, #tpu.memory_space<vmem>>) target(%dma_start3A_64 : memref<64x128xf32, #tpu.memory_space<hbm>>) target_semaphore(%arg27 : memref<!tpu.dma_semaphore, #tpu.memory_space<semaphore_mem>>)
    %dma_start3A_65 = arith.constant 320 : i32
    %dma_start3A_66 = tpu.memref_slice %arg8[%dma_start3A_65] : memref<6400xi32, #tpu.memory_space<vmem>> -> memref<64xi32, #tpu.memory_space<vmem>>
    %dma_start3A_67 = arith.constant 0 : i32
    %dma_start3A_68 = arith.constant 0 : i32
    %dma_start3A_69 = tpu.memref_slice %arg4[%dma_start3A_67, %dma_start3A_68] : memref<100000x128xf32, #tpu.memory_space<hbm>> -> memref<100000x128xf32, #tpu.memory_space<hbm>>
    tpu.enqueue_indirect_dma source(%dma_start3A_69 : memref<100000x128xf32, #tpu.memory_space<hbm>>) target(%arg12 : memref<64x128xf32, #tpu.memory_space<vmem>>) offsets(%dma_start3A_66 : memref<64xi32, #tpu.memory_space<vmem>>) semaphore(%arg22 : memref<!tpu.dma_semaphore, #tpu.memory_space<semaphore_mem>>)
    %dma_wait3A_70 = arith.constant 0 : i32
    %dma_wait3A_71 = arith.constant 0 : i32
    %dma_wait3A_72 = tpu.memref_slice %arg4[%dma_wait3A_70, %dma_wait3A_71] : memref<100000x128xf32, #tpu.memory_space<hbm>> -> memref<64x128xf32, #tpu.memory_space<hbm>>
    %dma_wait3A_73 = arith.constant 0 : i32
    %dma_wait3A_74 = arith.constant 0 : i32
    %dma_wait3A_75 = tpu.memref_slice %arg4[%dma_wait3A_73, %dma_wait3A_74] : memref<100000x128xf32, #tpu.memory_space<hbm>> -> memref<64x128xf32, #tpu.memory_space<hbm>>
    tpu.wait_dma2 semaphore(%arg23 : memref<!tpu.dma_semaphore, #tpu.memory_space<semaphore_mem>>) src(%dma_wait3A_75 : memref<64x128xf32, #tpu.memory_space<hbm>>) dst(%arg13 : memref<64x128xf32, #tpu.memory_space<vmem>>)
    %rem3A_76 = arith.constant 64 : i32
    %rem3A_77 = arith.constant 200 : i32
    %rem3A_78 = arith.remsi %rem3A_76, %rem3A_77 : i32
    %parallel_loop3A_79 = arith.constant 0 : i32
    %parallel_loop3A_80 = arith.constant 64 : i32
    %parallel_loop3A_81 = arith.constant 1 : i32
    scf.for %parallel_loop3A_197 = %parallel_loop3A_79 to %parallel_loop3A_80 step %parallel_loop3A_81  : i32 {
      %parallel_loop3A_198 = arith.addi %rem3A_78, %parallel_loop3A_197 : i32
      %parallel_loop3A_199 = arith.constant 200 : i32
      %parallel_loop3A_200 = arith.cmpi sge, %parallel_loop3A_198, %parallel_loop3A_199 : i32
      %parallel_loop3A_201 = arith.constant 200 : i32
      %parallel_loop3A_202 = arith.subi %parallel_loop3A_198, %parallel_loop3A_201 : i32
      %parallel_loop3A_203 = arith.select %parallel_loop3A_200, %parallel_loop3A_202, %parallel_loop3A_198 : i32
      %parallel_loop3A_204 = arith.constant 16 : i32
      %parallel_loop3A_205 = arith.divsi %parallel_loop3A_197, %parallel_loop3A_204 : i32
      %parallel_loop3A_206 = arith.constant 0 : i32
      %parallel_loop3A_207 = arith.cmpi sgt, %parallel_loop3A_197, %parallel_loop3A_206 : i32
      %parallel_loop3A_208 = arith.extui %parallel_loop3A_207 : i1 to i32
      %parallel_loop3A_209 = arith.constant 0 : i32
      %parallel_loop3A_210 = arith.cmpi slt, %parallel_loop3A_197, %parallel_loop3A_209 : i32
      %parallel_loop3A_211 = arith.extui %parallel_loop3A_210 : i1 to i32
      %parallel_loop3A_212 = arith.subi %parallel_loop3A_208, %parallel_loop3A_211 : i32
      %parallel_loop3A_213 = arith.constant 0 : i32
      %parallel_loop3A_214 = arith.cmpi sgt, %parallel_loop3A_204, %parallel_loop3A_213 : i32
      %parallel_loop3A_215 = arith.extui %parallel_loop3A_214 : i1 to i32
      %parallel_loop3A_216 = arith.constant 0 : i32
      %parallel_loop3A_217 = arith.cmpi slt, %parallel_loop3A_204, %parallel_loop3A_216 : i32
      %parallel_loop3A_218 = arith.extui %parallel_loop3A_217 : i1 to i32
      %parallel_loop3A_219 = arith.subi %parallel_loop3A_215, %parallel_loop3A_218 : i32
      %parallel_loop3A_220 = arith.cmpi ne, %parallel_loop3A_212, %parallel_loop3A_219 : i32
      %parallel_loop3A_221 = arith.remsi %parallel_loop3A_197, %parallel_loop3A_204 : i32
      %parallel_loop3A_222 = arith.constant 0 : i32
      %parallel_loop3A_223 = arith.cmpi ne, %parallel_loop3A_221, %parallel_loop3A_222 : i32
      %parallel_loop3A_224 = arith.andi %parallel_loop3A_220, %parallel_loop3A_223 : i1
      %parallel_loop3A_225 = arith.constant 1 : i32
      %parallel_loop3A_226 = arith.subi %parallel_loop3A_205, %parallel_loop3A_225 : i32
      %parallel_loop3A_227 = arith.select %parallel_loop3A_224, %parallel_loop3A_226, %parallel_loop3A_205 : i32
      %parallel_loop3A_228 = arith.constant 16 : i32
      %parallel_loop3A_229 = arith.muli %parallel_loop3A_227, %parallel_loop3A_228 : i32
      %parallel_loop3A_230 = arith.constant 64 : i32
      %parallel_loop3A_231 = arith.addi %parallel_loop3A_230, %parallel_loop3A_229 : i32
      %parallel_loop3A_232 = arith.index_cast %parallel_loop3A_231 : i32 to index
      %parallel_loop3A_233 = tpu.vector_load %arg9[%parallel_loop3A_232] {strides = array<i32>} : memref<6400xi32, #tpu.memory_space<vmem>>, vector<16xi32>,
      %parallel_loop3A_234 = vector.shape_cast %parallel_loop3A_233 : vector<16xi32> to vector<16xi32>
      %parallel_loop3A_235 = arith.subi %parallel_loop3A_197, %parallel_loop3A_229 : i32
      %parallel_loop3A_236 = vector.broadcast %parallel_loop3A_235 : i32 to vector<16x1xi32>
      %parallel_loop3A_237 = vector.shape_cast %parallel_loop3A_236 : vector<16x1xi32> to vector<16xi32>
      %parallel_loop3A_238 = tpu.dynamic_gather %parallel_loop3A_234[%parallel_loop3A_237] in [0] : vector<16xi32>, vector<16xi32> -> vector<16xi32>
      %parallel_loop3A_239 = arith.sitofp %parallel_loop3A_238 : vector<16xi32> to vector<16xf32>
      %parallel_loop3A_240 = arith.index_cast %parallel_loop3A_197 : i32 to index
      %parallel_loop3A_241 = arith.constant 0 : index
      %parallel_loop3A_242 = tpu.vector_load %arg13[%parallel_loop3A_240, %parallel_loop3A_241] {strides = array<i32>} : memref<64x128xf32, #tpu.memory_space<vmem>>, vector<1x16xf32>,
      %parallel_loop3A_243 = vector.shape_cast %parallel_loop3A_242 : vector<1x16xf32> to vector<16xf32>
      %parallel_loop3A_244 = arith.index_cast %parallel_loop3A_197 : i32 to index
      %parallel_loop3A_245 = arith.constant 16 : index
      %parallel_loop3A_246 = tpu.vector_load %arg13[%parallel_loop3A_244, %parallel_loop3A_245] {strides = array<i32>} : memref<64x128xf32, #tpu.memory_space<vmem>>, vector<1x16xf32>,
      %parallel_loop3A_247 = vector.shape_cast %parallel_loop3A_246 : vector<1x16xf32> to vector<16xf32>
      %parallel_loop3A_248 = arith.index_cast %parallel_loop3A_197 : i32 to index
      %parallel_loop3A_249 = arith.constant 32 : index
      %parallel_loop3A_250 = tpu.vector_load %arg13[%parallel_loop3A_248, %parallel_loop3A_249] {strides = array<i32>} : memref<64x128xf32, #tpu.memory_space<vmem>>, vector<1x16xf32>,
      %parallel_loop3A_251 = vector.shape_cast %parallel_loop3A_250 : vector<1x16xf32> to vector<16xf32>
      %parallel_loop3A_252 = arith.index_cast %parallel_loop3A_197 : i32 to index
      %parallel_loop3A_253 = arith.constant 48 : index
      %parallel_loop3A_254 = tpu.vector_load %arg13[%parallel_loop3A_252, %parallel_loop3A_253] {strides = array<i32>} : memref<64x128xf32, #tpu.memory_space<vmem>>, vector<1x16xf32>,
      %parallel_loop3A_255 = vector.shape_cast %parallel_loop3A_254 : vector<1x16xf32> to vector<16xf32>
      %parallel_loop3A_256 = arith.index_cast %parallel_loop3A_197 : i32 to index
      %parallel_loop3A_257 = arith.constant 64 : index
      %parallel_loop3A_258 = tpu.vector_load %arg13[%parallel_loop3A_256, %parallel_loop3A_257] {strides = array<i32>} : memref<64x128xf32, #tpu.memory_space<vmem>>, vector<1x16xf32>,
      %parallel_loop3A_259 = vector.shape_cast %parallel_loop3A_258 : vector<1x16xf32> to vector<16xf32>
      %parallel_loop3A_260 = arith.index_cast %parallel_loop3A_197 : i32 to index
      %parallel_loop3A_261 = arith.constant 80 : index
      %parallel_loop3A_262 = tpu.vector_load %arg13[%parallel_loop3A_260, %parallel_loop3A_261] {strides = array<i32>} : memref<64x128xf32, #tpu.memory_space<vmem>>, vector<1x16xf32>,
      %parallel_loop3A_263 = vector.shape_cast %parallel_loop3A_262 : vector<1x16xf32> to vector<16xf32>
      %parallel_loop3A_264 = arith.index_cast %parallel_loop3A_197 : i32 to index
      %parallel_loop3A_265 = arith.constant 96 : index
      %parallel_loop3A_266 = tpu.vector_load %arg13[%parallel_loop3A_264, %parallel_loop3A_265] {strides = array<i32>} : memref<64x128xf32, #tpu.memory_space<vmem>>, vector<1x16xf32>,
      %parallel_loop3A_267 = vector.shape_cast %parallel_loop3A_266 : vector<1x16xf32> to vector<16xf32>
      %parallel_loop3A_268 = arith.index_cast %parallel_loop3A_197 : i32 to index
      %parallel_loop3A_269 = arith.constant 112 : index
      %parallel_loop3A_270 = tpu.vector_load %arg13[%parallel_loop3A_268, %parallel_loop3A_269] {strides = array<i32>} : memref<64x128xf32, #tpu.memory_space<vmem>>, vector<1x16xf32>,
      %parallel_loop3A_271 = vector.shape_cast %parallel_loop3A_270 : vector<1x16xf32> to vector<16xf32>
      %parallel_loop3A_272 = arith.index_cast %parallel_loop3A_203 : i32 to index
      %parallel_loop3A_273 = arith.constant 0 : index
      %parallel_loop3A_274 = tpu.vector_load %arg10[%parallel_loop3A_272, %parallel_loop3A_273] {strides = array<i32>} : memref<200x128xf32, #tpu.memory_space<vmem>>, vector<1x16xf32>,
      %parallel_loop3A_275 = vector.shape_cast %parallel_loop3A_274 : vector<1x16xf32> to vector<16xf32>
      %parallel_loop3A_276 = arith.index_cast %parallel_loop3A_203 : i32 to index
      %parallel_loop3A_277 = arith.constant 16 : index
      %parallel_loop3A_278 = tpu.vector_load %arg10[%parallel_loop3A_276, %parallel_loop3A_277] {strides = array<i32>} : memref<200x128xf32, #tpu.memory_space<vmem>>, vector<1x16xf32>,
      %parallel_loop3A_279 = vector.shape_cast %parallel_loop3A_278 : vector<1x16xf32> to vector<16xf32>
      %parallel_loop3A_280 = arith.index_cast %parallel_loop3A_203 : i32 to index
      %parallel_loop3A_281 = arith.constant 32 : index
      %parallel_loop3A_282 = tpu.vector_load %arg10[%parallel_loop3A_280, %parallel_loop3A_281] {strides = array<i32>} : memref<200x128xf32, #tpu.memory_space<vmem>>, vector<1x16xf32>,
      %parallel_loop3A_283 = vector.shape_cast %parallel_loop3A_282 : vector<1x16xf32> to vector<16xf32>
      %parallel_loop3A_284 = arith.index_cast %parallel_loop3A_203 : i32 to index
      %parallel_loop3A_285 = arith.constant 48 : index
      %parallel_loop3A_286 = tpu.vector_load %arg10[%parallel_loop3A_284, %parallel_loop3A_285] {strides = array<i32>} : memref<200x128xf32, #tpu.memory_space<vmem>>, vector<1x16xf32>,
      %parallel_loop3A_287 = vector.shape_cast %parallel_loop3A_286 : vector<1x16xf32> to vector<16xf32>
      %parallel_loop3A_288 = arith.index_cast %parallel_loop3A_203 : i32 to index
      %parallel_loop3A_289 = arith.constant 64 : index
      %parallel_loop3A_290 = tpu.vector_load %arg10[%parallel_loop3A_288, %parallel_loop3A_289] {strides = array<i32>} : memref<200x128xf32, #tpu.memory_space<vmem>>, vector<1x16xf32>,
      %parallel_loop3A_291 = vector.shape_cast %parallel_loop3A_290 : vector<1x16xf32> to vector<16xf32>
      %parallel_loop3A_292 = arith.index_cast %parallel_loop3A_203 : i32 to index
      %parallel_loop3A_293 = arith.constant 80 : index
      %parallel_loop3A_294 = tpu.vector_load %arg10[%parallel_loop3A_292, %parallel_loop3A_293] {strides = array<i32>} : memref<200x128xf32, #tpu.memory_space<vmem>>, vector<1x16xf32>,
      %parallel_loop3A_295 = vector.shape_cast %parallel_loop3A_294 : vector<1x16xf32> to vector<16xf32>
      %parallel_loop3A_296 = arith.index_cast %parallel_loop3A_203 : i32 to index
      %parallel_loop3A_297 = arith.constant 96 : index
      %parallel_loop3A_298 = tpu.vector_load %arg10[%parallel_loop3A_296, %parallel_loop3A_297] {strides = array<i32>} : memref<200x128xf32, #tpu.memory_space<vmem>>, vector<1x16xf32>,
      %parallel_loop3A_299 = vector.shape_cast %parallel_loop3A_298 : vector<1x16xf32> to vector<16xf32>
      %parallel_loop3A_300 = arith.index_cast %parallel_loop3A_203 : i32 to index
      %parallel_loop3A_301 = arith.constant 112 : index
      %parallel_loop3A_302 = tpu.vector_load %arg10[%parallel_loop3A_300, %parallel_loop3A_301] {strides = array<i32>} : memref<200x128xf32, #tpu.memory_space<vmem>>, vector<1x16xf32>,
      %parallel_loop3A_303 = vector.shape_cast %parallel_loop3A_302 : vector<1x16xf32> to vector<16xf32>
      %parallel_loop3A_304 = arith.addf %parallel_loop3A_243, %parallel_loop3A_275 : vector<16xf32>
      %parallel_loop3A_305 = arith.mulf %parallel_loop3A_239, %get3A_28 : vector<16xf32>
      %parallel_loop3A_306 = arith.addf %parallel_loop3A_304, %parallel_loop3A_305 : vector<16xf32>
      %parallel_loop3A_307 = arith.constant -1.000000e+00 : f32
      %parallel_loop3A_308 = vector.broadcast %parallel_loop3A_307 : f32 to vector<16xf32>
      %parallel_loop3A_309 = arith.maximumf %parallel_loop3A_306, %parallel_loop3A_308 : vector<16xf32>
      %parallel_loop3A_310 = arith.constant 1.000000e+00 : f32
      %parallel_loop3A_311 = vector.broadcast %parallel_loop3A_310 : f32 to vector<16xf32>
      %parallel_loop3A_312 = arith.minimumf %parallel_loop3A_309, %parallel_loop3A_311 : vector<16xf32>
      %parallel_loop3A_313 = arith.index_cast %parallel_loop3A_197 : i32 to index
      %parallel_loop3A_314 = arith.constant 0 : index
      %parallel_loop3A_315 = tpu.vector_load %arg18[%parallel_loop3A_313, %parallel_loop3A_314] {strides = array<i32>} : memref<64x128xf32, #tpu.memory_space<vmem>>, vector<1x16xf32>,
      %parallel_loop3A_316 = vector.shape_cast %parallel_loop3A_315 : vector<1x16xf32> to vector<16xf32>
      %parallel_loop3A_317 = vector.shape_cast %parallel_loop3A_312 : vector<16xf32> to vector<1x16xf32>
      tpu.vector_store %arg18[%parallel_loop3A_313, %parallel_loop3A_314], %parallel_loop3A_317 {strides = array<i32>} : memref<64x128xf32, #tpu.memory_space<vmem>>, vector<1x16xf32>,
      %parallel_loop3A_318 = arith.addf %parallel_loop3A_247, %parallel_loop3A_279 : vector<16xf32>
      %parallel_loop3A_319 = arith.mulf %parallel_loop3A_239, %get3A_31 : vector<16xf32>
      %parallel_loop3A_320 = arith.addf %parallel_loop3A_318, %parallel_loop3A_319 : vector<16xf32>
      %parallel_loop3A_321 = arith.constant -1.000000e+00 : f32
      %parallel_loop3A_322 = vector.broadcast %parallel_loop3A_321 : f32 to vector<16xf32>
      %parallel_loop3A_323 = arith.maximumf %parallel_loop3A_320, %parallel_loop3A_322 : vector<16xf32>
      %parallel_loop3A_324 = arith.constant 1.000000e+00 : f32
      %parallel_loop3A_325 = vector.broadcast %parallel_loop3A_324 : f32 to vector<16xf32>
      %parallel_loop3A_326 = arith.minimumf %parallel_loop3A_323, %parallel_loop3A_325 : vector<16xf32>
      %parallel_loop3A_327 = arith.index_cast %parallel_loop3A_197 : i32 to index
      %parallel_loop3A_328 = arith.constant 16 : index
      %parallel_loop3A_329 = tpu.vector_load %arg18[%parallel_loop3A_327, %parallel_loop3A_328] {strides = array<i32>} : memref<64x128xf32, #tpu.memory_space<vmem>>, vector<1x16xf32>,
      %parallel_loop3A_330 = vector.shape_cast %parallel_loop3A_329 : vector<1x16xf32> to vector<16xf32>
      %parallel_loop3A_331 = vector.shape_cast %parallel_loop3A_326 : vector<16xf32> to vector<1x16xf32>
      tpu.vector_store %arg18[%parallel_loop3A_327, %parallel_loop3A_328], %parallel_loop3A_331 {strides = array<i32>} : memref<64x128xf32, #tpu.memory_space<vmem>>, vector<1x16xf32>,
      %parallel_loop3A_332 = arith.addf %parallel_loop3A_251, %parallel_loop3A_283 : vector<16xf32>
      %parallel_loop3A_333 = arith.mulf %parallel_loop3A_239, %get3A_34 : vector<16xf32>
      %parallel_loop3A_334 = arith.addf %parallel_loop3A_332, %parallel_loop3A_333 : vector<16xf32>
      %parallel_loop3A_335 = arith.constant -1.000000e+00 : f32
      %parallel_loop3A_336 = vector.broadcast %parallel_loop3A_335 : f32 to vector<16xf32>
      %parallel_loop3A_337 = arith.maximumf %parallel_loop3A_334, %parallel_loop3A_336 : vector<16xf32>
      %parallel_loop3A_338 = arith.constant 1.000000e+00 : f32
      %parallel_loop3A_339 = vector.broadcast %parallel_loop3A_338 : f32 to vector<16xf32>
      %parallel_loop3A_340 = arith.minimumf %parallel_loop3A_337, %parallel_loop3A_339 : vector<16xf32>
      %parallel_loop3A_341 = arith.index_cast %parallel_loop3A_197 : i32 to index
      %parallel_loop3A_342 = arith.constant 32 : index
      %parallel_loop3A_343 = tpu.vector_load %arg18[%parallel_loop3A_341, %parallel_loop3A_342] {strides = array<i32>} : memref<64x128xf32, #tpu.memory_space<vmem>>, vector<1x16xf32>,
      %parallel_loop3A_344 = vector.shape_cast %parallel_loop3A_343 : vector<1x16xf32> to vector<16xf32>
      %parallel_loop3A_345 = vector.shape_cast %parallel_loop3A_340 : vector<16xf32> to vector<1x16xf32>
      tpu.vector_store %arg18[%parallel_loop3A_341, %parallel_loop3A_342], %parallel_loop3A_345 {strides = array<i32>} : memref<64x128xf32, #tpu.memory_space<vmem>>, vector<1x16xf32>,
      %parallel_loop3A_346 = arith.addf %parallel_loop3A_255, %parallel_loop3A_287 : vector<16xf32>
      %parallel_loop3A_347 = arith.mulf %parallel_loop3A_239, %get3A_37 : vector<16xf32>
      %parallel_loop3A_348 = arith.addf %parallel_loop3A_346, %parallel_loop3A_347 : vector<16xf32>
      %parallel_loop3A_349 = arith.constant -1.000000e+00 : f32
      %parallel_loop3A_350 = vector.broadcast %parallel_loop3A_349 : f32 to vector<16xf32>
      %parallel_loop3A_351 = arith.maximumf %parallel_loop3A_348, %parallel_loop3A_350 : vector<16xf32>
      %parallel_loop3A_352 = arith.constant 1.000000e+00 : f32
      %parallel_loop3A_353 = vector.broadcast %parallel_loop3A_352 : f32 to vector<16xf32>
      %parallel_loop3A_354 = arith.minimumf %parallel_loop3A_351, %parallel_loop3A_353 : vector<16xf32>
      %parallel_loop3A_355 = arith.index_cast %parallel_loop3A_197 : i32 to index
      %parallel_loop3A_356 = arith.constant 48 : index
      %parallel_loop3A_357 = tpu.vector_load %arg18[%parallel_loop3A_355, %parallel_loop3A_356] {strides = array<i32>} : memref<64x128xf32, #tpu.memory_space<vmem>>, vector<1x16xf32>,
      %parallel_loop3A_358 = vector.shape_cast %parallel_loop3A_357 : vector<1x16xf32> to vector<16xf32>
      %parallel_loop3A_359 = vector.shape_cast %parallel_loop3A_354 : vector<16xf32> to vector<1x16xf32>
      tpu.vector_store %arg18[%parallel_loop3A_355, %parallel_loop3A_356], %parallel_loop3A_359 {strides = array<i32>} : memref<64x128xf32, #tpu.memory_space<vmem>>, vector<1x16xf32>,
      %parallel_loop3A_360 = arith.addf %parallel_loop3A_259, %parallel_loop3A_291 : vector<16xf32>
      %parallel_loop3A_361 = arith.mulf %parallel_loop3A_239, %get3A_40 : vector<16xf32>
      %parallel_loop3A_362 = arith.addf %parallel_loop3A_360, %parallel_loop3A_361 : vector<16xf32>
      %parallel_loop3A_363 = arith.constant -1.000000e+00 : f32
      %parallel_loop3A_364 = vector.broadcast %parallel_loop3A_363 : f32 to vector<16xf32>
      %parallel_loop3A_365 = arith.maximumf %parallel_loop3A_362, %parallel_loop3A_364 : vector<16xf32>
      %parallel_loop3A_366 = arith.constant 1.000000e+00 : f32
      %parallel_loop3A_367 = vector.broadcast %parallel_loop3A_366 : f32 to vector<16xf32>
      %parallel_loop3A_368 = arith.minimumf %parallel_loop3A_365, %parallel_loop3A_367 : vector<16xf32>
      %parallel_loop3A_369 = arith.index_cast %parallel_loop3A_197 : i32 to index
      %parallel_loop3A_370 = arith.constant 64 : index
      %parallel_loop3A_371 = tpu.vector_load %arg18[%parallel_loop3A_369, %parallel_loop3A_370] {strides = array<i32>} : memref<64x128xf32, #tpu.memory_space<vmem>>, vector<1x16xf32>,
      %parallel_loop3A_372 = vector.shape_cast %parallel_loop3A_371 : vector<1x16xf32> to vector<16xf32>
      %parallel_loop3A_373 = vector.shape_cast %parallel_loop3A_368 : vector<16xf32> to vector<1x16xf32>
      tpu.vector_store %arg18[%parallel_loop3A_369, %parallel_loop3A_370], %parallel_loop3A_373 {strides = array<i32>} : memref<64x128xf32, #tpu.memory_space<vmem>>, vector<1x16xf32>,
      %parallel_loop3A_374 = arith.addf %parallel_loop3A_263, %parallel_loop3A_295 : vector<16xf32>
      %parallel_loop3A_375 = arith.mulf %parallel_loop3A_239, %get3A_43 : vector<16xf32>
      %parallel_loop3A_376 = arith.addf %parallel_loop3A_374, %parallel_loop3A_375 : vector<16xf32>
      %parallel_loop3A_377 = arith.constant -1.000000e+00 : f32
      %parallel_loop3A_378 = vector.broadcast %parallel_loop3A_377 : f32 to vector<16xf32>
      %parallel_loop3A_379 = arith.maximumf %parallel_loop3A_376, %parallel_loop3A_378 : vector<16xf32>
      %parallel_loop3A_380 = arith.constant 1.000000e+00 : f32
      %parallel_loop3A_381 = vector.broadcast %parallel_loop3A_380 : f32 to vector<16xf32>
      %parallel_loop3A_382 = arith.minimumf %parallel_loop3A_379, %parallel_loop3A_381 : vector<16xf32>
      %parallel_loop3A_383 = arith.index_cast %parallel_loop3A_197 : i32 to index
      %parallel_loop3A_384 = arith.constant 80 : index
      %parallel_loop3A_385 = tpu.vector_load %arg18[%parallel_loop3A_383, %parallel_loop3A_384] {strides = array<i32>} : memref<64x128xf32, #tpu.memory_space<vmem>>, vector<1x16xf32>,
      %parallel_loop3A_386 = vector.shape_cast %parallel_loop3A_385 : vector<1x16xf32> to vector<16xf32>
      %parallel_loop3A_387 = vector.shape_cast %parallel_loop3A_382 : vector<16xf32> to vector<1x16xf32>
      tpu.vector_store %arg18[%parallel_loop3A_383, %parallel_loop3A_384], %parallel_loop3A_387 {strides = array<i32>} : memref<64x128xf32, #tpu.memory_space<vmem>>, vector<1x16xf32>,
      %parallel_loop3A_388 = arith.addf %parallel_loop3A_267, %parallel_loop3A_299 : vector<16xf32>
      %parallel_loop3A_389 = arith.mulf %parallel_loop3A_239, %get3A_46 : vector<16xf32>
      %parallel_loop3A_390 = arith.addf %parallel_loop3A_388, %parallel_loop3A_389 : vector<16xf32>
      %parallel_loop3A_391 = arith.constant -1.000000e+00 : f32
      %parallel_loop3A_392 = vector.broadcast %parallel_loop3A_391 : f32 to vector<16xf32>
      %parallel_loop3A_393 = arith.maximumf %parallel_loop3A_390, %parallel_loop3A_392 : vector<16xf32>
      %parallel_loop3A_394 = arith.constant 1.000000e+00 : f32
      %parallel_loop3A_395 = vector.broadcast %parallel_loop3A_394 : f32 to vector<16xf32>
      %parallel_loop3A_396 = arith.minimumf %parallel_loop3A_393, %parallel_loop3A_395 : vector<16xf32>
      %parallel_loop3A_397 = arith.index_cast %parallel_loop3A_197 : i32 to index
      %parallel_loop3A_398 = arith.constant 96 : index
      %parallel_loop3A_399 = tpu.vector_load %arg18[%parallel_loop3A_397, %parallel_loop3A_398] {strides = array<i32>} : memref<64x128xf32, #tpu.memory_space<vmem>>, vector<1x16xf32>,
      %parallel_loop3A_400 = vector.shape_cast %parallel_loop3A_399 : vector<1x16xf32> to vector<16xf32>
      %parallel_loop3A_401 = vector.shape_cast %parallel_loop3A_396 : vector<16xf32> to vector<1x16xf32>
      tpu.vector_store %arg18[%parallel_loop3A_397, %parallel_loop3A_398], %parallel_loop3A_401 {strides = array<i32>} : memref<64x128xf32, #tpu.memory_space<vmem>>, vector<1x16xf32>,
      %parallel_loop3A_402 = arith.addf %parallel_loop3A_271, %parallel_loop3A_303 : vector<16xf32>
      %parallel_loop3A_403 = arith.mulf %parallel_loop3A_239, %get3A_49 : vector<16xf32>
      %parallel_loop3A_404 = arith.addf %parallel_loop3A_402, %parallel_loop3A_403 : vector<16xf32>
      %parallel_loop3A_405 = arith.constant -1.000000e+00 : f32
      %parallel_loop3A_406 = vector.broadcast %parallel_loop3A_405 : f32 to vector<16xf32>
      %parallel_loop3A_407 = arith.maximumf %parallel_loop3A_404, %parallel_loop3A_406 : vector<16xf32>
      %parallel_loop3A_408 = arith.constant 1.000000e+00 : f32
      %parallel_loop3A_409 = vector.broadcast %parallel_loop3A_408 : f32 to vector<16xf32>
      %parallel_loop3A_410 = arith.minimumf %parallel_loop3A_407, %parallel_loop3A_409 : vector<16xf32>
      %parallel_loop3A_411 = arith.index_cast %parallel_loop3A_197 : i32 to index
      %parallel_loop3A_412 = arith.constant 112 : index
      %parallel_loop3A_413 = tpu.vector_load %arg18[%parallel_loop3A_411, %parallel_loop3A_412] {strides = array<i32>} : memref<64x128xf32, #tpu.memory_space<vmem>>, vector<1x16xf32>,
      %parallel_loop3A_414 = vector.shape_cast %parallel_loop3A_413 : vector<1x16xf32> to vector<16xf32>
      %parallel_loop3A_415 = vector.shape_cast %parallel_loop3A_410 : vector<16xf32> to vector<1x16xf32>
      tpu.vector_store %arg18[%parallel_loop3A_411, %parallel_loop3A_412], %parallel_loop3A_415 {strides = array<i32>} : memref<64x128xf32, #tpu.memory_space<vmem>>, vector<1x16xf32>,
    } {sc.loop_unroll_factor = 2 : i64, sc.parallel_access}
    %add3A_82 = arith.constant 64 : i32
    %add3A_83 = arith.addi %mul3A_2, %add3A_82 : i32
    %dma_start3A_84 = arith.constant 0 : i32
    %dma_start3A_85 = tpu.memref_slice %arg7[%add3A_83, %dma_start3A_84] : memref<204800x128xf32, #tpu.memory_space<hbm>> -> memref<64x128xf32, #tpu.memory_space<hbm>>
    %dma_start3A_86 = arith.constant 0 : i32
    %dma_start3A_87 = tpu.memref_slice %arg7[%add3A_83, %dma_start3A_86] : memref<204800x128xf32, #tpu.memory_space<hbm>> -> memref<64x128xf32, #tpu.memory_space<hbm>>
    tpu.enqueue_dma source(%arg18 : memref<64x128xf32, #tpu.memory_space<vmem>>) target(%dma_start3A_87 : memref<64x128xf32, #tpu.memory_space<hbm>>) target_semaphore(%arg28 : memref<!tpu.dma_semaphore, #tpu.memory_space<semaphore_mem>>)
    %dma_start3A_88 = arith.constant 384 : i32
    %dma_start3A_89 = tpu.memref_slice %arg8[%dma_start3A_88] : memref<6400xi32, #tpu.memory_space<vmem>> -> memref<64xi32, #tpu.memory_space<vmem>>
    %dma_start3A_90 = arith.constant 0 : i32
    %dma_start3A_91 = arith.constant 0 : i32
    %dma_start3A_92 = tpu.memref_slice %arg4[%dma_start3A_90, %dma_start3A_91] : memref<100000x128xf32, #tpu.memory_space<hbm>> -> memref<100000x128xf32, #tpu.memory_space<hbm>>
    tpu.enqueue_indirect_dma source(%dma_start3A_92 : memref<100000x128xf32, #tpu.memory_space<hbm>>) target(%arg13 : memref<64x128xf32, #tpu.memory_space<vmem>>) offsets(%dma_start3A_89 : memref<64xi32, #tpu.memory_space<vmem>>) semaphore(%arg23 : memref<!tpu.dma_semaphore, #tpu.memory_space<semaphore_mem>>)
    %dma_wait3A_93 = arith.constant 0 : i32
    %dma_wait3A_94 = arith.constant 0 : i32
    %dma_wait3A_95 = tpu.memref_slice %arg4[%dma_wait3A_93, %dma_wait3A_94] : memref<100000x128xf32, #tpu.memory_space<hbm>> -> memref<64x128xf32, #tpu.memory_space<hbm>>
    %dma_wait3A_96 = arith.constant 0 : i32
    %dma_wait3A_97 = arith.constant 0 : i32
    %dma_wait3A_98 = tpu.memref_slice %arg4[%dma_wait3A_96, %dma_wait3A_97] : memref<100000x128xf32, #tpu.memory_space<hbm>> -> memref<64x128xf32, #tpu.memory_space<hbm>>
    tpu.wait_dma2 semaphore(%arg24 : memref<!tpu.dma_semaphore, #tpu.memory_space<semaphore_mem>>) src(%dma_wait3A_98 : memref<64x128xf32, #tpu.memory_space<hbm>>) dst(%arg14 : memref<64x128xf32, #tpu.memory_space<vmem>>)
    %rem3A_99 = arith.constant 128 : i32
    %rem3A_100 = arith.constant 200 : i32
    %rem3A_101 = arith.remsi %rem3A_99, %rem3A_100 : i32
    %parallel_loop3A_102 = arith.constant 0 : i32
    %parallel_loop3A_103 = arith.constant 64 : i32
    %parallel_loop3A_104 = arith.constant 1 : i32
    scf.for %parallel_loop3A_197 = %parallel_loop3A_102 to %parallel_loop3A_103 step %parallel_loop3A_104  : i32 {
      %parallel_loop3A_198 = arith.addi %rem3A_101, %parallel_loop3A_197 : i32
      %parallel_loop3A_199 = arith.constant 200 : i32
      %parallel_loop3A_200 = arith.cmpi sge, %parallel_loop3A_198, %parallel_loop3A_199 : i32
      %parallel_loop3A_201 = arith.constant 200 : i32
      %parallel_loop3A_202 = arith.subi %parallel_loop3A_198, %parallel_loop3A_201 : i32
      %parallel_loop3A_203 = arith.select %parallel_loop3A_200, %parallel_loop3A_202, %parallel_loop3A_198 : i32
      %parallel_loop3A_204 = arith.constant 16 : i32
      %parallel_loop3A_205 = arith.divsi %parallel_loop3A_197, %parallel_loop3A_204 : i32
      %parallel_loop3A_206 = arith.constant 0 : i32
      %parallel_loop3A_207 = arith.cmpi sgt, %parallel_loop3A_197, %parallel_loop3A_206 : i32
      %parallel_loop3A_208 = arith.extui %parallel_loop3A_207 : i1 to i32
      %parallel_loop3A_209 = arith.constant 0 : i32
      %parallel_loop3A_210 = arith.cmpi slt, %parallel_loop3A_197, %parallel_loop3A_209 : i32
      %parallel_loop3A_211 = arith.extui %parallel_loop3A_210 : i1 to i32
      %parallel_loop3A_212 = arith.subi %parallel_loop3A_208, %parallel_loop3A_211 : i32
      %parallel_loop3A_213 = arith.constant 0 : i32
      %parallel_loop3A_214 = arith.cmpi sgt, %parallel_loop3A_204, %parallel_loop3A_213 : i32
      %parallel_loop3A_215 = arith.extui %parallel_loop3A_214 : i1 to i32
      %parallel_loop3A_216 = arith.constant 0 : i32
      %parallel_loop3A_217 = arith.cmpi slt, %parallel_loop3A_204, %parallel_loop3A_216 : i32
      %parallel_loop3A_218 = arith.extui %parallel_loop3A_217 : i1 to i32
      %parallel_loop3A_219 = arith.subi %parallel_loop3A_215, %parallel_loop3A_218 : i32
      %parallel_loop3A_220 = arith.cmpi ne, %parallel_loop3A_212, %parallel_loop3A_219 : i32
      %parallel_loop3A_221 = arith.remsi %parallel_loop3A_197, %parallel_loop3A_204 : i32
      %parallel_loop3A_222 = arith.constant 0 : i32
      %parallel_loop3A_223 = arith.cmpi ne, %parallel_loop3A_221, %parallel_loop3A_222 : i32
      %parallel_loop3A_224 = arith.andi %parallel_loop3A_220, %parallel_loop3A_223 : i1
      %parallel_loop3A_225 = arith.constant 1 : i32
      %parallel_loop3A_226 = arith.subi %parallel_loop3A_205, %parallel_loop3A_225 : i32
      %parallel_loop3A_227 = arith.select %parallel_loop3A_224, %parallel_loop3A_226, %parallel_loop3A_205 : i32
      %parallel_loop3A_228 = arith.constant 16 : i32
      %parallel_loop3A_229 = arith.muli %parallel_loop3A_227, %parallel_loop3A_228 : i32
      %parallel_loop3A_230 = arith.constant 128 : i32
      %parallel_loop3A_231 = arith.addi %parallel_loop3A_230, %parallel_loop3A_229 : i32
      %parallel_loop3A_232 = arith.index_cast %parallel_loop3A_231 : i32 to index
      %parallel_loop3A_233 = tpu.vector_load %arg9[%parallel_loop3A_232] {strides = array<i32>} : memref<6400xi32, #tpu.memory_space<vmem>>, vector<16xi32>,
      %parallel_loop3A_234 = vector.shape_cast %parallel_loop3A_233 : vector<16xi32> to vector<16xi32>
      %parallel_loop3A_235 = arith.subi %parallel_loop3A_197, %parallel_loop3A_229 : i32
      %parallel_loop3A_236 = vector.broadcast %parallel_loop3A_235 : i32 to vector<16x1xi32>
      %parallel_loop3A_237 = vector.shape_cast %parallel_loop3A_236 : vector<16x1xi32> to vector<16xi32>
      %parallel_loop3A_238 = tpu.dynamic_gather %parallel_loop3A_234[%parallel_loop3A_237] in [0] : vector<16xi32>, vector<16xi32> -> vector<16xi32>
      %parallel_loop3A_239 = arith.sitofp %parallel_loop3A_238 : vector<16xi32> to vector<16xf32>
      %parallel_loop3A_240 = arith.index_cast %parallel_loop3A_197 : i32 to index
      %parallel_loop3A_241 = arith.constant 0 : index
      %parallel_loop3A_242 = tpu.vector_load %arg14[%parallel_loop3A_240, %parallel_loop3A_241] {strides = array<i32>} : memref<64x128xf32, #tpu.memory_space<vmem>>, vector<1x16xf32>,
      %parallel_loop3A_243 = vector.shape_cast %parallel_loop3A_242 : vector<1x16xf32> to vector<16xf32>
      %parallel_loop3A_244 = arith.index_cast %parallel_loop3A_197 : i32 to index
      %parallel_loop3A_245 = arith.constant 16 : index
      %parallel_loop3A_246 = tpu.vector_load %arg14[%parallel_loop3A_244, %parallel_loop3A_245] {strides = array<i32>} : memref<64x128xf32, #tpu.memory_space<vmem>>, vector<1x16xf32>,
      %parallel_loop3A_247 = vector.shape_cast %parallel_loop3A_246 : vector<1x16xf32> to vector<16xf32>
      %parallel_loop3A_248 = arith.index_cast %parallel_loop3A_197 : i32 to index
      %parallel_loop3A_249 = arith.constant 32 : index
      %parallel_loop3A_250 = tpu.vector_load %arg14[%parallel_loop3A_248, %parallel_loop3A_249] {strides = array<i32>} : memref<64x128xf32, #tpu.memory_space<vmem>>, vector<1x16xf32>,
      %parallel_loop3A_251 = vector.shape_cast %parallel_loop3A_250 : vector<1x16xf32> to vector<16xf32>
      %parallel_loop3A_252 = arith.index_cast %parallel_loop3A_197 : i32 to index
      %parallel_loop3A_253 = arith.constant 48 : index
      %parallel_loop3A_254 = tpu.vector_load %arg14[%parallel_loop3A_252, %parallel_loop3A_253] {strides = array<i32>} : memref<64x128xf32, #tpu.memory_space<vmem>>, vector<1x16xf32>,
      %parallel_loop3A_255 = vector.shape_cast %parallel_loop3A_254 : vector<1x16xf32> to vector<16xf32>
      %parallel_loop3A_256 = arith.index_cast %parallel_loop3A_197 : i32 to index
      %parallel_loop3A_257 = arith.constant 64 : index
      %parallel_loop3A_258 = tpu.vector_load %arg14[%parallel_loop3A_256, %parallel_loop3A_257] {strides = array<i32>} : memref<64x128xf32, #tpu.memory_space<vmem>>, vector<1x16xf32>,
      %parallel_loop3A_259 = vector.shape_cast %parallel_loop3A_258 : vector<1x16xf32> to vector<16xf32>
      %parallel_loop3A_260 = arith.index_cast %parallel_loop3A_197 : i32 to index
      %parallel_loop3A_261 = arith.constant 80 : index
      %parallel_loop3A_262 = tpu.vector_load %arg14[%parallel_loop3A_260, %parallel_loop3A_261] {strides = array<i32>} : memref<64x128xf32, #tpu.memory_space<vmem>>, vector<1x16xf32>,
      %parallel_loop3A_263 = vector.shape_cast %parallel_loop3A_262 : vector<1x16xf32> to vector<16xf32>
      %parallel_loop3A_264 = arith.index_cast %parallel_loop3A_197 : i32 to index
      %parallel_loop3A_265 = arith.constant 96 : index
      %parallel_loop3A_266 = tpu.vector_load %arg14[%parallel_loop3A_264, %parallel_loop3A_265] {strides = array<i32>} : memref<64x128xf32, #tpu.memory_space<vmem>>, vector<1x16xf32>,
      %parallel_loop3A_267 = vector.shape_cast %parallel_loop3A_266 : vector<1x16xf32> to vector<16xf32>
      %parallel_loop3A_268 = arith.index_cast %parallel_loop3A_197 : i32 to index
      %parallel_loop3A_269 = arith.constant 112 : index
      %parallel_loop3A_270 = tpu.vector_load %arg14[%parallel_loop3A_268, %parallel_loop3A_269] {strides = array<i32>} : memref<64x128xf32, #tpu.memory_space<vmem>>, vector<1x16xf32>,
      %parallel_loop3A_271 = vector.shape_cast %parallel_loop3A_270 : vector<1x16xf32> to vector<16xf32>
      %parallel_loop3A_272 = arith.index_cast %parallel_loop3A_203 : i32 to index
      %parallel_loop3A_273 = arith.constant 0 : index
      %parallel_loop3A_274 = tpu.vector_load %arg10[%parallel_loop3A_272, %parallel_loop3A_273] {strides = array<i32>} : memref<200x128xf32, #tpu.memory_space<vmem>>, vector<1x16xf32>,
      %parallel_loop3A_275 = vector.shape_cast %parallel_loop3A_274 : vector<1x16xf32> to vector<16xf32>
      %parallel_loop3A_276 = arith.index_cast %parallel_loop3A_203 : i32 to index
      %parallel_loop3A_277 = arith.constant 16 : index
      %parallel_loop3A_278 = tpu.vector_load %arg10[%parallel_loop3A_276, %parallel_loop3A_277] {strides = array<i32>} : memref<200x128xf32, #tpu.memory_space<vmem>>, vector<1x16xf32>,
      %parallel_loop3A_279 = vector.shape_cast %parallel_loop3A_278 : vector<1x16xf32> to vector<16xf32>
      %parallel_loop3A_280 = arith.index_cast %parallel_loop3A_203 : i32 to index
      %parallel_loop3A_281 = arith.constant 32 : index
      %parallel_loop3A_282 = tpu.vector_load %arg10[%parallel_loop3A_280, %parallel_loop3A_281] {strides = array<i32>} : memref<200x128xf32, #tpu.memory_space<vmem>>, vector<1x16xf32>,
      %parallel_loop3A_283 = vector.shape_cast %parallel_loop3A_282 : vector<1x16xf32> to vector<16xf32>
      %parallel_loop3A_284 = arith.index_cast %parallel_loop3A_203 : i32 to index
      %parallel_loop3A_285 = arith.constant 48 : index
      %parallel_loop3A_286 = tpu.vector_load %arg10[%parallel_loop3A_284, %parallel_loop3A_285] {strides = array<i32>} : memref<200x128xf32, #tpu.memory_space<vmem>>, vector<1x16xf32>,
      %parallel_loop3A_287 = vector.shape_cast %parallel_loop3A_286 : vector<1x16xf32> to vector<16xf32>
      %parallel_loop3A_288 = arith.index_cast %parallel_loop3A_203 : i32 to index
      %parallel_loop3A_289 = arith.constant 64 : index
      %parallel_loop3A_290 = tpu.vector_load %arg10[%parallel_loop3A_288, %parallel_loop3A_289] {strides = array<i32>} : memref<200x128xf32, #tpu.memory_space<vmem>>, vector<1x16xf32>,
      %parallel_loop3A_291 = vector.shape_cast %parallel_loop3A_290 : vector<1x16xf32> to vector<16xf32>
      %parallel_loop3A_292 = arith.index_cast %parallel_loop3A_203 : i32 to index
      %parallel_loop3A_293 = arith.constant 80 : index
      %parallel_loop3A_294 = tpu.vector_load %arg10[%parallel_loop3A_292, %parallel_loop3A_293] {strides = array<i32>} : memref<200x128xf32, #tpu.memory_space<vmem>>, vector<1x16xf32>,
      %parallel_loop3A_295 = vector.shape_cast %parallel_loop3A_294 : vector<1x16xf32> to vector<16xf32>
      %parallel_loop3A_296 = arith.index_cast %parallel_loop3A_203 : i32 to index
      %parallel_loop3A_297 = arith.constant 96 : index
      %parallel_loop3A_298 = tpu.vector_load %arg10[%parallel_loop3A_296, %parallel_loop3A_297] {strides = array<i32>} : memref<200x128xf32, #tpu.memory_space<vmem>>, vector<1x16xf32>,
      %parallel_loop3A_299 = vector.shape_cast %parallel_loop3A_298 : vector<1x16xf32> to vector<16xf32>
      %parallel_loop3A_300 = arith.index_cast %parallel_loop3A_203 : i32 to index
      %parallel_loop3A_301 = arith.constant 112 : index
      %parallel_loop3A_302 = tpu.vector_load %arg10[%parallel_loop3A_300, %parallel_loop3A_301] {strides = array<i32>} : memref<200x128xf32, #tpu.memory_space<vmem>>, vector<1x16xf32>,
      %parallel_loop3A_303 = vector.shape_cast %parallel_loop3A_302 : vector<1x16xf32> to vector<16xf32>
      %parallel_loop3A_304 = arith.addf %parallel_loop3A_243, %parallel_loop3A_275 : vector<16xf32>
      %parallel_loop3A_305 = arith.mulf %parallel_loop3A_239, %get3A_28 : vector<16xf32>
      %parallel_loop3A_306 = arith.addf %parallel_loop3A_304, %parallel_loop3A_305 : vector<16xf32>
      %parallel_loop3A_307 = arith.constant -1.000000e+00 : f32
      %parallel_loop3A_308 = vector.broadcast %parallel_loop3A_307 : f32 to vector<16xf32>
      %parallel_loop3A_309 = arith.maximumf %parallel_loop3A_306, %parallel_loop3A_308 : vector<16xf32>
      %parallel_loop3A_310 = arith.constant 1.000000e+00 : f32
      %parallel_loop3A_311 = vector.broadcast %parallel_loop3A_310 : f32 to vector<16xf32>
      %parallel_loop3A_312 = arith.minimumf %parallel_loop3A_309, %parallel_loop3A_311 : vector<16xf32>
      %parallel_loop3A_313 = arith.index_cast %parallel_loop3A_197 : i32 to index
      %parallel_loop3A_314 = arith.constant 0 : index
      %parallel_loop3A_315 = tpu.vector_load %arg19[%parallel_loop3A_313, %parallel_loop3A_314] {strides = array<i32>} : memref<64x128xf32, #tpu.memory_space<vmem>>, vector<1x16xf32>,
      %parallel_loop3A_316 = vector.shape_cast %parallel_loop3A_315 : vector<1x16xf32> to vector<16xf32>
      %parallel_loop3A_317 = vector.shape_cast %parallel_loop3A_312 : vector<16xf32> to vector<1x16xf32>
      tpu.vector_store %arg19[%parallel_loop3A_313, %parallel_loop3A_314], %parallel_loop3A_317 {strides = array<i32>} : memref<64x128xf32, #tpu.memory_space<vmem>>, vector<1x16xf32>,
      %parallel_loop3A_318 = arith.addf %parallel_loop3A_247, %parallel_loop3A_279 : vector<16xf32>
      %parallel_loop3A_319 = arith.mulf %parallel_loop3A_239, %get3A_31 : vector<16xf32>
      %parallel_loop3A_320 = arith.addf %parallel_loop3A_318, %parallel_loop3A_319 : vector<16xf32>
      %parallel_loop3A_321 = arith.constant -1.000000e+00 : f32
      %parallel_loop3A_322 = vector.broadcast %parallel_loop3A_321 : f32 to vector<16xf32>
      %parallel_loop3A_323 = arith.maximumf %parallel_loop3A_320, %parallel_loop3A_322 : vector<16xf32>
      %parallel_loop3A_324 = arith.constant 1.000000e+00 : f32
      %parallel_loop3A_325 = vector.broadcast %parallel_loop3A_324 : f32 to vector<16xf32>
      %parallel_loop3A_326 = arith.minimumf %parallel_loop3A_323, %parallel_loop3A_325 : vector<16xf32>
      %parallel_loop3A_327 = arith.index_cast %parallel_loop3A_197 : i32 to index
      %parallel_loop3A_328 = arith.constant 16 : index
      %parallel_loop3A_329 = tpu.vector_load %arg19[%parallel_loop3A_327, %parallel_loop3A_328] {strides = array<i32>} : memref<64x128xf32, #tpu.memory_space<vmem>>, vector<1x16xf32>,
      %parallel_loop3A_330 = vector.shape_cast %parallel_loop3A_329 : vector<1x16xf32> to vector<16xf32>
      %parallel_loop3A_331 = vector.shape_cast %parallel_loop3A_326 : vector<16xf32> to vector<1x16xf32>
      tpu.vector_store %arg19[%parallel_loop3A_327, %parallel_loop3A_328], %parallel_loop3A_331 {strides = array<i32>} : memref<64x128xf32, #tpu.memory_space<vmem>>, vector<1x16xf32>,
      %parallel_loop3A_332 = arith.addf %parallel_loop3A_251, %parallel_loop3A_283 : vector<16xf32>
      %parallel_loop3A_333 = arith.mulf %parallel_loop3A_239, %get3A_34 : vector<16xf32>
      %parallel_loop3A_334 = arith.addf %parallel_loop3A_332, %parallel_loop3A_333 : vector<16xf32>
      %parallel_loop3A_335 = arith.constant -1.000000e+00 : f32
      %parallel_loop3A_336 = vector.broadcast %parallel_loop3A_335 : f32 to vector<16xf32>
      %parallel_loop3A_337 = arith.maximumf %parallel_loop3A_334, %parallel_loop3A_336 : vector<16xf32>
      %parallel_loop3A_338 = arith.constant 1.000000e+00 : f32
      %parallel_loop3A_339 = vector.broadcast %parallel_loop3A_338 : f32 to vector<16xf32>
      %parallel_loop3A_340 = arith.minimumf %parallel_loop3A_337, %parallel_loop3A_339 : vector<16xf32>
      %parallel_loop3A_341 = arith.index_cast %parallel_loop3A_197 : i32 to index
      %parallel_loop3A_342 = arith.constant 32 : index
      %parallel_loop3A_343 = tpu.vector_load %arg19[%parallel_loop3A_341, %parallel_loop3A_342] {strides = array<i32>} : memref<64x128xf32, #tpu.memory_space<vmem>>, vector<1x16xf32>,
      %parallel_loop3A_344 = vector.shape_cast %parallel_loop3A_343 : vector<1x16xf32> to vector<16xf32>
      %parallel_loop3A_345 = vector.shape_cast %parallel_loop3A_340 : vector<16xf32> to vector<1x16xf32>
      tpu.vector_store %arg19[%parallel_loop3A_341, %parallel_loop3A_342], %parallel_loop3A_345 {strides = array<i32>} : memref<64x128xf32, #tpu.memory_space<vmem>>, vector<1x16xf32>,
      %parallel_loop3A_346 = arith.addf %parallel_loop3A_255, %parallel_loop3A_287 : vector<16xf32>
      %parallel_loop3A_347 = arith.mulf %parallel_loop3A_239, %get3A_37 : vector<16xf32>
      %parallel_loop3A_348 = arith.addf %parallel_loop3A_346, %parallel_loop3A_347 : vector<16xf32>
      %parallel_loop3A_349 = arith.constant -1.000000e+00 : f32
      %parallel_loop3A_350 = vector.broadcast %parallel_loop3A_349 : f32 to vector<16xf32>
      %parallel_loop3A_351 = arith.maximumf %parallel_loop3A_348, %parallel_loop3A_350 : vector<16xf32>
      %parallel_loop3A_352 = arith.constant 1.000000e+00 : f32
      %parallel_loop3A_353 = vector.broadcast %parallel_loop3A_352 : f32 to vector<16xf32>
      %parallel_loop3A_354 = arith.minimumf %parallel_loop3A_351, %parallel_loop3A_353 : vector<16xf32>
      %parallel_loop3A_355 = arith.index_cast %parallel_loop3A_197 : i32 to index
      %parallel_loop3A_356 = arith.constant 48 : index
      %parallel_loop3A_357 = tpu.vector_load %arg19[%parallel_loop3A_355, %parallel_loop3A_356] {strides = array<i32>} : memref<64x128xf32, #tpu.memory_space<vmem>>, vector<1x16xf32>,
      %parallel_loop3A_358 = vector.shape_cast %parallel_loop3A_357 : vector<1x16xf32> to vector<16xf32>
      %parallel_loop3A_359 = vector.shape_cast %parallel_loop3A_354 : vector<16xf32> to vector<1x16xf32>
      tpu.vector_store %arg19[%parallel_loop3A_355, %parallel_loop3A_356], %parallel_loop3A_359 {strides = array<i32>} : memref<64x128xf32, #tpu.memory_space<vmem>>, vector<1x16xf32>,
      %parallel_loop3A_360 = arith.addf %parallel_loop3A_259, %parallel_loop3A_291 : vector<16xf32>
      %parallel_loop3A_361 = arith.mulf %parallel_loop3A_239, %get3A_40 : vector<16xf32>
      %parallel_loop3A_362 = arith.addf %parallel_loop3A_360, %parallel_loop3A_361 : vector<16xf32>
      %parallel_loop3A_363 = arith.constant -1.000000e+00 : f32
      %parallel_loop3A_364 = vector.broadcast %parallel_loop3A_363 : f32 to vector<16xf32>
      %parallel_loop3A_365 = arith.maximumf %parallel_loop3A_362, %parallel_loop3A_364 : vector<16xf32>
      %parallel_loop3A_366 = arith.constant 1.000000e+00 : f32
      %parallel_loop3A_367 = vector.broadcast %parallel_loop3A_366 : f32 to vector<16xf32>
      %parallel_loop3A_368 = arith.minimumf %parallel_loop3A_365, %parallel_loop3A_367 : vector<16xf32>
      %parallel_loop3A_369 = arith.index_cast %parallel_loop3A_197 : i32 to index
      %parallel_loop3A_370 = arith.constant 64 : index
      %parallel_loop3A_371 = tpu.vector_load %arg19[%parallel_loop3A_369, %parallel_loop3A_370] {strides = array<i32>} : memref<64x128xf32, #tpu.memory_space<vmem>>, vector<1x16xf32>,
      %parallel_loop3A_372 = vector.shape_cast %parallel_loop3A_371 : vector<1x16xf32> to vector<16xf32>
      %parallel_loop3A_373 = vector.shape_cast %parallel_loop3A_368 : vector<16xf32> to vector<1x16xf32>
      tpu.vector_store %arg19[%parallel_loop3A_369, %parallel_loop3A_370], %parallel_loop3A_373 {strides = array<i32>} : memref<64x128xf32, #tpu.memory_space<vmem>>, vector<1x16xf32>,
      %parallel_loop3A_374 = arith.addf %parallel_loop3A_263, %parallel_loop3A_295 : vector<16xf32>
      %parallel_loop3A_375 = arith.mulf %parallel_loop3A_239, %get3A_43 : vector<16xf32>
      %parallel_loop3A_376 = arith.addf %parallel_loop3A_374, %parallel_loop3A_375 : vector<16xf32>
      %parallel_loop3A_377 = arith.constant -1.000000e+00 : f32
      %parallel_loop3A_378 = vector.broadcast %parallel_loop3A_377 : f32 to vector<16xf32>
      %parallel_loop3A_379 = arith.maximumf %parallel_loop3A_376, %parallel_loop3A_378 : vector<16xf32>
      %parallel_loop3A_380 = arith.constant 1.000000e+00 : f32
      %parallel_loop3A_381 = vector.broadcast %parallel_loop3A_380 : f32 to vector<16xf32>
      %parallel_loop3A_382 = arith.minimumf %parallel_loop3A_379, %parallel_loop3A_381 : vector<16xf32>
      %parallel_loop3A_383 = arith.index_cast %parallel_loop3A_197 : i32 to index
      %parallel_loop3A_384 = arith.constant 80 : index
      %parallel_loop3A_385 = tpu.vector_load %arg19[%parallel_loop3A_383, %parallel_loop3A_384] {strides = array<i32>} : memref<64x128xf32, #tpu.memory_space<vmem>>, vector<1x16xf32>,
      %parallel_loop3A_386 = vector.shape_cast %parallel_loop3A_385 : vector<1x16xf32> to vector<16xf32>
      %parallel_loop3A_387 = vector.shape_cast %parallel_loop3A_382 : vector<16xf32> to vector<1x16xf32>
      tpu.vector_store %arg19[%parallel_loop3A_383, %parallel_loop3A_384], %parallel_loop3A_387 {strides = array<i32>} : memref<64x128xf32, #tpu.memory_space<vmem>>, vector<1x16xf32>,
      %parallel_loop3A_388 = arith.addf %parallel_loop3A_267, %parallel_loop3A_299 : vector<16xf32>
      %parallel_loop3A_389 = arith.mulf %parallel_loop3A_239, %get3A_46 : vector<16xf32>
      %parallel_loop3A_390 = arith.addf %parallel_loop3A_388, %parallel_loop3A_389 : vector<16xf32>
      %parallel_loop3A_391 = arith.constant -1.000000e+00 : f32
      %parallel_loop3A_392 = vector.broadcast %parallel_loop3A_391 : f32 to vector<16xf32>
      %parallel_loop3A_393 = arith.maximumf %parallel_loop3A_390, %parallel_loop3A_392 : vector<16xf32>
      %parallel_loop3A_394 = arith.constant 1.000000e+00 : f32
      %parallel_loop3A_395 = vector.broadcast %parallel_loop3A_394 : f32 to vector<16xf32>
      %parallel_loop3A_396 = arith.minimumf %parallel_loop3A_393, %parallel_loop3A_395 : vector<16xf32>
      %parallel_loop3A_397 = arith.index_cast %parallel_loop3A_197 : i32 to index
      %parallel_loop3A_398 = arith.constant 96 : index
      %parallel_loop3A_399 = tpu.vector_load %arg19[%parallel_loop3A_397, %parallel_loop3A_398] {strides = array<i32>} : memref<64x128xf32, #tpu.memory_space<vmem>>, vector<1x16xf32>,
      %parallel_loop3A_400 = vector.shape_cast %parallel_loop3A_399 : vector<1x16xf32> to vector<16xf32>
      %parallel_loop3A_401 = vector.shape_cast %parallel_loop3A_396 : vector<16xf32> to vector<1x16xf32>
      tpu.vector_store %arg19[%parallel_loop3A_397, %parallel_loop3A_398], %parallel_loop3A_401 {strides = array<i32>} : memref<64x128xf32, #tpu.memory_space<vmem>>, vector<1x16xf32>,
      %parallel_loop3A_402 = arith.addf %parallel_loop3A_271, %parallel_loop3A_303 : vector<16xf32>
      %parallel_loop3A_403 = arith.mulf %parallel_loop3A_239, %get3A_49 : vector<16xf32>
      %parallel_loop3A_404 = arith.addf %parallel_loop3A_402, %parallel_loop3A_403 : vector<16xf32>
      %parallel_loop3A_405 = arith.constant -1.000000e+00 : f32
      %parallel_loop3A_406 = vector.broadcast %parallel_loop3A_405 : f32 to vector<16xf32>
      %parallel_loop3A_407 = arith.maximumf %parallel_loop3A_404, %parallel_loop3A_406 : vector<16xf32>
      %parallel_loop3A_408 = arith.constant 1.000000e+00 : f32
      %parallel_loop3A_409 = vector.broadcast %parallel_loop3A_408 : f32 to vector<16xf32>
      %parallel_loop3A_410 = arith.minimumf %parallel_loop3A_407, %parallel_loop3A_409 : vector<16xf32>
      %parallel_loop3A_411 = arith.index_cast %parallel_loop3A_197 : i32 to index
      %parallel_loop3A_412 = arith.constant 112 : index
      %parallel_loop3A_413 = tpu.vector_load %arg19[%parallel_loop3A_411, %parallel_loop3A_412] {strides = array<i32>} : memref<64x128xf32, #tpu.memory_space<vmem>>, vector<1x16xf32>,
      %parallel_loop3A_414 = vector.shape_cast %parallel_loop3A_413 : vector<1x16xf32> to vector<16xf32>
      %parallel_loop3A_415 = vector.shape_cast %parallel_loop3A_410 : vector<16xf32> to vector<1x16xf32>
      tpu.vector_store %arg19[%parallel_loop3A_411, %parallel_loop3A_412], %parallel_loop3A_415 {strides = array<i32>} : memref<64x128xf32, #tpu.memory_space<vmem>>, vector<1x16xf32>,
    } {sc.loop_unroll_factor = 2 : i64, sc.parallel_access}
    %add3A_105 = arith.constant 128 : i32
    %add3A_106 = arith.addi %mul3A_2, %add3A_105 : i32
    %dma_start3A_107 = arith.constant 0 : i32
    %dma_start3A_108 = tpu.memref_slice %arg7[%add3A_106, %dma_start3A_107] : memref<204800x128xf32, #tpu.memory_space<hbm>> -> memref<64x128xf32, #tpu.memory_space<hbm>>
    %dma_start3A_109 = arith.constant 0 : i32
    %dma_start3A_110 = tpu.memref_slice %arg7[%add3A_106, %dma_start3A_109] : memref<204800x128xf32, #tpu.memory_space<hbm>> -> memref<64x128xf32, #tpu.memory_space<hbm>>
    tpu.enqueue_dma source(%arg19 : memref<64x128xf32, #tpu.memory_space<vmem>>) target(%dma_start3A_110 : memref<64x128xf32, #tpu.memory_space<hbm>>) target_semaphore(%arg29 : memref<!tpu.dma_semaphore, #tpu.memory_space<semaphore_mem>>)
    %dma_start3A_111 = arith.constant 448 : i32
    %dma_start3A_112 = tpu.memref_slice %arg8[%dma_start3A_111] : memref<6400xi32, #tpu.memory_space<vmem>> -> memref<64xi32, #tpu.memory_space<vmem>>
    %dma_start3A_113 = arith.constant 0 : i32
    %dma_start3A_114 = arith.constant 0 : i32
    %dma_start3A_115 = tpu.memref_slice %arg4[%dma_start3A_113, %dma_start3A_114] : memref<100000x128xf32, #tpu.memory_space<hbm>> -> memref<100000x128xf32, #tpu.memory_space<hbm>>
    tpu.enqueue_indirect_dma source(%dma_start3A_115 : memref<100000x128xf32, #tpu.memory_space<hbm>>) target(%arg14 : memref<64x128xf32, #tpu.memory_space<vmem>>) offsets(%dma_start3A_112 : memref<64xi32, #tpu.memory_space<vmem>>) semaphore(%arg24 : memref<!tpu.dma_semaphore, #tpu.memory_space<semaphore_mem>>)
    %dma_wait3A_116 = arith.constant 0 : i32
    %dma_wait3A_117 = arith.constant 0 : i32
    %dma_wait3A_118 = tpu.memref_slice %arg4[%dma_wait3A_116, %dma_wait3A_117] : memref<100000x128xf32, #tpu.memory_space<hbm>> -> memref<64x128xf32, #tpu.memory_space<hbm>>
    %dma_wait3A_119 = arith.constant 0 : i32
    %dma_wait3A_120 = arith.constant 0 : i32
    %dma_wait3A_121 = tpu.memref_slice %arg4[%dma_wait3A_119, %dma_wait3A_120] : memref<100000x128xf32, #tpu.memory_space<hbm>> -> memref<64x128xf32, #tpu.memory_space<hbm>>
    tpu.wait_dma2 semaphore(%arg25 : memref<!tpu.dma_semaphore, #tpu.memory_space<semaphore_mem>>) src(%dma_wait3A_121 : memref<64x128xf32, #tpu.memory_space<hbm>>) dst(%arg15 : memref<64x128xf32, #tpu.memory_space<vmem>>)
    %rem3A_122 = arith.constant 192 : i32
    %rem3A_123 = arith.constant 200 : i32
    %rem3A_124 = arith.remsi %rem3A_122, %rem3A_123 : i32
    %parallel_loop3A_125 = arith.constant 0 : i32
    %parallel_loop3A_126 = arith.constant 64 : i32
    %parallel_loop3A_127 = arith.constant 1 : i32
    scf.for %parallel_loop3A_197 = %parallel_loop3A_125 to %parallel_loop3A_126 step %parallel_loop3A_127  : i32 {
      %parallel_loop3A_198 = arith.addi %rem3A_124, %parallel_loop3A_197 : i32
      %parallel_loop3A_199 = arith.constant 200 : i32
      %parallel_loop3A_200 = arith.cmpi sge, %parallel_loop3A_198, %parallel_loop3A_199 : i32
      %parallel_loop3A_201 = arith.constant 200 : i32
      %parallel_loop3A_202 = arith.subi %parallel_loop3A_198, %parallel_loop3A_201 : i32
      %parallel_loop3A_203 = arith.select %parallel_loop3A_200, %parallel_loop3A_202, %parallel_loop3A_198 : i32
      %parallel_loop3A_204 = arith.constant 16 : i32
      %parallel_loop3A_205 = arith.divsi %parallel_loop3A_197, %parallel_loop3A_204 : i32
      %parallel_loop3A_206 = arith.constant 0 : i32
      %parallel_loop3A_207 = arith.cmpi sgt, %parallel_loop3A_197, %parallel_loop3A_206 : i32
      %parallel_loop3A_208 = arith.extui %parallel_loop3A_207 : i1 to i32
      %parallel_loop3A_209 = arith.constant 0 : i32
      %parallel_loop3A_210 = arith.cmpi slt, %parallel_loop3A_197, %parallel_loop3A_209 : i32
      %parallel_loop3A_211 = arith.extui %parallel_loop3A_210 : i1 to i32
      %parallel_loop3A_212 = arith.subi %parallel_loop3A_208, %parallel_loop3A_211 : i32
      %parallel_loop3A_213 = arith.constant 0 : i32
      %parallel_loop3A_214 = arith.cmpi sgt, %parallel_loop3A_204, %parallel_loop3A_213 : i32
      %parallel_loop3A_215 = arith.extui %parallel_loop3A_214 : i1 to i32
      %parallel_loop3A_216 = arith.constant 0 : i32
      %parallel_loop3A_217 = arith.cmpi slt, %parallel_loop3A_204, %parallel_loop3A_216 : i32
      %parallel_loop3A_218 = arith.extui %parallel_loop3A_217 : i1 to i32
      %parallel_loop3A_219 = arith.subi %parallel_loop3A_215, %parallel_loop3A_218 : i32
      %parallel_loop3A_220 = arith.cmpi ne, %parallel_loop3A_212, %parallel_loop3A_219 : i32
      %parallel_loop3A_221 = arith.remsi %parallel_loop3A_197, %parallel_loop3A_204 : i32
      %parallel_loop3A_222 = arith.constant 0 : i32
      %parallel_loop3A_223 = arith.cmpi ne, %parallel_loop3A_221, %parallel_loop3A_222 : i32
      %parallel_loop3A_224 = arith.andi %parallel_loop3A_220, %parallel_loop3A_223 : i1
      %parallel_loop3A_225 = arith.constant 1 : i32
      %parallel_loop3A_226 = arith.subi %parallel_loop3A_205, %parallel_loop3A_225 : i32
      %parallel_loop3A_227 = arith.select %parallel_loop3A_224, %parallel_loop3A_226, %parallel_loop3A_205 : i32
      %parallel_loop3A_228 = arith.constant 16 : i32
      %parallel_loop3A_229 = arith.muli %parallel_loop3A_227, %parallel_loop3A_228 : i32
      %parallel_loop3A_230 = arith.constant 192 : i32
      %parallel_loop3A_231 = arith.addi %parallel_loop3A_230, %parallel_loop3A_229 : i32
      %parallel_loop3A_232 = arith.index_cast %parallel_loop3A_231 : i32 to index
      %parallel_loop3A_233 = tpu.vector_load %arg9[%parallel_loop3A_232] {strides = array<i32>} : memref<6400xi32, #tpu.memory_space<vmem>>, vector<16xi32>,
      %parallel_loop3A_234 = vector.shape_cast %parallel_loop3A_233 : vector<16xi32> to vector<16xi32>
      %parallel_loop3A_235 = arith.subi %parallel_loop3A_197, %parallel_loop3A_229 : i32
      %parallel_loop3A_236 = vector.broadcast %parallel_loop3A_235 : i32 to vector<16x1xi32>
      %parallel_loop3A_237 = vector.shape_cast %parallel_loop3A_236 : vector<16x1xi32> to vector<16xi32>
      %parallel_loop3A_238 = tpu.dynamic_gather %parallel_loop3A_234[%parallel_loop3A_237] in [0] : vector<16xi32>, vector<16xi32> -> vector<16xi32>
      %parallel_loop3A_239 = arith.sitofp %parallel_loop3A_238 : vector<16xi32> to vector<16xf32>
      %parallel_loop3A_240 = arith.index_cast %parallel_loop3A_197 : i32 to index
      %parallel_loop3A_241 = arith.constant 0 : index
      %parallel_loop3A_242 = tpu.vector_load %arg15[%parallel_loop3A_240, %parallel_loop3A_241] {strides = array<i32>} : memref<64x128xf32, #tpu.memory_space<vmem>>, vector<1x16xf32>,
      %parallel_loop3A_243 = vector.shape_cast %parallel_loop3A_242 : vector<1x16xf32> to vector<16xf32>
      %parallel_loop3A_244 = arith.index_cast %parallel_loop3A_197 : i32 to index
      %parallel_loop3A_245 = arith.constant 16 : index
      %parallel_loop3A_246 = tpu.vector_load %arg15[%parallel_loop3A_244, %parallel_loop3A_245] {strides = array<i32>} : memref<64x128xf32, #tpu.memory_space<vmem>>, vector<1x16xf32>,
      %parallel_loop3A_247 = vector.shape_cast %parallel_loop3A_246 : vector<1x16xf32> to vector<16xf32>
      %parallel_loop3A_248 = arith.index_cast %parallel_loop3A_197 : i32 to index
      %parallel_loop3A_249 = arith.constant 32 : index
      %parallel_loop3A_250 = tpu.vector_load %arg15[%parallel_loop3A_248, %parallel_loop3A_249] {strides = array<i32>} : memref<64x128xf32, #tpu.memory_space<vmem>>, vector<1x16xf32>,
      %parallel_loop3A_251 = vector.shape_cast %parallel_loop3A_250 : vector<1x16xf32> to vector<16xf32>
      %parallel_loop3A_252 = arith.index_cast %parallel_loop3A_197 : i32 to index
      %parallel_loop3A_253 = arith.constant 48 : index
      %parallel_loop3A_254 = tpu.vector_load %arg15[%parallel_loop3A_252, %parallel_loop3A_253] {strides = array<i32>} : memref<64x128xf32, #tpu.memory_space<vmem>>, vector<1x16xf32>,
      %parallel_loop3A_255 = vector.shape_cast %parallel_loop3A_254 : vector<1x16xf32> to vector<16xf32>
      %parallel_loop3A_256 = arith.index_cast %parallel_loop3A_197 : i32 to index
      %parallel_loop3A_257 = arith.constant 64 : index
      %parallel_loop3A_258 = tpu.vector_load %arg15[%parallel_loop3A_256, %parallel_loop3A_257] {strides = array<i32>} : memref<64x128xf32, #tpu.memory_space<vmem>>, vector<1x16xf32>,
      %parallel_loop3A_259 = vector.shape_cast %parallel_loop3A_258 : vector<1x16xf32> to vector<16xf32>
      %parallel_loop3A_260 = arith.index_cast %parallel_loop3A_197 : i32 to index
      %parallel_loop3A_261 = arith.constant 80 : index
      %parallel_loop3A_262 = tpu.vector_load %arg15[%parallel_loop3A_260, %parallel_loop3A_261] {strides = array<i32>} : memref<64x128xf32, #tpu.memory_space<vmem>>, vector<1x16xf32>,
      %parallel_loop3A_263 = vector.shape_cast %parallel_loop3A_262 : vector<1x16xf32> to vector<16xf32>
      %parallel_loop3A_264 = arith.index_cast %parallel_loop3A_197 : i32 to index
      %parallel_loop3A_265 = arith.constant 96 : index
      %parallel_loop3A_266 = tpu.vector_load %arg15[%parallel_loop3A_264, %parallel_loop3A_265] {strides = array<i32>} : memref<64x128xf32, #tpu.memory_space<vmem>>, vector<1x16xf32>,
      %parallel_loop3A_267 = vector.shape_cast %parallel_loop3A_266 : vector<1x16xf32> to vector<16xf32>
      %parallel_loop3A_268 = arith.index_cast %parallel_loop3A_197 : i32 to index
      %parallel_loop3A_269 = arith.constant 112 : index
      %parallel_loop3A_270 = tpu.vector_load %arg15[%parallel_loop3A_268, %parallel_loop3A_269] {strides = array<i32>} : memref<64x128xf32, #tpu.memory_space<vmem>>, vector<1x16xf32>,
      %parallel_loop3A_271 = vector.shape_cast %parallel_loop3A_270 : vector<1x16xf32> to vector<16xf32>
      %parallel_loop3A_272 = arith.index_cast %parallel_loop3A_203 : i32 to index
      %parallel_loop3A_273 = arith.constant 0 : index
      %parallel_loop3A_274 = tpu.vector_load %arg10[%parallel_loop3A_272, %parallel_loop3A_273] {strides = array<i32>} : memref<200x128xf32, #tpu.memory_space<vmem>>, vector<1x16xf32>,
      %parallel_loop3A_275 = vector.shape_cast %parallel_loop3A_274 : vector<1x16xf32> to vector<16xf32>
      %parallel_loop3A_276 = arith.index_cast %parallel_loop3A_203 : i32 to index
      %parallel_loop3A_277 = arith.constant 16 : index
      %parallel_loop3A_278 = tpu.vector_load %arg10[%parallel_loop3A_276, %parallel_loop3A_277] {strides = array<i32>} : memref<200x128xf32, #tpu.memory_space<vmem>>, vector<1x16xf32>,
      %parallel_loop3A_279 = vector.shape_cast %parallel_loop3A_278 : vector<1x16xf32> to vector<16xf32>
      %parallel_loop3A_280 = arith.index_cast %parallel_loop3A_203 : i32 to index
      %parallel_loop3A_281 = arith.constant 32 : index
      %parallel_loop3A_282 = tpu.vector_load %arg10[%parallel_loop3A_280, %parallel_loop3A_281] {strides = array<i32>} : memref<200x128xf32, #tpu.memory_space<vmem>>, vector<1x16xf32>,
      %parallel_loop3A_283 = vector.shape_cast %parallel_loop3A_282 : vector<1x16xf32> to vector<16xf32>
      %parallel_loop3A_284 = arith.index_cast %parallel_loop3A_203 : i32 to index
      %parallel_loop3A_285 = arith.constant 48 : index
      %parallel_loop3A_286 = tpu.vector_load %arg10[%parallel_loop3A_284, %parallel_loop3A_285] {strides = array<i32>} : memref<200x128xf32, #tpu.memory_space<vmem>>, vector<1x16xf32>,
      %parallel_loop3A_287 = vector.shape_cast %parallel_loop3A_286 : vector<1x16xf32> to vector<16xf32>
      %parallel_loop3A_288 = arith.index_cast %parallel_loop3A_203 : i32 to index
      %parallel_loop3A_289 = arith.constant 64 : index
      %parallel_loop3A_290 = tpu.vector_load %arg10[%parallel_loop3A_288, %parallel_loop3A_289] {strides = array<i32>} : memref<200x128xf32, #tpu.memory_space<vmem>>, vector<1x16xf32>,
      %parallel_loop3A_291 = vector.shape_cast %parallel_loop3A_290 : vector<1x16xf32> to vector<16xf32>
      %parallel_loop3A_292 = arith.index_cast %parallel_loop3A_203 : i32 to index
      %parallel_loop3A_293 = arith.constant 80 : index
      %parallel_loop3A_294 = tpu.vector_load %arg10[%parallel_loop3A_292, %parallel_loop3A_293] {strides = array<i32>} : memref<200x128xf32, #tpu.memory_space<vmem>>, vector<1x16xf32>,
      %parallel_loop3A_295 = vector.shape_cast %parallel_loop3A_294 : vector<1x16xf32> to vector<16xf32>
      %parallel_loop3A_296 = arith.index_cast %parallel_loop3A_203 : i32 to index
      %parallel_loop3A_297 = arith.constant 96 : index
      %parallel_loop3A_298 = tpu.vector_load %arg10[%parallel_loop3A_296, %parallel_loop3A_297] {strides = array<i32>} : memref<200x128xf32, #tpu.memory_space<vmem>>, vector<1x16xf32>,
      %parallel_loop3A_299 = vector.shape_cast %parallel_loop3A_298 : vector<1x16xf32> to vector<16xf32>
      %parallel_loop3A_300 = arith.index_cast %parallel_loop3A_203 : i32 to index
      %parallel_loop3A_301 = arith.constant 112 : index
      %parallel_loop3A_302 = tpu.vector_load %arg10[%parallel_loop3A_300, %parallel_loop3A_301] {strides = array<i32>} : memref<200x128xf32, #tpu.memory_space<vmem>>, vector<1x16xf32>,
      %parallel_loop3A_303 = vector.shape_cast %parallel_loop3A_302 : vector<1x16xf32> to vector<16xf32>
      %parallel_loop3A_304 = arith.addf %parallel_loop3A_243, %parallel_loop3A_275 : vector<16xf32>
      %parallel_loop3A_305 = arith.mulf %parallel_loop3A_239, %get3A_28 : vector<16xf32>
      %parallel_loop3A_306 = arith.addf %parallel_loop3A_304, %parallel_loop3A_305 : vector<16xf32>
      %parallel_loop3A_307 = arith.constant -1.000000e+00 : f32
      %parallel_loop3A_308 = vector.broadcast %parallel_loop3A_307 : f32 to vector<16xf32>
      %parallel_loop3A_309 = arith.maximumf %parallel_loop3A_306, %parallel_loop3A_308 : vector<16xf32>
      %parallel_loop3A_310 = arith.constant 1.000000e+00 : f32
      %parallel_loop3A_311 = vector.broadcast %parallel_loop3A_310 : f32 to vector<16xf32>
      %parallel_loop3A_312 = arith.minimumf %parallel_loop3A_309, %parallel_loop3A_311 : vector<16xf32>
      %parallel_loop3A_313 = arith.index_cast %parallel_loop3A_197 : i32 to index
      %parallel_loop3A_314 = arith.constant 0 : index
      %parallel_loop3A_315 = tpu.vector_load %arg20[%parallel_loop3A_313, %parallel_loop3A_314] {strides = array<i32>} : memref<64x128xf32, #tpu.memory_space<vmem>>, vector<1x16xf32>,
      %parallel_loop3A_316 = vector.shape_cast %parallel_loop3A_315 : vector<1x16xf32> to vector<16xf32>
      %parallel_loop3A_317 = vector.shape_cast %parallel_loop3A_312 : vector<16xf32> to vector<1x16xf32>
      tpu.vector_store %arg20[%parallel_loop3A_313, %parallel_loop3A_314], %parallel_loop3A_317 {strides = array<i32>} : memref<64x128xf32, #tpu.memory_space<vmem>>, vector<1x16xf32>,
      %parallel_loop3A_318 = arith.addf %parallel_loop3A_247, %parallel_loop3A_279 : vector<16xf32>
      %parallel_loop3A_319 = arith.mulf %parallel_loop3A_239, %get3A_31 : vector<16xf32>
      %parallel_loop3A_320 = arith.addf %parallel_loop3A_318, %parallel_loop3A_319 : vector<16xf32>
      %parallel_loop3A_321 = arith.constant -1.000000e+00 : f32
      %parallel_loop3A_322 = vector.broadcast %parallel_loop3A_321 : f32 to vector<16xf32>
      %parallel_loop3A_323 = arith.maximumf %parallel_loop3A_320, %parallel_loop3A_322 : vector<16xf32>
      %parallel_loop3A_324 = arith.constant 1.000000e+00 : f32
      %parallel_loop3A_325 = vector.broadcast %parallel_loop3A_324 : f32 to vector<16xf32>
      %parallel_loop3A_326 = arith.minimumf %parallel_loop3A_323, %parallel_loop3A_325 : vector<16xf32>
      %parallel_loop3A_327 = arith.index_cast %parallel_loop3A_197 : i32 to index
      %parallel_loop3A_328 = arith.constant 16 : index
      %parallel_loop3A_329 = tpu.vector_load %arg20[%parallel_loop3A_327, %parallel_loop3A_328] {strides = array<i32>} : memref<64x128xf32, #tpu.memory_space<vmem>>, vector<1x16xf32>,
      %parallel_loop3A_330 = vector.shape_cast %parallel_loop3A_329 : vector<1x16xf32> to vector<16xf32>
      %parallel_loop3A_331 = vector.shape_cast %parallel_loop3A_326 : vector<16xf32> to vector<1x16xf32>
      tpu.vector_store %arg20[%parallel_loop3A_327, %parallel_loop3A_328], %parallel_loop3A_331 {strides = array<i32>} : memref<64x128xf32, #tpu.memory_space<vmem>>, vector<1x16xf32>,
      %parallel_loop3A_332 = arith.addf %parallel_loop3A_251, %parallel_loop3A_283 : vector<16xf32>
      %parallel_loop3A_333 = arith.mulf %parallel_loop3A_239, %get3A_34 : vector<16xf32>
      %parallel_loop3A_334 = arith.addf %parallel_loop3A_332, %parallel_loop3A_333 : vector<16xf32>
      %parallel_loop3A_335 = arith.constant -1.000000e+00 : f32
      %parallel_loop3A_336 = vector.broadcast %parallel_loop3A_335 : f32 to vector<16xf32>
      %parallel_loop3A_337 = arith.maximumf %parallel_loop3A_334, %parallel_loop3A_336 : vector<16xf32>
      %parallel_loop3A_338 = arith.constant 1.000000e+00 : f32
      %parallel_loop3A_339 = vector.broadcast %parallel_loop3A_338 : f32 to vector<16xf32>
      %parallel_loop3A_340 = arith.minimumf %parallel_loop3A_337, %parallel_loop3A_339 : vector<16xf32>
      %parallel_loop3A_341 = arith.index_cast %parallel_loop3A_197 : i32 to index
      %parallel_loop3A_342 = arith.constant 32 : index
      %parallel_loop3A_343 = tpu.vector_load %arg20[%parallel_loop3A_341, %parallel_loop3A_342] {strides = array<i32>} : memref<64x128xf32, #tpu.memory_space<vmem>>, vector<1x16xf32>,
      %parallel_loop3A_344 = vector.shape_cast %parallel_loop3A_343 : vector<1x16xf32> to vector<16xf32>
      %parallel_loop3A_345 = vector.shape_cast %parallel_loop3A_340 : vector<16xf32> to vector<1x16xf32>
      tpu.vector_store %arg20[%parallel_loop3A_341, %parallel_loop3A_342], %parallel_loop3A_345 {strides = array<i32>} : memref<64x128xf32, #tpu.memory_space<vmem>>, vector<1x16xf32>,
      %parallel_loop3A_346 = arith.addf %parallel_loop3A_255, %parallel_loop3A_287 : vector<16xf32>
      %parallel_loop3A_347 = arith.mulf %parallel_loop3A_239, %get3A_37 : vector<16xf32>
      %parallel_loop3A_348 = arith.addf %parallel_loop3A_346, %parallel_loop3A_347 : vector<16xf32>
      %parallel_loop3A_349 = arith.constant -1.000000e+00 : f32
      %parallel_loop3A_350 = vector.broadcast %parallel_loop3A_349 : f32 to vector<16xf32>
      %parallel_loop3A_351 = arith.maximumf %parallel_loop3A_348, %parallel_loop3A_350 : vector<16xf32>
      %parallel_loop3A_352 = arith.constant 1.000000e+00 : f32
      %parallel_loop3A_353 = vector.broadcast %parallel_loop3A_352 : f32 to vector<16xf32>
      %parallel_loop3A_354 = arith.minimumf %parallel_loop3A_351, %parallel_loop3A_353 : vector<16xf32>
      %parallel_loop3A_355 = arith.index_cast %parallel_loop3A_197 : i32 to index
      %parallel_loop3A_356 = arith.constant 48 : index
      %parallel_loop3A_357 = tpu.vector_load %arg20[%parallel_loop3A_355, %parallel_loop3A_356] {strides = array<i32>} : memref<64x128xf32, #tpu.memory_space<vmem>>, vector<1x16xf32>,
      %parallel_loop3A_358 = vector.shape_cast %parallel_loop3A_357 : vector<1x16xf32> to vector<16xf32>
      %parallel_loop3A_359 = vector.shape_cast %parallel_loop3A_354 : vector<16xf32> to vector<1x16xf32>
      tpu.vector_store %arg20[%parallel_loop3A_355, %parallel_loop3A_356], %parallel_loop3A_359 {strides = array<i32>} : memref<64x128xf32, #tpu.memory_space<vmem>>, vector<1x16xf32>,
      %parallel_loop3A_360 = arith.addf %parallel_loop3A_259, %parallel_loop3A_291 : vector<16xf32>
      %parallel_loop3A_361 = arith.mulf %parallel_loop3A_239, %get3A_40 : vector<16xf32>
      %parallel_loop3A_362 = arith.addf %parallel_loop3A_360, %parallel_loop3A_361 : vector<16xf32>
      %parallel_loop3A_363 = arith.constant -1.000000e+00 : f32
      %parallel_loop3A_364 = vector.broadcast %parallel_loop3A_363 : f32 to vector<16xf32>
      %parallel_loop3A_365 = arith.maximumf %parallel_loop3A_362, %parallel_loop3A_364 : vector<16xf32>
      %parallel_loop3A_366 = arith.constant 1.000000e+00 : f32
      %parallel_loop3A_367 = vector.broadcast %parallel_loop3A_366 : f32 to vector<16xf32>
      %parallel_loop3A_368 = arith.minimumf %parallel_loop3A_365, %parallel_loop3A_367 : vector<16xf32>
      %parallel_loop3A_369 = arith.index_cast %parallel_loop3A_197 : i32 to index
      %parallel_loop3A_370 = arith.constant 64 : index
      %parallel_loop3A_371 = tpu.vector_load %arg20[%parallel_loop3A_369, %parallel_loop3A_370] {strides = array<i32>} : memref<64x128xf32, #tpu.memory_space<vmem>>, vector<1x16xf32>,
      %parallel_loop3A_372 = vector.shape_cast %parallel_loop3A_371 : vector<1x16xf32> to vector<16xf32>
      %parallel_loop3A_373 = vector.shape_cast %parallel_loop3A_368 : vector<16xf32> to vector<1x16xf32>
      tpu.vector_store %arg20[%parallel_loop3A_369, %parallel_loop3A_370], %parallel_loop3A_373 {strides = array<i32>} : memref<64x128xf32, #tpu.memory_space<vmem>>, vector<1x16xf32>,
      %parallel_loop3A_374 = arith.addf %parallel_loop3A_263, %parallel_loop3A_295 : vector<16xf32>
      %parallel_loop3A_375 = arith.mulf %parallel_loop3A_239, %get3A_43 : vector<16xf32>
      %parallel_loop3A_376 = arith.addf %parallel_loop3A_374, %parallel_loop3A_375 : vector<16xf32>
      %parallel_loop3A_377 = arith.constant -1.000000e+00 : f32
      %parallel_loop3A_378 = vector.broadcast %parallel_loop3A_377 : f32 to vector<16xf32>
      %parallel_loop3A_379 = arith.maximumf %parallel_loop3A_376, %parallel_loop3A_378 : vector<16xf32>
      %parallel_loop3A_380 = arith.constant 1.000000e+00 : f32
      %parallel_loop3A_381 = vector.broadcast %parallel_loop3A_380 : f32 to vector<16xf32>
      %parallel_loop3A_382 = arith.minimumf %parallel_loop3A_379, %parallel_loop3A_381 : vector<16xf32>
      %parallel_loop3A_383 = arith.index_cast %parallel_loop3A_197 : i32 to index
      %parallel_loop3A_384 = arith.constant 80 : index
      %parallel_loop3A_385 = tpu.vector_load %arg20[%parallel_loop3A_383, %parallel_loop3A_384] {strides = array<i32>} : memref<64x128xf32, #tpu.memory_space<vmem>>, vector<1x16xf32>,
      %parallel_loop3A_386 = vector.shape_cast %parallel_loop3A_385 : vector<1x16xf32> to vector<16xf32>
      %parallel_loop3A_387 = vector.shape_cast %parallel_loop3A_382 : vector<16xf32> to vector<1x16xf32>
      tpu.vector_store %arg20[%parallel_loop3A_383, %parallel_loop3A_384], %parallel_loop3A_387 {strides = array<i32>} : memref<64x128xf32, #tpu.memory_space<vmem>>, vector<1x16xf32>,
      %parallel_loop3A_388 = arith.addf %parallel_loop3A_267, %parallel_loop3A_299 : vector<16xf32>
      %parallel_loop3A_389 = arith.mulf %parallel_loop3A_239, %get3A_46 : vector<16xf32>
      %parallel_loop3A_390 = arith.addf %parallel_loop3A_388, %parallel_loop3A_389 : vector<16xf32>
      %parallel_loop3A_391 = arith.constant -1.000000e+00 : f32
      %parallel_loop3A_392 = vector.broadcast %parallel_loop3A_391 : f32 to vector<16xf32>
      %parallel_loop3A_393 = arith.maximumf %parallel_loop3A_390, %parallel_loop3A_392 : vector<16xf32>
      %parallel_loop3A_394 = arith.constant 1.000000e+00 : f32
      %parallel_loop3A_395 = vector.broadcast %parallel_loop3A_394 : f32 to vector<16xf32>
      %parallel_loop3A_396 = arith.minimumf %parallel_loop3A_393, %parallel_loop3A_395 : vector<16xf32>
      %parallel_loop3A_397 = arith.index_cast %parallel_loop3A_197 : i32 to index
      %parallel_loop3A_398 = arith.constant 96 : index
      %parallel_loop3A_399 = tpu.vector_load %arg20[%parallel_loop3A_397, %parallel_loop3A_398] {strides = array<i32>} : memref<64x128xf32, #tpu.memory_space<vmem>>, vector<1x16xf32>,
      %parallel_loop3A_400 = vector.shape_cast %parallel_loop3A_399 : vector<1x16xf32> to vector<16xf32>
      %parallel_loop3A_401 = vector.shape_cast %parallel_loop3A_396 : vector<16xf32> to vector<1x16xf32>
      tpu.vector_store %arg20[%parallel_loop3A_397, %parallel_loop3A_398], %parallel_loop3A_401 {strides = array<i32>} : memref<64x128xf32, #tpu.memory_space<vmem>>, vector<1x16xf32>,
      %parallel_loop3A_402 = arith.addf %parallel_loop3A_271, %parallel_loop3A_303 : vector<16xf32>
      %parallel_loop3A_403 = arith.mulf %parallel_loop3A_239, %get3A_49 : vector<16xf32>
      %parallel_loop3A_404 = arith.addf %parallel_loop3A_402, %parallel_loop3A_403 : vector<16xf32>
      %parallel_loop3A_405 = arith.constant -1.000000e+00 : f32
      %parallel_loop3A_406 = vector.broadcast %parallel_loop3A_405 : f32 to vector<16xf32>
      %parallel_loop3A_407 = arith.maximumf %parallel_loop3A_404, %parallel_loop3A_406 : vector<16xf32>
      %parallel_loop3A_408 = arith.constant 1.000000e+00 : f32
      %parallel_loop3A_409 = vector.broadcast %parallel_loop3A_408 : f32 to vector<16xf32>
      %parallel_loop3A_410 = arith.minimumf %parallel_loop3A_407, %parallel_loop3A_409 : vector<16xf32>
      %parallel_loop3A_411 = arith.index_cast %parallel_loop3A_197 : i32 to index
      %parallel_loop3A_412 = arith.constant 112 : index
      %parallel_loop3A_413 = tpu.vector_load %arg20[%parallel_loop3A_411, %parallel_loop3A_412] {strides = array<i32>} : memref<64x128xf32, #tpu.memory_space<vmem>>, vector<1x16xf32>,
      %parallel_loop3A_414 = vector.shape_cast %parallel_loop3A_413 : vector<1x16xf32> to vector<16xf32>
      %parallel_loop3A_415 = vector.shape_cast %parallel_loop3A_410 : vector<16xf32> to vector<1x16xf32>
      tpu.vector_store %arg20[%parallel_loop3A_411, %parallel_loop3A_412], %parallel_loop3A_415 {strides = array<i32>} : memref<64x128xf32, #tpu.memory_space<vmem>>, vector<1x16xf32>,
    } {sc.loop_unroll_factor = 2 : i64, sc.parallel_access}
    %add3A_128 = arith.constant 192 : i32
    %add3A_129 = arith.addi %mul3A_2, %add3A_128 : i32
    %dma_start3A_130 = arith.constant 0 : i32
    %dma_start3A_131 = tpu.memref_slice %arg7[%add3A_129, %dma_start3A_130] : memref<204800x128xf32, #tpu.memory_space<hbm>> -> memref<64x128xf32, #tpu.memory_space<hbm>>
    %dma_start3A_132 = arith.constant 0 : i32
    %dma_start3A_133 = tpu.memref_slice %arg7[%add3A_129, %dma_start3A_132] : memref<204800x128xf32, #tpu.memory_space<hbm>> -> memref<64x128xf32, #tpu.memory_space<hbm>>
    tpu.enqueue_dma source(%arg20 : memref<64x128xf32, #tpu.memory_space<vmem>>) target(%dma_start3A_133 : memref<64x128xf32, #tpu.memory_space<hbm>>) target_semaphore(%arg30 : memref<!tpu.dma_semaphore, #tpu.memory_space<semaphore_mem>>)
    %dma_start3A_134 = arith.constant 512 : i32
    %dma_start3A_135 = tpu.memref_slice %arg8[%dma_start3A_134] : memref<6400xi32, #tpu.memory_space<vmem>> -> memref<64xi32, #tpu.memory_space<vmem>>
    %dma_start3A_136 = arith.constant 0 : i32
    %dma_start3A_137 = arith.constant 0 : i32
    %dma_start3A_138 = tpu.memref_slice %arg4[%dma_start3A_136, %dma_start3A_137] : memref<100000x128xf32, #tpu.memory_space<hbm>> -> memref<100000x128xf32, #tpu.memory_space<hbm>>
    tpu.enqueue_indirect_dma source(%dma_start3A_138 : memref<100000x128xf32, #tpu.memory_space<hbm>>) target(%arg15 : memref<64x128xf32, #tpu.memory_space<vmem>>) offsets(%dma_start3A_135 : memref<64xi32, #tpu.memory_space<vmem>>) semaphore(%arg25 : memref<!tpu.dma_semaphore, #tpu.memory_space<semaphore_mem>>)
    %dma_wait3A_139 = arith.constant 0 : i32
    %dma_wait3A_140 = arith.constant 0 : i32
    %dma_wait3A_141 = tpu.memref_slice %arg4[%dma_wait3A_139, %dma_wait3A_140] : memref<100000x128xf32, #tpu.memory_space<hbm>> -> memref<64x128xf32, #tpu.memory_space<hbm>>
    %dma_wait3A_142 = arith.constant 0 : i32
    %dma_wait3A_143 = arith.constant 0 : i32
    %dma_wait3A_144 = tpu.memref_slice %arg4[%dma_wait3A_142, %dma_wait3A_143] : memref<100000x128xf32, #tpu.memory_space<hbm>> -> memref<64x128xf32, #tpu.memory_space<hbm>>
    tpu.wait_dma2 semaphore(%arg26 : memref<!tpu.dma_semaphore, #tpu.memory_space<semaphore_mem>>) src(%dma_wait3A_144 : memref<64x128xf32, #tpu.memory_space<hbm>>) dst(%arg16 : memref<64x128xf32, #tpu.memory_space<vmem>>)
    %rem3A_145 = arith.constant 256 : i32
    %rem3A_146 = arith.constant 200 : i32
    %rem3A_147 = arith.remsi %rem3A_145, %rem3A_146 : i32
    %parallel_loop3A_148 = arith.constant 0 : i32
    %parallel_loop3A_149 = arith.constant 64 : i32
    %parallel_loop3A_150 = arith.constant 1 : i32
    scf.for %parallel_loop3A_197 = %parallel_loop3A_148 to %parallel_loop3A_149 step %parallel_loop3A_150  : i32 {
      %parallel_loop3A_198 = arith.addi %rem3A_147, %parallel_loop3A_197 : i32
      %parallel_loop3A_199 = arith.constant 200 : i32
      %parallel_loop3A_200 = arith.cmpi sge, %parallel_loop3A_198, %parallel_loop3A_199 : i32
      %parallel_loop3A_201 = arith.constant 200 : i32
      %parallel_loop3A_202 = arith.subi %parallel_loop3A_198, %parallel_loop3A_201 : i32
      %parallel_loop3A_203 = arith.select %parallel_loop3A_200, %parallel_loop3A_202, %parallel_loop3A_198 : i32
      %parallel_loop3A_204 = arith.constant 16 : i32
      %parallel_loop3A_205 = arith.divsi %parallel_loop3A_197, %parallel_loop3A_204 : i32
      %parallel_loop3A_206 = arith.constant 0 : i32
      %parallel_loop3A_207 = arith.cmpi sgt, %parallel_loop3A_197, %parallel_loop3A_206 : i32
      %parallel_loop3A_208 = arith.extui %parallel_loop3A_207 : i1 to i32
      %parallel_loop3A_209 = arith.constant 0 : i32
      %parallel_loop3A_210 = arith.cmpi slt, %parallel_loop3A_197, %parallel_loop3A_209 : i32
      %parallel_loop3A_211 = arith.extui %parallel_loop3A_210 : i1 to i32
      %parallel_loop3A_212 = arith.subi %parallel_loop3A_208, %parallel_loop3A_211 : i32
      %parallel_loop3A_213 = arith.constant 0 : i32
      %parallel_loop3A_214 = arith.cmpi sgt, %parallel_loop3A_204, %parallel_loop3A_213 : i32
      %parallel_loop3A_215 = arith.extui %parallel_loop3A_214 : i1 to i32
      %parallel_loop3A_216 = arith.constant 0 : i32
      %parallel_loop3A_217 = arith.cmpi slt, %parallel_loop3A_204, %parallel_loop3A_216 : i32
      %parallel_loop3A_218 = arith.extui %parallel_loop3A_217 : i1 to i32
      %parallel_loop3A_219 = arith.subi %parallel_loop3A_215, %parallel_loop3A_218 : i32
      %parallel_loop3A_220 = arith.cmpi ne, %parallel_loop3A_212, %parallel_loop3A_219 : i32
      %parallel_loop3A_221 = arith.remsi %parallel_loop3A_197, %parallel_loop3A_204 : i32
      %parallel_loop3A_222 = arith.constant 0 : i32
      %parallel_loop3A_223 = arith.cmpi ne, %parallel_loop3A_221, %parallel_loop3A_222 : i32
      %parallel_loop3A_224 = arith.andi %parallel_loop3A_220, %parallel_loop3A_223 : i1
      %parallel_loop3A_225 = arith.constant 1 : i32
      %parallel_loop3A_226 = arith.subi %parallel_loop3A_205, %parallel_loop3A_225 : i32
      %parallel_loop3A_227 = arith.select %parallel_loop3A_224, %parallel_loop3A_226, %parallel_loop3A_205 : i32
      %parallel_loop3A_228 = arith.constant 16 : i32
      %parallel_loop3A_229 = arith.muli %parallel_loop3A_227, %parallel_loop3A_228 : i32
      %parallel_loop3A_230 = arith.constant 256 : i32
      %parallel_loop3A_231 = arith.addi %parallel_loop3A_230, %parallel_loop3A_229 : i32
      %parallel_loop3A_232 = arith.index_cast %parallel_loop3A_231 : i32 to index
      %parallel_loop3A_233 = tpu.vector_load %arg9[%parallel_loop3A_232] {strides = array<i32>} : memref<6400xi32, #tpu.memory_space<vmem>>, vector<16xi32>,
      %parallel_loop3A_234 = vector.shape_cast %parallel_loop3A_233 : vector<16xi32> to vector<16xi32>
      %parallel_loop3A_235 = arith.subi %parallel_loop3A_197, %parallel_loop3A_229 : i32
      %parallel_loop3A_236 = vector.broadcast %parallel_loop3A_235 : i32 to vector<16x1xi32>
      %parallel_loop3A_237 = vector.shape_cast %parallel_loop3A_236 : vector<16x1xi32> to vector<16xi32>
      %parallel_loop3A_238 = tpu.dynamic_gather %parallel_loop3A_234[%parallel_loop3A_237] in [0] : vector<16xi32>, vector<16xi32> -> vector<16xi32>
      %parallel_loop3A_239 = arith.sitofp %parallel_loop3A_238 : vector<16xi32> to vector<16xf32>
      %parallel_loop3A_240 = arith.index_cast %parallel_loop3A_197 : i32 to index
      %parallel_loop3A_241 = arith.constant 0 : index
      %parallel_loop3A_242 = tpu.vector_load %arg16[%parallel_loop3A_240, %parallel_loop3A_241] {strides = array<i32>} : memref<64x128xf32, #tpu.memory_space<vmem>>, vector<1x16xf32>,
      %parallel_loop3A_243 = vector.shape_cast %parallel_loop3A_242 : vector<1x16xf32> to vector<16xf32>
      %parallel_loop3A_244 = arith.index_cast %parallel_loop3A_197 : i32 to index
      %parallel_loop3A_245 = arith.constant 16 : index
      %parallel_loop3A_246 = tpu.vector_load %arg16[%parallel_loop3A_244, %parallel_loop3A_245] {strides = array<i32>} : memref<64x128xf32, #tpu.memory_space<vmem>>, vector<1x16xf32>,
      %parallel_loop3A_247 = vector.shape_cast %parallel_loop3A_246 : vector<1x16xf32> to vector<16xf32>
      %parallel_loop3A_248 = arith.index_cast %parallel_loop3A_197 : i32 to index
      %parallel_loop3A_249 = arith.constant 32 : index
      %parallel_loop3A_250 = tpu.vector_load %arg16[%parallel_loop3A_248, %parallel_loop3A_249] {strides = array<i32>} : memref<64x128xf32, #tpu.memory_space<vmem>>, vector<1x16xf32>,
      %parallel_loop3A_251 = vector.shape_cast %parallel_loop3A_250 : vector<1x16xf32> to vector<16xf32>
      %parallel_loop3A_252 = arith.index_cast %parallel_loop3A_197 : i32 to index
      %parallel_loop3A_253 = arith.constant 48 : index
      %parallel_loop3A_254 = tpu.vector_load %arg16[%parallel_loop3A_252, %parallel_loop3A_253] {strides = array<i32>} : memref<64x128xf32, #tpu.memory_space<vmem>>, vector<1x16xf32>,
      %parallel_loop3A_255 = vector.shape_cast %parallel_loop3A_254 : vector<1x16xf32> to vector<16xf32>
      %parallel_loop3A_256 = arith.index_cast %parallel_loop3A_197 : i32 to index
      %parallel_loop3A_257 = arith.constant 64 : index
      %parallel_loop3A_258 = tpu.vector_load %arg16[%parallel_loop3A_256, %parallel_loop3A_257] {strides = array<i32>} : memref<64x128xf32, #tpu.memory_space<vmem>>, vector<1x16xf32>,
      %parallel_loop3A_259 = vector.shape_cast %parallel_loop3A_258 : vector<1x16xf32> to vector<16xf32>
      %parallel_loop3A_260 = arith.index_cast %parallel_loop3A_197 : i32 to index
      %parallel_loop3A_261 = arith.constant 80 : index
      %parallel_loop3A_262 = tpu.vector_load %arg16[%parallel_loop3A_260, %parallel_loop3A_261] {strides = array<i32>} : memref<64x128xf32, #tpu.memory_space<vmem>>, vector<1x16xf32>,
      %parallel_loop3A_263 = vector.shape_cast %parallel_loop3A_262 : vector<1x16xf32> to vector<16xf32>
      %parallel_loop3A_264 = arith.index_cast %parallel_loop3A_197 : i32 to index
      %parallel_loop3A_265 = arith.constant 96 : index
      %parallel_loop3A_266 = tpu.vector_load %arg16[%parallel_loop3A_264, %parallel_loop3A_265] {strides = array<i32>} : memref<64x128xf32, #tpu.memory_space<vmem>>, vector<1x16xf32>,
      %parallel_loop3A_267 = vector.shape_cast %parallel_loop3A_266 : vector<1x16xf32> to vector<16xf32>
      %parallel_loop3A_268 = arith.index_cast %parallel_loop3A_197 : i32 to index
      %parallel_loop3A_269 = arith.constant 112 : index
      %parallel_loop3A_270 = tpu.vector_load %arg16[%parallel_loop3A_268, %parallel_loop3A_269] {strides = array<i32>} : memref<64x128xf32, #tpu.memory_space<vmem>>, vector<1x16xf32>,
      %parallel_loop3A_271 = vector.shape_cast %parallel_loop3A_270 : vector<1x16xf32> to vector<16xf32>
      %parallel_loop3A_272 = arith.index_cast %parallel_loop3A_203 : i32 to index
      %parallel_loop3A_273 = arith.constant 0 : index
      %parallel_loop3A_274 = tpu.vector_load %arg10[%parallel_loop3A_272, %parallel_loop3A_273] {strides = array<i32>} : memref<200x128xf32, #tpu.memory_space<vmem>>, vector<1x16xf32>,
      %parallel_loop3A_275 = vector.shape_cast %parallel_loop3A_274 : vector<1x16xf32> to vector<16xf32>
      %parallel_loop3A_276 = arith.index_cast %parallel_loop3A_203 : i32 to index
      %parallel_loop3A_277 = arith.constant 16 : index
      %parallel_loop3A_278 = tpu.vector_load %arg10[%parallel_loop3A_276, %parallel_loop3A_277] {strides = array<i32>} : memref<200x128xf32, #tpu.memory_space<vmem>>, vector<1x16xf32>,
      %parallel_loop3A_279 = vector.shape_cast %parallel_loop3A_278 : vector<1x16xf32> to vector<16xf32>
      %parallel_loop3A_280 = arith.index_cast %parallel_loop3A_203 : i32 to index
      %parallel_loop3A_281 = arith.constant 32 : index
      %parallel_loop3A_282 = tpu.vector_load %arg10[%parallel_loop3A_280, %parallel_loop3A_281] {strides = array<i32>} : memref<200x128xf32, #tpu.memory_space<vmem>>, vector<1x16xf32>,
      %parallel_loop3A_283 = vector.shape_cast %parallel_loop3A_282 : vector<1x16xf32> to vector<16xf32>
      %parallel_loop3A_284 = arith.index_cast %parallel_loop3A_203 : i32 to index
      %parallel_loop3A_285 = arith.constant 48 : index
      %parallel_loop3A_286 = tpu.vector_load %arg10[%parallel_loop3A_284, %parallel_loop3A_285] {strides = array<i32>} : memref<200x128xf32, #tpu.memory_space<vmem>>, vector<1x16xf32>,
      %parallel_loop3A_287 = vector.shape_cast %parallel_loop3A_286 : vector<1x16xf32> to vector<16xf32>
      %parallel_loop3A_288 = arith.index_cast %parallel_loop3A_203 : i32 to index
      %parallel_loop3A_289 = arith.constant 64 : index
      %parallel_loop3A_290 = tpu.vector_load %arg10[%parallel_loop3A_288, %parallel_loop3A_289] {strides = array<i32>} : memref<200x128xf32, #tpu.memory_space<vmem>>, vector<1x16xf32>,
      %parallel_loop3A_291 = vector.shape_cast %parallel_loop3A_290 : vector<1x16xf32> to vector<16xf32>
      %parallel_loop3A_292 = arith.index_cast %parallel_loop3A_203 : i32 to index
      %parallel_loop3A_293 = arith.constant 80 : index
      %parallel_loop3A_294 = tpu.vector_load %arg10[%parallel_loop3A_292, %parallel_loop3A_293] {strides = array<i32>} : memref<200x128xf32, #tpu.memory_space<vmem>>, vector<1x16xf32>,
      %parallel_loop3A_295 = vector.shape_cast %parallel_loop3A_294 : vector<1x16xf32> to vector<16xf32>
      %parallel_loop3A_296 = arith.index_cast %parallel_loop3A_203 : i32 to index
      %parallel_loop3A_297 = arith.constant 96 : index
      %parallel_loop3A_298 = tpu.vector_load %arg10[%parallel_loop3A_296, %parallel_loop3A_297] {strides = array<i32>} : memref<200x128xf32, #tpu.memory_space<vmem>>, vector<1x16xf32>,
      %parallel_loop3A_299 = vector.shape_cast %parallel_loop3A_298 : vector<1x16xf32> to vector<16xf32>
      %parallel_loop3A_300 = arith.index_cast %parallel_loop3A_203 : i32 to index
      %parallel_loop3A_301 = arith.constant 112 : index
      %parallel_loop3A_302 = tpu.vector_load %arg10[%parallel_loop3A_300, %parallel_loop3A_301] {strides = array<i32>} : memref<200x128xf32, #tpu.memory_space<vmem>>, vector<1x16xf32>,
      %parallel_loop3A_303 = vector.shape_cast %parallel_loop3A_302 : vector<1x16xf32> to vector<16xf32>
      %parallel_loop3A_304 = arith.addf %parallel_loop3A_243, %parallel_loop3A_275 : vector<16xf32>
      %parallel_loop3A_305 = arith.mulf %parallel_loop3A_239, %get3A_28 : vector<16xf32>
      %parallel_loop3A_306 = arith.addf %parallel_loop3A_304, %parallel_loop3A_305 : vector<16xf32>
      %parallel_loop3A_307 = arith.constant -1.000000e+00 : f32
      %parallel_loop3A_308 = vector.broadcast %parallel_loop3A_307 : f32 to vector<16xf32>
      %parallel_loop3A_309 = arith.maximumf %parallel_loop3A_306, %parallel_loop3A_308 : vector<16xf32>
      %parallel_loop3A_310 = arith.constant 1.000000e+00 : f32
      %parallel_loop3A_311 = vector.broadcast %parallel_loop3A_310 : f32 to vector<16xf32>
      %parallel_loop3A_312 = arith.minimumf %parallel_loop3A_309, %parallel_loop3A_311 : vector<16xf32>
      %parallel_loop3A_313 = arith.index_cast %parallel_loop3A_197 : i32 to index
      %parallel_loop3A_314 = arith.constant 0 : index
      %parallel_loop3A_315 = tpu.vector_load %arg21[%parallel_loop3A_313, %parallel_loop3A_314] {strides = array<i32>} : memref<64x128xf32, #tpu.memory_space<vmem>>, vector<1x16xf32>,
      %parallel_loop3A_316 = vector.shape_cast %parallel_loop3A_315 : vector<1x16xf32> to vector<16xf32>
      %parallel_loop3A_317 = vector.shape_cast %parallel_loop3A_312 : vector<16xf32> to vector<1x16xf32>
      tpu.vector_store %arg21[%parallel_loop3A_313, %parallel_loop3A_314], %parallel_loop3A_317 {strides = array<i32>} : memref<64x128xf32, #tpu.memory_space<vmem>>, vector<1x16xf32>,
      %parallel_loop3A_318 = arith.addf %parallel_loop3A_247, %parallel_loop3A_279 : vector<16xf32>
      %parallel_loop3A_319 = arith.mulf %parallel_loop3A_239, %get3A_31 : vector<16xf32>
      %parallel_loop3A_320 = arith.addf %parallel_loop3A_318, %parallel_loop3A_319 : vector<16xf32>
      %parallel_loop3A_321 = arith.constant -1.000000e+00 : f32
      %parallel_loop3A_322 = vector.broadcast %parallel_loop3A_321 : f32 to vector<16xf32>
      %parallel_loop3A_323 = arith.maximumf %parallel_loop3A_320, %parallel_loop3A_322 : vector<16xf32>
      %parallel_loop3A_324 = arith.constant 1.000000e+00 : f32
      %parallel_loop3A_325 = vector.broadcast %parallel_loop3A_324 : f32 to vector<16xf32>
      %parallel_loop3A_326 = arith.minimumf %parallel_loop3A_323, %parallel_loop3A_325 : vector<16xf32>
      %parallel_loop3A_327 = arith.index_cast %parallel_loop3A_197 : i32 to index
      %parallel_loop3A_328 = arith.constant 16 : index
      %parallel_loop3A_329 = tpu.vector_load %arg21[%parallel_loop3A_327, %parallel_loop3A_328] {strides = array<i32>} : memref<64x128xf32, #tpu.memory_space<vmem>>, vector<1x16xf32>,
      %parallel_loop3A_330 = vector.shape_cast %parallel_loop3A_329 : vector<1x16xf32> to vector<16xf32>
      %parallel_loop3A_331 = vector.shape_cast %parallel_loop3A_326 : vector<16xf32> to vector<1x16xf32>
      tpu.vector_store %arg21[%parallel_loop3A_327, %parallel_loop3A_328], %parallel_loop3A_331 {strides = array<i32>} : memref<64x128xf32, #tpu.memory_space<vmem>>, vector<1x16xf32>,
      %parallel_loop3A_332 = arith.addf %parallel_loop3A_251, %parallel_loop3A_283 : vector<16xf32>
      %parallel_loop3A_333 = arith.mulf %parallel_loop3A_239, %get3A_34 : vector<16xf32>
      %parallel_loop3A_334 = arith.addf %parallel_loop3A_332, %parallel_loop3A_333 : vector<16xf32>
      %parallel_loop3A_335 = arith.constant -1.000000e+00 : f32
      %parallel_loop3A_336 = vector.broadcast %parallel_loop3A_335 : f32 to vector<16xf32>
      %parallel_loop3A_337 = arith.maximumf %parallel_loop3A_334, %parallel_loop3A_336 : vector<16xf32>
      %parallel_loop3A_338 = arith.constant 1.000000e+00 : f32
      %parallel_loop3A_339 = vector.broadcast %parallel_loop3A_338 : f32 to vector<16xf32>
      %parallel_loop3A_340 = arith.minimumf %parallel_loop3A_337, %parallel_loop3A_339 : vector<16xf32>
      %parallel_loop3A_341 = arith.index_cast %parallel_loop3A_197 : i32 to index
      %parallel_loop3A_342 = arith.constant 32 : index
      %parallel_loop3A_343 = tpu.vector_load %arg21[%parallel_loop3A_341, %parallel_loop3A_342] {strides = array<i32>} : memref<64x128xf32, #tpu.memory_space<vmem>>, vector<1x16xf32>,
      %parallel_loop3A_344 = vector.shape_cast %parallel_loop3A_343 : vector<1x16xf32> to vector<16xf32>
      %parallel_loop3A_345 = vector.shape_cast %parallel_loop3A_340 : vector<16xf32> to vector<1x16xf32>
      tpu.vector_store %arg21[%parallel_loop3A_341, %parallel_loop3A_342], %parallel_loop3A_345 {strides = array<i32>} : memref<64x128xf32, #tpu.memory_space<vmem>>, vector<1x16xf32>,
      %parallel_loop3A_346 = arith.addf %parallel_loop3A_255, %parallel_loop3A_287 : vector<16xf32>
      %parallel_loop3A_347 = arith.mulf %parallel_loop3A_239, %get3A_37 : vector<16xf32>
      %parallel_loop3A_348 = arith.addf %parallel_loop3A_346, %parallel_loop3A_347 : vector<16xf32>
      %parallel_loop3A_349 = arith.constant -1.000000e+00 : f32
      %parallel_loop3A_350 = vector.broadcast %parallel_loop3A_349 : f32 to vector<16xf32>
      %parallel_loop3A_351 = arith.maximumf %parallel_loop3A_348, %parallel_loop3A_350 : vector<16xf32>
      %parallel_loop3A_352 = arith.constant 1.000000e+00 : f32
      %parallel_loop3A_353 = vector.broadcast %parallel_loop3A_352 : f32 to vector<16xf32>
      %parallel_loop3A_354 = arith.minimumf %parallel_loop3A_351, %parallel_loop3A_353 : vector<16xf32>
      %parallel_loop3A_355 = arith.index_cast %parallel_loop3A_197 : i32 to index
      %parallel_loop3A_356 = arith.constant 48 : index
      %parallel_loop3A_357 = tpu.vector_load %arg21[%parallel_loop3A_355, %parallel_loop3A_356] {strides = array<i32>} : memref<64x128xf32, #tpu.memory_space<vmem>>, vector<1x16xf32>,
      %parallel_loop3A_358 = vector.shape_cast %parallel_loop3A_357 : vector<1x16xf32> to vector<16xf32>
      %parallel_loop3A_359 = vector.shape_cast %parallel_loop3A_354 : vector<16xf32> to vector<1x16xf32>
      tpu.vector_store %arg21[%parallel_loop3A_355, %parallel_loop3A_356], %parallel_loop3A_359 {strides = array<i32>} : memref<64x128xf32, #tpu.memory_space<vmem>>, vector<1x16xf32>,
      %parallel_loop3A_360 = arith.addf %parallel_loop3A_259, %parallel_loop3A_291 : vector<16xf32>
      %parallel_loop3A_361 = arith.mulf %parallel_loop3A_239, %get3A_40 : vector<16xf32>
      %parallel_loop3A_362 = arith.addf %parallel_loop3A_360, %parallel_loop3A_361 : vector<16xf32>
      %parallel_loop3A_363 = arith.constant -1.000000e+00 : f32
      %parallel_loop3A_364 = vector.broadcast %parallel_loop3A_363 : f32 to vector<16xf32>
      %parallel_loop3A_365 = arith.maximumf %parallel_loop3A_362, %parallel_loop3A_364 : vector<16xf32>
      %parallel_loop3A_366 = arith.constant 1.000000e+00 : f32
      %parallel_loop3A_367 = vector.broadcast %parallel_loop3A_366 : f32 to vector<16xf32>
      %parallel_loop3A_368 = arith.minimumf %parallel_loop3A_365, %parallel_loop3A_367 : vector<16xf32>
      %parallel_loop3A_369 = arith.index_cast %parallel_loop3A_197 : i32 to index
      %parallel_loop3A_370 = arith.constant 64 : index
      %parallel_loop3A_371 = tpu.vector_load %arg21[%parallel_loop3A_369, %parallel_loop3A_370] {strides = array<i32>} : memref<64x128xf32, #tpu.memory_space<vmem>>, vector<1x16xf32>,
      %parallel_loop3A_372 = vector.shape_cast %parallel_loop3A_371 : vector<1x16xf32> to vector<16xf32>
      %parallel_loop3A_373 = vector.shape_cast %parallel_loop3A_368 : vector<16xf32> to vector<1x16xf32>
      tpu.vector_store %arg21[%parallel_loop3A_369, %parallel_loop3A_370], %parallel_loop3A_373 {strides = array<i32>} : memref<64x128xf32, #tpu.memory_space<vmem>>, vector<1x16xf32>,
      %parallel_loop3A_374 = arith.addf %parallel_loop3A_263, %parallel_loop3A_295 : vector<16xf32>
      %parallel_loop3A_375 = arith.mulf %parallel_loop3A_239, %get3A_43 : vector<16xf32>
      %parallel_loop3A_376 = arith.addf %parallel_loop3A_374, %parallel_loop3A_375 : vector<16xf32>
      %parallel_loop3A_377 = arith.constant -1.000000e+00 : f32
      %parallel_loop3A_378 = vector.broadcast %parallel_loop3A_377 : f32 to vector<16xf32>
      %parallel_loop3A_379 = arith.maximumf %parallel_loop3A_376, %parallel_loop3A_378 : vector<16xf32>
      %parallel_loop3A_380 = arith.constant 1.000000e+00 : f32
      %parallel_loop3A_381 = vector.broadcast %parallel_loop3A_380 : f32 to vector<16xf32>
      %parallel_loop3A_382 = arith.minimumf %parallel_loop3A_379, %parallel_loop3A_381 : vector<16xf32>
      %parallel_loop3A_383 = arith.index_cast %parallel_loop3A_197 : i32 to index
      %parallel_loop3A_384 = arith.constant 80 : index
      %parallel_loop3A_385 = tpu.vector_load %arg21[%parallel_loop3A_383, %parallel_loop3A_384] {strides = array<i32>} : memref<64x128xf32, #tpu.memory_space<vmem>>, vector<1x16xf32>,
      %parallel_loop3A_386 = vector.shape_cast %parallel_loop3A_385 : vector<1x16xf32> to vector<16xf32>
      %parallel_loop3A_387 = vector.shape_cast %parallel_loop3A_382 : vector<16xf32> to vector<1x16xf32>
      tpu.vector_store %arg21[%parallel_loop3A_383, %parallel_loop3A_384], %parallel_loop3A_387 {strides = array<i32>} : memref<64x128xf32, #tpu.memory_space<vmem>>, vector<1x16xf32>,
      %parallel_loop3A_388 = arith.addf %parallel_loop3A_267, %parallel_loop3A_299 : vector<16xf32>
      %parallel_loop3A_389 = arith.mulf %parallel_loop3A_239, %get3A_46 : vector<16xf32>
      %parallel_loop3A_390 = arith.addf %parallel_loop3A_388, %parallel_loop3A_389 : vector<16xf32>
      %parallel_loop3A_391 = arith.constant -1.000000e+00 : f32
      %parallel_loop3A_392 = vector.broadcast %parallel_loop3A_391 : f32 to vector<16xf32>
      %parallel_loop3A_393 = arith.maximumf %parallel_loop3A_390, %parallel_loop3A_392 : vector<16xf32>
      %parallel_loop3A_394 = arith.constant 1.000000e+00 : f32
      %parallel_loop3A_395 = vector.broadcast %parallel_loop3A_394 : f32 to vector<16xf32>
      %parallel_loop3A_396 = arith.minimumf %parallel_loop3A_393, %parallel_loop3A_395 : vector<16xf32>
      %parallel_loop3A_397 = arith.index_cast %parallel_loop3A_197 : i32 to index
      %parallel_loop3A_398 = arith.constant 96 : index
      %parallel_loop3A_399 = tpu.vector_load %arg21[%parallel_loop3A_397, %parallel_loop3A_398] {strides = array<i32>} : memref<64x128xf32, #tpu.memory_space<vmem>>, vector<1x16xf32>,
      %parallel_loop3A_400 = vector.shape_cast %parallel_loop3A_399 : vector<1x16xf32> to vector<16xf32>
      %parallel_loop3A_401 = vector.shape_cast %parallel_loop3A_396 : vector<16xf32> to vector<1x16xf32>
      tpu.vector_store %arg21[%parallel_loop3A_397, %parallel_loop3A_398], %parallel_loop3A_401 {strides = array<i32>} : memref<64x128xf32, #tpu.memory_space<vmem>>, vector<1x16xf32>,
      %parallel_loop3A_402 = arith.addf %parallel_loop3A_271, %parallel_loop3A_303 : vector<16xf32>
      %parallel_loop3A_403 = arith.mulf %parallel_loop3A_239, %get3A_49 : vector<16xf32>
      %parallel_loop3A_404 = arith.addf %parallel_loop3A_402, %parallel_loop3A_403 : vector<16xf32>
      %parallel_loop3A_405 = arith.constant -1.000000e+00 : f32
      %parallel_loop3A_406 = vector.broadcast %parallel_loop3A_405 : f32 to vector<16xf32>
      %parallel_loop3A_407 = arith.maximumf %parallel_loop3A_404, %parallel_loop3A_406 : vector<16xf32>
      %parallel_loop3A_408 = arith.constant 1.000000e+00 : f32
      %parallel_loop3A_409 = vector.broadcast %parallel_loop3A_408 : f32 to vector<16xf32>
      %parallel_loop3A_410 = arith.minimumf %parallel_loop3A_407, %parallel_loop3A_409 : vector<16xf32>
      %parallel_loop3A_411 = arith.index_cast %parallel_loop3A_197 : i32 to index
      %parallel_loop3A_412 = arith.constant 112 : index
      %parallel_loop3A_413 = tpu.vector_load %arg21[%parallel_loop3A_411, %parallel_loop3A_412] {strides = array<i32>} : memref<64x128xf32, #tpu.memory_space<vmem>>, vector<1x16xf32>,
      %parallel_loop3A_414 = vector.shape_cast %parallel_loop3A_413 : vector<1x16xf32> to vector<16xf32>
      %parallel_loop3A_415 = vector.shape_cast %parallel_loop3A_410 : vector<16xf32> to vector<1x16xf32>
      tpu.vector_store %arg21[%parallel_loop3A_411, %parallel_loop3A_412], %parallel_loop3A_415 {strides = array<i32>} : memref<64x128xf32, #tpu.memory_space<vmem>>, vector<1x16xf32>,
    } {sc.loop_unroll_factor = 2 : i64, sc.parallel_access}
    %add3A_151 = arith.constant 256 : i32
    %add3A_152 = arith.addi %mul3A_2, %add3A_151 : i32
    %dma_start3A_153 = arith.constant 0 : i32
    %dma_start3A_154 = tpu.memref_slice %arg7[%add3A_152, %dma_start3A_153] : memref<204800x128xf32, #tpu.memory_space<hbm>> -> memref<64x128xf32, #tpu.memory_space<hbm>>
    %dma_start3A_155 = arith.constant 0 : i32
    %dma_start3A_156 = tpu.memref_slice %arg7[%add3A_152, %dma_start3A_155] : memref<204800x128xf32, #tpu.memory_space<hbm>> -> memref<64x128xf32, #tpu.memory_space<hbm>>
    tpu.enqueue_dma source(%arg21 : memref<64x128xf32, #tpu.memory_space<vmem>>) target(%dma_start3A_156 : memref<64x128xf32, #tpu.memory_space<hbm>>) target_semaphore(%arg31 : memref<!tpu.dma_semaphore, #tpu.memory_space<semaphore_mem>>)
    %dma_start3A_157 = arith.constant 576 : i32
    %dma_start3A_158 = tpu.memref_slice %arg8[%dma_start3A_157] : memref<6400xi32, #tpu.memory_space<vmem>> -> memref<64xi32, #tpu.memory_space<vmem>>
    %dma_start3A_159 = arith.constant 0 : i32
    %dma_start3A_160 = arith.constant 0 : i32
    %dma_start3A_161 = tpu.memref_slice %arg4[%dma_start3A_159, %dma_start3A_160] : memref<100000x128xf32, #tpu.memory_space<hbm>> -> memref<100000x128xf32, #tpu.memory_space<hbm>>
    tpu.enqueue_indirect_dma source(%dma_start3A_161 : memref<100000x128xf32, #tpu.memory_space<hbm>>) target(%arg16 : memref<64x128xf32, #tpu.memory_space<vmem>>) offsets(%dma_start3A_158 : memref<64xi32, #tpu.memory_space<vmem>>) semaphore(%arg26 : memref<!tpu.dma_semaphore, #tpu.memory_space<semaphore_mem>>)
    %scan3A = arith.constant 0 : i32
    %scan3A_162 = arith.constant 1 : i32
    %scan3A_163 = arith.constant 19 : i32
    %scan3A_164 = arith.addi %scan3A_162, %scan3A_163 : i32
    %scan3A_165 = arith.constant 1 : i32
    scf.for %scan3A_197 = %scan3A_162 to %scan3A_164 step %scan3A_165  : i32 {
      %mul3A_198 = arith.constant 5 : i32
      %mul3A_199 = arith.muli %mul3A_198, %scan3A_197 : i32
      %add3A_200 = arith.constant 0 : i32
      %add3A_201 = arith.addi %mul3A_199, %add3A_200 : i32
      %dma_wait3A_202 = arith.constant 0 : i32
      %dma_wait3A_203 = arith.constant 0 : i32
      %dma_wait3A_204 = tpu.memref_slice %arg4[%dma_wait3A_202, %dma_wait3A_203] : memref<100000x128xf32, #tpu.memory_space<hbm>> -> memref<64x128xf32, #tpu.memory_space<hbm>>
      %dma_wait3A_205 = arith.constant 0 : i32
      %dma_wait3A_206 = arith.constant 0 : i32
      %dma_wait3A_207 = tpu.memref_slice %arg4[%dma_wait3A_205, %dma_wait3A_206] : memref<100000x128xf32, #tpu.memory_space<hbm>> -> memref<64x128xf32, #tpu.memory_space<hbm>>
      tpu.wait_dma2 semaphore(%arg22 : memref<!tpu.dma_semaphore, #tpu.memory_space<semaphore_mem>>) src(%dma_wait3A_207 : memref<64x128xf32, #tpu.memory_space<hbm>>) dst(%arg12 : memref<64x128xf32, #tpu.memory_space<vmem>>)
      %dma_wait3A_208 = arith.constant 0 : i32
      %dma_wait3A_209 = arith.constant 0 : i32
      %dma_wait3A_210 = tpu.memref_slice %arg7[%dma_wait3A_208, %dma_wait3A_209] : memref<204800x128xf32, #tpu.memory_space<hbm>> -> memref<64x128xf32, #tpu.memory_space<hbm>>
      %dma_wait3A_211 = arith.constant 0 : i32
      %dma_wait3A_212 = arith.constant 0 : i32
      %dma_wait3A_213 = tpu.memref_slice %arg7[%dma_wait3A_211, %dma_wait3A_212] : memref<204800x128xf32, #tpu.memory_space<hbm>> -> memref<64x128xf32, #tpu.memory_space<hbm>>
      tpu.wait_dma2 semaphore(%arg27 : memref<!tpu.dma_semaphore, #tpu.memory_space<semaphore_mem>>) src(%arg17 : memref<64x128xf32, #tpu.memory_space<vmem>>) dst(%dma_wait3A_213 : memref<64x128xf32, #tpu.memory_space<hbm>>)
      %mul3A_214 = arith.constant 64 : i32
      %mul3A_215 = arith.muli %add3A_201, %mul3A_214 : i32
      %rem3A_216 = arith.constant 200 : i32
      %rem3A_217 = arith.remsi %mul3A_215, %rem3A_216 : i32
      %parallel_loop3A_218 = arith.constant 0 : i32
      %parallel_loop3A_219 = arith.constant 64 : i32
      %parallel_loop3A_220 = arith.constant 1 : i32
      scf.for %parallel_loop3A_380 = %parallel_loop3A_218 to %parallel_loop3A_219 step %parallel_loop3A_220  : i32 {
        %parallel_loop3A_381 = arith.addi %rem3A_217, %parallel_loop3A_380 : i32
        %parallel_loop3A_382 = arith.constant 200 : i32
        %parallel_loop3A_383 = arith.cmpi sge, %parallel_loop3A_381, %parallel_loop3A_382 : i32
        %parallel_loop3A_384 = arith.constant 200 : i32
        %parallel_loop3A_385 = arith.subi %parallel_loop3A_381, %parallel_loop3A_384 : i32
        %parallel_loop3A_386 = arith.select %parallel_loop3A_383, %parallel_loop3A_385, %parallel_loop3A_381 : i32
        %parallel_loop3A_387 = arith.constant 16 : i32
        %parallel_loop3A_388 = arith.divsi %parallel_loop3A_380, %parallel_loop3A_387 : i32
        %parallel_loop3A_389 = arith.constant 0 : i32
        %parallel_loop3A_390 = arith.cmpi sgt, %parallel_loop3A_380, %parallel_loop3A_389 : i32
        %parallel_loop3A_391 = arith.extui %parallel_loop3A_390 : i1 to i32
        %parallel_loop3A_392 = arith.constant 0 : i32
        %parallel_loop3A_393 = arith.cmpi slt, %parallel_loop3A_380, %parallel_loop3A_392 : i32
        %parallel_loop3A_394 = arith.extui %parallel_loop3A_393 : i1 to i32
        %parallel_loop3A_395 = arith.subi %parallel_loop3A_391, %parallel_loop3A_394 : i32
        %parallel_loop3A_396 = arith.constant 0 : i32
        %parallel_loop3A_397 = arith.cmpi sgt, %parallel_loop3A_387, %parallel_loop3A_396 : i32
        %parallel_loop3A_398 = arith.extui %parallel_loop3A_397 : i1 to i32
        %parallel_loop3A_399 = arith.constant 0 : i32
        %parallel_loop3A_400 = arith.cmpi slt, %parallel_loop3A_387, %parallel_loop3A_399 : i32
        %parallel_loop3A_401 = arith.extui %parallel_loop3A_400 : i1 to i32
        %parallel_loop3A_402 = arith.subi %parallel_loop3A_398, %parallel_loop3A_401 : i32
        %parallel_loop3A_403 = arith.cmpi ne, %parallel_loop3A_395, %parallel_loop3A_402 : i32
        %parallel_loop3A_404 = arith.remsi %parallel_loop3A_380, %parallel_loop3A_387 : i32
        %parallel_loop3A_405 = arith.constant 0 : i32
        %parallel_loop3A_406 = arith.cmpi ne, %parallel_loop3A_404, %parallel_loop3A_405 : i32
        %parallel_loop3A_407 = arith.andi %parallel_loop3A_403, %parallel_loop3A_406 : i1
        %parallel_loop3A_408 = arith.constant 1 : i32
        %parallel_loop3A_409 = arith.subi %parallel_loop3A_388, %parallel_loop3A_408 : i32
        %parallel_loop3A_410 = arith.select %parallel_loop3A_407, %parallel_loop3A_409, %parallel_loop3A_388 : i32
        %parallel_loop3A_411 = arith.constant 16 : i32
        %parallel_loop3A_412 = arith.muli %parallel_loop3A_410, %parallel_loop3A_411 : i32
        %parallel_loop3A_413 = arith.constant 64 : i32
        %parallel_loop3A_414 = arith.muli %add3A_201, %parallel_loop3A_413 : i32
        %parallel_loop3A_415 = arith.addi %parallel_loop3A_414, %parallel_loop3A_412 : i32
        %parallel_loop3A_416 = arith.index_cast %parallel_loop3A_415 : i32 to index
        %parallel_loop3A_417 = tpu.vector_load %arg9[%parallel_loop3A_416] {strides = array<i32>} : memref<6400xi32, #tpu.memory_space<vmem>>, vector<16xi32>,
        %parallel_loop3A_418 = vector.shape_cast %parallel_loop3A_417 : vector<16xi32> to vector<16xi32>
        %parallel_loop3A_419 = arith.subi %parallel_loop3A_380, %parallel_loop3A_412 : i32
        %parallel_loop3A_420 = vector.broadcast %parallel_loop3A_419 : i32 to vector<16x1xi32>
        %parallel_loop3A_421 = vector.shape_cast %parallel_loop3A_420 : vector<16x1xi32> to vector<16xi32>
        %parallel_loop3A_422 = tpu.dynamic_gather %parallel_loop3A_418[%parallel_loop3A_421] in [0] : vector<16xi32>, vector<16xi32> -> vector<16xi32>
        %parallel_loop3A_423 = arith.sitofp %parallel_loop3A_422 : vector<16xi32> to vector<16xf32>
        %parallel_loop3A_424 = arith.index_cast %parallel_loop3A_380 : i32 to index
        %parallel_loop3A_425 = arith.constant 0 : index
        %parallel_loop3A_426 = tpu.vector_load %arg12[%parallel_loop3A_424, %parallel_loop3A_425] {strides = array<i32>} : memref<64x128xf32, #tpu.memory_space<vmem>>, vector<1x16xf32>,
        %parallel_loop3A_427 = vector.shape_cast %parallel_loop3A_426 : vector<1x16xf32> to vector<16xf32>
        %parallel_loop3A_428 = arith.index_cast %parallel_loop3A_380 : i32 to index
        %parallel_loop3A_429 = arith.constant 16 : index
        %parallel_loop3A_430 = tpu.vector_load %arg12[%parallel_loop3A_428, %parallel_loop3A_429] {strides = array<i32>} : memref<64x128xf32, #tpu.memory_space<vmem>>, vector<1x16xf32>,
        %parallel_loop3A_431 = vector.shape_cast %parallel_loop3A_430 : vector<1x16xf32> to vector<16xf32>
        %parallel_loop3A_432 = arith.index_cast %parallel_loop3A_380 : i32 to index
        %parallel_loop3A_433 = arith.constant 32 : index
        %parallel_loop3A_434 = tpu.vector_load %arg12[%parallel_loop3A_432, %parallel_loop3A_433] {strides = array<i32>} : memref<64x128xf32, #tpu.memory_space<vmem>>, vector<1x16xf32>,
        %parallel_loop3A_435 = vector.shape_cast %parallel_loop3A_434 : vector<1x16xf32> to vector<16xf32>
        %parallel_loop3A_436 = arith.index_cast %parallel_loop3A_380 : i32 to index
        %parallel_loop3A_437 = arith.constant 48 : index
        %parallel_loop3A_438 = tpu.vector_load %arg12[%parallel_loop3A_436, %parallel_loop3A_437] {strides = array<i32>} : memref<64x128xf32, #tpu.memory_space<vmem>>, vector<1x16xf32>,
        %parallel_loop3A_439 = vector.shape_cast %parallel_loop3A_438 : vector<1x16xf32> to vector<16xf32>
        %parallel_loop3A_440 = arith.index_cast %parallel_loop3A_380 : i32 to index
        %parallel_loop3A_441 = arith.constant 64 : index
        %parallel_loop3A_442 = tpu.vector_load %arg12[%parallel_loop3A_440, %parallel_loop3A_441] {strides = array<i32>} : memref<64x128xf32, #tpu.memory_space<vmem>>, vector<1x16xf32>,
        %parallel_loop3A_443 = vector.shape_cast %parallel_loop3A_442 : vector<1x16xf32> to vector<16xf32>
        %parallel_loop3A_444 = arith.index_cast %parallel_loop3A_380 : i32 to index
        %parallel_loop3A_445 = arith.constant 80 : index
        %parallel_loop3A_446 = tpu.vector_load %arg12[%parallel_loop3A_444, %parallel_loop3A_445] {strides = array<i32>} : memref<64x128xf32, #tpu.memory_space<vmem>>, vector<1x16xf32>,
        %parallel_loop3A_447 = vector.shape_cast %parallel_loop3A_446 : vector<1x16xf32> to vector<16xf32>
        %parallel_loop3A_448 = arith.index_cast %parallel_loop3A_380 : i32 to index
        %parallel_loop3A_449 = arith.constant 96 : index
        %parallel_loop3A_450 = tpu.vector_load %arg12[%parallel_loop3A_448, %parallel_loop3A_449] {strides = array<i32>} : memref<64x128xf32, #tpu.memory_space<vmem>>, vector<1x16xf32>,
        %parallel_loop3A_451 = vector.shape_cast %parallel_loop3A_450 : vector<1x16xf32> to vector<16xf32>
        %parallel_loop3A_452 = arith.index_cast %parallel_loop3A_380 : i32 to index
        %parallel_loop3A_453 = arith.constant 112 : index
        %parallel_loop3A_454 = tpu.vector_load %arg12[%parallel_loop3A_452, %parallel_loop3A_453] {strides = array<i32>} : memref<64x128xf32, #tpu.memory_space<vmem>>, vector<1x16xf32>,
        %parallel_loop3A_455 = vector.shape_cast %parallel_loop3A_454 : vector<1x16xf32> to vector<16xf32>
        %parallel_loop3A_456 = arith.index_cast %parallel_loop3A_386 : i32 to index
        %parallel_loop3A_457 = arith.constant 0 : index
        %parallel_loop3A_458 = tpu.vector_load %arg10[%parallel_loop3A_456, %parallel_loop3A_457] {strides = array<i32>} : memref<200x128xf32, #tpu.memory_space<vmem>>, vector<1x16xf32>,
        %parallel_loop3A_459 = vector.shape_cast %parallel_loop3A_458 : vector<1x16xf32> to vector<16xf32>
        %parallel_loop3A_460 = arith.index_cast %parallel_loop3A_386 : i32 to index
        %parallel_loop3A_461 = arith.constant 16 : index
        %parallel_loop3A_462 = tpu.vector_load %arg10[%parallel_loop3A_460, %parallel_loop3A_461] {strides = array<i32>} : memref<200x128xf32, #tpu.memory_space<vmem>>, vector<1x16xf32>,
        %parallel_loop3A_463 = vector.shape_cast %parallel_loop3A_462 : vector<1x16xf32> to vector<16xf32>
        %parallel_loop3A_464 = arith.index_cast %parallel_loop3A_386 : i32 to index
        %parallel_loop3A_465 = arith.constant 32 : index
        %parallel_loop3A_466 = tpu.vector_load %arg10[%parallel_loop3A_464, %parallel_loop3A_465] {strides = array<i32>} : memref<200x128xf32, #tpu.memory_space<vmem>>, vector<1x16xf32>,
        %parallel_loop3A_467 = vector.shape_cast %parallel_loop3A_466 : vector<1x16xf32> to vector<16xf32>
        %parallel_loop3A_468 = arith.index_cast %parallel_loop3A_386 : i32 to index
        %parallel_loop3A_469 = arith.constant 48 : index
        %parallel_loop3A_470 = tpu.vector_load %arg10[%parallel_loop3A_468, %parallel_loop3A_469] {strides = array<i32>} : memref<200x128xf32, #tpu.memory_space<vmem>>, vector<1x16xf32>,
        %parallel_loop3A_471 = vector.shape_cast %parallel_loop3A_470 : vector<1x16xf32> to vector<16xf32>
        %parallel_loop3A_472 = arith.index_cast %parallel_loop3A_386 : i32 to index
        %parallel_loop3A_473 = arith.constant 64 : index
        %parallel_loop3A_474 = tpu.vector_load %arg10[%parallel_loop3A_472, %parallel_loop3A_473] {strides = array<i32>} : memref<200x128xf32, #tpu.memory_space<vmem>>, vector<1x16xf32>,
        %parallel_loop3A_475 = vector.shape_cast %parallel_loop3A_474 : vector<1x16xf32> to vector<16xf32>
        %parallel_loop3A_476 = arith.index_cast %parallel_loop3A_386 : i32 to index
        %parallel_loop3A_477 = arith.constant 80 : index
        %parallel_loop3A_478 = tpu.vector_load %arg10[%parallel_loop3A_476, %parallel_loop3A_477] {strides = array<i32>} : memref<200x128xf32, #tpu.memory_space<vmem>>, vector<1x16xf32>,
        %parallel_loop3A_479 = vector.shape_cast %parallel_loop3A_478 : vector<1x16xf32> to vector<16xf32>
        %parallel_loop3A_480 = arith.index_cast %parallel_loop3A_386 : i32 to index
        %parallel_loop3A_481 = arith.constant 96 : index
        %parallel_loop3A_482 = tpu.vector_load %arg10[%parallel_loop3A_480, %parallel_loop3A_481] {strides = array<i32>} : memref<200x128xf32, #tpu.memory_space<vmem>>, vector<1x16xf32>,
        %parallel_loop3A_483 = vector.shape_cast %parallel_loop3A_482 : vector<1x16xf32> to vector<16xf32>
        %parallel_loop3A_484 = arith.index_cast %parallel_loop3A_386 : i32 to index
        %parallel_loop3A_485 = arith.constant 112 : index
        %parallel_loop3A_486 = tpu.vector_load %arg10[%parallel_loop3A_484, %parallel_loop3A_485] {strides = array<i32>} : memref<200x128xf32, #tpu.memory_space<vmem>>, vector<1x16xf32>,
        %parallel_loop3A_487 = vector.shape_cast %parallel_loop3A_486 : vector<1x16xf32> to vector<16xf32>
        %parallel_loop3A_488 = arith.addf %parallel_loop3A_427, %parallel_loop3A_459 : vector<16xf32>
        %parallel_loop3A_489 = arith.mulf %parallel_loop3A_423, %get3A_28 : vector<16xf32>
        %parallel_loop3A_490 = arith.addf %parallel_loop3A_488, %parallel_loop3A_489 : vector<16xf32>
        %parallel_loop3A_491 = arith.constant -1.000000e+00 : f32
        %parallel_loop3A_492 = vector.broadcast %parallel_loop3A_491 : f32 to vector<16xf32>
        %parallel_loop3A_493 = arith.maximumf %parallel_loop3A_490, %parallel_loop3A_492 : vector<16xf32>
        %parallel_loop3A_494 = arith.constant 1.000000e+00 : f32
        %parallel_loop3A_495 = vector.broadcast %parallel_loop3A_494 : f32 to vector<16xf32>
        %parallel_loop3A_496 = arith.minimumf %parallel_loop3A_493, %parallel_loop3A_495 : vector<16xf32>
        %parallel_loop3A_497 = arith.index_cast %parallel_loop3A_380 : i32 to index
        %parallel_loop3A_498 = arith.constant 0 : index
        %parallel_loop3A_499 = tpu.vector_load %arg17[%parallel_loop3A_497, %parallel_loop3A_498] {strides = array<i32>} : memref<64x128xf32, #tpu.memory_space<vmem>>, vector<1x16xf32>,
        %parallel_loop3A_500 = vector.shape_cast %parallel_loop3A_499 : vector<1x16xf32> to vector<16xf32>
        %parallel_loop3A_501 = vector.shape_cast %parallel_loop3A_496 : vector<16xf32> to vector<1x16xf32>
        tpu.vector_store %arg17[%parallel_loop3A_497, %parallel_loop3A_498], %parallel_loop3A_501 {strides = array<i32>} : memref<64x128xf32, #tpu.memory_space<vmem>>, vector<1x16xf32>,
        %parallel_loop3A_502 = arith.addf %parallel_loop3A_431, %parallel_loop3A_463 : vector<16xf32>
        %parallel_loop3A_503 = arith.mulf %parallel_loop3A_423, %get3A_31 : vector<16xf32>
        %parallel_loop3A_504 = arith.addf %parallel_loop3A_502, %parallel_loop3A_503 : vector<16xf32>
        %parallel_loop3A_505 = arith.constant -1.000000e+00 : f32
        %parallel_loop3A_506 = vector.broadcast %parallel_loop3A_505 : f32 to vector<16xf32>
        %parallel_loop3A_507 = arith.maximumf %parallel_loop3A_504, %parallel_loop3A_506 : vector<16xf32>
        %parallel_loop3A_508 = arith.constant 1.000000e+00 : f32
        %parallel_loop3A_509 = vector.broadcast %parallel_loop3A_508 : f32 to vector<16xf32>
        %parallel_loop3A_510 = arith.minimumf %parallel_loop3A_507, %parallel_loop3A_509 : vector<16xf32>
        %parallel_loop3A_511 = arith.index_cast %parallel_loop3A_380 : i32 to index
        %parallel_loop3A_512 = arith.constant 16 : index
        %parallel_loop3A_513 = tpu.vector_load %arg17[%parallel_loop3A_511, %parallel_loop3A_512] {strides = array<i32>} : memref<64x128xf32, #tpu.memory_space<vmem>>, vector<1x16xf32>,
        %parallel_loop3A_514 = vector.shape_cast %parallel_loop3A_513 : vector<1x16xf32> to vector<16xf32>
        %parallel_loop3A_515 = vector.shape_cast %parallel_loop3A_510 : vector<16xf32> to vector<1x16xf32>
        tpu.vector_store %arg17[%parallel_loop3A_511, %parallel_loop3A_512], %parallel_loop3A_515 {strides = array<i32>} : memref<64x128xf32, #tpu.memory_space<vmem>>, vector<1x16xf32>,
        %parallel_loop3A_516 = arith.addf %parallel_loop3A_435, %parallel_loop3A_467 : vector<16xf32>
        %parallel_loop3A_517 = arith.mulf %parallel_loop3A_423, %get3A_34 : vector<16xf32>
        %parallel_loop3A_518 = arith.addf %parallel_loop3A_516, %parallel_loop3A_517 : vector<16xf32>
        %parallel_loop3A_519 = arith.constant -1.000000e+00 : f32
        %parallel_loop3A_520 = vector.broadcast %parallel_loop3A_519 : f32 to vector<16xf32>
        %parallel_loop3A_521 = arith.maximumf %parallel_loop3A_518, %parallel_loop3A_520 : vector<16xf32>
        %parallel_loop3A_522 = arith.constant 1.000000e+00 : f32
        %parallel_loop3A_523 = vector.broadcast %parallel_loop3A_522 : f32 to vector<16xf32>
        %parallel_loop3A_524 = arith.minimumf %parallel_loop3A_521, %parallel_loop3A_523 : vector<16xf32>
        %parallel_loop3A_525 = arith.index_cast %parallel_loop3A_380 : i32 to index
        %parallel_loop3A_526 = arith.constant 32 : index
        %parallel_loop3A_527 = tpu.vector_load %arg17[%parallel_loop3A_525, %parallel_loop3A_526] {strides = array<i32>} : memref<64x128xf32, #tpu.memory_space<vmem>>, vector<1x16xf32>,
        %parallel_loop3A_528 = vector.shape_cast %parallel_loop3A_527 : vector<1x16xf32> to vector<16xf32>
        %parallel_loop3A_529 = vector.shape_cast %parallel_loop3A_524 : vector<16xf32> to vector<1x16xf32>
        tpu.vector_store %arg17[%parallel_loop3A_525, %parallel_loop3A_526], %parallel_loop3A_529 {strides = array<i32>} : memref<64x128xf32, #tpu.memory_space<vmem>>, vector<1x16xf32>,
        %parallel_loop3A_530 = arith.addf %parallel_loop3A_439, %parallel_loop3A_471 : vector<16xf32>
        %parallel_loop3A_531 = arith.mulf %parallel_loop3A_423, %get3A_37 : vector<16xf32>
        %parallel_loop3A_532 = arith.addf %parallel_loop3A_530, %parallel_loop3A_531 : vector<16xf32>
        %parallel_loop3A_533 = arith.constant -1.000000e+00 : f32
        %parallel_loop3A_534 = vector.broadcast %parallel_loop3A_533 : f32 to vector<16xf32>
        %parallel_loop3A_535 = arith.maximumf %parallel_loop3A_532, %parallel_loop3A_534 : vector<16xf32>
        %parallel_loop3A_536 = arith.constant 1.000000e+00 : f32
        %parallel_loop3A_537 = vector.broadcast %parallel_loop3A_536 : f32 to vector<16xf32>
        %parallel_loop3A_538 = arith.minimumf %parallel_loop3A_535, %parallel_loop3A_537 : vector<16xf32>
        %parallel_loop3A_539 = arith.index_cast %parallel_loop3A_380 : i32 to index
        %parallel_loop3A_540 = arith.constant 48 : index
        %parallel_loop3A_541 = tpu.vector_load %arg17[%parallel_loop3A_539, %parallel_loop3A_540] {strides = array<i32>} : memref<64x128xf32, #tpu.memory_space<vmem>>, vector<1x16xf32>,
        %parallel_loop3A_542 = vector.shape_cast %parallel_loop3A_541 : vector<1x16xf32> to vector<16xf32>
        %parallel_loop3A_543 = vector.shape_cast %parallel_loop3A_538 : vector<16xf32> to vector<1x16xf32>
        tpu.vector_store %arg17[%parallel_loop3A_539, %parallel_loop3A_540], %parallel_loop3A_543 {strides = array<i32>} : memref<64x128xf32, #tpu.memory_space<vmem>>, vector<1x16xf32>,
        %parallel_loop3A_544 = arith.addf %parallel_loop3A_443, %parallel_loop3A_475 : vector<16xf32>
        %parallel_loop3A_545 = arith.mulf %parallel_loop3A_423, %get3A_40 : vector<16xf32>
        %parallel_loop3A_546 = arith.addf %parallel_loop3A_544, %parallel_loop3A_545 : vector<16xf32>
        %parallel_loop3A_547 = arith.constant -1.000000e+00 : f32
        %parallel_loop3A_548 = vector.broadcast %parallel_loop3A_547 : f32 to vector<16xf32>
        %parallel_loop3A_549 = arith.maximumf %parallel_loop3A_546, %parallel_loop3A_548 : vector<16xf32>
        %parallel_loop3A_550 = arith.constant 1.000000e+00 : f32
        %parallel_loop3A_551 = vector.broadcast %parallel_loop3A_550 : f32 to vector<16xf32>
        %parallel_loop3A_552 = arith.minimumf %parallel_loop3A_549, %parallel_loop3A_551 : vector<16xf32>
        %parallel_loop3A_553 = arith.index_cast %parallel_loop3A_380 : i32 to index
        %parallel_loop3A_554 = arith.constant 64 : index
        %parallel_loop3A_555 = tpu.vector_load %arg17[%parallel_loop3A_553, %parallel_loop3A_554] {strides = array<i32>} : memref<64x128xf32, #tpu.memory_space<vmem>>, vector<1x16xf32>,
        %parallel_loop3A_556 = vector.shape_cast %parallel_loop3A_555 : vector<1x16xf32> to vector<16xf32>
        %parallel_loop3A_557 = vector.shape_cast %parallel_loop3A_552 : vector<16xf32> to vector<1x16xf32>
        tpu.vector_store %arg17[%parallel_loop3A_553, %parallel_loop3A_554], %parallel_loop3A_557 {strides = array<i32>} : memref<64x128xf32, #tpu.memory_space<vmem>>, vector<1x16xf32>,
        %parallel_loop3A_558 = arith.addf %parallel_loop3A_447, %parallel_loop3A_479 : vector<16xf32>
        %parallel_loop3A_559 = arith.mulf %parallel_loop3A_423, %get3A_43 : vector<16xf32>
        %parallel_loop3A_560 = arith.addf %parallel_loop3A_558, %parallel_loop3A_559 : vector<16xf32>
        %parallel_loop3A_561 = arith.constant -1.000000e+00 : f32
        %parallel_loop3A_562 = vector.broadcast %parallel_loop3A_561 : f32 to vector<16xf32>
        %parallel_loop3A_563 = arith.maximumf %parallel_loop3A_560, %parallel_loop3A_562 : vector<16xf32>
        %parallel_loop3A_564 = arith.constant 1.000000e+00 : f32
        %parallel_loop3A_565 = vector.broadcast %parallel_loop3A_564 : f32 to vector<16xf32>
        %parallel_loop3A_566 = arith.minimumf %parallel_loop3A_563, %parallel_loop3A_565 : vector<16xf32>
        %parallel_loop3A_567 = arith.index_cast %parallel_loop3A_380 : i32 to index
        %parallel_loop3A_568 = arith.constant 80 : index
        %parallel_loop3A_569 = tpu.vector_load %arg17[%parallel_loop3A_567, %parallel_loop3A_568] {strides = array<i32>} : memref<64x128xf32, #tpu.memory_space<vmem>>, vector<1x16xf32>,
        %parallel_loop3A_570 = vector.shape_cast %parallel_loop3A_569 : vector<1x16xf32> to vector<16xf32>
        %parallel_loop3A_571 = vector.shape_cast %parallel_loop3A_566 : vector<16xf32> to vector<1x16xf32>
        tpu.vector_store %arg17[%parallel_loop3A_567, %parallel_loop3A_568], %parallel_loop3A_571 {strides = array<i32>} : memref<64x128xf32, #tpu.memory_space<vmem>>, vector<1x16xf32>,
        %parallel_loop3A_572 = arith.addf %parallel_loop3A_451, %parallel_loop3A_483 : vector<16xf32>
        %parallel_loop3A_573 = arith.mulf %parallel_loop3A_423, %get3A_46 : vector<16xf32>
        %parallel_loop3A_574 = arith.addf %parallel_loop3A_572, %parallel_loop3A_573 : vector<16xf32>
        %parallel_loop3A_575 = arith.constant -1.000000e+00 : f32
        %parallel_loop3A_576 = vector.broadcast %parallel_loop3A_575 : f32 to vector<16xf32>
        %parallel_loop3A_577 = arith.maximumf %parallel_loop3A_574, %parallel_loop3A_576 : vector<16xf32>
        %parallel_loop3A_578 = arith.constant 1.000000e+00 : f32
        %parallel_loop3A_579 = vector.broadcast %parallel_loop3A_578 : f32 to vector<16xf32>
        %parallel_loop3A_580 = arith.minimumf %parallel_loop3A_577, %parallel_loop3A_579 : vector<16xf32>
        %parallel_loop3A_581 = arith.index_cast %parallel_loop3A_380 : i32 to index
        %parallel_loop3A_582 = arith.constant 96 : index
        %parallel_loop3A_583 = tpu.vector_load %arg17[%parallel_loop3A_581, %parallel_loop3A_582] {strides = array<i32>} : memref<64x128xf32, #tpu.memory_space<vmem>>, vector<1x16xf32>,
        %parallel_loop3A_584 = vector.shape_cast %parallel_loop3A_583 : vector<1x16xf32> to vector<16xf32>
        %parallel_loop3A_585 = vector.shape_cast %parallel_loop3A_580 : vector<16xf32> to vector<1x16xf32>
        tpu.vector_store %arg17[%parallel_loop3A_581, %parallel_loop3A_582], %parallel_loop3A_585 {strides = array<i32>} : memref<64x128xf32, #tpu.memory_space<vmem>>, vector<1x16xf32>,
        %parallel_loop3A_586 = arith.addf %parallel_loop3A_455, %parallel_loop3A_487 : vector<16xf32>
        %parallel_loop3A_587 = arith.mulf %parallel_loop3A_423, %get3A_49 : vector<16xf32>
        %parallel_loop3A_588 = arith.addf %parallel_loop3A_586, %parallel_loop3A_587 : vector<16xf32>
        %parallel_loop3A_589 = arith.constant -1.000000e+00 : f32
        %parallel_loop3A_590 = vector.broadcast %parallel_loop3A_589 : f32 to vector<16xf32>
        %parallel_loop3A_591 = arith.maximumf %parallel_loop3A_588, %parallel_loop3A_590 : vector<16xf32>
        %parallel_loop3A_592 = arith.constant 1.000000e+00 : f32
        %parallel_loop3A_593 = vector.broadcast %parallel_loop3A_592 : f32 to vector<16xf32>
        %parallel_loop3A_594 = arith.minimumf %parallel_loop3A_591, %parallel_loop3A_593 : vector<16xf32>
        %parallel_loop3A_595 = arith.index_cast %parallel_loop3A_380 : i32 to index
        %parallel_loop3A_596 = arith.constant 112 : index
        %parallel_loop3A_597 = tpu.vector_load %arg17[%parallel_loop3A_595, %parallel_loop3A_596] {strides = array<i32>} : memref<64x128xf32, #tpu.memory_space<vmem>>, vector<1x16xf32>,
        %parallel_loop3A_598 = vector.shape_cast %parallel_loop3A_597 : vector<1x16xf32> to vector<16xf32>
        %parallel_loop3A_599 = vector.shape_cast %parallel_loop3A_594 : vector<16xf32> to vector<1x16xf32>
        tpu.vector_store %arg17[%parallel_loop3A_595, %parallel_loop3A_596], %parallel_loop3A_599 {strides = array<i32>} : memref<64x128xf32, #tpu.memory_space<vmem>>, vector<1x16xf32>,
      } {sc.loop_unroll_factor = 2 : i64, sc.parallel_access}
      %mul3A_221 = arith.constant 64 : i32
      %mul3A_222 = arith.muli %add3A_201, %mul3A_221 : i32
      %add3A_223 = arith.addi %mul3A_2, %mul3A_222 : i32
      %dma_start3A_224 = arith.constant 0 : i32
      %dma_start3A_225 = tpu.memref_slice %arg7[%add3A_223, %dma_start3A_224] : memref<204800x128xf32, #tpu.memory_space<hbm>> -> memref<64x128xf32, #tpu.memory_space<hbm>>
      %dma_start3A_226 = arith.constant 0 : i32
      %dma_start3A_227 = tpu.memref_slice %arg7[%add3A_223, %dma_start3A_226] : memref<204800x128xf32, #tpu.memory_space<hbm>> -> memref<64x128xf32, #tpu.memory_space<hbm>>
      tpu.enqueue_dma source(%arg17 : memref<64x128xf32, #tpu.memory_space<vmem>>) target(%dma_start3A_227 : memref<64x128xf32, #tpu.memory_space<hbm>>) target_semaphore(%arg27 : memref<!tpu.dma_semaphore, #tpu.memory_space<semaphore_mem>>)
      %add3A_228 = arith.constant 5 : i32
      %add3A_229 = arith.addi %add3A_201, %add3A_228 : i32
      %lt3A = arith.constant 100 : i32
      %lt3A_230 = arith.cmpi slt, %add3A_229, %lt3A : i32
      %convert_element_type3A = arith.extui %lt3A_230 : i1 to i32
      %cond3A = arith.constant 0 : i32
      %cond3A_231 = arith.cmpi ne, %convert_element_type3A, %cond3A : i32
      scf.if %cond3A_231 {
        %add3A_380 = arith.constant 5 : i32
        %add3A_381 = arith.addi %add3A_201, %add3A_380 : i32
        %mul3A_382 = arith.constant 64 : i32
        %mul3A_383 = arith.muli %add3A_381, %mul3A_382 : i32
        %dma_start3A_384 = tpu.memref_slice %arg8[%mul3A_383] : memref<6400xi32, #tpu.memory_space<vmem>> -> memref<64xi32, #tpu.memory_space<vmem>>
        %dma_start3A_385 = arith.constant 0 : i32
        %dma_start3A_386 = arith.constant 0 : i32
        %dma_start3A_387 = tpu.memref_slice %arg4[%dma_start3A_385, %dma_start3A_386] : memref<100000x128xf32, #tpu.memory_space<hbm>> -> memref<100000x128xf32, #tpu.memory_space<hbm>>
        tpu.enqueue_indirect_dma source(%dma_start3A_387 : memref<100000x128xf32, #tpu.memory_space<hbm>>) target(%arg12 : memref<64x128xf32, #tpu.memory_space<vmem>>) offsets(%dma_start3A_384 : memref<64xi32, #tpu.memory_space<vmem>>) semaphore(%arg22 : memref<!tpu.dma_semaphore, #tpu.memory_space<semaphore_mem>>)
      } else {
      }
      %mul3A_232 = arith.constant 5 : i32
      %mul3A_233 = arith.muli %mul3A_232, %scan3A_197 : i32
      %add3A_234 = arith.constant 1 : i32
      %add3A_235 = arith.addi %mul3A_233, %add3A_234 : i32
      %dma_wait3A_236 = arith.constant 0 : i32
      %dma_wait3A_237 = arith.constant 0 : i32
      %dma_wait3A_238 = tpu.memref_slice %arg4[%dma_wait3A_236, %dma_wait3A_237] : memref<100000x128xf32, #tpu.memory_space<hbm>> -> memref<64x128xf32, #tpu.memory_space<hbm>>
      %dma_wait3A_239 = arith.constant 0 : i32
      %dma_wait3A_240 = arith.constant 0 : i32
      %dma_wait3A_241 = tpu.memref_slice %arg4[%dma_wait3A_239, %dma_wait3A_240] : memref<100000x128xf32, #tpu.memory_space<hbm>> -> memref<64x128xf32, #tpu.memory_space<hbm>>
      tpu.wait_dma2 semaphore(%arg23 : memref<!tpu.dma_semaphore, #tpu.memory_space<semaphore_mem>>) src(%dma_wait3A_241 : memref<64x128xf32, #tpu.memory_space<hbm>>) dst(%arg13 : memref<64x128xf32, #tpu.memory_space<vmem>>)
      %dma_wait3A_242 = arith.constant 0 : i32
      %dma_wait3A_243 = arith.constant 0 : i32
      %dma_wait3A_244 = tpu.memref_slice %arg7[%dma_wait3A_242, %dma_wait3A_243] : memref<204800x128xf32, #tpu.memory_space<hbm>> -> memref<64x128xf32, #tpu.memory_space<hbm>>
      %dma_wait3A_245 = arith.constant 0 : i32
      %dma_wait3A_246 = arith.constant 0 : i32
      %dma_wait3A_247 = tpu.memref_slice %arg7[%dma_wait3A_245, %dma_wait3A_246] : memref<204800x128xf32, #tpu.memory_space<hbm>> -> memref<64x128xf32, #tpu.memory_space<hbm>>
      tpu.wait_dma2 semaphore(%arg28 : memref<!tpu.dma_semaphore, #tpu.memory_space<semaphore_mem>>) src(%arg18 : memref<64x128xf32, #tpu.memory_space<vmem>>) dst(%dma_wait3A_247 : memref<64x128xf32, #tpu.memory_space<hbm>>)
      %mul3A_248 = arith.constant 64 : i32
      %mul3A_249 = arith.muli %add3A_235, %mul3A_248 : i32
      %rem3A_250 = arith.constant 200 : i32
      %rem3A_251 = arith.remsi %mul3A_249, %rem3A_250 : i32
      %parallel_loop3A_252 = arith.constant 0 : i32
      %parallel_loop3A_253 = arith.constant 64 : i32
      %parallel_loop3A_254 = arith.constant 1 : i32
      scf.for %parallel_loop3A_380 = %parallel_loop3A_252 to %parallel_loop3A_253 step %parallel_loop3A_254  : i32 {
        %parallel_loop3A_381 = arith.addi %rem3A_251, %parallel_loop3A_380 : i32
        %parallel_loop3A_382 = arith.constant 200 : i32
        %parallel_loop3A_383 = arith.cmpi sge, %parallel_loop3A_381, %parallel_loop3A_382 : i32
        %parallel_loop3A_384 = arith.constant 200 : i32
        %parallel_loop3A_385 = arith.subi %parallel_loop3A_381, %parallel_loop3A_384 : i32
        %parallel_loop3A_386 = arith.select %parallel_loop3A_383, %parallel_loop3A_385, %parallel_loop3A_381 : i32
        %parallel_loop3A_387 = arith.constant 16 : i32
        %parallel_loop3A_388 = arith.divsi %parallel_loop3A_380, %parallel_loop3A_387 : i32
        %parallel_loop3A_389 = arith.constant 0 : i32
        %parallel_loop3A_390 = arith.cmpi sgt, %parallel_loop3A_380, %parallel_loop3A_389 : i32
        %parallel_loop3A_391 = arith.extui %parallel_loop3A_390 : i1 to i32
        %parallel_loop3A_392 = arith.constant 0 : i32
        %parallel_loop3A_393 = arith.cmpi slt, %parallel_loop3A_380, %parallel_loop3A_392 : i32
        %parallel_loop3A_394 = arith.extui %parallel_loop3A_393 : i1 to i32
        %parallel_loop3A_395 = arith.subi %parallel_loop3A_391, %parallel_loop3A_394 : i32
        %parallel_loop3A_396 = arith.constant 0 : i32
        %parallel_loop3A_397 = arith.cmpi sgt, %parallel_loop3A_387, %parallel_loop3A_396 : i32
        %parallel_loop3A_398 = arith.extui %parallel_loop3A_397 : i1 to i32
        %parallel_loop3A_399 = arith.constant 0 : i32
        %parallel_loop3A_400 = arith.cmpi slt, %parallel_loop3A_387, %parallel_loop3A_399 : i32
        %parallel_loop3A_401 = arith.extui %parallel_loop3A_400 : i1 to i32
        %parallel_loop3A_402 = arith.subi %parallel_loop3A_398, %parallel_loop3A_401 : i32
        %parallel_loop3A_403 = arith.cmpi ne, %parallel_loop3A_395, %parallel_loop3A_402 : i32
        %parallel_loop3A_404 = arith.remsi %parallel_loop3A_380, %parallel_loop3A_387 : i32
        %parallel_loop3A_405 = arith.constant 0 : i32
        %parallel_loop3A_406 = arith.cmpi ne, %parallel_loop3A_404, %parallel_loop3A_405 : i32
        %parallel_loop3A_407 = arith.andi %parallel_loop3A_403, %parallel_loop3A_406 : i1
        %parallel_loop3A_408 = arith.constant 1 : i32
        %parallel_loop3A_409 = arith.subi %parallel_loop3A_388, %parallel_loop3A_408 : i32
        %parallel_loop3A_410 = arith.select %parallel_loop3A_407, %parallel_loop3A_409, %parallel_loop3A_388 : i32
        %parallel_loop3A_411 = arith.constant 16 : i32
        %parallel_loop3A_412 = arith.muli %parallel_loop3A_410, %parallel_loop3A_411 : i32
        %parallel_loop3A_413 = arith.constant 64 : i32
        %parallel_loop3A_414 = arith.muli %add3A_235, %parallel_loop3A_413 : i32
        %parallel_loop3A_415 = arith.addi %parallel_loop3A_414, %parallel_loop3A_412 : i32
        %parallel_loop3A_416 = arith.index_cast %parallel_loop3A_415 : i32 to index
        %parallel_loop3A_417 = tpu.vector_load %arg9[%parallel_loop3A_416] {strides = array<i32>} : memref<6400xi32, #tpu.memory_space<vmem>>, vector<16xi32>,
        %parallel_loop3A_418 = vector.shape_cast %parallel_loop3A_417 : vector<16xi32> to vector<16xi32>
        %parallel_loop3A_419 = arith.subi %parallel_loop3A_380, %parallel_loop3A_412 : i32
        %parallel_loop3A_420 = vector.broadcast %parallel_loop3A_419 : i32 to vector<16x1xi32>
        %parallel_loop3A_421 = vector.shape_cast %parallel_loop3A_420 : vector<16x1xi32> to vector<16xi32>
        %parallel_loop3A_422 = tpu.dynamic_gather %parallel_loop3A_418[%parallel_loop3A_421] in [0] : vector<16xi32>, vector<16xi32> -> vector<16xi32>
        %parallel_loop3A_423 = arith.sitofp %parallel_loop3A_422 : vector<16xi32> to vector<16xf32>
        %parallel_loop3A_424 = arith.index_cast %parallel_loop3A_380 : i32 to index
        %parallel_loop3A_425 = arith.constant 0 : index
        %parallel_loop3A_426 = tpu.vector_load %arg13[%parallel_loop3A_424, %parallel_loop3A_425] {strides = array<i32>} : memref<64x128xf32, #tpu.memory_space<vmem>>, vector<1x16xf32>,
        %parallel_loop3A_427 = vector.shape_cast %parallel_loop3A_426 : vector<1x16xf32> to vector<16xf32>
        %parallel_loop3A_428 = arith.index_cast %parallel_loop3A_380 : i32 to index
        %parallel_loop3A_429 = arith.constant 16 : index
        %parallel_loop3A_430 = tpu.vector_load %arg13[%parallel_loop3A_428, %parallel_loop3A_429] {strides = array<i32>} : memref<64x128xf32, #tpu.memory_space<vmem>>, vector<1x16xf32>,
        %parallel_loop3A_431 = vector.shape_cast %parallel_loop3A_430 : vector<1x16xf32> to vector<16xf32>
        %parallel_loop3A_432 = arith.index_cast %parallel_loop3A_380 : i32 to index
        %parallel_loop3A_433 = arith.constant 32 : index
        %parallel_loop3A_434 = tpu.vector_load %arg13[%parallel_loop3A_432, %parallel_loop3A_433] {strides = array<i32>} : memref<64x128xf32, #tpu.memory_space<vmem>>, vector<1x16xf32>,
        %parallel_loop3A_435 = vector.shape_cast %parallel_loop3A_434 : vector<1x16xf32> to vector<16xf32>
        %parallel_loop3A_436 = arith.index_cast %parallel_loop3A_380 : i32 to index
        %parallel_loop3A_437 = arith.constant 48 : index
        %parallel_loop3A_438 = tpu.vector_load %arg13[%parallel_loop3A_436, %parallel_loop3A_437] {strides = array<i32>} : memref<64x128xf32, #tpu.memory_space<vmem>>, vector<1x16xf32>,
        %parallel_loop3A_439 = vector.shape_cast %parallel_loop3A_438 : vector<1x16xf32> to vector<16xf32>
        %parallel_loop3A_440 = arith.index_cast %parallel_loop3A_380 : i32 to index
        %parallel_loop3A_441 = arith.constant 64 : index
        %parallel_loop3A_442 = tpu.vector_load %arg13[%parallel_loop3A_440, %parallel_loop3A_441] {strides = array<i32>} : memref<64x128xf32, #tpu.memory_space<vmem>>, vector<1x16xf32>,
        %parallel_loop3A_443 = vector.shape_cast %parallel_loop3A_442 : vector<1x16xf32> to vector<16xf32>
        %parallel_loop3A_444 = arith.index_cast %parallel_loop3A_380 : i32 to index
        %parallel_loop3A_445 = arith.constant 80 : index
        %parallel_loop3A_446 = tpu.vector_load %arg13[%parallel_loop3A_444, %parallel_loop3A_445] {strides = array<i32>} : memref<64x128xf32, #tpu.memory_space<vmem>>, vector<1x16xf32>,
        %parallel_loop3A_447 = vector.shape_cast %parallel_loop3A_446 : vector<1x16xf32> to vector<16xf32>
        %parallel_loop3A_448 = arith.index_cast %parallel_loop3A_380 : i32 to index
        %parallel_loop3A_449 = arith.constant 96 : index
        %parallel_loop3A_450 = tpu.vector_load %arg13[%parallel_loop3A_448, %parallel_loop3A_449] {strides = array<i32>} : memref<64x128xf32, #tpu.memory_space<vmem>>, vector<1x16xf32>,
        %parallel_loop3A_451 = vector.shape_cast %parallel_loop3A_450 : vector<1x16xf32> to vector<16xf32>
        %parallel_loop3A_452 = arith.index_cast %parallel_loop3A_380 : i32 to index
        %parallel_loop3A_453 = arith.constant 112 : index
        %parallel_loop3A_454 = tpu.vector_load %arg13[%parallel_loop3A_452, %parallel_loop3A_453] {strides = array<i32>} : memref<64x128xf32, #tpu.memory_space<vmem>>, vector<1x16xf32>,
        %parallel_loop3A_455 = vector.shape_cast %parallel_loop3A_454 : vector<1x16xf32> to vector<16xf32>
        %parallel_loop3A_456 = arith.index_cast %parallel_loop3A_386 : i32 to index
        %parallel_loop3A_457 = arith.constant 0 : index
        %parallel_loop3A_458 = tpu.vector_load %arg10[%parallel_loop3A_456, %parallel_loop3A_457] {strides = array<i32>} : memref<200x128xf32, #tpu.memory_space<vmem>>, vector<1x16xf32>,
        %parallel_loop3A_459 = vector.shape_cast %parallel_loop3A_458 : vector<1x16xf32> to vector<16xf32>
        %parallel_loop3A_460 = arith.index_cast %parallel_loop3A_386 : i32 to index
        %parallel_loop3A_461 = arith.constant 16 : index
        %parallel_loop3A_462 = tpu.vector_load %arg10[%parallel_loop3A_460, %parallel_loop3A_461] {strides = array<i32>} : memref<200x128xf32, #tpu.memory_space<vmem>>, vector<1x16xf32>,
        %parallel_loop3A_463 = vector.shape_cast %parallel_loop3A_462 : vector<1x16xf32> to vector<16xf32>
        %parallel_loop3A_464 = arith.index_cast %parallel_loop3A_386 : i32 to index
        %parallel_loop3A_465 = arith.constant 32 : index
        %parallel_loop3A_466 = tpu.vector_load %arg10[%parallel_loop3A_464, %parallel_loop3A_465] {strides = array<i32>} : memref<200x128xf32, #tpu.memory_space<vmem>>, vector<1x16xf32>,
        %parallel_loop3A_467 = vector.shape_cast %parallel_loop3A_466 : vector<1x16xf32> to vector<16xf32>
        %parallel_loop3A_468 = arith.index_cast %parallel_loop3A_386 : i32 to index
        %parallel_loop3A_469 = arith.constant 48 : index
        %parallel_loop3A_470 = tpu.vector_load %arg10[%parallel_loop3A_468, %parallel_loop3A_469] {strides = array<i32>} : memref<200x128xf32, #tpu.memory_space<vmem>>, vector<1x16xf32>,
        %parallel_loop3A_471 = vector.shape_cast %parallel_loop3A_470 : vector<1x16xf32> to vector<16xf32>
        %parallel_loop3A_472 = arith.index_cast %parallel_loop3A_386 : i32 to index
        %parallel_loop3A_473 = arith.constant 64 : index
        %parallel_loop3A_474 = tpu.vector_load %arg10[%parallel_loop3A_472, %parallel_loop3A_473] {strides = array<i32>} : memref<200x128xf32, #tpu.memory_space<vmem>>, vector<1x16xf32>,
        %parallel_loop3A_475 = vector.shape_cast %parallel_loop3A_474 : vector<1x16xf32> to vector<16xf32>
        %parallel_loop3A_476 = arith.index_cast %parallel_loop3A_386 : i32 to index
        %parallel_loop3A_477 = arith.constant 80 : index
        %parallel_loop3A_478 = tpu.vector_load %arg10[%parallel_loop3A_476, %parallel_loop3A_477] {strides = array<i32>} : memref<200x128xf32, #tpu.memory_space<vmem>>, vector<1x16xf32>,
        %parallel_loop3A_479 = vector.shape_cast %parallel_loop3A_478 : vector<1x16xf32> to vector<16xf32>
        %parallel_loop3A_480 = arith.index_cast %parallel_loop3A_386 : i32 to index
        %parallel_loop3A_481 = arith.constant 96 : index
        %parallel_loop3A_482 = tpu.vector_load %arg10[%parallel_loop3A_480, %parallel_loop3A_481] {strides = array<i32>} : memref<200x128xf32, #tpu.memory_space<vmem>>, vector<1x16xf32>,
        %parallel_loop3A_483 = vector.shape_cast %parallel_loop3A_482 : vector<1x16xf32> to vector<16xf32>
        %parallel_loop3A_484 = arith.index_cast %parallel_loop3A_386 : i32 to index
        %parallel_loop3A_485 = arith.constant 112 : index
        %parallel_loop3A_486 = tpu.vector_load %arg10[%parallel_loop3A_484, %parallel_loop3A_485] {strides = array<i32>} : memref<200x128xf32, #tpu.memory_space<vmem>>, vector<1x16xf32>,
        %parallel_loop3A_487 = vector.shape_cast %parallel_loop3A_486 : vector<1x16xf32> to vector<16xf32>
        %parallel_loop3A_488 = arith.addf %parallel_loop3A_427, %parallel_loop3A_459 : vector<16xf32>
        %parallel_loop3A_489 = arith.mulf %parallel_loop3A_423, %get3A_28 : vector<16xf32>
        %parallel_loop3A_490 = arith.addf %parallel_loop3A_488, %parallel_loop3A_489 : vector<16xf32>
        %parallel_loop3A_491 = arith.constant -1.000000e+00 : f32
        %parallel_loop3A_492 = vector.broadcast %parallel_loop3A_491 : f32 to vector<16xf32>
        %parallel_loop3A_493 = arith.maximumf %parallel_loop3A_490, %parallel_loop3A_492 : vector<16xf32>
        %parallel_loop3A_494 = arith.constant 1.000000e+00 : f32
        %parallel_loop3A_495 = vector.broadcast %parallel_loop3A_494 : f32 to vector<16xf32>
        %parallel_loop3A_496 = arith.minimumf %parallel_loop3A_493, %parallel_loop3A_495 : vector<16xf32>
        %parallel_loop3A_497 = arith.index_cast %parallel_loop3A_380 : i32 to index
        %parallel_loop3A_498 = arith.constant 0 : index
        %parallel_loop3A_499 = tpu.vector_load %arg18[%parallel_loop3A_497, %parallel_loop3A_498] {strides = array<i32>} : memref<64x128xf32, #tpu.memory_space<vmem>>, vector<1x16xf32>,
        %parallel_loop3A_500 = vector.shape_cast %parallel_loop3A_499 : vector<1x16xf32> to vector<16xf32>
        %parallel_loop3A_501 = vector.shape_cast %parallel_loop3A_496 : vector<16xf32> to vector<1x16xf32>
        tpu.vector_store %arg18[%parallel_loop3A_497, %parallel_loop3A_498], %parallel_loop3A_501 {strides = array<i32>} : memref<64x128xf32, #tpu.memory_space<vmem>>, vector<1x16xf32>,
        %parallel_loop3A_502 = arith.addf %parallel_loop3A_431, %parallel_loop3A_463 : vector<16xf32>
        %parallel_loop3A_503 = arith.mulf %parallel_loop3A_423, %get3A_31 : vector<16xf32>
        %parallel_loop3A_504 = arith.addf %parallel_loop3A_502, %parallel_loop3A_503 : vector<16xf32>
        %parallel_loop3A_505 = arith.constant -1.000000e+00 : f32
        %parallel_loop3A_506 = vector.broadcast %parallel_loop3A_505 : f32 to vector<16xf32>
        %parallel_loop3A_507 = arith.maximumf %parallel_loop3A_504, %parallel_loop3A_506 : vector<16xf32>
        %parallel_loop3A_508 = arith.constant 1.000000e+00 : f32
        %parallel_loop3A_509 = vector.broadcast %parallel_loop3A_508 : f32 to vector<16xf32>
        %parallel_loop3A_510 = arith.minimumf %parallel_loop3A_507, %parallel_loop3A_509 : vector<16xf32>
        %parallel_loop3A_511 = arith.index_cast %parallel_loop3A_380 : i32 to index
        %parallel_loop3A_512 = arith.constant 16 : index
        %parallel_loop3A_513 = tpu.vector_load %arg18[%parallel_loop3A_511, %parallel_loop3A_512] {strides = array<i32>} : memref<64x128xf32, #tpu.memory_space<vmem>>, vector<1x16xf32>,
        %parallel_loop3A_514 = vector.shape_cast %parallel_loop3A_513 : vector<1x16xf32> to vector<16xf32>
        %parallel_loop3A_515 = vector.shape_cast %parallel_loop3A_510 : vector<16xf32> to vector<1x16xf32>
        tpu.vector_store %arg18[%parallel_loop3A_511, %parallel_loop3A_512], %parallel_loop3A_515 {strides = array<i32>} : memref<64x128xf32, #tpu.memory_space<vmem>>, vector<1x16xf32>,
        %parallel_loop3A_516 = arith.addf %parallel_loop3A_435, %parallel_loop3A_467 : vector<16xf32>
        %parallel_loop3A_517 = arith.mulf %parallel_loop3A_423, %get3A_34 : vector<16xf32>
        %parallel_loop3A_518 = arith.addf %parallel_loop3A_516, %parallel_loop3A_517 : vector<16xf32>
        %parallel_loop3A_519 = arith.constant -1.000000e+00 : f32
        %parallel_loop3A_520 = vector.broadcast %parallel_loop3A_519 : f32 to vector<16xf32>
        %parallel_loop3A_521 = arith.maximumf %parallel_loop3A_518, %parallel_loop3A_520 : vector<16xf32>
        %parallel_loop3A_522 = arith.constant 1.000000e+00 : f32
        %parallel_loop3A_523 = vector.broadcast %parallel_loop3A_522 : f32 to vector<16xf32>
        %parallel_loop3A_524 = arith.minimumf %parallel_loop3A_521, %parallel_loop3A_523 : vector<16xf32>
        %parallel_loop3A_525 = arith.index_cast %parallel_loop3A_380 : i32 to index
        %parallel_loop3A_526 = arith.constant 32 : index
        %parallel_loop3A_527 = tpu.vector_load %arg18[%parallel_loop3A_525, %parallel_loop3A_526] {strides = array<i32>} : memref<64x128xf32, #tpu.memory_space<vmem>>, vector<1x16xf32>,
        %parallel_loop3A_528 = vector.shape_cast %parallel_loop3A_527 : vector<1x16xf32> to vector<16xf32>
        %parallel_loop3A_529 = vector.shape_cast %parallel_loop3A_524 : vector<16xf32> to vector<1x16xf32>
        tpu.vector_store %arg18[%parallel_loop3A_525, %parallel_loop3A_526], %parallel_loop3A_529 {strides = array<i32>} : memref<64x128xf32, #tpu.memory_space<vmem>>, vector<1x16xf32>,
        %parallel_loop3A_530 = arith.addf %parallel_loop3A_439, %parallel_loop3A_471 : vector<16xf32>
        %parallel_loop3A_531 = arith.mulf %parallel_loop3A_423, %get3A_37 : vector<16xf32>
        %parallel_loop3A_532 = arith.addf %parallel_loop3A_530, %parallel_loop3A_531 : vector<16xf32>
        %parallel_loop3A_533 = arith.constant -1.000000e+00 : f32
        %parallel_loop3A_534 = vector.broadcast %parallel_loop3A_533 : f32 to vector<16xf32>
        %parallel_loop3A_535 = arith.maximumf %parallel_loop3A_532, %parallel_loop3A_534 : vector<16xf32>
        %parallel_loop3A_536 = arith.constant 1.000000e+00 : f32
        %parallel_loop3A_537 = vector.broadcast %parallel_loop3A_536 : f32 to vector<16xf32>
        %parallel_loop3A_538 = arith.minimumf %parallel_loop3A_535, %parallel_loop3A_537 : vector<16xf32>
        %parallel_loop3A_539 = arith.index_cast %parallel_loop3A_380 : i32 to index
        %parallel_loop3A_540 = arith.constant 48 : index
        %parallel_loop3A_541 = tpu.vector_load %arg18[%parallel_loop3A_539, %parallel_loop3A_540] {strides = array<i32>} : memref<64x128xf32, #tpu.memory_space<vmem>>, vector<1x16xf32>,
        %parallel_loop3A_542 = vector.shape_cast %parallel_loop3A_541 : vector<1x16xf32> to vector<16xf32>
        %parallel_loop3A_543 = vector.shape_cast %parallel_loop3A_538 : vector<16xf32> to vector<1x16xf32>
        tpu.vector_store %arg18[%parallel_loop3A_539, %parallel_loop3A_540], %parallel_loop3A_543 {strides = array<i32>} : memref<64x128xf32, #tpu.memory_space<vmem>>, vector<1x16xf32>,
        %parallel_loop3A_544 = arith.addf %parallel_loop3A_443, %parallel_loop3A_475 : vector<16xf32>
        %parallel_loop3A_545 = arith.mulf %parallel_loop3A_423, %get3A_40 : vector<16xf32>
        %parallel_loop3A_546 = arith.addf %parallel_loop3A_544, %parallel_loop3A_545 : vector<16xf32>
        %parallel_loop3A_547 = arith.constant -1.000000e+00 : f32
        %parallel_loop3A_548 = vector.broadcast %parallel_loop3A_547 : f32 to vector<16xf32>
        %parallel_loop3A_549 = arith.maximumf %parallel_loop3A_546, %parallel_loop3A_548 : vector<16xf32>
        %parallel_loop3A_550 = arith.constant 1.000000e+00 : f32
        %parallel_loop3A_551 = vector.broadcast %parallel_loop3A_550 : f32 to vector<16xf32>
        %parallel_loop3A_552 = arith.minimumf %parallel_loop3A_549, %parallel_loop3A_551 : vector<16xf32>
        %parallel_loop3A_553 = arith.index_cast %parallel_loop3A_380 : i32 to index
        %parallel_loop3A_554 = arith.constant 64 : index
        %parallel_loop3A_555 = tpu.vector_load %arg18[%parallel_loop3A_553, %parallel_loop3A_554] {strides = array<i32>} : memref<64x128xf32, #tpu.memory_space<vmem>>, vector<1x16xf32>,
        %parallel_loop3A_556 = vector.shape_cast %parallel_loop3A_555 : vector<1x16xf32> to vector<16xf32>
        %parallel_loop3A_557 = vector.shape_cast %parallel_loop3A_552 : vector<16xf32> to vector<1x16xf32>
        tpu.vector_store %arg18[%parallel_loop3A_553, %parallel_loop3A_554], %parallel_loop3A_557 {strides = array<i32>} : memref<64x128xf32, #tpu.memory_space<vmem>>, vector<1x16xf32>,
        %parallel_loop3A_558 = arith.addf %parallel_loop3A_447, %parallel_loop3A_479 : vector<16xf32>
        %parallel_loop3A_559 = arith.mulf %parallel_loop3A_423, %get3A_43 : vector<16xf32>
        %parallel_loop3A_560 = arith.addf %parallel_loop3A_558, %parallel_loop3A_559 : vector<16xf32>
        %parallel_loop3A_561 = arith.constant -1.000000e+00 : f32
        %parallel_loop3A_562 = vector.broadcast %parallel_loop3A_561 : f32 to vector<16xf32>
        %parallel_loop3A_563 = arith.maximumf %parallel_loop3A_560, %parallel_loop3A_562 : vector<16xf32>
        %parallel_loop3A_564 = arith.constant 1.000000e+00 : f32
        %parallel_loop3A_565 = vector.broadcast %parallel_loop3A_564 : f32 to vector<16xf32>
        %parallel_loop3A_566 = arith.minimumf %parallel_loop3A_563, %parallel_loop3A_565 : vector<16xf32>
        %parallel_loop3A_567 = arith.index_cast %parallel_loop3A_380 : i32 to index
        %parallel_loop3A_568 = arith.constant 80 : index
        %parallel_loop3A_569 = tpu.vector_load %arg18[%parallel_loop3A_567, %parallel_loop3A_568] {strides = array<i32>} : memref<64x128xf32, #tpu.memory_space<vmem>>, vector<1x16xf32>,
        %parallel_loop3A_570 = vector.shape_cast %parallel_loop3A_569 : vector<1x16xf32> to vector<16xf32>
        %parallel_loop3A_571 = vector.shape_cast %parallel_loop3A_566 : vector<16xf32> to vector<1x16xf32>
        tpu.vector_store %arg18[%parallel_loop3A_567, %parallel_loop3A_568], %parallel_loop3A_571 {strides = array<i32>} : memref<64x128xf32, #tpu.memory_space<vmem>>, vector<1x16xf32>,
        %parallel_loop3A_572 = arith.addf %parallel_loop3A_451, %parallel_loop3A_483 : vector<16xf32>
        %parallel_loop3A_573 = arith.mulf %parallel_loop3A_423, %get3A_46 : vector<16xf32>
        %parallel_loop3A_574 = arith.addf %parallel_loop3A_572, %parallel_loop3A_573 : vector<16xf32>
        %parallel_loop3A_575 = arith.constant -1.000000e+00 : f32
        %parallel_loop3A_576 = vector.broadcast %parallel_loop3A_575 : f32 to vector<16xf32>
        %parallel_loop3A_577 = arith.maximumf %parallel_loop3A_574, %parallel_loop3A_576 : vector<16xf32>
        %parallel_loop3A_578 = arith.constant 1.000000e+00 : f32
        %parallel_loop3A_579 = vector.broadcast %parallel_loop3A_578 : f32 to vector<16xf32>
        %parallel_loop3A_580 = arith.minimumf %parallel_loop3A_577, %parallel_loop3A_579 : vector<16xf32>
        %parallel_loop3A_581 = arith.index_cast %parallel_loop3A_380 : i32 to index
        %parallel_loop3A_582 = arith.constant 96 : index
        %parallel_loop3A_583 = tpu.vector_load %arg18[%parallel_loop3A_581, %parallel_loop3A_582] {strides = array<i32>} : memref<64x128xf32, #tpu.memory_space<vmem>>, vector<1x16xf32>,
        %parallel_loop3A_584 = vector.shape_cast %parallel_loop3A_583 : vector<1x16xf32> to vector<16xf32>
        %parallel_loop3A_585 = vector.shape_cast %parallel_loop3A_580 : vector<16xf32> to vector<1x16xf32>
        tpu.vector_store %arg18[%parallel_loop3A_581, %parallel_loop3A_582], %parallel_loop3A_585 {strides = array<i32>} : memref<64x128xf32, #tpu.memory_space<vmem>>, vector<1x16xf32>,
        %parallel_loop3A_586 = arith.addf %parallel_loop3A_455, %parallel_loop3A_487 : vector<16xf32>
        %parallel_loop3A_587 = arith.mulf %parallel_loop3A_423, %get3A_49 : vector<16xf32>
        %parallel_loop3A_588 = arith.addf %parallel_loop3A_586, %parallel_loop3A_587 : vector<16xf32>
        %parallel_loop3A_589 = arith.constant -1.000000e+00 : f32
        %parallel_loop3A_590 = vector.broadcast %parallel_loop3A_589 : f32 to vector<16xf32>
        %parallel_loop3A_591 = arith.maximumf %parallel_loop3A_588, %parallel_loop3A_590 : vector<16xf32>
        %parallel_loop3A_592 = arith.constant 1.000000e+00 : f32
        %parallel_loop3A_593 = vector.broadcast %parallel_loop3A_592 : f32 to vector<16xf32>
        %parallel_loop3A_594 = arith.minimumf %parallel_loop3A_591, %parallel_loop3A_593 : vector<16xf32>
        %parallel_loop3A_595 = arith.index_cast %parallel_loop3A_380 : i32 to index
        %parallel_loop3A_596 = arith.constant 112 : index
        %parallel_loop3A_597 = tpu.vector_load %arg18[%parallel_loop3A_595, %parallel_loop3A_596] {strides = array<i32>} : memref<64x128xf32, #tpu.memory_space<vmem>>, vector<1x16xf32>,
        %parallel_loop3A_598 = vector.shape_cast %parallel_loop3A_597 : vector<1x16xf32> to vector<16xf32>
        %parallel_loop3A_599 = vector.shape_cast %parallel_loop3A_594 : vector<16xf32> to vector<1x16xf32>
        tpu.vector_store %arg18[%parallel_loop3A_595, %parallel_loop3A_596], %parallel_loop3A_599 {strides = array<i32>} : memref<64x128xf32, #tpu.memory_space<vmem>>, vector<1x16xf32>,
      } {sc.loop_unroll_factor = 2 : i64, sc.parallel_access}
      %mul3A_255 = arith.constant 64 : i32
      %mul3A_256 = arith.muli %add3A_235, %mul3A_255 : i32
      %add3A_257 = arith.addi %mul3A_2, %mul3A_256 : i32
      %dma_start3A_258 = arith.constant 0 : i32
      %dma_start3A_259 = tpu.memref_slice %arg7[%add3A_257, %dma_start3A_258] : memref<204800x128xf32, #tpu.memory_space<hbm>> -> memref<64x128xf32, #tpu.memory_space<hbm>>
      %dma_start3A_260 = arith.constant 0 : i32
      %dma_start3A_261 = tpu.memref_slice %arg7[%add3A_257, %dma_start3A_260] : memref<204800x128xf32, #tpu.memory_space<hbm>> -> memref<64x128xf32, #tpu.memory_space<hbm>>
      tpu.enqueue_dma source(%arg18 : memref<64x128xf32, #tpu.memory_space<vmem>>) target(%dma_start3A_261 : memref<64x128xf32, #tpu.memory_space<hbm>>) target_semaphore(%arg28 : memref<!tpu.dma_semaphore, #tpu.memory_space<semaphore_mem>>)
      %add3A_262 = arith.constant 5 : i32
      %add3A_263 = arith.addi %add3A_235, %add3A_262 : i32
      %lt3A_264 = arith.constant 100 : i32
      %lt3A_265 = arith.cmpi slt, %add3A_263, %lt3A_264 : i32
      %convert_element_type3A_266 = arith.extui %lt3A_265 : i1 to i32
      %cond3A_267 = arith.constant 0 : i32
      %cond3A_268 = arith.cmpi ne, %convert_element_type3A_266, %cond3A_267 : i32
      scf.if %cond3A_268 {
        %add3A_380 = arith.constant 5 : i32
        %add3A_381 = arith.addi %add3A_235, %add3A_380 : i32
        %mul3A_382 = arith.constant 64 : i32
        %mul3A_383 = arith.muli %add3A_381, %mul3A_382 : i32
        %dma_start3A_384 = tpu.memref_slice %arg8[%mul3A_383] : memref<6400xi32, #tpu.memory_space<vmem>> -> memref<64xi32, #tpu.memory_space<vmem>>
        %dma_start3A_385 = arith.constant 0 : i32
        %dma_start3A_386 = arith.constant 0 : i32
        %dma_start3A_387 = tpu.memref_slice %arg4[%dma_start3A_385, %dma_start3A_386] : memref<100000x128xf32, #tpu.memory_space<hbm>> -> memref<100000x128xf32, #tpu.memory_space<hbm>>
        tpu.enqueue_indirect_dma source(%dma_start3A_387 : memref<100000x128xf32, #tpu.memory_space<hbm>>) target(%arg13 : memref<64x128xf32, #tpu.memory_space<vmem>>) offsets(%dma_start3A_384 : memref<64xi32, #tpu.memory_space<vmem>>) semaphore(%arg23 : memref<!tpu.dma_semaphore, #tpu.memory_space<semaphore_mem>>)
      } else {
      }
      %mul3A_269 = arith.constant 5 : i32
      %mul3A_270 = arith.muli %mul3A_269, %scan3A_197 : i32
      %add3A_271 = arith.constant 2 : i32
      %add3A_272 = arith.addi %mul3A_270, %add3A_271 : i32
      %dma_wait3A_273 = arith.constant 0 : i32
      %dma_wait3A_274 = arith.constant 0 : i32
      %dma_wait3A_275 = tpu.memref_slice %arg4[%dma_wait3A_273, %dma_wait3A_274] : memref<100000x128xf32, #tpu.memory_space<hbm>> -> memref<64x128xf32, #tpu.memory_space<hbm>>
      %dma_wait3A_276 = arith.constant 0 : i32
      %dma_wait3A_277 = arith.constant 0 : i32
      %dma_wait3A_278 = tpu.memref_slice %arg4[%dma_wait3A_276, %dma_wait3A_277] : memref<100000x128xf32, #tpu.memory_space<hbm>> -> memref<64x128xf32, #tpu.memory_space<hbm>>
      tpu.wait_dma2 semaphore(%arg24 : memref<!tpu.dma_semaphore, #tpu.memory_space<semaphore_mem>>) src(%dma_wait3A_278 : memref<64x128xf32, #tpu.memory_space<hbm>>) dst(%arg14 : memref<64x128xf32, #tpu.memory_space<vmem>>)
      %dma_wait3A_279 = arith.constant 0 : i32
      %dma_wait3A_280 = arith.constant 0 : i32
      %dma_wait3A_281 = tpu.memref_slice %arg7[%dma_wait3A_279, %dma_wait3A_280] : memref<204800x128xf32, #tpu.memory_space<hbm>> -> memref<64x128xf32, #tpu.memory_space<hbm>>
      %dma_wait3A_282 = arith.constant 0 : i32
      %dma_wait3A_283 = arith.constant 0 : i32
      %dma_wait3A_284 = tpu.memref_slice %arg7[%dma_wait3A_282, %dma_wait3A_283] : memref<204800x128xf32, #tpu.memory_space<hbm>> -> memref<64x128xf32, #tpu.memory_space<hbm>>
      tpu.wait_dma2 semaphore(%arg29 : memref<!tpu.dma_semaphore, #tpu.memory_space<semaphore_mem>>) src(%arg19 : memref<64x128xf32, #tpu.memory_space<vmem>>) dst(%dma_wait3A_284 : memref<64x128xf32, #tpu.memory_space<hbm>>)
      %mul3A_285 = arith.constant 64 : i32
      %mul3A_286 = arith.muli %add3A_272, %mul3A_285 : i32
      %rem3A_287 = arith.constant 200 : i32
      %rem3A_288 = arith.remsi %mul3A_286, %rem3A_287 : i32
      %parallel_loop3A_289 = arith.constant 0 : i32
      %parallel_loop3A_290 = arith.constant 64 : i32
      %parallel_loop3A_291 = arith.constant 1 : i32
      scf.for %parallel_loop3A_380 = %parallel_loop3A_289 to %parallel_loop3A_290 step %parallel_loop3A_291  : i32 {
        %parallel_loop3A_381 = arith.addi %rem3A_288, %parallel_loop3A_380 : i32
        %parallel_loop3A_382 = arith.constant 200 : i32
        %parallel_loop3A_383 = arith.cmpi sge, %parallel_loop3A_381, %parallel_loop3A_382 : i32
        %parallel_loop3A_384 = arith.constant 200 : i32
        %parallel_loop3A_385 = arith.subi %parallel_loop3A_381, %parallel_loop3A_384 : i32
        %parallel_loop3A_386 = arith.select %parallel_loop3A_383, %parallel_loop3A_385, %parallel_loop3A_381 : i32
        %parallel_loop3A_387 = arith.constant 16 : i32
        %parallel_loop3A_388 = arith.divsi %parallel_loop3A_380, %parallel_loop3A_387 : i32
        %parallel_loop3A_389 = arith.constant 0 : i32
        %parallel_loop3A_390 = arith.cmpi sgt, %parallel_loop3A_380, %parallel_loop3A_389 : i32
        %parallel_loop3A_391 = arith.extui %parallel_loop3A_390 : i1 to i32
        %parallel_loop3A_392 = arith.constant 0 : i32
        %parallel_loop3A_393 = arith.cmpi slt, %parallel_loop3A_380, %parallel_loop3A_392 : i32
        %parallel_loop3A_394 = arith.extui %parallel_loop3A_393 : i1 to i32
        %parallel_loop3A_395 = arith.subi %parallel_loop3A_391, %parallel_loop3A_394 : i32
        %parallel_loop3A_396 = arith.constant 0 : i32
        %parallel_loop3A_397 = arith.cmpi sgt, %parallel_loop3A_387, %parallel_loop3A_396 : i32
        %parallel_loop3A_398 = arith.extui %parallel_loop3A_397 : i1 to i32
        %parallel_loop3A_399 = arith.constant 0 : i32
        %parallel_loop3A_400 = arith.cmpi slt, %parallel_loop3A_387, %parallel_loop3A_399 : i32
        %parallel_loop3A_401 = arith.extui %parallel_loop3A_400 : i1 to i32
        %parallel_loop3A_402 = arith.subi %parallel_loop3A_398, %parallel_loop3A_401 : i32
        %parallel_loop3A_403 = arith.cmpi ne, %parallel_loop3A_395, %parallel_loop3A_402 : i32
        %parallel_loop3A_404 = arith.remsi %parallel_loop3A_380, %parallel_loop3A_387 : i32
        %parallel_loop3A_405 = arith.constant 0 : i32
        %parallel_loop3A_406 = arith.cmpi ne, %parallel_loop3A_404, %parallel_loop3A_405 : i32
        %parallel_loop3A_407 = arith.andi %parallel_loop3A_403, %parallel_loop3A_406 : i1
        %parallel_loop3A_408 = arith.constant 1 : i32
        %parallel_loop3A_409 = arith.subi %parallel_loop3A_388, %parallel_loop3A_408 : i32
        %parallel_loop3A_410 = arith.select %parallel_loop3A_407, %parallel_loop3A_409, %parallel_loop3A_388 : i32
        %parallel_loop3A_411 = arith.constant 16 : i32
        %parallel_loop3A_412 = arith.muli %parallel_loop3A_410, %parallel_loop3A_411 : i32
        %parallel_loop3A_413 = arith.constant 64 : i32
        %parallel_loop3A_414 = arith.muli %add3A_272, %parallel_loop3A_413 : i32
        %parallel_loop3A_415 = arith.addi %parallel_loop3A_414, %parallel_loop3A_412 : i32
        %parallel_loop3A_416 = arith.index_cast %parallel_loop3A_415 : i32 to index
        %parallel_loop3A_417 = tpu.vector_load %arg9[%parallel_loop3A_416] {strides = array<i32>} : memref<6400xi32, #tpu.memory_space<vmem>>, vector<16xi32>,
        %parallel_loop3A_418 = vector.shape_cast %parallel_loop3A_417 : vector<16xi32> to vector<16xi32>
        %parallel_loop3A_419 = arith.subi %parallel_loop3A_380, %parallel_loop3A_412 : i32
        %parallel_loop3A_420 = vector.broadcast %parallel_loop3A_419 : i32 to vector<16x1xi32>
        %parallel_loop3A_421 = vector.shape_cast %parallel_loop3A_420 : vector<16x1xi32> to vector<16xi32>
        %parallel_loop3A_422 = tpu.dynamic_gather %parallel_loop3A_418[%parallel_loop3A_421] in [0] : vector<16xi32>, vector<16xi32> -> vector<16xi32>
        %parallel_loop3A_423 = arith.sitofp %parallel_loop3A_422 : vector<16xi32> to vector<16xf32>
        %parallel_loop3A_424 = arith.index_cast %parallel_loop3A_380 : i32 to index
        %parallel_loop3A_425 = arith.constant 0 : index
        %parallel_loop3A_426 = tpu.vector_load %arg14[%parallel_loop3A_424, %parallel_loop3A_425] {strides = array<i32>} : memref<64x128xf32, #tpu.memory_space<vmem>>, vector<1x16xf32>,
        %parallel_loop3A_427 = vector.shape_cast %parallel_loop3A_426 : vector<1x16xf32> to vector<16xf32>
        %parallel_loop3A_428 = arith.index_cast %parallel_loop3A_380 : i32 to index
        %parallel_loop3A_429 = arith.constant 16 : index
        %parallel_loop3A_430 = tpu.vector_load %arg14[%parallel_loop3A_428, %parallel_loop3A_429] {strides = array<i32>} : memref<64x128xf32, #tpu.memory_space<vmem>>, vector<1x16xf32>,
        %parallel_loop3A_431 = vector.shape_cast %parallel_loop3A_430 : vector<1x16xf32> to vector<16xf32>
        %parallel_loop3A_432 = arith.index_cast %parallel_loop3A_380 : i32 to index
        %parallel_loop3A_433 = arith.constant 32 : index
        %parallel_loop3A_434 = tpu.vector_load %arg14[%parallel_loop3A_432, %parallel_loop3A_433] {strides = array<i32>} : memref<64x128xf32, #tpu.memory_space<vmem>>, vector<1x16xf32>,
        %parallel_loop3A_435 = vector.shape_cast %parallel_loop3A_434 : vector<1x16xf32> to vector<16xf32>
        %parallel_loop3A_436 = arith.index_cast %parallel_loop3A_380 : i32 to index
        %parallel_loop3A_437 = arith.constant 48 : index
        %parallel_loop3A_438 = tpu.vector_load %arg14[%parallel_loop3A_436, %parallel_loop3A_437] {strides = array<i32>} : memref<64x128xf32, #tpu.memory_space<vmem>>, vector<1x16xf32>,
        %parallel_loop3A_439 = vector.shape_cast %parallel_loop3A_438 : vector<1x16xf32> to vector<16xf32>
        %parallel_loop3A_440 = arith.index_cast %parallel_loop3A_380 : i32 to index
        %parallel_loop3A_441 = arith.constant 64 : index
        %parallel_loop3A_442 = tpu.vector_load %arg14[%parallel_loop3A_440, %parallel_loop3A_441] {strides = array<i32>} : memref<64x128xf32, #tpu.memory_space<vmem>>, vector<1x16xf32>,
        %parallel_loop3A_443 = vector.shape_cast %parallel_loop3A_442 : vector<1x16xf32> to vector<16xf32>
        %parallel_loop3A_444 = arith.index_cast %parallel_loop3A_380 : i32 to index
        %parallel_loop3A_445 = arith.constant 80 : index
        %parallel_loop3A_446 = tpu.vector_load %arg14[%parallel_loop3A_444, %parallel_loop3A_445] {strides = array<i32>} : memref<64x128xf32, #tpu.memory_space<vmem>>, vector<1x16xf32>,
        %parallel_loop3A_447 = vector.shape_cast %parallel_loop3A_446 : vector<1x16xf32> to vector<16xf32>
        %parallel_loop3A_448 = arith.index_cast %parallel_loop3A_380 : i32 to index
        %parallel_loop3A_449 = arith.constant 96 : index
        %parallel_loop3A_450 = tpu.vector_load %arg14[%parallel_loop3A_448, %parallel_loop3A_449] {strides = array<i32>} : memref<64x128xf32, #tpu.memory_space<vmem>>, vector<1x16xf32>,
        %parallel_loop3A_451 = vector.shape_cast %parallel_loop3A_450 : vector<1x16xf32> to vector<16xf32>
        %parallel_loop3A_452 = arith.index_cast %parallel_loop3A_380 : i32 to index
        %parallel_loop3A_453 = arith.constant 112 : index
        %parallel_loop3A_454 = tpu.vector_load %arg14[%parallel_loop3A_452, %parallel_loop3A_453] {strides = array<i32>} : memref<64x128xf32, #tpu.memory_space<vmem>>, vector<1x16xf32>,
        %parallel_loop3A_455 = vector.shape_cast %parallel_loop3A_454 : vector<1x16xf32> to vector<16xf32>
        %parallel_loop3A_456 = arith.index_cast %parallel_loop3A_386 : i32 to index
        %parallel_loop3A_457 = arith.constant 0 : index
        %parallel_loop3A_458 = tpu.vector_load %arg10[%parallel_loop3A_456, %parallel_loop3A_457] {strides = array<i32>} : memref<200x128xf32, #tpu.memory_space<vmem>>, vector<1x16xf32>,
        %parallel_loop3A_459 = vector.shape_cast %parallel_loop3A_458 : vector<1x16xf32> to vector<16xf32>
        %parallel_loop3A_460 = arith.index_cast %parallel_loop3A_386 : i32 to index
        %parallel_loop3A_461 = arith.constant 16 : index
        %parallel_loop3A_462 = tpu.vector_load %arg10[%parallel_loop3A_460, %parallel_loop3A_461] {strides = array<i32>} : memref<200x128xf32, #tpu.memory_space<vmem>>, vector<1x16xf32>,
        %parallel_loop3A_463 = vector.shape_cast %parallel_loop3A_462 : vector<1x16xf32> to vector<16xf32>
        %parallel_loop3A_464 = arith.index_cast %parallel_loop3A_386 : i32 to index
        %parallel_loop3A_465 = arith.constant 32 : index
        %parallel_loop3A_466 = tpu.vector_load %arg10[%parallel_loop3A_464, %parallel_loop3A_465] {strides = array<i32>} : memref<200x128xf32, #tpu.memory_space<vmem>>, vector<1x16xf32>,
        %parallel_loop3A_467 = vector.shape_cast %parallel_loop3A_466 : vector<1x16xf32> to vector<16xf32>
        %parallel_loop3A_468 = arith.index_cast %parallel_loop3A_386 : i32 to index
        %parallel_loop3A_469 = arith.constant 48 : index
        %parallel_loop3A_470 = tpu.vector_load %arg10[%parallel_loop3A_468, %parallel_loop3A_469] {strides = array<i32>} : memref<200x128xf32, #tpu.memory_space<vmem>>, vector<1x16xf32>,
        %parallel_loop3A_471 = vector.shape_cast %parallel_loop3A_470 : vector<1x16xf32> to vector<16xf32>
        %parallel_loop3A_472 = arith.index_cast %parallel_loop3A_386 : i32 to index
        %parallel_loop3A_473 = arith.constant 64 : index
        %parallel_loop3A_474 = tpu.vector_load %arg10[%parallel_loop3A_472, %parallel_loop3A_473] {strides = array<i32>} : memref<200x128xf32, #tpu.memory_space<vmem>>, vector<1x16xf32>,
        %parallel_loop3A_475 = vector.shape_cast %parallel_loop3A_474 : vector<1x16xf32> to vector<16xf32>
        %parallel_loop3A_476 = arith.index_cast %parallel_loop3A_386 : i32 to index
        %parallel_loop3A_477 = arith.constant 80 : index
        %parallel_loop3A_478 = tpu.vector_load %arg10[%parallel_loop3A_476, %parallel_loop3A_477] {strides = array<i32>} : memref<200x128xf32, #tpu.memory_space<vmem>>, vector<1x16xf32>,
        %parallel_loop3A_479 = vector.shape_cast %parallel_loop3A_478 : vector<1x16xf32> to vector<16xf32>
        %parallel_loop3A_480 = arith.index_cast %parallel_loop3A_386 : i32 to index
        %parallel_loop3A_481 = arith.constant 96 : index
        %parallel_loop3A_482 = tpu.vector_load %arg10[%parallel_loop3A_480, %parallel_loop3A_481] {strides = array<i32>} : memref<200x128xf32, #tpu.memory_space<vmem>>, vector<1x16xf32>,
        %parallel_loop3A_483 = vector.shape_cast %parallel_loop3A_482 : vector<1x16xf32> to vector<16xf32>
        %parallel_loop3A_484 = arith.index_cast %parallel_loop3A_386 : i32 to index
        %parallel_loop3A_485 = arith.constant 112 : index
        %parallel_loop3A_486 = tpu.vector_load %arg10[%parallel_loop3A_484, %parallel_loop3A_485] {strides = array<i32>} : memref<200x128xf32, #tpu.memory_space<vmem>>, vector<1x16xf32>,
        %parallel_loop3A_487 = vector.shape_cast %parallel_loop3A_486 : vector<1x16xf32> to vector<16xf32>
        %parallel_loop3A_488 = arith.addf %parallel_loop3A_427, %parallel_loop3A_459 : vector<16xf32>
        %parallel_loop3A_489 = arith.mulf %parallel_loop3A_423, %get3A_28 : vector<16xf32>
        %parallel_loop3A_490 = arith.addf %parallel_loop3A_488, %parallel_loop3A_489 : vector<16xf32>
        %parallel_loop3A_491 = arith.constant -1.000000e+00 : f32
        %parallel_loop3A_492 = vector.broadcast %parallel_loop3A_491 : f32 to vector<16xf32>
        %parallel_loop3A_493 = arith.maximumf %parallel_loop3A_490, %parallel_loop3A_492 : vector<16xf32>
        %parallel_loop3A_494 = arith.constant 1.000000e+00 : f32
        %parallel_loop3A_495 = vector.broadcast %parallel_loop3A_494 : f32 to vector<16xf32>
        %parallel_loop3A_496 = arith.minimumf %parallel_loop3A_493, %parallel_loop3A_495 : vector<16xf32>
        %parallel_loop3A_497 = arith.index_cast %parallel_loop3A_380 : i32 to index
        %parallel_loop3A_498 = arith.constant 0 : index
        %parallel_loop3A_499 = tpu.vector_load %arg19[%parallel_loop3A_497, %parallel_loop3A_498] {strides = array<i32>} : memref<64x128xf32, #tpu.memory_space<vmem>>, vector<1x16xf32>,
        %parallel_loop3A_500 = vector.shape_cast %parallel_loop3A_499 : vector<1x16xf32> to vector<16xf32>
        %parallel_loop3A_501 = vector.shape_cast %parallel_loop3A_496 : vector<16xf32> to vector<1x16xf32>
        tpu.vector_store %arg19[%parallel_loop3A_497, %parallel_loop3A_498], %parallel_loop3A_501 {strides = array<i32>} : memref<64x128xf32, #tpu.memory_space<vmem>>, vector<1x16xf32>,
        %parallel_loop3A_502 = arith.addf %parallel_loop3A_431, %parallel_loop3A_463 : vector<16xf32>
        %parallel_loop3A_503 = arith.mulf %parallel_loop3A_423, %get3A_31 : vector<16xf32>
        %parallel_loop3A_504 = arith.addf %parallel_loop3A_502, %parallel_loop3A_503 : vector<16xf32>
        %parallel_loop3A_505 = arith.constant -1.000000e+00 : f32
        %parallel_loop3A_506 = vector.broadcast %parallel_loop3A_505 : f32 to vector<16xf32>
        %parallel_loop3A_507 = arith.maximumf %parallel_loop3A_504, %parallel_loop3A_506 : vector<16xf32>
        %parallel_loop3A_508 = arith.constant 1.000000e+00 : f32
        %parallel_loop3A_509 = vector.broadcast %parallel_loop3A_508 : f32 to vector<16xf32>
        %parallel_loop3A_510 = arith.minimumf %parallel_loop3A_507, %parallel_loop3A_509 : vector<16xf32>
        %parallel_loop3A_511 = arith.index_cast %parallel_loop3A_380 : i32 to index
        %parallel_loop3A_512 = arith.constant 16 : index
        %parallel_loop3A_513 = tpu.vector_load %arg19[%parallel_loop3A_511, %parallel_loop3A_512] {strides = array<i32>} : memref<64x128xf32, #tpu.memory_space<vmem>>, vector<1x16xf32>,
        %parallel_loop3A_514 = vector.shape_cast %parallel_loop3A_513 : vector<1x16xf32> to vector<16xf32>
        %parallel_loop3A_515 = vector.shape_cast %parallel_loop3A_510 : vector<16xf32> to vector<1x16xf32>
        tpu.vector_store %arg19[%parallel_loop3A_511, %parallel_loop3A_512], %parallel_loop3A_515 {strides = array<i32>} : memref<64x128xf32, #tpu.memory_space<vmem>>, vector<1x16xf32>,
        %parallel_loop3A_516 = arith.addf %parallel_loop3A_435, %parallel_loop3A_467 : vector<16xf32>
        %parallel_loop3A_517 = arith.mulf %parallel_loop3A_423, %get3A_34 : vector<16xf32>
        %parallel_loop3A_518 = arith.addf %parallel_loop3A_516, %parallel_loop3A_517 : vector<16xf32>
        %parallel_loop3A_519 = arith.constant -1.000000e+00 : f32
        %parallel_loop3A_520 = vector.broadcast %parallel_loop3A_519 : f32 to vector<16xf32>
        %parallel_loop3A_521 = arith.maximumf %parallel_loop3A_518, %parallel_loop3A_520 : vector<16xf32>
        %parallel_loop3A_522 = arith.constant 1.000000e+00 : f32
        %parallel_loop3A_523 = vector.broadcast %parallel_loop3A_522 : f32 to vector<16xf32>
        %parallel_loop3A_524 = arith.minimumf %parallel_loop3A_521, %parallel_loop3A_523 : vector<16xf32>
        %parallel_loop3A_525 = arith.index_cast %parallel_loop3A_380 : i32 to index
        %parallel_loop3A_526 = arith.constant 32 : index
        %parallel_loop3A_527 = tpu.vector_load %arg19[%parallel_loop3A_525, %parallel_loop3A_526] {strides = array<i32>} : memref<64x128xf32, #tpu.memory_space<vmem>>, vector<1x16xf32>,
        %parallel_loop3A_528 = vector.shape_cast %parallel_loop3A_527 : vector<1x16xf32> to vector<16xf32>
        %parallel_loop3A_529 = vector.shape_cast %parallel_loop3A_524 : vector<16xf32> to vector<1x16xf32>
        tpu.vector_store %arg19[%parallel_loop3A_525, %parallel_loop3A_526], %parallel_loop3A_529 {strides = array<i32>} : memref<64x128xf32, #tpu.memory_space<vmem>>, vector<1x16xf32>,
        %parallel_loop3A_530 = arith.addf %parallel_loop3A_439, %parallel_loop3A_471 : vector<16xf32>
        %parallel_loop3A_531 = arith.mulf %parallel_loop3A_423, %get3A_37 : vector<16xf32>
        %parallel_loop3A_532 = arith.addf %parallel_loop3A_530, %parallel_loop3A_531 : vector<16xf32>
        %parallel_loop3A_533 = arith.constant -1.000000e+00 : f32
        %parallel_loop3A_534 = vector.broadcast %parallel_loop3A_533 : f32 to vector<16xf32>
        %parallel_loop3A_535 = arith.maximumf %parallel_loop3A_532, %parallel_loop3A_534 : vector<16xf32>
        %parallel_loop3A_536 = arith.constant 1.000000e+00 : f32
        %parallel_loop3A_537 = vector.broadcast %parallel_loop3A_536 : f32 to vector<16xf32>
        %parallel_loop3A_538 = arith.minimumf %parallel_loop3A_535, %parallel_loop3A_537 : vector<16xf32>
        %parallel_loop3A_539 = arith.index_cast %parallel_loop3A_380 : i32 to index
        %parallel_loop3A_540 = arith.constant 48 : index
        %parallel_loop3A_541 = tpu.vector_load %arg19[%parallel_loop3A_539, %parallel_loop3A_540] {strides = array<i32>} : memref<64x128xf32, #tpu.memory_space<vmem>>, vector<1x16xf32>,
        %parallel_loop3A_542 = vector.shape_cast %parallel_loop3A_541 : vector<1x16xf32> to vector<16xf32>
        %parallel_loop3A_543 = vector.shape_cast %parallel_loop3A_538 : vector<16xf32> to vector<1x16xf32>
        tpu.vector_store %arg19[%parallel_loop3A_539, %parallel_loop3A_540], %parallel_loop3A_543 {strides = array<i32>} : memref<64x128xf32, #tpu.memory_space<vmem>>, vector<1x16xf32>,
        %parallel_loop3A_544 = arith.addf %parallel_loop3A_443, %parallel_loop3A_475 : vector<16xf32>
        %parallel_loop3A_545 = arith.mulf %parallel_loop3A_423, %get3A_40 : vector<16xf32>
        %parallel_loop3A_546 = arith.addf %parallel_loop3A_544, %parallel_loop3A_545 : vector<16xf32>
        %parallel_loop3A_547 = arith.constant -1.000000e+00 : f32
        %parallel_loop3A_548 = vector.broadcast %parallel_loop3A_547 : f32 to vector<16xf32>
        %parallel_loop3A_549 = arith.maximumf %parallel_loop3A_546, %parallel_loop3A_548 : vector<16xf32>
        %parallel_loop3A_550 = arith.constant 1.000000e+00 : f32
        %parallel_loop3A_551 = vector.broadcast %parallel_loop3A_550 : f32 to vector<16xf32>
        %parallel_loop3A_552 = arith.minimumf %parallel_loop3A_549, %parallel_loop3A_551 : vector<16xf32>
        %parallel_loop3A_553 = arith.index_cast %parallel_loop3A_380 : i32 to index
        %parallel_loop3A_554 = arith.constant 64 : index
        %parallel_loop3A_555 = tpu.vector_load %arg19[%parallel_loop3A_553, %parallel_loop3A_554] {strides = array<i32>} : memref<64x128xf32, #tpu.memory_space<vmem>>, vector<1x16xf32>,
        %parallel_loop3A_556 = vector.shape_cast %parallel_loop3A_555 : vector<1x16xf32> to vector<16xf32>
        %parallel_loop3A_557 = vector.shape_cast %parallel_loop3A_552 : vector<16xf32> to vector<1x16xf32>
        tpu.vector_store %arg19[%parallel_loop3A_553, %parallel_loop3A_554], %parallel_loop3A_557 {strides = array<i32>} : memref<64x128xf32, #tpu.memory_space<vmem>>, vector<1x16xf32>,
        %parallel_loop3A_558 = arith.addf %parallel_loop3A_447, %parallel_loop3A_479 : vector<16xf32>
        %parallel_loop3A_559 = arith.mulf %parallel_loop3A_423, %get3A_43 : vector<16xf32>
        %parallel_loop3A_560 = arith.addf %parallel_loop3A_558, %parallel_loop3A_559 : vector<16xf32>
        %parallel_loop3A_561 = arith.constant -1.000000e+00 : f32
        %parallel_loop3A_562 = vector.broadcast %parallel_loop3A_561 : f32 to vector<16xf32>
        %parallel_loop3A_563 = arith.maximumf %parallel_loop3A_560, %parallel_loop3A_562 : vector<16xf32>
        %parallel_loop3A_564 = arith.constant 1.000000e+00 : f32
        %parallel_loop3A_565 = vector.broadcast %parallel_loop3A_564 : f32 to vector<16xf32>
        %parallel_loop3A_566 = arith.minimumf %parallel_loop3A_563, %parallel_loop3A_565 : vector<16xf32>
        %parallel_loop3A_567 = arith.index_cast %parallel_loop3A_380 : i32 to index
        %parallel_loop3A_568 = arith.constant 80 : index
        %parallel_loop3A_569 = tpu.vector_load %arg19[%parallel_loop3A_567, %parallel_loop3A_568] {strides = array<i32>} : memref<64x128xf32, #tpu.memory_space<vmem>>, vector<1x16xf32>,
        %parallel_loop3A_570 = vector.shape_cast %parallel_loop3A_569 : vector<1x16xf32> to vector<16xf32>
        %parallel_loop3A_571 = vector.shape_cast %parallel_loop3A_566 : vector<16xf32> to vector<1x16xf32>
        tpu.vector_store %arg19[%parallel_loop3A_567, %parallel_loop3A_568], %parallel_loop3A_571 {strides = array<i32>} : memref<64x128xf32, #tpu.memory_space<vmem>>, vector<1x16xf32>,
        %parallel_loop3A_572 = arith.addf %parallel_loop3A_451, %parallel_loop3A_483 : vector<16xf32>
        %parallel_loop3A_573 = arith.mulf %parallel_loop3A_423, %get3A_46 : vector<16xf32>
        %parallel_loop3A_574 = arith.addf %parallel_loop3A_572, %parallel_loop3A_573 : vector<16xf32>
        %parallel_loop3A_575 = arith.constant -1.000000e+00 : f32
        %parallel_loop3A_576 = vector.broadcast %parallel_loop3A_575 : f32 to vector<16xf32>
        %parallel_loop3A_577 = arith.maximumf %parallel_loop3A_574, %parallel_loop3A_576 : vector<16xf32>
        %parallel_loop3A_578 = arith.constant 1.000000e+00 : f32
        %parallel_loop3A_579 = vector.broadcast %parallel_loop3A_578 : f32 to vector<16xf32>
        %parallel_loop3A_580 = arith.minimumf %parallel_loop3A_577, %parallel_loop3A_579 : vector<16xf32>
        %parallel_loop3A_581 = arith.index_cast %parallel_loop3A_380 : i32 to index
        %parallel_loop3A_582 = arith.constant 96 : index
        %parallel_loop3A_583 = tpu.vector_load %arg19[%parallel_loop3A_581, %parallel_loop3A_582] {strides = array<i32>} : memref<64x128xf32, #tpu.memory_space<vmem>>, vector<1x16xf32>,
        %parallel_loop3A_584 = vector.shape_cast %parallel_loop3A_583 : vector<1x16xf32> to vector<16xf32>
        %parallel_loop3A_585 = vector.shape_cast %parallel_loop3A_580 : vector<16xf32> to vector<1x16xf32>
        tpu.vector_store %arg19[%parallel_loop3A_581, %parallel_loop3A_582], %parallel_loop3A_585 {strides = array<i32>} : memref<64x128xf32, #tpu.memory_space<vmem>>, vector<1x16xf32>,
        %parallel_loop3A_586 = arith.addf %parallel_loop3A_455, %parallel_loop3A_487 : vector<16xf32>
        %parallel_loop3A_587 = arith.mulf %parallel_loop3A_423, %get3A_49 : vector<16xf32>
        %parallel_loop3A_588 = arith.addf %parallel_loop3A_586, %parallel_loop3A_587 : vector<16xf32>
        %parallel_loop3A_589 = arith.constant -1.000000e+00 : f32
        %parallel_loop3A_590 = vector.broadcast %parallel_loop3A_589 : f32 to vector<16xf32>
        %parallel_loop3A_591 = arith.maximumf %parallel_loop3A_588, %parallel_loop3A_590 : vector<16xf32>
        %parallel_loop3A_592 = arith.constant 1.000000e+00 : f32
        %parallel_loop3A_593 = vector.broadcast %parallel_loop3A_592 : f32 to vector<16xf32>
        %parallel_loop3A_594 = arith.minimumf %parallel_loop3A_591, %parallel_loop3A_593 : vector<16xf32>
        %parallel_loop3A_595 = arith.index_cast %parallel_loop3A_380 : i32 to index
        %parallel_loop3A_596 = arith.constant 112 : index
        %parallel_loop3A_597 = tpu.vector_load %arg19[%parallel_loop3A_595, %parallel_loop3A_596] {strides = array<i32>} : memref<64x128xf32, #tpu.memory_space<vmem>>, vector<1x16xf32>,
        %parallel_loop3A_598 = vector.shape_cast %parallel_loop3A_597 : vector<1x16xf32> to vector<16xf32>
        %parallel_loop3A_599 = vector.shape_cast %parallel_loop3A_594 : vector<16xf32> to vector<1x16xf32>
        tpu.vector_store %arg19[%parallel_loop3A_595, %parallel_loop3A_596], %parallel_loop3A_599 {strides = array<i32>} : memref<64x128xf32, #tpu.memory_space<vmem>>, vector<1x16xf32>,
      } {sc.loop_unroll_factor = 2 : i64, sc.parallel_access}
      %mul3A_292 = arith.constant 64 : i32
      %mul3A_293 = arith.muli %add3A_272, %mul3A_292 : i32
      %add3A_294 = arith.addi %mul3A_2, %mul3A_293 : i32
      %dma_start3A_295 = arith.constant 0 : i32
      %dma_start3A_296 = tpu.memref_slice %arg7[%add3A_294, %dma_start3A_295] : memref<204800x128xf32, #tpu.memory_space<hbm>> -> memref<64x128xf32, #tpu.memory_space<hbm>>
      %dma_start3A_297 = arith.constant 0 : i32
      %dma_start3A_298 = tpu.memref_slice %arg7[%add3A_294, %dma_start3A_297] : memref<204800x128xf32, #tpu.memory_space<hbm>> -> memref<64x128xf32, #tpu.memory_space<hbm>>
      tpu.enqueue_dma source(%arg19 : memref<64x128xf32, #tpu.memory_space<vmem>>) target(%dma_start3A_298 : memref<64x128xf32, #tpu.memory_space<hbm>>) target_semaphore(%arg29 : memref<!tpu.dma_semaphore, #tpu.memory_space<semaphore_mem>>)
      %add3A_299 = arith.constant 5 : i32
      %add3A_300 = arith.addi %add3A_272, %add3A_299 : i32
      %lt3A_301 = arith.constant 100 : i32
      %lt3A_302 = arith.cmpi slt, %add3A_300, %lt3A_301 : i32
      %convert_element_type3A_303 = arith.extui %lt3A_302 : i1 to i32
      %cond3A_304 = arith.constant 0 : i32
      %cond3A_305 = arith.cmpi ne, %convert_element_type3A_303, %cond3A_304 : i32
      scf.if %cond3A_305 {
        %add3A_380 = arith.constant 5 : i32
        %add3A_381 = arith.addi %add3A_272, %add3A_380 : i32
        %mul3A_382 = arith.constant 64 : i32
        %mul3A_383 = arith.muli %add3A_381, %mul3A_382 : i32
        %dma_start3A_384 = tpu.memref_slice %arg8[%mul3A_383] : memref<6400xi32, #tpu.memory_space<vmem>> -> memref<64xi32, #tpu.memory_space<vmem>>
        %dma_start3A_385 = arith.constant 0 : i32
        %dma_start3A_386 = arith.constant 0 : i32
        %dma_start3A_387 = tpu.memref_slice %arg4[%dma_start3A_385, %dma_start3A_386] : memref<100000x128xf32, #tpu.memory_space<hbm>> -> memref<100000x128xf32, #tpu.memory_space<hbm>>
        tpu.enqueue_indirect_dma source(%dma_start3A_387 : memref<100000x128xf32, #tpu.memory_space<hbm>>) target(%arg14 : memref<64x128xf32, #tpu.memory_space<vmem>>) offsets(%dma_start3A_384 : memref<64xi32, #tpu.memory_space<vmem>>) semaphore(%arg24 : memref<!tpu.dma_semaphore, #tpu.memory_space<semaphore_mem>>)
      } else {
      }
      %mul3A_306 = arith.constant 5 : i32
      %mul3A_307 = arith.muli %mul3A_306, %scan3A_197 : i32
      %add3A_308 = arith.constant 3 : i32
      %add3A_309 = arith.addi %mul3A_307, %add3A_308 : i32
      %dma_wait3A_310 = arith.constant 0 : i32
      %dma_wait3A_311 = arith.constant 0 : i32
      %dma_wait3A_312 = tpu.memref_slice %arg4[%dma_wait3A_310, %dma_wait3A_311] : memref<100000x128xf32, #tpu.memory_space<hbm>> -> memref<64x128xf32, #tpu.memory_space<hbm>>
      %dma_wait3A_313 = arith.constant 0 : i32
      %dma_wait3A_314 = arith.constant 0 : i32
      %dma_wait3A_315 = tpu.memref_slice %arg4[%dma_wait3A_313, %dma_wait3A_314] : memref<100000x128xf32, #tpu.memory_space<hbm>> -> memref<64x128xf32, #tpu.memory_space<hbm>>
      tpu.wait_dma2 semaphore(%arg25 : memref<!tpu.dma_semaphore, #tpu.memory_space<semaphore_mem>>) src(%dma_wait3A_315 : memref<64x128xf32, #tpu.memory_space<hbm>>) dst(%arg15 : memref<64x128xf32, #tpu.memory_space<vmem>>)
      %dma_wait3A_316 = arith.constant 0 : i32
      %dma_wait3A_317 = arith.constant 0 : i32
      %dma_wait3A_318 = tpu.memref_slice %arg7[%dma_wait3A_316, %dma_wait3A_317] : memref<204800x128xf32, #tpu.memory_space<hbm>> -> memref<64x128xf32, #tpu.memory_space<hbm>>
      %dma_wait3A_319 = arith.constant 0 : i32
      %dma_wait3A_320 = arith.constant 0 : i32
      %dma_wait3A_321 = tpu.memref_slice %arg7[%dma_wait3A_319, %dma_wait3A_320] : memref<204800x128xf32, #tpu.memory_space<hbm>> -> memref<64x128xf32, #tpu.memory_space<hbm>>
      tpu.wait_dma2 semaphore(%arg30 : memref<!tpu.dma_semaphore, #tpu.memory_space<semaphore_mem>>) src(%arg20 : memref<64x128xf32, #tpu.memory_space<vmem>>) dst(%dma_wait3A_321 : memref<64x128xf32, #tpu.memory_space<hbm>>)
      %mul3A_322 = arith.constant 64 : i32
      %mul3A_323 = arith.muli %add3A_309, %mul3A_322 : i32
      %rem3A_324 = arith.constant 200 : i32
      %rem3A_325 = arith.remsi %mul3A_323, %rem3A_324 : i32
      %parallel_loop3A_326 = arith.constant 0 : i32
      %parallel_loop3A_327 = arith.constant 64 : i32
      %parallel_loop3A_328 = arith.constant 1 : i32
      scf.for %parallel_loop3A_380 = %parallel_loop3A_326 to %parallel_loop3A_327 step %parallel_loop3A_328  : i32 {
        %parallel_loop3A_381 = arith.addi %rem3A_325, %parallel_loop3A_380 : i32
        %parallel_loop3A_382 = arith.constant 200 : i32
        %parallel_loop3A_383 = arith.cmpi sge, %parallel_loop3A_381, %parallel_loop3A_382 : i32
        %parallel_loop3A_384 = arith.constant 200 : i32
        %parallel_loop3A_385 = arith.subi %parallel_loop3A_381, %parallel_loop3A_384 : i32
        %parallel_loop3A_386 = arith.select %parallel_loop3A_383, %parallel_loop3A_385, %parallel_loop3A_381 : i32
        %parallel_loop3A_387 = arith.constant 16 : i32
        %parallel_loop3A_388 = arith.divsi %parallel_loop3A_380, %parallel_loop3A_387 : i32
        %parallel_loop3A_389 = arith.constant 0 : i32
        %parallel_loop3A_390 = arith.cmpi sgt, %parallel_loop3A_380, %parallel_loop3A_389 : i32
        %parallel_loop3A_391 = arith.extui %parallel_loop3A_390 : i1 to i32
        %parallel_loop3A_392 = arith.constant 0 : i32
        %parallel_loop3A_393 = arith.cmpi slt, %parallel_loop3A_380, %parallel_loop3A_392 : i32
        %parallel_loop3A_394 = arith.extui %parallel_loop3A_393 : i1 to i32
        %parallel_loop3A_395 = arith.subi %parallel_loop3A_391, %parallel_loop3A_394 : i32
        %parallel_loop3A_396 = arith.constant 0 : i32
        %parallel_loop3A_397 = arith.cmpi sgt, %parallel_loop3A_387, %parallel_loop3A_396 : i32
        %parallel_loop3A_398 = arith.extui %parallel_loop3A_397 : i1 to i32
        %parallel_loop3A_399 = arith.constant 0 : i32
        %parallel_loop3A_400 = arith.cmpi slt, %parallel_loop3A_387, %parallel_loop3A_399 : i32
        %parallel_loop3A_401 = arith.extui %parallel_loop3A_400 : i1 to i32
        %parallel_loop3A_402 = arith.subi %parallel_loop3A_398, %parallel_loop3A_401 : i32
        %parallel_loop3A_403 = arith.cmpi ne, %parallel_loop3A_395, %parallel_loop3A_402 : i32
        %parallel_loop3A_404 = arith.remsi %parallel_loop3A_380, %parallel_loop3A_387 : i32
        %parallel_loop3A_405 = arith.constant 0 : i32
        %parallel_loop3A_406 = arith.cmpi ne, %parallel_loop3A_404, %parallel_loop3A_405 : i32
        %parallel_loop3A_407 = arith.andi %parallel_loop3A_403, %parallel_loop3A_406 : i1
        %parallel_loop3A_408 = arith.constant 1 : i32
        %parallel_loop3A_409 = arith.subi %parallel_loop3A_388, %parallel_loop3A_408 : i32
        %parallel_loop3A_410 = arith.select %parallel_loop3A_407, %parallel_loop3A_409, %parallel_loop3A_388 : i32
        %parallel_loop3A_411 = arith.constant 16 : i32
        %parallel_loop3A_412 = arith.muli %parallel_loop3A_410, %parallel_loop3A_411 : i32
        %parallel_loop3A_413 = arith.constant 64 : i32
        %parallel_loop3A_414 = arith.muli %add3A_309, %parallel_loop3A_413 : i32
        %parallel_loop3A_415 = arith.addi %parallel_loop3A_414, %parallel_loop3A_412 : i32
        %parallel_loop3A_416 = arith.index_cast %parallel_loop3A_415 : i32 to index
        %parallel_loop3A_417 = tpu.vector_load %arg9[%parallel_loop3A_416] {strides = array<i32>} : memref<6400xi32, #tpu.memory_space<vmem>>, vector<16xi32>,
        %parallel_loop3A_418 = vector.shape_cast %parallel_loop3A_417 : vector<16xi32> to vector<16xi32>
        %parallel_loop3A_419 = arith.subi %parallel_loop3A_380, %parallel_loop3A_412 : i32
        %parallel_loop3A_420 = vector.broadcast %parallel_loop3A_419 : i32 to vector<16x1xi32>
        %parallel_loop3A_421 = vector.shape_cast %parallel_loop3A_420 : vector<16x1xi32> to vector<16xi32>
        %parallel_loop3A_422 = tpu.dynamic_gather %parallel_loop3A_418[%parallel_loop3A_421] in [0] : vector<16xi32>, vector<16xi32> -> vector<16xi32>
        %parallel_loop3A_423 = arith.sitofp %parallel_loop3A_422 : vector<16xi32> to vector<16xf32>
        %parallel_loop3A_424 = arith.index_cast %parallel_loop3A_380 : i32 to index
        %parallel_loop3A_425 = arith.constant 0 : index
        %parallel_loop3A_426 = tpu.vector_load %arg15[%parallel_loop3A_424, %parallel_loop3A_425] {strides = array<i32>} : memref<64x128xf32, #tpu.memory_space<vmem>>, vector<1x16xf32>,
        %parallel_loop3A_427 = vector.shape_cast %parallel_loop3A_426 : vector<1x16xf32> to vector<16xf32>
        %parallel_loop3A_428 = arith.index_cast %parallel_loop3A_380 : i32 to index
        %parallel_loop3A_429 = arith.constant 16 : index
        %parallel_loop3A_430 = tpu.vector_load %arg15[%parallel_loop3A_428, %parallel_loop3A_429] {strides = array<i32>} : memref<64x128xf32, #tpu.memory_space<vmem>>, vector<1x16xf32>,
        %parallel_loop3A_431 = vector.shape_cast %parallel_loop3A_430 : vector<1x16xf32> to vector<16xf32>
        %parallel_loop3A_432 = arith.index_cast %parallel_loop3A_380 : i32 to index
        %parallel_loop3A_433 = arith.constant 32 : index
        %parallel_loop3A_434 = tpu.vector_load %arg15[%parallel_loop3A_432, %parallel_loop3A_433] {strides = array<i32>} : memref<64x128xf32, #tpu.memory_space<vmem>>, vector<1x16xf32>,
        %parallel_loop3A_435 = vector.shape_cast %parallel_loop3A_434 : vector<1x16xf32> to vector<16xf32>
        %parallel_loop3A_436 = arith.index_cast %parallel_loop3A_380 : i32 to index
        %parallel_loop3A_437 = arith.constant 48 : index
        %parallel_loop3A_438 = tpu.vector_load %arg15[%parallel_loop3A_436, %parallel_loop3A_437] {strides = array<i32>} : memref<64x128xf32, #tpu.memory_space<vmem>>, vector<1x16xf32>,
        %parallel_loop3A_439 = vector.shape_cast %parallel_loop3A_438 : vector<1x16xf32> to vector<16xf32>
        %parallel_loop3A_440 = arith.index_cast %parallel_loop3A_380 : i32 to index
        %parallel_loop3A_441 = arith.constant 64 : index
        %parallel_loop3A_442 = tpu.vector_load %arg15[%parallel_loop3A_440, %parallel_loop3A_441] {strides = array<i32>} : memref<64x128xf32, #tpu.memory_space<vmem>>, vector<1x16xf32>,
        %parallel_loop3A_443 = vector.shape_cast %parallel_loop3A_442 : vector<1x16xf32> to vector<16xf32>
        %parallel_loop3A_444 = arith.index_cast %parallel_loop3A_380 : i32 to index
        %parallel_loop3A_445 = arith.constant 80 : index
        %parallel_loop3A_446 = tpu.vector_load %arg15[%parallel_loop3A_444, %parallel_loop3A_445] {strides = array<i32>} : memref<64x128xf32, #tpu.memory_space<vmem>>, vector<1x16xf32>,
        %parallel_loop3A_447 = vector.shape_cast %parallel_loop3A_446 : vector<1x16xf32> to vector<16xf32>
        %parallel_loop3A_448 = arith.index_cast %parallel_loop3A_380 : i32 to index
        %parallel_loop3A_449 = arith.constant 96 : index
        %parallel_loop3A_450 = tpu.vector_load %arg15[%parallel_loop3A_448, %parallel_loop3A_449] {strides = array<i32>} : memref<64x128xf32, #tpu.memory_space<vmem>>, vector<1x16xf32>,
        %parallel_loop3A_451 = vector.shape_cast %parallel_loop3A_450 : vector<1x16xf32> to vector<16xf32>
        %parallel_loop3A_452 = arith.index_cast %parallel_loop3A_380 : i32 to index
        %parallel_loop3A_453 = arith.constant 112 : index
        %parallel_loop3A_454 = tpu.vector_load %arg15[%parallel_loop3A_452, %parallel_loop3A_453] {strides = array<i32>} : memref<64x128xf32, #tpu.memory_space<vmem>>, vector<1x16xf32>,
        %parallel_loop3A_455 = vector.shape_cast %parallel_loop3A_454 : vector<1x16xf32> to vector<16xf32>
        %parallel_loop3A_456 = arith.index_cast %parallel_loop3A_386 : i32 to index
        %parallel_loop3A_457 = arith.constant 0 : index
        %parallel_loop3A_458 = tpu.vector_load %arg10[%parallel_loop3A_456, %parallel_loop3A_457] {strides = array<i32>} : memref<200x128xf32, #tpu.memory_space<vmem>>, vector<1x16xf32>,
        %parallel_loop3A_459 = vector.shape_cast %parallel_loop3A_458 : vector<1x16xf32> to vector<16xf32>
        %parallel_loop3A_460 = arith.index_cast %parallel_loop3A_386 : i32 to index
        %parallel_loop3A_461 = arith.constant 16 : index
        %parallel_loop3A_462 = tpu.vector_load %arg10[%parallel_loop3A_460, %parallel_loop3A_461] {strides = array<i32>} : memref<200x128xf32, #tpu.memory_space<vmem>>, vector<1x16xf32>,
        %parallel_loop3A_463 = vector.shape_cast %parallel_loop3A_462 : vector<1x16xf32> to vector<16xf32>
        %parallel_loop3A_464 = arith.index_cast %parallel_loop3A_386 : i32 to index
        %parallel_loop3A_465 = arith.constant 32 : index
        %parallel_loop3A_466 = tpu.vector_load %arg10[%parallel_loop3A_464, %parallel_loop3A_465] {strides = array<i32>} : memref<200x128xf32, #tpu.memory_space<vmem>>, vector<1x16xf32>,
        %parallel_loop3A_467 = vector.shape_cast %parallel_loop3A_466 : vector<1x16xf32> to vector<16xf32>
        %parallel_loop3A_468 = arith.index_cast %parallel_loop3A_386 : i32 to index
        %parallel_loop3A_469 = arith.constant 48 : index
        %parallel_loop3A_470 = tpu.vector_load %arg10[%parallel_loop3A_468, %parallel_loop3A_469] {strides = array<i32>} : memref<200x128xf32, #tpu.memory_space<vmem>>, vector<1x16xf32>,
        %parallel_loop3A_471 = vector.shape_cast %parallel_loop3A_470 : vector<1x16xf32> to vector<16xf32>
        %parallel_loop3A_472 = arith.index_cast %parallel_loop3A_386 : i32 to index
        %parallel_loop3A_473 = arith.constant 64 : index
        %parallel_loop3A_474 = tpu.vector_load %arg10[%parallel_loop3A_472, %parallel_loop3A_473] {strides = array<i32>} : memref<200x128xf32, #tpu.memory_space<vmem>>, vector<1x16xf32>,
        %parallel_loop3A_475 = vector.shape_cast %parallel_loop3A_474 : vector<1x16xf32> to vector<16xf32>
        %parallel_loop3A_476 = arith.index_cast %parallel_loop3A_386 : i32 to index
        %parallel_loop3A_477 = arith.constant 80 : index
        %parallel_loop3A_478 = tpu.vector_load %arg10[%parallel_loop3A_476, %parallel_loop3A_477] {strides = array<i32>} : memref<200x128xf32, #tpu.memory_space<vmem>>, vector<1x16xf32>,
        %parallel_loop3A_479 = vector.shape_cast %parallel_loop3A_478 : vector<1x16xf32> to vector<16xf32>
        %parallel_loop3A_480 = arith.index_cast %parallel_loop3A_386 : i32 to index
        %parallel_loop3A_481 = arith.constant 96 : index
        %parallel_loop3A_482 = tpu.vector_load %arg10[%parallel_loop3A_480, %parallel_loop3A_481] {strides = array<i32>} : memref<200x128xf32, #tpu.memory_space<vmem>>, vector<1x16xf32>,
        %parallel_loop3A_483 = vector.shape_cast %parallel_loop3A_482 : vector<1x16xf32> to vector<16xf32>
        %parallel_loop3A_484 = arith.index_cast %parallel_loop3A_386 : i32 to index
        %parallel_loop3A_485 = arith.constant 112 : index
        %parallel_loop3A_486 = tpu.vector_load %arg10[%parallel_loop3A_484, %parallel_loop3A_485] {strides = array<i32>} : memref<200x128xf32, #tpu.memory_space<vmem>>, vector<1x16xf32>,
        %parallel_loop3A_487 = vector.shape_cast %parallel_loop3A_486 : vector<1x16xf32> to vector<16xf32>
        %parallel_loop3A_488 = arith.addf %parallel_loop3A_427, %parallel_loop3A_459 : vector<16xf32>
        %parallel_loop3A_489 = arith.mulf %parallel_loop3A_423, %get3A_28 : vector<16xf32>
        %parallel_loop3A_490 = arith.addf %parallel_loop3A_488, %parallel_loop3A_489 : vector<16xf32>
        %parallel_loop3A_491 = arith.constant -1.000000e+00 : f32
        %parallel_loop3A_492 = vector.broadcast %parallel_loop3A_491 : f32 to vector<16xf32>
        %parallel_loop3A_493 = arith.maximumf %parallel_loop3A_490, %parallel_loop3A_492 : vector<16xf32>
        %parallel_loop3A_494 = arith.constant 1.000000e+00 : f32
        %parallel_loop3A_495 = vector.broadcast %parallel_loop3A_494 : f32 to vector<16xf32>
        %parallel_loop3A_496 = arith.minimumf %parallel_loop3A_493, %parallel_loop3A_495 : vector<16xf32>
        %parallel_loop3A_497 = arith.index_cast %parallel_loop3A_380 : i32 to index
        %parallel_loop3A_498 = arith.constant 0 : index
        %parallel_loop3A_499 = tpu.vector_load %arg20[%parallel_loop3A_497, %parallel_loop3A_498] {strides = array<i32>} : memref<64x128xf32, #tpu.memory_space<vmem>>, vector<1x16xf32>,
        %parallel_loop3A_500 = vector.shape_cast %parallel_loop3A_499 : vector<1x16xf32> to vector<16xf32>
        %parallel_loop3A_501 = vector.shape_cast %parallel_loop3A_496 : vector<16xf32> to vector<1x16xf32>
        tpu.vector_store %arg20[%parallel_loop3A_497, %parallel_loop3A_498], %parallel_loop3A_501 {strides = array<i32>} : memref<64x128xf32, #tpu.memory_space<vmem>>, vector<1x16xf32>,
        %parallel_loop3A_502 = arith.addf %parallel_loop3A_431, %parallel_loop3A_463 : vector<16xf32>
        %parallel_loop3A_503 = arith.mulf %parallel_loop3A_423, %get3A_31 : vector<16xf32>
        %parallel_loop3A_504 = arith.addf %parallel_loop3A_502, %parallel_loop3A_503 : vector<16xf32>
        %parallel_loop3A_505 = arith.constant -1.000000e+00 : f32
        %parallel_loop3A_506 = vector.broadcast %parallel_loop3A_505 : f32 to vector<16xf32>
        %parallel_loop3A_507 = arith.maximumf %parallel_loop3A_504, %parallel_loop3A_506 : vector<16xf32>
        %parallel_loop3A_508 = arith.constant 1.000000e+00 : f32
        %parallel_loop3A_509 = vector.broadcast %parallel_loop3A_508 : f32 to vector<16xf32>
        %parallel_loop3A_510 = arith.minimumf %parallel_loop3A_507, %parallel_loop3A_509 : vector<16xf32>
        %parallel_loop3A_511 = arith.index_cast %parallel_loop3A_380 : i32 to index
        %parallel_loop3A_512 = arith.constant 16 : index
        %parallel_loop3A_513 = tpu.vector_load %arg20[%parallel_loop3A_511, %parallel_loop3A_512] {strides = array<i32>} : memref<64x128xf32, #tpu.memory_space<vmem>>, vector<1x16xf32>,
        %parallel_loop3A_514 = vector.shape_cast %parallel_loop3A_513 : vector<1x16xf32> to vector<16xf32>
        %parallel_loop3A_515 = vector.shape_cast %parallel_loop3A_510 : vector<16xf32> to vector<1x16xf32>
        tpu.vector_store %arg20[%parallel_loop3A_511, %parallel_loop3A_512], %parallel_loop3A_515 {strides = array<i32>} : memref<64x128xf32, #tpu.memory_space<vmem>>, vector<1x16xf32>,
        %parallel_loop3A_516 = arith.addf %parallel_loop3A_435, %parallel_loop3A_467 : vector<16xf32>
        %parallel_loop3A_517 = arith.mulf %parallel_loop3A_423, %get3A_34 : vector<16xf32>
        %parallel_loop3A_518 = arith.addf %parallel_loop3A_516, %parallel_loop3A_517 : vector<16xf32>
        %parallel_loop3A_519 = arith.constant -1.000000e+00 : f32
        %parallel_loop3A_520 = vector.broadcast %parallel_loop3A_519 : f32 to vector<16xf32>
        %parallel_loop3A_521 = arith.maximumf %parallel_loop3A_518, %parallel_loop3A_520 : vector<16xf32>
        %parallel_loop3A_522 = arith.constant 1.000000e+00 : f32
        %parallel_loop3A_523 = vector.broadcast %parallel_loop3A_522 : f32 to vector<16xf32>
        %parallel_loop3A_524 = arith.minimumf %parallel_loop3A_521, %parallel_loop3A_523 : vector<16xf32>
        %parallel_loop3A_525 = arith.index_cast %parallel_loop3A_380 : i32 to index
        %parallel_loop3A_526 = arith.constant 32 : index
        %parallel_loop3A_527 = tpu.vector_load %arg20[%parallel_loop3A_525, %parallel_loop3A_526] {strides = array<i32>} : memref<64x128xf32, #tpu.memory_space<vmem>>, vector<1x16xf32>,
        %parallel_loop3A_528 = vector.shape_cast %parallel_loop3A_527 : vector<1x16xf32> to vector<16xf32>
        %parallel_loop3A_529 = vector.shape_cast %parallel_loop3A_524 : vector<16xf32> to vector<1x16xf32>
        tpu.vector_store %arg20[%parallel_loop3A_525, %parallel_loop3A_526], %parallel_loop3A_529 {strides = array<i32>} : memref<64x128xf32, #tpu.memory_space<vmem>>, vector<1x16xf32>,
        %parallel_loop3A_530 = arith.addf %parallel_loop3A_439, %parallel_loop3A_471 : vector<16xf32>
        %parallel_loop3A_531 = arith.mulf %parallel_loop3A_423, %get3A_37 : vector<16xf32>
        %parallel_loop3A_532 = arith.addf %parallel_loop3A_530, %parallel_loop3A_531 : vector<16xf32>
        %parallel_loop3A_533 = arith.constant -1.000000e+00 : f32
        %parallel_loop3A_534 = vector.broadcast %parallel_loop3A_533 : f32 to vector<16xf32>
        %parallel_loop3A_535 = arith.maximumf %parallel_loop3A_532, %parallel_loop3A_534 : vector<16xf32>
        %parallel_loop3A_536 = arith.constant 1.000000e+00 : f32
        %parallel_loop3A_537 = vector.broadcast %parallel_loop3A_536 : f32 to vector<16xf32>
        %parallel_loop3A_538 = arith.minimumf %parallel_loop3A_535, %parallel_loop3A_537 : vector<16xf32>
        %parallel_loop3A_539 = arith.index_cast %parallel_loop3A_380 : i32 to index
        %parallel_loop3A_540 = arith.constant 48 : index
        %parallel_loop3A_541 = tpu.vector_load %arg20[%parallel_loop3A_539, %parallel_loop3A_540] {strides = array<i32>} : memref<64x128xf32, #tpu.memory_space<vmem>>, vector<1x16xf32>,
        %parallel_loop3A_542 = vector.shape_cast %parallel_loop3A_541 : vector<1x16xf32> to vector<16xf32>
        %parallel_loop3A_543 = vector.shape_cast %parallel_loop3A_538 : vector<16xf32> to vector<1x16xf32>
        tpu.vector_store %arg20[%parallel_loop3A_539, %parallel_loop3A_540], %parallel_loop3A_543 {strides = array<i32>} : memref<64x128xf32, #tpu.memory_space<vmem>>, vector<1x16xf32>,
        %parallel_loop3A_544 = arith.addf %parallel_loop3A_443, %parallel_loop3A_475 : vector<16xf32>
        %parallel_loop3A_545 = arith.mulf %parallel_loop3A_423, %get3A_40 : vector<16xf32>
        %parallel_loop3A_546 = arith.addf %parallel_loop3A_544, %parallel_loop3A_545 : vector<16xf32>
        %parallel_loop3A_547 = arith.constant -1.000000e+00 : f32
        %parallel_loop3A_548 = vector.broadcast %parallel_loop3A_547 : f32 to vector<16xf32>
        %parallel_loop3A_549 = arith.maximumf %parallel_loop3A_546, %parallel_loop3A_548 : vector<16xf32>
        %parallel_loop3A_550 = arith.constant 1.000000e+00 : f32
        %parallel_loop3A_551 = vector.broadcast %parallel_loop3A_550 : f32 to vector<16xf32>
        %parallel_loop3A_552 = arith.minimumf %parallel_loop3A_549, %parallel_loop3A_551 : vector<16xf32>
        %parallel_loop3A_553 = arith.index_cast %parallel_loop3A_380 : i32 to index
        %parallel_loop3A_554 = arith.constant 64 : index
        %parallel_loop3A_555 = tpu.vector_load %arg20[%parallel_loop3A_553, %parallel_loop3A_554] {strides = array<i32>} : memref<64x128xf32, #tpu.memory_space<vmem>>, vector<1x16xf32>,
        %parallel_loop3A_556 = vector.shape_cast %parallel_loop3A_555 : vector<1x16xf32> to vector<16xf32>
        %parallel_loop3A_557 = vector.shape_cast %parallel_loop3A_552 : vector<16xf32> to vector<1x16xf32>
        tpu.vector_store %arg20[%parallel_loop3A_553, %parallel_loop3A_554], %parallel_loop3A_557 {strides = array<i32>} : memref<64x128xf32, #tpu.memory_space<vmem>>, vector<1x16xf32>,
        %parallel_loop3A_558 = arith.addf %parallel_loop3A_447, %parallel_loop3A_479 : vector<16xf32>
        %parallel_loop3A_559 = arith.mulf %parallel_loop3A_423, %get3A_43 : vector<16xf32>
        %parallel_loop3A_560 = arith.addf %parallel_loop3A_558, %parallel_loop3A_559 : vector<16xf32>
        %parallel_loop3A_561 = arith.constant -1.000000e+00 : f32
        %parallel_loop3A_562 = vector.broadcast %parallel_loop3A_561 : f32 to vector<16xf32>
        %parallel_loop3A_563 = arith.maximumf %parallel_loop3A_560, %parallel_loop3A_562 : vector<16xf32>
        %parallel_loop3A_564 = arith.constant 1.000000e+00 : f32
        %parallel_loop3A_565 = vector.broadcast %parallel_loop3A_564 : f32 to vector<16xf32>
        %parallel_loop3A_566 = arith.minimumf %parallel_loop3A_563, %parallel_loop3A_565 : vector<16xf32>
        %parallel_loop3A_567 = arith.index_cast %parallel_loop3A_380 : i32 to index
        %parallel_loop3A_568 = arith.constant 80 : index
        %parallel_loop3A_569 = tpu.vector_load %arg20[%parallel_loop3A_567, %parallel_loop3A_568] {strides = array<i32>} : memref<64x128xf32, #tpu.memory_space<vmem>>, vector<1x16xf32>,
        %parallel_loop3A_570 = vector.shape_cast %parallel_loop3A_569 : vector<1x16xf32> to vector<16xf32>
        %parallel_loop3A_571 = vector.shape_cast %parallel_loop3A_566 : vector<16xf32> to vector<1x16xf32>
        tpu.vector_store %arg20[%parallel_loop3A_567, %parallel_loop3A_568], %parallel_loop3A_571 {strides = array<i32>} : memref<64x128xf32, #tpu.memory_space<vmem>>, vector<1x16xf32>,
        %parallel_loop3A_572 = arith.addf %parallel_loop3A_451, %parallel_loop3A_483 : vector<16xf32>
        %parallel_loop3A_573 = arith.mulf %parallel_loop3A_423, %get3A_46 : vector<16xf32>
        %parallel_loop3A_574 = arith.addf %parallel_loop3A_572, %parallel_loop3A_573 : vector<16xf32>
        %parallel_loop3A_575 = arith.constant -1.000000e+00 : f32
        %parallel_loop3A_576 = vector.broadcast %parallel_loop3A_575 : f32 to vector<16xf32>
        %parallel_loop3A_577 = arith.maximumf %parallel_loop3A_574, %parallel_loop3A_576 : vector<16xf32>
        %parallel_loop3A_578 = arith.constant 1.000000e+00 : f32
        %parallel_loop3A_579 = vector.broadcast %parallel_loop3A_578 : f32 to vector<16xf32>
        %parallel_loop3A_580 = arith.minimumf %parallel_loop3A_577, %parallel_loop3A_579 : vector<16xf32>
        %parallel_loop3A_581 = arith.index_cast %parallel_loop3A_380 : i32 to index
        %parallel_loop3A_582 = arith.constant 96 : index
        %parallel_loop3A_583 = tpu.vector_load %arg20[%parallel_loop3A_581, %parallel_loop3A_582] {strides = array<i32>} : memref<64x128xf32, #tpu.memory_space<vmem>>, vector<1x16xf32>,
        %parallel_loop3A_584 = vector.shape_cast %parallel_loop3A_583 : vector<1x16xf32> to vector<16xf32>
        %parallel_loop3A_585 = vector.shape_cast %parallel_loop3A_580 : vector<16xf32> to vector<1x16xf32>
        tpu.vector_store %arg20[%parallel_loop3A_581, %parallel_loop3A_582], %parallel_loop3A_585 {strides = array<i32>} : memref<64x128xf32, #tpu.memory_space<vmem>>, vector<1x16xf32>,
        %parallel_loop3A_586 = arith.addf %parallel_loop3A_455, %parallel_loop3A_487 : vector<16xf32>
        %parallel_loop3A_587 = arith.mulf %parallel_loop3A_423, %get3A_49 : vector<16xf32>
        %parallel_loop3A_588 = arith.addf %parallel_loop3A_586, %parallel_loop3A_587 : vector<16xf32>
        %parallel_loop3A_589 = arith.constant -1.000000e+00 : f32
        %parallel_loop3A_590 = vector.broadcast %parallel_loop3A_589 : f32 to vector<16xf32>
        %parallel_loop3A_591 = arith.maximumf %parallel_loop3A_588, %parallel_loop3A_590 : vector<16xf32>
        %parallel_loop3A_592 = arith.constant 1.000000e+00 : f32
        %parallel_loop3A_593 = vector.broadcast %parallel_loop3A_592 : f32 to vector<16xf32>
        %parallel_loop3A_594 = arith.minimumf %parallel_loop3A_591, %parallel_loop3A_593 : vector<16xf32>
        %parallel_loop3A_595 = arith.index_cast %parallel_loop3A_380 : i32 to index
        %parallel_loop3A_596 = arith.constant 112 : index
        %parallel_loop3A_597 = tpu.vector_load %arg20[%parallel_loop3A_595, %parallel_loop3A_596] {strides = array<i32>} : memref<64x128xf32, #tpu.memory_space<vmem>>, vector<1x16xf32>,
        %parallel_loop3A_598 = vector.shape_cast %parallel_loop3A_597 : vector<1x16xf32> to vector<16xf32>
        %parallel_loop3A_599 = vector.shape_cast %parallel_loop3A_594 : vector<16xf32> to vector<1x16xf32>
        tpu.vector_store %arg20[%parallel_loop3A_595, %parallel_loop3A_596], %parallel_loop3A_599 {strides = array<i32>} : memref<64x128xf32, #tpu.memory_space<vmem>>, vector<1x16xf32>,
      } {sc.loop_unroll_factor = 2 : i64, sc.parallel_access}
      %mul3A_329 = arith.constant 64 : i32
      %mul3A_330 = arith.muli %add3A_309, %mul3A_329 : i32
      %add3A_331 = arith.addi %mul3A_2, %mul3A_330 : i32
      %dma_start3A_332 = arith.constant 0 : i32
      %dma_start3A_333 = tpu.memref_slice %arg7[%add3A_331, %dma_start3A_332] : memref<204800x128xf32, #tpu.memory_space<hbm>> -> memref<64x128xf32, #tpu.memory_space<hbm>>
      %dma_start3A_334 = arith.constant 0 : i32
      %dma_start3A_335 = tpu.memref_slice %arg7[%add3A_331, %dma_start3A_334] : memref<204800x128xf32, #tpu.memory_space<hbm>> -> memref<64x128xf32, #tpu.memory_space<hbm>>
      tpu.enqueue_dma source(%arg20 : memref<64x128xf32, #tpu.memory_space<vmem>>) target(%dma_start3A_335 : memref<64x128xf32, #tpu.memory_space<hbm>>) target_semaphore(%arg30 : memref<!tpu.dma_semaphore, #tpu.memory_space<semaphore_mem>>)
      %add3A_336 = arith.constant 5 : i32
      %add3A_337 = arith.addi %add3A_309, %add3A_336 : i32
      %lt3A_338 = arith.constant 100 : i32
      %lt3A_339 = arith.cmpi slt, %add3A_337, %lt3A_338 : i32
      %convert_element_type3A_340 = arith.extui %lt3A_339 : i1 to i32
      %cond3A_341 = arith.constant 0 : i32
      %cond3A_342 = arith.cmpi ne, %convert_element_type3A_340, %cond3A_341 : i32
      scf.if %cond3A_342 {
        %add3A_380 = arith.constant 5 : i32
        %add3A_381 = arith.addi %add3A_309, %add3A_380 : i32
        %mul3A_382 = arith.constant 64 : i32
        %mul3A_383 = arith.muli %add3A_381, %mul3A_382 : i32
        %dma_start3A_384 = tpu.memref_slice %arg8[%mul3A_383] : memref<6400xi32, #tpu.memory_space<vmem>> -> memref<64xi32, #tpu.memory_space<vmem>>
        %dma_start3A_385 = arith.constant 0 : i32
        %dma_start3A_386 = arith.constant 0 : i32
        %dma_start3A_387 = tpu.memref_slice %arg4[%dma_start3A_385, %dma_start3A_386] : memref<100000x128xf32, #tpu.memory_space<hbm>> -> memref<100000x128xf32, #tpu.memory_space<hbm>>
        tpu.enqueue_indirect_dma source(%dma_start3A_387 : memref<100000x128xf32, #tpu.memory_space<hbm>>) target(%arg15 : memref<64x128xf32, #tpu.memory_space<vmem>>) offsets(%dma_start3A_384 : memref<64xi32, #tpu.memory_space<vmem>>) semaphore(%arg25 : memref<!tpu.dma_semaphore, #tpu.memory_space<semaphore_mem>>)
      } else {
      }
      %mul3A_343 = arith.constant 5 : i32
      %mul3A_344 = arith.muli %mul3A_343, %scan3A_197 : i32
      %add3A_345 = arith.constant 4 : i32
      %add3A_346 = arith.addi %mul3A_344, %add3A_345 : i32
      %dma_wait3A_347 = arith.constant 0 : i32
      %dma_wait3A_348 = arith.constant 0 : i32
      %dma_wait3A_349 = tpu.memref_slice %arg4[%dma_wait3A_347, %dma_wait3A_348] : memref<100000x128xf32, #tpu.memory_space<hbm>> -> memref<64x128xf32, #tpu.memory_space<hbm>>
      %dma_wait3A_350 = arith.constant 0 : i32
      %dma_wait3A_351 = arith.constant 0 : i32
      %dma_wait3A_352 = tpu.memref_slice %arg4[%dma_wait3A_350, %dma_wait3A_351] : memref<100000x128xf32, #tpu.memory_space<hbm>> -> memref<64x128xf32, #tpu.memory_space<hbm>>
      tpu.wait_dma2 semaphore(%arg26 : memref<!tpu.dma_semaphore, #tpu.memory_space<semaphore_mem>>) src(%dma_wait3A_352 : memref<64x128xf32, #tpu.memory_space<hbm>>) dst(%arg16 : memref<64x128xf32, #tpu.memory_space<vmem>>)
      %dma_wait3A_353 = arith.constant 0 : i32
      %dma_wait3A_354 = arith.constant 0 : i32
      %dma_wait3A_355 = tpu.memref_slice %arg7[%dma_wait3A_353, %dma_wait3A_354] : memref<204800x128xf32, #tpu.memory_space<hbm>> -> memref<64x128xf32, #tpu.memory_space<hbm>>
      %dma_wait3A_356 = arith.constant 0 : i32
      %dma_wait3A_357 = arith.constant 0 : i32
      %dma_wait3A_358 = tpu.memref_slice %arg7[%dma_wait3A_356, %dma_wait3A_357] : memref<204800x128xf32, #tpu.memory_space<hbm>> -> memref<64x128xf32, #tpu.memory_space<hbm>>
      tpu.wait_dma2 semaphore(%arg31 : memref<!tpu.dma_semaphore, #tpu.memory_space<semaphore_mem>>) src(%arg21 : memref<64x128xf32, #tpu.memory_space<vmem>>) dst(%dma_wait3A_358 : memref<64x128xf32, #tpu.memory_space<hbm>>)
      %mul3A_359 = arith.constant 64 : i32
      %mul3A_360 = arith.muli %add3A_346, %mul3A_359 : i32
      %rem3A_361 = arith.constant 200 : i32
      %rem3A_362 = arith.remsi %mul3A_360, %rem3A_361 : i32
      %parallel_loop3A_363 = arith.constant 0 : i32
      %parallel_loop3A_364 = arith.constant 64 : i32
      %parallel_loop3A_365 = arith.constant 1 : i32
      scf.for %parallel_loop3A_380 = %parallel_loop3A_363 to %parallel_loop3A_364 step %parallel_loop3A_365  : i32 {
        %parallel_loop3A_381 = arith.addi %rem3A_362, %parallel_loop3A_380 : i32
        %parallel_loop3A_382 = arith.constant 200 : i32
        %parallel_loop3A_383 = arith.cmpi sge, %parallel_loop3A_381, %parallel_loop3A_382 : i32
        %parallel_loop3A_384 = arith.constant 200 : i32
        %parallel_loop3A_385 = arith.subi %parallel_loop3A_381, %parallel_loop3A_384 : i32
        %parallel_loop3A_386 = arith.select %parallel_loop3A_383, %parallel_loop3A_385, %parallel_loop3A_381 : i32
        %parallel_loop3A_387 = arith.constant 16 : i32
        %parallel_loop3A_388 = arith.divsi %parallel_loop3A_380, %parallel_loop3A_387 : i32
        %parallel_loop3A_389 = arith.constant 0 : i32
        %parallel_loop3A_390 = arith.cmpi sgt, %parallel_loop3A_380, %parallel_loop3A_389 : i32
        %parallel_loop3A_391 = arith.extui %parallel_loop3A_390 : i1 to i32
        %parallel_loop3A_392 = arith.constant 0 : i32
        %parallel_loop3A_393 = arith.cmpi slt, %parallel_loop3A_380, %parallel_loop3A_392 : i32
        %parallel_loop3A_394 = arith.extui %parallel_loop3A_393 : i1 to i32
        %parallel_loop3A_395 = arith.subi %parallel_loop3A_391, %parallel_loop3A_394 : i32
        %parallel_loop3A_396 = arith.constant 0 : i32
        %parallel_loop3A_397 = arith.cmpi sgt, %parallel_loop3A_387, %parallel_loop3A_396 : i32
        %parallel_loop3A_398 = arith.extui %parallel_loop3A_397 : i1 to i32
        %parallel_loop3A_399 = arith.constant 0 : i32
        %parallel_loop3A_400 = arith.cmpi slt, %parallel_loop3A_387, %parallel_loop3A_399 : i32
        %parallel_loop3A_401 = arith.extui %parallel_loop3A_400 : i1 to i32
        %parallel_loop3A_402 = arith.subi %parallel_loop3A_398, %parallel_loop3A_401 : i32
        %parallel_loop3A_403 = arith.cmpi ne, %parallel_loop3A_395, %parallel_loop3A_402 : i32
        %parallel_loop3A_404 = arith.remsi %parallel_loop3A_380, %parallel_loop3A_387 : i32
        %parallel_loop3A_405 = arith.constant 0 : i32
        %parallel_loop3A_406 = arith.cmpi ne, %parallel_loop3A_404, %parallel_loop3A_405 : i32
        %parallel_loop3A_407 = arith.andi %parallel_loop3A_403, %parallel_loop3A_406 : i1
        %parallel_loop3A_408 = arith.constant 1 : i32
        %parallel_loop3A_409 = arith.subi %parallel_loop3A_388, %parallel_loop3A_408 : i32
        %parallel_loop3A_410 = arith.select %parallel_loop3A_407, %parallel_loop3A_409, %parallel_loop3A_388 : i32
        %parallel_loop3A_411 = arith.constant 16 : i32
        %parallel_loop3A_412 = arith.muli %parallel_loop3A_410, %parallel_loop3A_411 : i32
        %parallel_loop3A_413 = arith.constant 64 : i32
        %parallel_loop3A_414 = arith.muli %add3A_346, %parallel_loop3A_413 : i32
        %parallel_loop3A_415 = arith.addi %parallel_loop3A_414, %parallel_loop3A_412 : i32
        %parallel_loop3A_416 = arith.index_cast %parallel_loop3A_415 : i32 to index
        %parallel_loop3A_417 = tpu.vector_load %arg9[%parallel_loop3A_416] {strides = array<i32>} : memref<6400xi32, #tpu.memory_space<vmem>>, vector<16xi32>,
        %parallel_loop3A_418 = vector.shape_cast %parallel_loop3A_417 : vector<16xi32> to vector<16xi32>
        %parallel_loop3A_419 = arith.subi %parallel_loop3A_380, %parallel_loop3A_412 : i32
        %parallel_loop3A_420 = vector.broadcast %parallel_loop3A_419 : i32 to vector<16x1xi32>
        %parallel_loop3A_421 = vector.shape_cast %parallel_loop3A_420 : vector<16x1xi32> to vector<16xi32>
        %parallel_loop3A_422 = tpu.dynamic_gather %parallel_loop3A_418[%parallel_loop3A_421] in [0] : vector<16xi32>, vector<16xi32> -> vector<16xi32>
        %parallel_loop3A_423 = arith.sitofp %parallel_loop3A_422 : vector<16xi32> to vector<16xf32>
        %parallel_loop3A_424 = arith.index_cast %parallel_loop3A_380 : i32 to index
        %parallel_loop3A_425 = arith.constant 0 : index
        %parallel_loop3A_426 = tpu.vector_load %arg16[%parallel_loop3A_424, %parallel_loop3A_425] {strides = array<i32>} : memref<64x128xf32, #tpu.memory_space<vmem>>, vector<1x16xf32>,
        %parallel_loop3A_427 = vector.shape_cast %parallel_loop3A_426 : vector<1x16xf32> to vector<16xf32>
        %parallel_loop3A_428 = arith.index_cast %parallel_loop3A_380 : i32 to index
        %parallel_loop3A_429 = arith.constant 16 : index
        %parallel_loop3A_430 = tpu.vector_load %arg16[%parallel_loop3A_428, %parallel_loop3A_429] {strides = array<i32>} : memref<64x128xf32, #tpu.memory_space<vmem>>, vector<1x16xf32>,
        %parallel_loop3A_431 = vector.shape_cast %parallel_loop3A_430 : vector<1x16xf32> to vector<16xf32>
        %parallel_loop3A_432 = arith.index_cast %parallel_loop3A_380 : i32 to index
        %parallel_loop3A_433 = arith.constant 32 : index
        %parallel_loop3A_434 = tpu.vector_load %arg16[%parallel_loop3A_432, %parallel_loop3A_433] {strides = array<i32>} : memref<64x128xf32, #tpu.memory_space<vmem>>, vector<1x16xf32>,
        %parallel_loop3A_435 = vector.shape_cast %parallel_loop3A_434 : vector<1x16xf32> to vector<16xf32>
        %parallel_loop3A_436 = arith.index_cast %parallel_loop3A_380 : i32 to index
        %parallel_loop3A_437 = arith.constant 48 : index
        %parallel_loop3A_438 = tpu.vector_load %arg16[%parallel_loop3A_436, %parallel_loop3A_437] {strides = array<i32>} : memref<64x128xf32, #tpu.memory_space<vmem>>, vector<1x16xf32>,
        %parallel_loop3A_439 = vector.shape_cast %parallel_loop3A_438 : vector<1x16xf32> to vector<16xf32>
        %parallel_loop3A_440 = arith.index_cast %parallel_loop3A_380 : i32 to index
        %parallel_loop3A_441 = arith.constant 64 : index
        %parallel_loop3A_442 = tpu.vector_load %arg16[%parallel_loop3A_440, %parallel_loop3A_441] {strides = array<i32>} : memref<64x128xf32, #tpu.memory_space<vmem>>, vector<1x16xf32>,
        %parallel_loop3A_443 = vector.shape_cast %parallel_loop3A_442 : vector<1x16xf32> to vector<16xf32>
        %parallel_loop3A_444 = arith.index_cast %parallel_loop3A_380 : i32 to index
        %parallel_loop3A_445 = arith.constant 80 : index
        %parallel_loop3A_446 = tpu.vector_load %arg16[%parallel_loop3A_444, %parallel_loop3A_445] {strides = array<i32>} : memref<64x128xf32, #tpu.memory_space<vmem>>, vector<1x16xf32>,
        %parallel_loop3A_447 = vector.shape_cast %parallel_loop3A_446 : vector<1x16xf32> to vector<16xf32>
        %parallel_loop3A_448 = arith.index_cast %parallel_loop3A_380 : i32 to index
        %parallel_loop3A_449 = arith.constant 96 : index
        %parallel_loop3A_450 = tpu.vector_load %arg16[%parallel_loop3A_448, %parallel_loop3A_449] {strides = array<i32>} : memref<64x128xf32, #tpu.memory_space<vmem>>, vector<1x16xf32>,
        %parallel_loop3A_451 = vector.shape_cast %parallel_loop3A_450 : vector<1x16xf32> to vector<16xf32>
        %parallel_loop3A_452 = arith.index_cast %parallel_loop3A_380 : i32 to index
        %parallel_loop3A_453 = arith.constant 112 : index
        %parallel_loop3A_454 = tpu.vector_load %arg16[%parallel_loop3A_452, %parallel_loop3A_453] {strides = array<i32>} : memref<64x128xf32, #tpu.memory_space<vmem>>, vector<1x16xf32>,
        %parallel_loop3A_455 = vector.shape_cast %parallel_loop3A_454 : vector<1x16xf32> to vector<16xf32>
        %parallel_loop3A_456 = arith.index_cast %parallel_loop3A_386 : i32 to index
        %parallel_loop3A_457 = arith.constant 0 : index
        %parallel_loop3A_458 = tpu.vector_load %arg10[%parallel_loop3A_456, %parallel_loop3A_457] {strides = array<i32>} : memref<200x128xf32, #tpu.memory_space<vmem>>, vector<1x16xf32>,
        %parallel_loop3A_459 = vector.shape_cast %parallel_loop3A_458 : vector<1x16xf32> to vector<16xf32>
        %parallel_loop3A_460 = arith.index_cast %parallel_loop3A_386 : i32 to index
        %parallel_loop3A_461 = arith.constant 16 : index
        %parallel_loop3A_462 = tpu.vector_load %arg10[%parallel_loop3A_460, %parallel_loop3A_461] {strides = array<i32>} : memref<200x128xf32, #tpu.memory_space<vmem>>, vector<1x16xf32>,
        %parallel_loop3A_463 = vector.shape_cast %parallel_loop3A_462 : vector<1x16xf32> to vector<16xf32>
        %parallel_loop3A_464 = arith.index_cast %parallel_loop3A_386 : i32 to index
        %parallel_loop3A_465 = arith.constant 32 : index
        %parallel_loop3A_466 = tpu.vector_load %arg10[%parallel_loop3A_464, %parallel_loop3A_465] {strides = array<i32>} : memref<200x128xf32, #tpu.memory_space<vmem>>, vector<1x16xf32>,
        %parallel_loop3A_467 = vector.shape_cast %parallel_loop3A_466 : vector<1x16xf32> to vector<16xf32>
        %parallel_loop3A_468 = arith.index_cast %parallel_loop3A_386 : i32 to index
        %parallel_loop3A_469 = arith.constant 48 : index
        %parallel_loop3A_470 = tpu.vector_load %arg10[%parallel_loop3A_468, %parallel_loop3A_469] {strides = array<i32>} : memref<200x128xf32, #tpu.memory_space<vmem>>, vector<1x16xf32>,
        %parallel_loop3A_471 = vector.shape_cast %parallel_loop3A_470 : vector<1x16xf32> to vector<16xf32>
        %parallel_loop3A_472 = arith.index_cast %parallel_loop3A_386 : i32 to index
        %parallel_loop3A_473 = arith.constant 64 : index
        %parallel_loop3A_474 = tpu.vector_load %arg10[%parallel_loop3A_472, %parallel_loop3A_473] {strides = array<i32>} : memref<200x128xf32, #tpu.memory_space<vmem>>, vector<1x16xf32>,
        %parallel_loop3A_475 = vector.shape_cast %parallel_loop3A_474 : vector<1x16xf32> to vector<16xf32>
        %parallel_loop3A_476 = arith.index_cast %parallel_loop3A_386 : i32 to index
        %parallel_loop3A_477 = arith.constant 80 : index
        %parallel_loop3A_478 = tpu.vector_load %arg10[%parallel_loop3A_476, %parallel_loop3A_477] {strides = array<i32>} : memref<200x128xf32, #tpu.memory_space<vmem>>, vector<1x16xf32>,
        %parallel_loop3A_479 = vector.shape_cast %parallel_loop3A_478 : vector<1x16xf32> to vector<16xf32>
        %parallel_loop3A_480 = arith.index_cast %parallel_loop3A_386 : i32 to index
        %parallel_loop3A_481 = arith.constant 96 : index
        %parallel_loop3A_482 = tpu.vector_load %arg10[%parallel_loop3A_480, %parallel_loop3A_481] {strides = array<i32>} : memref<200x128xf32, #tpu.memory_space<vmem>>, vector<1x16xf32>,
        %parallel_loop3A_483 = vector.shape_cast %parallel_loop3A_482 : vector<1x16xf32> to vector<16xf32>
        %parallel_loop3A_484 = arith.index_cast %parallel_loop3A_386 : i32 to index
        %parallel_loop3A_485 = arith.constant 112 : index
        %parallel_loop3A_486 = tpu.vector_load %arg10[%parallel_loop3A_484, %parallel_loop3A_485] {strides = array<i32>} : memref<200x128xf32, #tpu.memory_space<vmem>>, vector<1x16xf32>,
        %parallel_loop3A_487 = vector.shape_cast %parallel_loop3A_486 : vector<1x16xf32> to vector<16xf32>
        %parallel_loop3A_488 = arith.addf %parallel_loop3A_427, %parallel_loop3A_459 : vector<16xf32>
        %parallel_loop3A_489 = arith.mulf %parallel_loop3A_423, %get3A_28 : vector<16xf32>
        %parallel_loop3A_490 = arith.addf %parallel_loop3A_488, %parallel_loop3A_489 : vector<16xf32>
        %parallel_loop3A_491 = arith.constant -1.000000e+00 : f32
        %parallel_loop3A_492 = vector.broadcast %parallel_loop3A_491 : f32 to vector<16xf32>
        %parallel_loop3A_493 = arith.maximumf %parallel_loop3A_490, %parallel_loop3A_492 : vector<16xf32>
        %parallel_loop3A_494 = arith.constant 1.000000e+00 : f32
        %parallel_loop3A_495 = vector.broadcast %parallel_loop3A_494 : f32 to vector<16xf32>
        %parallel_loop3A_496 = arith.minimumf %parallel_loop3A_493, %parallel_loop3A_495 : vector<16xf32>
        %parallel_loop3A_497 = arith.index_cast %parallel_loop3A_380 : i32 to index
        %parallel_loop3A_498 = arith.constant 0 : index
        %parallel_loop3A_499 = tpu.vector_load %arg21[%parallel_loop3A_497, %parallel_loop3A_498] {strides = array<i32>} : memref<64x128xf32, #tpu.memory_space<vmem>>, vector<1x16xf32>,
        %parallel_loop3A_500 = vector.shape_cast %parallel_loop3A_499 : vector<1x16xf32> to vector<16xf32>
        %parallel_loop3A_501 = vector.shape_cast %parallel_loop3A_496 : vector<16xf32> to vector<1x16xf32>
        tpu.vector_store %arg21[%parallel_loop3A_497, %parallel_loop3A_498], %parallel_loop3A_501 {strides = array<i32>} : memref<64x128xf32, #tpu.memory_space<vmem>>, vector<1x16xf32>,
        %parallel_loop3A_502 = arith.addf %parallel_loop3A_431, %parallel_loop3A_463 : vector<16xf32>
        %parallel_loop3A_503 = arith.mulf %parallel_loop3A_423, %get3A_31 : vector<16xf32>
        %parallel_loop3A_504 = arith.addf %parallel_loop3A_502, %parallel_loop3A_503 : vector<16xf32>
        %parallel_loop3A_505 = arith.constant -1.000000e+00 : f32
        %parallel_loop3A_506 = vector.broadcast %parallel_loop3A_505 : f32 to vector<16xf32>
        %parallel_loop3A_507 = arith.maximumf %parallel_loop3A_504, %parallel_loop3A_506 : vector<16xf32>
        %parallel_loop3A_508 = arith.constant 1.000000e+00 : f32
        %parallel_loop3A_509 = vector.broadcast %parallel_loop3A_508 : f32 to vector<16xf32>
        %parallel_loop3A_510 = arith.minimumf %parallel_loop3A_507, %parallel_loop3A_509 : vector<16xf32>
        %parallel_loop3A_511 = arith.index_cast %parallel_loop3A_380 : i32 to index
        %parallel_loop3A_512 = arith.constant 16 : index
        %parallel_loop3A_513 = tpu.vector_load %arg21[%parallel_loop3A_511, %parallel_loop3A_512] {strides = array<i32>} : memref<64x128xf32, #tpu.memory_space<vmem>>, vector<1x16xf32>,
        %parallel_loop3A_514 = vector.shape_cast %parallel_loop3A_513 : vector<1x16xf32> to vector<16xf32>
        %parallel_loop3A_515 = vector.shape_cast %parallel_loop3A_510 : vector<16xf32> to vector<1x16xf32>
        tpu.vector_store %arg21[%parallel_loop3A_511, %parallel_loop3A_512], %parallel_loop3A_515 {strides = array<i32>} : memref<64x128xf32, #tpu.memory_space<vmem>>, vector<1x16xf32>,
        %parallel_loop3A_516 = arith.addf %parallel_loop3A_435, %parallel_loop3A_467 : vector<16xf32>
        %parallel_loop3A_517 = arith.mulf %parallel_loop3A_423, %get3A_34 : vector<16xf32>
        %parallel_loop3A_518 = arith.addf %parallel_loop3A_516, %parallel_loop3A_517 : vector<16xf32>
        %parallel_loop3A_519 = arith.constant -1.000000e+00 : f32
        %parallel_loop3A_520 = vector.broadcast %parallel_loop3A_519 : f32 to vector<16xf32>
        %parallel_loop3A_521 = arith.maximumf %parallel_loop3A_518, %parallel_loop3A_520 : vector<16xf32>
        %parallel_loop3A_522 = arith.constant 1.000000e+00 : f32
        %parallel_loop3A_523 = vector.broadcast %parallel_loop3A_522 : f32 to vector<16xf32>
        %parallel_loop3A_524 = arith.minimumf %parallel_loop3A_521, %parallel_loop3A_523 : vector<16xf32>
        %parallel_loop3A_525 = arith.index_cast %parallel_loop3A_380 : i32 to index
        %parallel_loop3A_526 = arith.constant 32 : index
        %parallel_loop3A_527 = tpu.vector_load %arg21[%parallel_loop3A_525, %parallel_loop3A_526] {strides = array<i32>} : memref<64x128xf32, #tpu.memory_space<vmem>>, vector<1x16xf32>,
        %parallel_loop3A_528 = vector.shape_cast %parallel_loop3A_527 : vector<1x16xf32> to vector<16xf32>
        %parallel_loop3A_529 = vector.shape_cast %parallel_loop3A_524 : vector<16xf32> to vector<1x16xf32>
        tpu.vector_store %arg21[%parallel_loop3A_525, %parallel_loop3A_526], %parallel_loop3A_529 {strides = array<i32>} : memref<64x128xf32, #tpu.memory_space<vmem>>, vector<1x16xf32>,
        %parallel_loop3A_530 = arith.addf %parallel_loop3A_439, %parallel_loop3A_471 : vector<16xf32>
        %parallel_loop3A_531 = arith.mulf %parallel_loop3A_423, %get3A_37 : vector<16xf32>
        %parallel_loop3A_532 = arith.addf %parallel_loop3A_530, %parallel_loop3A_531 : vector<16xf32>
        %parallel_loop3A_533 = arith.constant -1.000000e+00 : f32
        %parallel_loop3A_534 = vector.broadcast %parallel_loop3A_533 : f32 to vector<16xf32>
        %parallel_loop3A_535 = arith.maximumf %parallel_loop3A_532, %parallel_loop3A_534 : vector<16xf32>
        %parallel_loop3A_536 = arith.constant 1.000000e+00 : f32
        %parallel_loop3A_537 = vector.broadcast %parallel_loop3A_536 : f32 to vector<16xf32>
        %parallel_loop3A_538 = arith.minimumf %parallel_loop3A_535, %parallel_loop3A_537 : vector<16xf32>
        %parallel_loop3A_539 = arith.index_cast %parallel_loop3A_380 : i32 to index
        %parallel_loop3A_540 = arith.constant 48 : index
        %parallel_loop3A_541 = tpu.vector_load %arg21[%parallel_loop3A_539, %parallel_loop3A_540] {strides = array<i32>} : memref<64x128xf32, #tpu.memory_space<vmem>>, vector<1x16xf32>,
        %parallel_loop3A_542 = vector.shape_cast %parallel_loop3A_541 : vector<1x16xf32> to vector<16xf32>
        %parallel_loop3A_543 = vector.shape_cast %parallel_loop3A_538 : vector<16xf32> to vector<1x16xf32>
        tpu.vector_store %arg21[%parallel_loop3A_539, %parallel_loop3A_540], %parallel_loop3A_543 {strides = array<i32>} : memref<64x128xf32, #tpu.memory_space<vmem>>, vector<1x16xf32>,
        %parallel_loop3A_544 = arith.addf %parallel_loop3A_443, %parallel_loop3A_475 : vector<16xf32>
        %parallel_loop3A_545 = arith.mulf %parallel_loop3A_423, %get3A_40 : vector<16xf32>
        %parallel_loop3A_546 = arith.addf %parallel_loop3A_544, %parallel_loop3A_545 : vector<16xf32>
        %parallel_loop3A_547 = arith.constant -1.000000e+00 : f32
        %parallel_loop3A_548 = vector.broadcast %parallel_loop3A_547 : f32 to vector<16xf32>
        %parallel_loop3A_549 = arith.maximumf %parallel_loop3A_546, %parallel_loop3A_548 : vector<16xf32>
        %parallel_loop3A_550 = arith.constant 1.000000e+00 : f32
        %parallel_loop3A_551 = vector.broadcast %parallel_loop3A_550 : f32 to vector<16xf32>
        %parallel_loop3A_552 = arith.minimumf %parallel_loop3A_549, %parallel_loop3A_551 : vector<16xf32>
        %parallel_loop3A_553 = arith.index_cast %parallel_loop3A_380 : i32 to index
        %parallel_loop3A_554 = arith.constant 64 : index
        %parallel_loop3A_555 = tpu.vector_load %arg21[%parallel_loop3A_553, %parallel_loop3A_554] {strides = array<i32>} : memref<64x128xf32, #tpu.memory_space<vmem>>, vector<1x16xf32>,
        %parallel_loop3A_556 = vector.shape_cast %parallel_loop3A_555 : vector<1x16xf32> to vector<16xf32>
        %parallel_loop3A_557 = vector.shape_cast %parallel_loop3A_552 : vector<16xf32> to vector<1x16xf32>
        tpu.vector_store %arg21[%parallel_loop3A_553, %parallel_loop3A_554], %parallel_loop3A_557 {strides = array<i32>} : memref<64x128xf32, #tpu.memory_space<vmem>>, vector<1x16xf32>,
        %parallel_loop3A_558 = arith.addf %parallel_loop3A_447, %parallel_loop3A_479 : vector<16xf32>
        %parallel_loop3A_559 = arith.mulf %parallel_loop3A_423, %get3A_43 : vector<16xf32>
        %parallel_loop3A_560 = arith.addf %parallel_loop3A_558, %parallel_loop3A_559 : vector<16xf32>
        %parallel_loop3A_561 = arith.constant -1.000000e+00 : f32
        %parallel_loop3A_562 = vector.broadcast %parallel_loop3A_561 : f32 to vector<16xf32>
        %parallel_loop3A_563 = arith.maximumf %parallel_loop3A_560, %parallel_loop3A_562 : vector<16xf32>
        %parallel_loop3A_564 = arith.constant 1.000000e+00 : f32
        %parallel_loop3A_565 = vector.broadcast %parallel_loop3A_564 : f32 to vector<16xf32>
        %parallel_loop3A_566 = arith.minimumf %parallel_loop3A_563, %parallel_loop3A_565 : vector<16xf32>
        %parallel_loop3A_567 = arith.index_cast %parallel_loop3A_380 : i32 to index
        %parallel_loop3A_568 = arith.constant 80 : index
        %parallel_loop3A_569 = tpu.vector_load %arg21[%parallel_loop3A_567, %parallel_loop3A_568] {strides = array<i32>} : memref<64x128xf32, #tpu.memory_space<vmem>>, vector<1x16xf32>,
        %parallel_loop3A_570 = vector.shape_cast %parallel_loop3A_569 : vector<1x16xf32> to vector<16xf32>
        %parallel_loop3A_571 = vector.shape_cast %parallel_loop3A_566 : vector<16xf32> to vector<1x16xf32>
        tpu.vector_store %arg21[%parallel_loop3A_567, %parallel_loop3A_568], %parallel_loop3A_571 {strides = array<i32>} : memref<64x128xf32, #tpu.memory_space<vmem>>, vector<1x16xf32>,
        %parallel_loop3A_572 = arith.addf %parallel_loop3A_451, %parallel_loop3A_483 : vector<16xf32>
        %parallel_loop3A_573 = arith.mulf %parallel_loop3A_423, %get3A_46 : vector<16xf32>
        %parallel_loop3A_574 = arith.addf %parallel_loop3A_572, %parallel_loop3A_573 : vector<16xf32>
        %parallel_loop3A_575 = arith.constant -1.000000e+00 : f32
        %parallel_loop3A_576 = vector.broadcast %parallel_loop3A_575 : f32 to vector<16xf32>
        %parallel_loop3A_577 = arith.maximumf %parallel_loop3A_574, %parallel_loop3A_576 : vector<16xf32>
        %parallel_loop3A_578 = arith.constant 1.000000e+00 : f32
        %parallel_loop3A_579 = vector.broadcast %parallel_loop3A_578 : f32 to vector<16xf32>
        %parallel_loop3A_580 = arith.minimumf %parallel_loop3A_577, %parallel_loop3A_579 : vector<16xf32>
        %parallel_loop3A_581 = arith.index_cast %parallel_loop3A_380 : i32 to index
        %parallel_loop3A_582 = arith.constant 96 : index
        %parallel_loop3A_583 = tpu.vector_load %arg21[%parallel_loop3A_581, %parallel_loop3A_582] {strides = array<i32>} : memref<64x128xf32, #tpu.memory_space<vmem>>, vector<1x16xf32>,
        %parallel_loop3A_584 = vector.shape_cast %parallel_loop3A_583 : vector<1x16xf32> to vector<16xf32>
        %parallel_loop3A_585 = vector.shape_cast %parallel_loop3A_580 : vector<16xf32> to vector<1x16xf32>
        tpu.vector_store %arg21[%parallel_loop3A_581, %parallel_loop3A_582], %parallel_loop3A_585 {strides = array<i32>} : memref<64x128xf32, #tpu.memory_space<vmem>>, vector<1x16xf32>,
        %parallel_loop3A_586 = arith.addf %parallel_loop3A_455, %parallel_loop3A_487 : vector<16xf32>
        %parallel_loop3A_587 = arith.mulf %parallel_loop3A_423, %get3A_49 : vector<16xf32>
        %parallel_loop3A_588 = arith.addf %parallel_loop3A_586, %parallel_loop3A_587 : vector<16xf32>
        %parallel_loop3A_589 = arith.constant -1.000000e+00 : f32
        %parallel_loop3A_590 = vector.broadcast %parallel_loop3A_589 : f32 to vector<16xf32>
        %parallel_loop3A_591 = arith.maximumf %parallel_loop3A_588, %parallel_loop3A_590 : vector<16xf32>
        %parallel_loop3A_592 = arith.constant 1.000000e+00 : f32
        %parallel_loop3A_593 = vector.broadcast %parallel_loop3A_592 : f32 to vector<16xf32>
        %parallel_loop3A_594 = arith.minimumf %parallel_loop3A_591, %parallel_loop3A_593 : vector<16xf32>
        %parallel_loop3A_595 = arith.index_cast %parallel_loop3A_380 : i32 to index
        %parallel_loop3A_596 = arith.constant 112 : index
        %parallel_loop3A_597 = tpu.vector_load %arg21[%parallel_loop3A_595, %parallel_loop3A_596] {strides = array<i32>} : memref<64x128xf32, #tpu.memory_space<vmem>>, vector<1x16xf32>,
        %parallel_loop3A_598 = vector.shape_cast %parallel_loop3A_597 : vector<1x16xf32> to vector<16xf32>
        %parallel_loop3A_599 = vector.shape_cast %parallel_loop3A_594 : vector<16xf32> to vector<1x16xf32>
        tpu.vector_store %arg21[%parallel_loop3A_595, %parallel_loop3A_596], %parallel_loop3A_599 {strides = array<i32>} : memref<64x128xf32, #tpu.memory_space<vmem>>, vector<1x16xf32>,
      } {sc.loop_unroll_factor = 2 : i64, sc.parallel_access}
      %mul3A_366 = arith.constant 64 : i32
      %mul3A_367 = arith.muli %add3A_346, %mul3A_366 : i32
      %add3A_368 = arith.addi %mul3A_2, %mul3A_367 : i32
      %dma_start3A_369 = arith.constant 0 : i32
      %dma_start3A_370 = tpu.memref_slice %arg7[%add3A_368, %dma_start3A_369] : memref<204800x128xf32, #tpu.memory_space<hbm>> -> memref<64x128xf32, #tpu.memory_space<hbm>>
      %dma_start3A_371 = arith.constant 0 : i32
      %dma_start3A_372 = tpu.memref_slice %arg7[%add3A_368, %dma_start3A_371] : memref<204800x128xf32, #tpu.memory_space<hbm>> -> memref<64x128xf32, #tpu.memory_space<hbm>>
      tpu.enqueue_dma source(%arg21 : memref<64x128xf32, #tpu.memory_space<vmem>>) target(%dma_start3A_372 : memref<64x128xf32, #tpu.memory_space<hbm>>) target_semaphore(%arg31 : memref<!tpu.dma_semaphore, #tpu.memory_space<semaphore_mem>>)
      %add3A_373 = arith.constant 5 : i32
      %add3A_374 = arith.addi %add3A_346, %add3A_373 : i32
      %lt3A_375 = arith.constant 100 : i32
      %lt3A_376 = arith.cmpi slt, %add3A_374, %lt3A_375 : i32
      %convert_element_type3A_377 = arith.extui %lt3A_376 : i1 to i32
      %cond3A_378 = arith.constant 0 : i32
      %cond3A_379 = arith.cmpi ne, %convert_element_type3A_377, %cond3A_378 : i32
      scf.if %cond3A_379 {
        %add3A_380 = arith.constant 5 : i32
        %add3A_381 = arith.addi %add3A_346, %add3A_380 : i32
        %mul3A_382 = arith.constant 64 : i32
        %mul3A_383 = arith.muli %add3A_381, %mul3A_382 : i32
        %dma_start3A_384 = tpu.memref_slice %arg8[%mul3A_383] : memref<6400xi32, #tpu.memory_space<vmem>> -> memref<64xi32, #tpu.memory_space<vmem>>
        %dma_start3A_385 = arith.constant 0 : i32
        %dma_start3A_386 = arith.constant 0 : i32
        %dma_start3A_387 = tpu.memref_slice %arg4[%dma_start3A_385, %dma_start3A_386] : memref<100000x128xf32, #tpu.memory_space<hbm>> -> memref<100000x128xf32, #tpu.memory_space<hbm>>
        tpu.enqueue_indirect_dma source(%dma_start3A_387 : memref<100000x128xf32, #tpu.memory_space<hbm>>) target(%arg16 : memref<64x128xf32, #tpu.memory_space<vmem>>) offsets(%dma_start3A_384 : memref<64xi32, #tpu.memory_space<vmem>>) semaphore(%arg26 : memref<!tpu.dma_semaphore, #tpu.memory_space<semaphore_mem>>)
      } else {
      }
    }
    %scan3A_166 = arith.constant 19 : i32
    %dma_wait3A_167 = arith.constant 0 : i32
    %dma_wait3A_168 = arith.constant 0 : i32
    %dma_wait3A_169 = tpu.memref_slice %arg7[%dma_wait3A_167, %dma_wait3A_168] : memref<204800x128xf32, #tpu.memory_space<hbm>> -> memref<64x128xf32, #tpu.memory_space<hbm>>
    %dma_wait3A_170 = arith.constant 0 : i32
    %dma_wait3A_171 = arith.constant 0 : i32
    %dma_wait3A_172 = tpu.memref_slice %arg7[%dma_wait3A_170, %dma_wait3A_171] : memref<204800x128xf32, #tpu.memory_space<hbm>> -> memref<64x128xf32, #tpu.memory_space<hbm>>
    tpu.wait_dma2 semaphore(%arg27 : memref<!tpu.dma_semaphore, #tpu.memory_space<semaphore_mem>>) src(%arg17 : memref<64x128xf32, #tpu.memory_space<vmem>>) dst(%dma_wait3A_172 : memref<64x128xf32, #tpu.memory_space<hbm>>)
    %dma_wait3A_173 = arith.constant 0 : i32
    %dma_wait3A_174 = arith.constant 0 : i32
    %dma_wait3A_175 = tpu.memref_slice %arg7[%dma_wait3A_173, %dma_wait3A_174] : memref<204800x128xf32, #tpu.memory_space<hbm>> -> memref<64x128xf32, #tpu.memory_space<hbm>>
    %dma_wait3A_176 = arith.constant 0 : i32
    %dma_wait3A_177 = arith.constant 0 : i32
    %dma_wait3A_178 = tpu.memref_slice %arg7[%dma_wait3A_176, %dma_wait3A_177] : memref<204800x128xf32, #tpu.memory_space<hbm>> -> memref<64x128xf32, #tpu.memory_space<hbm>>
    tpu.wait_dma2 semaphore(%arg28 : memref<!tpu.dma_semaphore, #tpu.memory_space<semaphore_mem>>) src(%arg18 : memref<64x128xf32, #tpu.memory_space<vmem>>) dst(%dma_wait3A_178 : memref<64x128xf32, #tpu.memory_space<hbm>>)
    %dma_wait3A_179 = arith.constant 0 : i32
    %dma_wait3A_180 = arith.constant 0 : i32
    %dma_wait3A_181 = tpu.memref_slice %arg7[%dma_wait3A_179, %dma_wait3A_180] : memref<204800x128xf32, #tpu.memory_space<hbm>> -> memref<64x128xf32, #tpu.memory_space<hbm>>
    %dma_wait3A_182 = arith.constant 0 : i32
    %dma_wait3A_183 = arith.constant 0 : i32
    %dma_wait3A_184 = tpu.memref_slice %arg7[%dma_wait3A_182, %dma_wait3A_183] : memref<204800x128xf32, #tpu.memory_space<hbm>> -> memref<64x128xf32, #tpu.memory_space<hbm>>
    tpu.wait_dma2 semaphore(%arg29 : memref<!tpu.dma_semaphore, #tpu.memory_space<semaphore_mem>>) src(%arg19 : memref<64x128xf32, #tpu.memory_space<vmem>>) dst(%dma_wait3A_184 : memref<64x128xf32, #tpu.memory_space<hbm>>)
    %dma_wait3A_185 = arith.constant 0 : i32
    %dma_wait3A_186 = arith.constant 0 : i32
    %dma_wait3A_187 = tpu.memref_slice %arg7[%dma_wait3A_185, %dma_wait3A_186] : memref<204800x128xf32, #tpu.memory_space<hbm>> -> memref<64x128xf32, #tpu.memory_space<hbm>>
    %dma_wait3A_188 = arith.constant 0 : i32
    %dma_wait3A_189 = arith.constant 0 : i32
    %dma_wait3A_190 = tpu.memref_slice %arg7[%dma_wait3A_188, %dma_wait3A_189] : memref<204800x128xf32, #tpu.memory_space<hbm>> -> memref<64x128xf32, #tpu.memory_space<hbm>>
    tpu.wait_dma2 semaphore(%arg30 : memref<!tpu.dma_semaphore, #tpu.memory_space<semaphore_mem>>) src(%arg20 : memref<64x128xf32, #tpu.memory_space<vmem>>) dst(%dma_wait3A_190 : memref<64x128xf32, #tpu.memory_space<hbm>>)
    %dma_wait3A_191 = arith.constant 0 : i32
    %dma_wait3A_192 = arith.constant 0 : i32
    %dma_wait3A_193 = tpu.memref_slice %arg7[%dma_wait3A_191, %dma_wait3A_192] : memref<204800x128xf32, #tpu.memory_space<hbm>> -> memref<64x128xf32, #tpu.memory_space<hbm>>
    %dma_wait3A_194 = arith.constant 0 : i32
    %dma_wait3A_195 = arith.constant 0 : i32
    %dma_wait3A_196 = tpu.memref_slice %arg7[%dma_wait3A_194, %dma_wait3A_195] : memref<204800x128xf32, #tpu.memory_space<hbm>> -> memref<64x128xf32, #tpu.memory_space<hbm>>
    tpu.wait_dma2 semaphore(%arg31 : memref<!tpu.dma_semaphore, #tpu.memory_space<semaphore_mem>>) src(%arg21 : memref<64x128xf32, #tpu.memory_space<vmem>>) dst(%dma_wait3A_196 : memref<64x128xf32, #tpu.memory_space<hbm>>)
    return
  }
}

</mosaic_0001>

<sc_bundles>
// kernel: kernel.3.cloned.1.call-start
scs
__scs_entry_jumppad:
0x0: {  	(pc) =	sbr.rel $0x88, $3  }
0x1: {  	(tag) =	ssettag $0x0;
	lr =	simm.s32 $0x1  }
0x2: {  	[smem:$0x3F9C] =	sst lr;
	_ =	strace $0xD0000000  }
0x3: {  	_ = 	snop  }
0x4: {  	_ = 	snop  }
0x5: {  	_ = 	snop  }
0x6: {  	_ = 	snop  }
0x7: {  	_ = 	snop  }
__scs_overlays_trampoline_lowered:
0x8: {  	[smem:$0x3FAB] =	sst s0  }
0x9: {  	[smem:$0x3FAC] =	sst s1  }
0xa: {  	[smem:$0x3FAD] =	sst s2  }
0xb: {  	[smem:$0x3FAE] =	sst s3  }
0xc: {  	[smem:$0x3FAF] =	sst s4  }
0xd: {  	[smem:$0x3FB0] =	sst s5  }
0xe: {  	[smem:$0x3FB1] =	sst s6  }
0xf: {  	[smem:$0x3FB2] =	sst s7  }
0x10: {  	[smem:$0x3FB3] =	sst s8  }
0x11: {  	[smem:$0x3FB4] =	sst s9;
	s0 =	simm.s32 @!p0 $0x0  }
0x12: {  	s1 =	sld [smem:$0x3F9A];
	s0 =	simm.s32 @p0 $0x1  }
0x13: {  	[smem:$0x3FB5] =	sst s0;
	s0 =	simm.s32 @!p1 $0x0  }
0x14: {  	s2 =	sld [smem:$0x3F99];
	s0 =	simm.s32 @p1 $0x1  }
0x15: {  	[smem:$0x3FB6] =	sst s0;
	s0 =	simm.s32 @!p2 $0x0  }
0x16: {  	s3 =	sld [smem:$0x3FDB];
	s0 =	simm.s32 @p2 $0x1  }
0x17: {  	s4 =	simm.s32 $0x1BF5;
	[smem:$0x3FB8] =	sst s0  }
0x18: {  	s0 =	sld [smem:$0x3F9B];
	_ =	swait.ge [sflag:s4], $0x0  }
0x19: {  	s7 =	sld [smem:$0x3F9C]  }
0x1a: {  	s8 =	sadd.s32 $0xFFFFE003, lr  }
0x1b: {  	s9 =	sadd.s32 $0xFFFFFEF7, lr;
	s5 =	simm.s32 $0xFFFFFFFF;
	p2 =	slt.u32 s8, $0xFFFFF086  }
0x1c: {  	p1 =	slt.u32 s9, $0xF7A;
	s5 =	simm.s32 @!p2 $0x0  }
0x1d: {  	s5 =	simm.s32 @p1 $0x1;
	p0 =	seq.s32 s7, s2  }
0x1e: {  	s7 =	smul.u32 @!p0 $0xF7A, s2;
	p2 =	seq.s32 @!p0 s5, $0x0  }
0x1f: {  	s9 =	smul.u32 $0xF7A, s1;
	s8 =	simm.s32 @!p0 $0x1BF5;
	p2 =	por !p2, p0  }
0x20: {  	[sflag:s8] =	ssyncset.s32 @!p0 $0xFFFFF086;
	s6 =	sadd.s32 @!p0 s3, s7;
	s7 =	simm.s32 @!p0 $0x108  }
0x21: {  	s3 =	sadd.s32 s3, s9;
	s6 =	sadd.s32 @!p0 $0x88, s6;
	s7 =	simm.s32 @p2 $0x1082  }
0x22: {  	[simem:s7], [sflag:s8] =	dma.local @!p0 [hbm:s6], $0xF7A  }
0x23: {  	s9 =	sor.u32 $0xD0000000, s2;
	s6 =	simm.s32 $0x108;
	_ =	swait.ge @!p0 [sflag:s8], $0x0  }
0x24: {  	s3 =	sadd.s32 $0x88, s3;
	s6 =	simm.s32 @!p1 $0x1082;
	[sflag:s4] =	ssyncset.s32 $0xFFFFF086  }
0x25: {  	[simem:s6], [sflag:s4] =	dma.local [hbm:s3], $0xF7A  }
0x26: {  	[smem:$0x3F9C] =	sst s1;
	(tag) =	ssettag s2;
	_ =	strace s9  }
0x27: {  	s1 =	sld [smem:$0x3FAC]  }
0x28: {  	s2 =	sld [smem:$0x3FAD]  }
0x29: {  	s4 =	sld [smem:$0x3FAF]  }
0x2a: {  	p0 =	seq.s32 s5, $0x0;
	s5 =	sld [smem:$0x3FB0]  }
0x2b: {  	s6 =	sld [smem:$0x3FB1]  }
0x2c: {  	s7 =	sld [smem:$0x3FB2]  }
0x2d: {  	s3 =	simm.s32 $0x108;
	s8 =	sld [smem:$0x3FB3]  }
0x2e: {  	s3 =	simm.s32 @!p0 $0x1082;
	s9 =	sld [smem:$0x3FB4]  }
0x2f: {  	lr =	sadd.s32 s0, s3;
	s0 =	sld [smem:$0x3FAB]  }
0x30: {  	s3 =	sld [smem:$0x3FAE]  }
0x31: {  	[smem:$0x3FB7] =	sst s10  }
0x32: {  	s10 =	sld [smem:$0x3FB5];
	_ =	sdelay $0x3  }
0x33: {  	p0 =	seq.s32 s10, $0x1;
	s10 =	sld [smem:$0x3FB7];
	_ =	sdelay $0x3  }
0x34: {  	[smem:$0x3FB7] =	sst s10  }
0x35: {  	s10 =	sld [smem:$0x3FB6];
	_ =	sdelay $0x3  }
0x36: {  	p1 =	seq.s32 s10, $0x1;
	s10 =	sld [smem:$0x3FB7];
	_ =	sdelay $0x3  }
0x37: {  	[smem:$0x3FB7] =	sst s10  }
0x38: {  	s10 =	sld [smem:$0x3FB8]  }
0x39: {  	_ = 	snop;
	(pc) =	sbr.ind lr, $3  }
0x3a: {  	_ = 	snop  }
0x3b: {  	_ = 	snop  }
0x3c: {  	p2 =	seq.s32 s10, $0x1;
	s10 =	sld [smem:$0x3FB7]  }
0x3d: {  	_ =	shalt  }
0x3e: {  	_ =	shalt  }
0x3f: {  	_ =	shalt  }
0x40: {  	_ =	shalt  }
0x41: {  	_ =	shalt  }
0x42: {  	_ =	shalt  }
0x43: {  	_ =	shalt  }
0x44: {  	_ =	shalt  }
0x45: {  	_ =	shalt  }
0x46: {  	_ =	shalt  }
0x47: {  	_ =	shalt  }
0x48: {  	_ =	shalt  }
0x49: {  	_ =	shalt  }
0x4a: {  	_ =	shalt  }
0x4b: {  	_ =	shalt  }
0x4c: {  	_ =	shalt  }
0x4d: {  	_ =	shalt  }
0x4e: {  	_ =	shalt  }
0x4f: {  	_ =	shalt  }
0x50: {  	_ =	shalt  }
0x51: {  	_ =	shalt  }
0x52: {  	_ =	shalt  }
0x53: {  	_ =	shalt  }
0x54: {  	_ =	shalt  }
0x55: {  	_ =	shalt  }
0x56: {  	_ =	shalt  }
0x57: {  	_ =	shalt  }
0x58: {  	_ =	shalt  }
0x59: {  	_ =	shalt  }
0x5a: {  	_ =	shalt  }
0x5b: {  	_ =	shalt  }
0x5c: {  	_ =	shalt  }
0x5d: {  	_ =	shalt  }
0x5e: {  	_ =	shalt  }
0x5f: {  	_ =	shalt  }
0x60: {  	_ =	shalt  }
0x61: {  	_ =	shalt  }
0x62: {  	_ =	shalt  }
0x63: {  	_ =	shalt  }
0x64: {  	_ =	shalt  }
0x65: {  	_ =	shalt  }
0x66: {  	_ =	shalt  }
0x67: {  	_ =	shalt  }
0x68: {  	_ =	shalt  }
0x69: {  	_ =	shalt  }
0x6a: {  	_ =	shalt  }
0x6b: {  	_ =	shalt  }
0x6c: {  	_ =	shalt  }
0x6d: {  	_ =	shalt  }
0x6e: {  	_ =	shalt  }
0x6f: {  	_ =	shalt  }
0x70: {  	_ =	shalt  }
0x71: {  	_ =	shalt  }
0x72: {  	_ =	shalt  }
0x73: {  	_ =	shalt  }
0x74: {  	_ =	shalt  }
0x75: {  	_ =	shalt  }
0x76: {  	_ =	shalt  }
0x77: {  	_ =	shalt  }
0x78: {  	_ =	shalt  }
0x79: {  	_ =	shalt  }
0x7a: {  	_ =	shalt  }
0x7b: {  	_ =	shalt  }
0x7c: {  	_ =	shalt  }
0x7d: {  	_ =	shalt  }
0x7e: {  	_ =	shalt  }
0x7f: {  	_ =	shalt  }
0x80: {  	_ =	shalt  }
0x81: {  	_ =	shalt  }
0x82: {  	_ =	shalt  }
0x83: {  	_ =	shalt  }
0x84: {  	_ =	shalt  }
0x85: {  	_ =	shalt  }
0x86: {  	_ =	shalt  }
0x87: {  	_ =	shalt  }
.Lfunc_end0:
.L_simem_size_0:
called_computation_lowered:
.L_overlay_start_0:
0x88: {  	s2 =	sld [smem:$0x3FD9]  }
0x89: {  	s3 =	sld [smem:$0x3FFE];
	_ =	sdelay $0x1  }
0x8a: {  	s1 =	srdreg.scid  }
0x8b: {  	s0 =	sand.u32 $0x1, s1  }
0x8c: {  	s17 =	sshll.u32 s0, $0xA;
	s2 =	sadd.s32 s3, s2  }
0x8d: {  	s2 =	sadd.s32 s2, s17  }
0x8e: {  	[smem:$0x3FC3] =	sst s2  }
0x8f: {  	_ = 	snop  }
0x90: {  	s2 =	sld [smem:$0x3FC7]  }
0x91: {  	s18 =	sld [smem:$0x3FD0];
	(tm) =	ssettm $0x1  }
0x92: {  	s4 =	sld [smem:$0x3FFB];
	_ =	sdelay $0x3  }
0x93: {  	_ =	strace s4  }
0x94: {  	s4 =	sld [smem:$0x3FFC];
	_ =	sdelay $0x3  }
0x95: {  	_ =	strace s4  }
0x96: {  	s4 =	sld [smem:$0x3FFD];
	_ =	sdelay $0x3  }
0x97: {  	_ =	strace s4  }
0x98: {  	_ =	strace $0x8FFFFFFF  }
0x99: {  	s19 =	sld [smem:$0x3FDB];
	_ =	sdelay $0x1  }
0x9a: {  	s5 =	simm.s32 $_scs_section_size  }
0x9b: {  	s6 =	simm.s32 $_size__tile_overlayer_lowered;
	s7 =	simm.s32 $_tile_overlayer_lowered  }
0x9c: {  	s22 =	simm.s32 $0x1BFF;
	s21 =	sshll.u32 s7, $0x1;
	s4 =	sadd.s32 s5, s19  }
0x9d: {  	s8 =	simm.s32 $0x0;
	s20 =	sshll.u32 s6, $0x1;
	s6 =	sadd.s32 s21, s4  }
0x9e: {  	[timem:s8], [sflag:s22] =	dma.local [hbm:s6], s20  }
0x9f: {  	_ =	swait.ge [sflag:s22], s20  }
0xa0: {  	s5 =	ssub.s32 $0x0, s20;
	[sflag:s22] =	ssyncset.done $0x0  }
0xa1: {  	[sflag:s22] =	ssyncadd.s32 s5;
	_ =	sdelay $0x1  }
0xa2: {  	s23 =	simm.s32 $0x1B8B  }
0xa3: {  	_ =	swait.ge [sflag:s23], $0x1  }
0xa4: {  	[sflag:s23] =	ssyncset.done $0x0  }
0xa5: {  	s25 =	simm.s32 $0x1B8E;
	s24 =	sld [smem:$0x3FFE];
	[sflag:s23] =	ssyncadd.s32 $0xFFFFFFFF  }
0xa6: {  	s26 =	simm.s32 $execute0_lowered;
	[smem:$0x3FD2] =	sst s25  }
0xa7: {  	s6 =	sshll.u32 s26, $0x1;
	_ =	strace $0x80000046;
	[dreg:$0x1] =	wrdreg $0xFFFFFFFF  }
0xa8: {  	s28 =	simm.s32 $_size_execute0_lowered;
	s4 =	sadd.s32 s4, s6;
	[dreg:$0x0] =	wrdreg $0x0  }
0xa9: {  	s6 =	sshll.u32 s28, $0x1;
	[dreg:$0x2] =	wrdreg s4  }
0xaa: {  	[dreg:$0x3] =	wrdreg s6  }
0xab: {  	[dreg:$0x4] =	wrdreg $0xC0  }
0xac: {  	_ =	task [dreg:s8], $0x5FFFF  }
0xad: {  	[dreg:$0x1] =	wrdreg $0xFFFFFFFF  }
0xae: {  	[dreg:$0x0] =	wrdreg $0x60  }
0xaf: {  	[dreg:$0x2] =	wrdreg s24  }
0xb0: {  	[dreg:$0x3] =	wrdreg s2  }
0xb1: {  	[dreg:$0x4] =	wrdreg s18  }
0xb2: {  	[dreg:$0x5] =	wrdreg $0x9  }
0xb3: {  	_ =	task.clear_ibuf [dreg:s8], $0x6FFFF;
	_ =	strace $0x90000046  }
0xb4: {  	s29 =	simm.s32 $0x9;
	_ =	strace $0x80000048  }
0xb5: {  	_ =	swait.ge [sflag:s29], $0x1  }
0xb6: {  	[sflag:s29] =	ssyncadd.s32 $0xFFFFFFFF  }
0xb7: {  	_ =	strace $0x90000048  }
0xb8: {  	_ =	sfence  }
0xb9: {  	s30 =	sld [smem:$0x0];
	_ =	sdelay $0x2  }
0xba: {  	s31 =	sshll.u32 s1, $0xD;
	s1 =	sshrl.u32 s1, $0x2  }
0xbb: {  	s3 =	sand.u32 $0x4000, s31;
	s1 =	sadd.s32 s1, s30  }
0xbc: {  	s0 =	sor.u32 s3, s0;
	s1 =	sshll.u32 s1, $0x11  }
0xbd: {  	s0 =	sor.u32 s1, s0  }
0xbe: {  	s0 =	sadd.s32 $0x8F2B, s0  }
0xbf: {  	[sflag:s0] =	ssyncadd.remote.s32 $0x1  }
0xc0: {  	_ =	sfence.sel $0xFFFF  }
0xc1: {  	[dreg:$0x0] =	wrdreg $0xFFFFFFFF;
	(pc) =	sbr.abs _section_cstart, $3  }
0xc2: {  	[dreg:$0x1] =	wrdreg $0xFFFFFFFF  }
0xc3: {  	_ =	task.clear_ibuf [dreg:s8], $0x2FFFF;
	_ =	strace $0x9FFFFFFF  }
0xc4: {  	(tm) =	ssettm $0x7FFFFFFF  }
0xc5: {  	_ =	shalt  }
tec
execute0_lowered:
.L_overlay_start_1:
0x0: {  	(tag) =	ssettag $0x1  }
0x1: {  	s0 =	rddreg [dreg:$0x0]  }
0x2: {  	s1 =	srdreg.scid;
	s2 =	stileid.u32  }
0x3: {  	s28 =	rddreg [dreg:$0x1];
	s1 =	sand.u32 $0x1, s1;
	s2 =	sshll.u32 s2, $0x1  }
0x4: {  	s6 =	rddreg [dreg:$0x2];
	s3 =	simm.s32 $0x0;
	s2 =	sor.u32 s1, s2  }
0x5: {  	s8 =	simm.s32 $0x9680;
	[smem:$0x7FF] =	sst s3;
	s4 =	smul.u32 $0x1900, s2  }
0x6: {  	s5 =	sadd.s32 $0xCE00, s0;
	s1 =	ssub.s32 $0x2, s1;
	s20 =	smul.u32 $0x19000, s2  }
0x7: {  	_ =	strace $0x80000047;
	[dreg:$0x5] =	wrdreg s5;
	s21 =	sshrl.u32 s1, $0x1  }
0x8: {  	[dreg:$0x4] =	wrdreg s4;
	s19 =	sshrl.u32 s4, $0x3;
	s25 =	sadd.s32 s6, s20  }
0x9: {  	s3 =	sadd.s32 s19, s0;
	s0 =	sadd.s32 $0x400, s0;
	[dreg:$0x9] =	wrdreg s25  }
0xa: {  	s2 =	smul.u32 $0xC8000, s2;
	s29 =	sadd.s32 $0x400, s25;
	[dreg:$0x6] =	wrdreg s0  }
0xb: {  	s22 =	ssub.s32 s1, s21;
	s30 =	sadd.s32 $0x800, s25;
	[dreg:$0xa] =	wrdreg s29  }
0xc: {  	s26 =	sshrl.u32 s2, $0x3;
	s31 =	sadd.s32 $0xC00, s25;
	[dreg:$0xb] =	wrdreg s30  }
.Ltmp0:
0xd: {  	s23 =	sadd.s32 $0x600, s3;
	[dreg:$0xc] =	wrdreg s31;
	(pc) =	sbr.rel .LBB2_1-.Ltmp0, $4  }
0xe: {  	s1 =	sadd.s32 s6, s26;
	s24 =	sadd.s32 $0x6A00, s3;
	[dreg:$0x7] =	wrdreg s23  }
0xf: {  	s9 =	simm.s32 $0xB680;
	s1 =	sadd.s32 $0x1000, s1;
	[dreg:$0x8] =	wrdreg s24  }
0x10: {  	s10 =	simm.s32 $0xD680;
	s0 =	smax.u32 s22, $0x1;
	[dreg:$0xd] =	wrdreg s1  }
0x11: {  	s11 =	simm.s32 $0xF680;
	s2 =	simm.s32 $0x0;
	[dreg:$0xe] =	wrdreg s0  }
.LBB2_24:
0x12: {  	s0 =	simm.s32 $0x6  }
0x13: {  	_ =	swait.ge [sflag:s0], $0x2000  }
0x14: {  	[sflag:s0] =	ssyncset.done $0x0  }
0x15: {  	s26 =	simm.s32 $0x7;
	[sflag:s0] =	ssyncadd.s32 $0xFFFFE000  }
0x16: {  	_ =	swait.ge [sflag:s26], $0x2000  }
0x17: {  	[sflag:s26] =	ssyncset.done $0x0  }
0x18: {  	s29 =	simm.s32 $0x8;
	[sflag:s26] =	ssyncadd.s32 $0xFFFFE000  }
0x19: {  	_ =	swait.ge [sflag:s29], $0x2000  }
0x1a: {  	[sflag:s29] =	ssyncset.done $0x0  }
0x1b: {  	s30 =	simm.s32 $0x9;
	[sflag:s29] =	ssyncadd.s32 $0xFFFFE000  }
0x1c: {  	_ =	swait.ge [sflag:s30], $0x2000  }
0x1d: {  	[sflag:s30] =	ssyncset.done $0x0  }
0x1e: {  	s1 =	simm.s32 $0xA;
	[sflag:s30] =	ssyncadd.s32 $0xFFFFE000  }
0x1f: {  	_ =	swait.ge [sflag:s1], $0x2000  }
0x20: {  	s2 =	rddreg [dreg:$0xf]  }
0x21: {  	s31 =	rddreg [dreg:$0xe];
	s2 =	sadd.s32 $0x1, s2  }
0x22: {  	p0 =	sne.s32 s2, s31  }
.Ltmp1:
0x23: {  	_ = 	snop;
	(pc) =	sbr.rel @!p0 .LBB2_25-.Ltmp1, $3  }
0x24: {  	_ =	sdelay $0x1  }
0x25: {  	s8 =	simm.s32 $0x9680;
	s9 =	simm.s32 $0xB680;
	[sflag:s1] =	ssyncset.done $0x0  }
0x26: {  	s10 =	simm.s32 $0xD680;
	s11 =	simm.s32 $0xF680;
	[sflag:s1] =	ssyncadd.s32 $0xFFFFE000  }
.LBB2_1:
0x27: {  	[dreg:$0xf] =	wrdreg s2  }
0x28: {  	s3 =	simm.s32 $0x0;
	s0 =	rddreg [dreg:$0x7];
	s1 =	simm.s32 $0xB  }
0x29: {  	[tilespmem:s3], [sflag:$0xB] =	stream.linear.gather [hbm4b:s0+s3], $0x1900, $0x38;
	[tilespmem:$0x1D680] =	vst v63  }
0x2a: {  	_ =	swait.ge [sflag:s1], $0x1900  }
0x2b: {  	[sflag:s1] =	ssyncset.done $0x0  }
0x2c: {  	s14 =	simm.s32 $0x40;
	[sflag:s1] =	ssyncadd.s32 $0xFFFFE700  }
0x2d: {  	[tilespmem:s8], [sflag:$0x1] =	stream.indirect.gather [hbm4b:s28+s14], $0x80, s3, s14, $0xb8;
	[tilespmem:$0x1D680] =	vst v63  }
0x2e: {  	_ = 	snop  }
0x2f: {  	[tilespmem:s9], [sflag:$0x2] =	stream.indirect.gather [hbm4b:s28+s14], $0x80, s14, s14, $0xb8;
	[tilespmem:$0x1D680] =	vst v63  }
0x30: {  	s15 =	simm.s32 $0x80  }
0x31: {  	[tilespmem:s10], [sflag:$0x3] =	stream.indirect.gather [hbm4b:s28+s14], $0x80, s15, s14, $0xb8;
	[tilespmem:$0x1D680] =	vst v63  }
0x32: {  	s16 =	simm.s32 $0xC0  }
0x33: {  	[tilespmem:s11], [sflag:$0x4] =	stream.indirect.gather [hbm4b:s28+s14], $0x80, s16, s14, $0xb8;
	[tilespmem:$0x1D680] =	vst v63  }
0x34: {  	s17 =	simm.s32 $0x100;
	s4 =	simm.s32 $0x11680  }
0x35: {  	[tilespmem:s4], [sflag:$0x5] =	stream.indirect.gather [hbm4b:s28+s14], $0x80, s17, s14, $0xb8;
	[tilespmem:$0x1D680] =	vst v63  }
0x36: {  	s19 =	simm.s32 $0x1900;
	s18 =	rddreg [dreg:$0x8]  }
0x37: {  	[tilespmem:s19], [sflag:$0xB] =	stream.linear.gather [hbm4b:s18+s3], $0x1900, $0x38;
	[tilespmem:$0x1D680] =	vst v63  }
0x38: {  	_ =	swait.ge [sflag:s1], $0x1900  }
0x39: {  	[sflag:s1] =	ssyncset.done $0x0  }
0x3a: {  	s21 =	simm.s32 $0x3200;
	s20 =	rddreg [dreg:$0x5];
	[sflag:s1] =	ssyncadd.s32 $0xFFFFE700  }
0x3b: {  	[tilespmem:s21], [sflag:$0xB] =	stream.linear.gather [hbm4b:s20+s3], $0x6400, $0x38;
	[tilespmem:$0x1D680] =	vst v63  }
0x3c: {  	_ =	swait.ge [sflag:s1], $0x6400  }
0x3d: {  	[sflag:s1] =	ssyncset.done $0x0  }
0x3e: {  	s23 =	simm.s32 $0x9600;
	s22 =	rddreg [dreg:$0x6];
	[sflag:s1] =	ssyncadd.s32 $0xFFFF9C00  }
0x3f: {  	[tilespmem:s23], [sflag:$0xB] =	stream.linear.gather [hbm4b:s22+s3], $0x80, $0x38;
	[tilespmem:$0x1D680] =	vst v63  }
0x40: {  	_ =	swait.ge [sflag:s1], $0x80  }
0x41: {  	[sflag:s1] =	ssyncset.done $0x0  }
0x42: {  	[sflag:s1] =	ssyncadd.s32 $0xFFFFFF80  }
0x43: {  	v0 =	vld [tilespmem:$0x9600]  }
0x44: {  	v1 =	vld [tilespmem:$0x9610]  }
0x45: {  	v2 =	vld [tilespmem:$0x9620]  }
0x46: {  	v3 =	vld [tilespmem:$0x9630]  }
0x47: {  	v4 =	vld [tilespmem:$0x9640]  }
0x48: {  	v5 =	vld [tilespmem:$0x9650]  }
0x49: {  	s24 =	simm.s32 $0x1;
	v6 =	vld [tilespmem:$0x9660]  }
0x4a: {  	v7 =	vld [tilespmem:$0x9670];
	_ =	swait.ge [sflag:s24], $0x2000  }
0x4b: {  	[sflag:s24] =	ssyncset.done $0x0  }
0x4c: {  	s26 =	simm.s32 $0x3280;
	[sflag:s24] =	ssyncadd.s32 $0xFFFFE000  }
0x4d: {  	v11 =	vld [tilespmem:s26+$0xFFFFFFB0]  }
0x4e: {  	s25 =	simm.s32 $0x9700;
	v12 =	vld [tilespmem:s26+$0xFFFFFFD0]  }
0x4f: {  	v9 =	vld [tilespmem:s25+$0x20]  }
0x50: {  	v14 =	vld [tilespmem:s26+$0x20]  }
0x51: {  	v15 =	vld [tilespmem:s26+$0xFFFFFFF0]  }
0x52: {  	v17 =	vld [tilespmem:s26+$0x70]  }
0x53: {  	v16 =	vld [tilespmem:s26+$0xFFFFFFE0]  }
0x54: {  	v18 =	vld [tilespmem:s26+$0x40]  }
0x55: {  	s29 =	sand.u32 $0x30, s3;
	v20 =	vld [tilespmem:s26+$0x60]  }
0x56: {  	v13 =	vld [tilespmem:s29+$0x1900]  }
0x57: {  	v21 =	vld [tilespmem:s26+$0xFFFFFFA0]  }
0x58: {  	v22 =	vld [tilespmem:s26+$0xFFFFFF90]  }
0x59: {  	v23 =	vld [tilespmem:s26+$0xFFFFFF80]  }
0x5a: {  	v24 =	vld [tilespmem:s25+$0xFFFFFFF0]  }
0x5b: {  	v26 =	vld [tilespmem:s25+$0xFFFFFFE0]  }
0x5c: {  	v27 =	vld [tilespmem:s25+$0xFFFFFFB0]  }
0x5d: {  	s30 =	sand.u32 $0xE, s3;
	s3 =	sand.u32 $0xF, s3;
	v29 =	vld [tilespmem:s25+$0xFFFFFFA0]  }
0x5e: {  	s31 =	sadd.s32 $0x1, s3;
	v30 =	vld [tilespmem:s25+$0xFFFFFF90]  }
0x5f: {  	v19 =	vmov s30;
	v25 =	vmov s31;
	v33 =	vld [tilespmem:s25+$0xFFFFFF80]  }
0x60: {  	v36 =	vld [tilespmem:s25+$0x60];
	v19 =	vperm.xlane v13, v19;
	v13 =	vperm.xlane v13, v25;
	v14 =	vadd.f32 v14, v9  }
0x61: {  	v37 =	vld [tilespmem:s25+$0x40];
	v24 =	vadd.f32 v15, v24;
	v26 =	vadd.f32 v16, v26  }
0x62: {  	v39 =	vld [tilespmem:s25+$0x70];
	v27 =	vadd.f32 v11, v27;
	v28 =	vcvt.s32.f32 v19;
	v13 =	vcvt.s32.f32 v13  }
0x63: {  	v25 =	vld [tilespmem:s25+$0xFFFFFFD0];
	v29 =	vadd.f32 v21, v29;
	v21 =	vadd.f32 v22, v30  }
0x64: {  	v30 =	vadd.f32 v23, v33;
	v9 =	vmul.f32 v28, v4;
	v15 =	vmul.f32 v13, v3  }
0x65: {  	v8 =	vld [tilespmem:s25+$0x50];
	v60 =	vadd.f32 v20, v36;
	v31 =	vmul.f32 v28, v6;
	v32 =	vmul.f32 v28, v7  }
0x66: {  	v10 =	vld [tilespmem:s26+$0xFFFFFFC0];
	v18 =	vadd.f32 v18, v37;
	v34 =	vmul.f32 v28, v5;
	v16 =	vmul.f32 v13, v1  }
0x67: {  	v23 =	vld [tilespmem:s26+$0x10];
	v62 =	vadd.f32 v17, v39;
	v35 =	vmul.f32 v28, v3;
	v38 =	vmul.f32 v13, v2  }
0x68: {  	v19 =	vld [tilespmem:s25+$0xFFFFFFC0];
	v58 =	vmul.f32 v28, v2;
	v61 =	vmul.f32 v13, v6;
	v25 =	vadd.f32 v12, v25  }
0x69: {  	v22 =	vld [tilespmem:s26+$0x0];
	v20 =	vmul.f32 v13, v4;
	v12 =	vadd.f32 v24, v32;
	v11 =	vadd.f32 v26, v31  }
0x6a: {  	v63 =	vmul.f32 v13, v7;
	v24 =	vld [tilespmem:s26+$0x50];
	v59 =	vadd.f32 v27, v35;
	v32 =	vadd.f32 v29, v58  }
0x6b: {  	v31 =	vmul.f32 v28, v0;
	v26 =	vld [tilespmem:s26+$0x30];
	v27 =	vadd.f32 v14, v38;
	v18 =	vadd.f32 v18, v20  }
0x6c: {  	v29 =	vld [tilespmem:s25+$0x30];
	v28 =	vmul.f32 v28, v1;
	v17 =	vadd.f32 v60, v61;
	v33 =	vadd.f32 v62, v63  }
0x6d: {  	s5 =	simm.s32 $0x2;
	s0 =	simm.s32 $0x13700;
	v10 =	vadd.f32 v10, v19;
	v19 =	vmul.f32 v13, v5;
	v14 =	vadd.f32 v30, v31;
	v31 =	vld [tilespmem:s25+$0x10]  }
0x6e: {  	s4 =	simm.s32 $0x3380;
	s3 =	simm.s32 $0x9800;
	s1 =	simm.s32 $0x13700;
	v25 =	vadd.f32 v25, v34;
	v12 =	vmax.f32 v12, $-1.000000000e+00;
	v20 =	vmax.f32 v59, $-1.000000000e+00;
	v30 =	vld [tilespmem:s25+$0x0]  }
.LBB2_2:
0x6f: {  	s2 =	sand.u32 $0x30, s5  }
0x70: {  	v34 =	vld [tilespmem:s3+$0x50];
	v21 =	vadd.f32 v21, v28;
	v28 =	vmax.f32 v32, $-1.000000000e+00;
	v27 =	vmax.f32 v27, $-1.000000000e+00;
	s1 =	sadd.s32 $0x100, s1;
	s7 =	smov.u32 s5;
	s6 =	sadd.s32 $0x2, s5  }
0x71: {  	p0 =	slt.u32 s5, $0x3E;
	v8 =	vadd.f32 v24, v8;
	v32 =	vld [tilespmem:s4+$0xFFFFFFB0];
	v28 =	vmin.f32 v28, $1.000000000e+00;
	v24 =	vmax.f32 v33, $-1.000000000e+00  }
0x72: {  	v25 =	vmax.f32 v25, $-1.000000000e+00;
	v33 =	vld [tilespmem:s4+$0xFFFFFFC0];
	v26 =	vadd.f32 v26, v29;
	v24 =	vmin.f32 v24, $1.000000000e+00  }
0x73: {  	v25 =	vmin.f32 v25, $1.000000000e+00;
	v29 =	vld [tilespmem:s4+$0xFFFFFFD0];
	v23 =	vadd.f32 v23, v31;
	v31 =	vadd.f32 v8, v19;
	[tilespmem:s0+$0x70] =	vst v24  }
0x74: {  	v13 =	vmul.f32 v13, v0;
	s5 =	sand.u32 $0xE, s7;
	v19 =	vld [tilespmem:s3+$0x20];
	[tilespmem:s0+$0xFFFFFFA0] =	vst v28;
	v22 =	vadd.f32 v22, v30;
	v15 =	vadd.f32 v26, v15  }
0x75: {  	v24 =	vmov s5;
	s5 =	sand.u32 $0xF, s7;
	v26 =	vld [tilespmem:s4+$0x20];
	[tilespmem:s0+$0xFFFFFFD0] =	vst v25;
	v16 =	vadd.f32 v23, v16;
	v23 =	vmax.f32 v31, $-1.000000000e+00;
	v8 =	vmovc v34  }
0x76: {  	s5 =	sadd.s32 $0x1, s5;
	v25 =	vld [tilespmem:s4+$0xFFFFFFF0];
	v13 =	vadd.f32 v22, v13;
	v15 =	vmax.f32 v15, $-1.000000000e+00;
	v22 =	vmin.f32 v23, $1.000000000e+00  }
0x77: {  	v23 =	vmov s5;
	v30 =	vld [tilespmem:s4+$0x70];
	v16 =	vmax.f32 v16, $-1.000000000e+00;
	v15 =	vmin.f32 v15, $1.000000000e+00;
	[tilespmem:s0+$0x50] =	vst v22  }
0x78: {  	v20 =	vmin.f32 v20, $1.000000000e+00;
	v22 =	vld [tilespmem:s4+$0xFFFFFFE0];
	v13 =	vmax.f32 v13, $-1.000000000e+00;
	v16 =	vmin.f32 v16, $1.000000000e+00;
	[tilespmem:s0+$0x30] =	vst v15  }
0x79: {  	v11 =	vmax.f32 v11, $-1.000000000e+00;
	v15 =	vmax.f32 v21, $-1.000000000e+00;
	v31 =	vld [tilespmem:s4+$0x40];
	v13 =	vmin.f32 v13, $1.000000000e+00;
	[tilespmem:s0+$0x10] =	vst v16  }
0x7a: {  	v11 =	vmin.f32 v11, $1.000000000e+00;
	v15 =	vmin.f32 v15, $1.000000000e+00;
	v34 =	vld [tilespmem:s4+$0x60];
	v35 =	vadd.f32 v26, v19;
	[tilespmem:s0+$0x0] =	vst v13  }
0x7b: {  	v9 =	vadd.f32 v10, v9;
	v10 =	vmin.f32 v12, $1.000000000e+00;
	v12 =	vmin.f32 v27, $1.000000000e+00;
	v13 =	vld [tilespmem:s2+$0x1900];
	[tilespmem:s0+$0xFFFFFF90] =	vst v15  }
0x7c: {  	v21 =	vld [tilespmem:s4+$0xFFFFFFA0];
	[tilespmem:s0+$0x20] =	vst v12;
	v12 =	vmax.f32 v18, $-1.000000000e+00  }
0x7d: {  	v9 =	vmax.f32 v9, $-1.000000000e+00;
	v15 =	vmax.f32 v17, $-1.000000000e+00;
	v18 =	vld [tilespmem:s4+$0xFFFFFF90];
	[tilespmem:s0+$0xFFFFFFB0] =	vst v20;
	v12 =	vmin.f32 v12, $1.000000000e+00  }
0x7e: {  	v9 =	vmin.f32 v9, $1.000000000e+00;
	v17 =	vld [tilespmem:s4+$0xFFFFFF80];
	[tilespmem:s0+$0xFFFFFFF0] =	vst v10;
	v10 =	vmin.f32 v15, $1.000000000e+00  }
0x7f: {  	v14 =	vmax.f32 v14, $-1.000000000e+00;
	v15 =	vld [tilespmem:s3+$0xFFFFFFF0];
	[tilespmem:s0+$0xFFFFFFC0] =	vst v9  }
0x80: {  	v14 =	vmin.f32 v14, $1.000000000e+00;
	v9 =	vperm.xlane v13, v24;
	v16 =	vld [tilespmem:s3+$0xFFFFFFE0];
	v13 =	vperm.xlane v13, v23;
	[tilespmem:s0+$0x40] =	vst v12  }
0x81: {  	v12 =	vld [tilespmem:s3+$0xFFFFFFD0];
	[tilespmem:s0+$0xFFFFFFE0] =	vst v11  }
0x82: {  	v20 =	vcvt.s32.f32 v9;
	v11 =	vld [tilespmem:s3+$0xFFFFFFC0];
	v13 =	vcvt.s32.f32 v13;
	[tilespmem:s0+$0xFFFFFF80] =	vst v14  }
0x83: {  	v14 =	vld [tilespmem:s3+$0xFFFFFFB0];
	[tilespmem:s0+$0x60] =	vst v10;
	s0 =	smov.u32 s1  }
0x84: {  	v23 =	vld [tilespmem:s3+$0xFFFFFFA0];
	v9 =	vmul.f32 v20, v4;
	v19 =	vadd.f32 v25, v15;
	v15 =	vmul.f32 v13, v3  }
0x85: {  	v25 =	vmul.f32 v20, v6;
	v26 =	vmul.f32 v20, v7;
	v24 =	vld [tilespmem:s3+$0xFFFFFF90];
	v22 =	vadd.f32 v22, v16  }
0x86: {  	v36 =	vmul.f32 v20, v5;
	v16 =	vmul.f32 v13, v1;
	v27 =	vld [tilespmem:s3+$0xFFFFFF80];
	v29 =	vadd.f32 v29, v12  }
0x87: {  	v37 =	vmul.f32 v20, v3;
	v12 =	vadd.f32 v19, v26;
	v10 =	vadd.f32 v33, v11;
	v33 =	vld [tilespmem:s3+$0x60]  }
0x88: {  	v39 =	vmul.f32 v13, v2;
	v19 =	vmul.f32 v13, v5;
	v14 =	vadd.f32 v32, v14;
	v38 =	vld [tilespmem:s3+$0x40]  }
0x89: {  	v40 =	vmul.f32 v20, v2;
	v11 =	vadd.f32 v22, v25;
	v32 =	vadd.f32 v21, v23;
	v41 =	vld [tilespmem:s3+$0x70]  }
0x8a: {  	v42 =	vmul.f32 v20, v0;
	v12 =	vmax.f32 v12, $-1.000000000e+00;
	v21 =	vadd.f32 v18, v24;
	v24 =	vld [tilespmem:s4+$0x50]  }
0x8b: {  	v28 =	vmul.f32 v20, v1;
	v25 =	vadd.f32 v29, v36;
	v17 =	vadd.f32 v17, v27;
	v26 =	vld [tilespmem:s4+$0x30]  }
.Ltmp2:
0x8c: {  	v20 =	vadd.f32 v14, v37;
	v23 =	vld [tilespmem:s4+$0x10];
	v33 =	vadd.f32 v34, v33;
	v34 =	vmul.f32 v13, v6;
	(pc) =	sbr.rel @p0 .LBB2_2-.Ltmp2, $4  }
0x8d: {  	v36 =	vmul.f32 v13, v4;
	v32 =	vadd.f32 v32, v40;
	v22 =	vld [tilespmem:s4+$0x0];
	v18 =	vadd.f32 v31, v38  }
0x8e: {  	v37 =	vmul.f32 v13, v7;
	v27 =	vadd.f32 v35, v39;
	v29 =	vld [tilespmem:s3+$0x30];
	v35 =	vadd.f32 v30, v41  }
0x8f: {  	v14 =	vadd.f32 v17, v42;
	v31 =	vld [tilespmem:s3+$0x10];
	v18 =	vadd.f32 v18, v36  }
0x90: {  	s5 =	smov.u32 s6;
	v20 =	vmax.f32 v20, $-1.000000000e+00;
	s4 =	sadd.s32 $0x100, s4;
	v17 =	vadd.f32 v33, v34;
	v30 =	vld [tilespmem:s3+$0x0];
	v33 =	vadd.f32 v35, v37;
	s3 =	sadd.s32 $0x100, s3  }
0x91: {  	_ = 	snop  }
0x92: {  	v32 =	vmax.f32 v32, $-1.000000000e+00;
	v8 =	vadd.f32 v24, v8;
	v25 =	vmax.f32 v25, $-1.000000000e+00  }
0x93: {  	v13 =	vmul.f32 v13, v0;
	v32 =	vmin.f32 v32, $1.000000000e+00;
	v26 =	vadd.f32 v26, v29  }
0x94: {  	v24 =	vmax.f32 v33, $-1.000000000e+00;
	v8 =	vadd.f32 v8, v19;
	v23 =	vadd.f32 v23, v31  }
0x95: {  	v24 =	vmin.f32 v24, $1.000000000e+00;
	[tilespmem:s0+$0xFFFFFFA0] =	vst v32;
	v19 =	vadd.f32 v22, v30;
	v15 =	vadd.f32 v26, v15  }
0x96: {  	[tilespmem:s0+$0x70] =	vst v24;
	v22 =	vmin.f32 v25, $1.000000000e+00;
	v8 =	vmax.f32 v8, $-1.000000000e+00;
	v16 =	vadd.f32 v23, v16  }
0x97: {  	[tilespmem:s0+$0xFFFFFFD0] =	vst v22;
	v8 =	vmin.f32 v8, $1.000000000e+00;
	v13 =	vadd.f32 v19, v13;
	v15 =	vmax.f32 v15, $-1.000000000e+00  }
0x98: {  	v19 =	vadd.f32 v21, v28;
	[tilespmem:s0+$0x50] =	vst v8;
	v16 =	vmax.f32 v16, $-1.000000000e+00;
	v15 =	vmin.f32 v15, $1.000000000e+00  }
0x99: {  	v8 =	vmax.f32 v13, $-1.000000000e+00;
	v13 =	vmin.f32 v16, $1.000000000e+00;
	[tilespmem:s0+$0x30] =	vst v15  }
0x9a: {  	v15 =	vmax.f32 v19, $-1.000000000e+00;
	v8 =	vmin.f32 v8, $1.000000000e+00;
	[tilespmem:s0+$0x10] =	vst v13  }
0x9b: {  	v13 =	vmax.f32 v27, $-1.000000000e+00;
	v15 =	vmin.f32 v15, $1.000000000e+00;
	[tilespmem:s0+$0x0] =	vst v8  }
0x9c: {  	[tilespmem:s0+$0xFFFFFF90] =	vst v15;
	v8 =	vadd.f32 v10, v9;
	v9 =	vmin.f32 v13, $1.000000000e+00  }
0x9d: {  	v10 =	vmin.f32 v20, $1.000000000e+00;
	[tilespmem:s0+$0x20] =	vst v9  }
0x9e: {  	v9 =	vmin.f32 v12, $1.000000000e+00;
	[tilespmem:s0+$0xFFFFFFB0] =	vst v10;
	v10 =	vmax.f32 v18, $-1.000000000e+00  }
0x9f: {  	v8 =	vmax.f32 v8, $-1.000000000e+00;
	[tilespmem:s0+$0xFFFFFFF0] =	vst v9;
	v10 =	vmin.f32 v10, $1.000000000e+00  }
0xa0: {  	v9 =	vmax.f32 v11, $-1.000000000e+00;
	v8 =	vmin.f32 v8, $1.000000000e+00;
	[tilespmem:s0+$0x40] =	vst v10  }
0xa1: {  	[tilespmem:s0+$0xFFFFFFC0] =	vst v8;
	v8 =	vmin.f32 v9, $1.000000000e+00;
	v9 =	vmax.f32 v14, $-1.000000000e+00  }
0xa2: {  	v10 =	vmax.f32 v17, $-1.000000000e+00;
	v9 =	vmin.f32 v9, $1.000000000e+00;
	[tilespmem:s0+$0xFFFFFFE0] =	vst v8  }
0xa3: {  	v8 =	vmin.f32 v10, $1.000000000e+00;
	[tilespmem:s0+$0xFFFFFF80] =	vst v9  }
0xa4: {  	[tilespmem:s0+$0x60] =	vst v8  }
0xa5: {  	s1 =	simm.s32 $0x0;
	s2 =	simm.s32 $0x13680;
	s0 =	rddreg [dreg:$0x9]  }
0xa6: {  	[hbm4b:s0+s1] =	stream.linear.scatter [tilespmem:s2], [sflag:$0x6], $0x2000, $0x38;
	[tilespmem:$0x1D680] =	vst v63  }
0xa7: {  	s25 =	simm.s32 $0x40;
	s26 =	simm.s32 $0x140;
	s29 =	simm.s32 $0x2  }
0xa8: {  	[tilespmem:s8], [sflag:$0x1] =	stream.indirect.gather [hbm4b:s28+s25], $0x80, s26, s25, $0xb8;
	[tilespmem:$0x1D680] =	vst v63  }
0xa9: {  	_ =	swait.ge [sflag:s29], $0x2000  }
0xaa: {  	[sflag:s29] =	ssyncset.done $0x0  }
0xab: {  	s0 =	simm.s32 $0x52F0;
	[sflag:s29] =	ssyncadd.s32 $0xFFFFE000  }
0xac: {  	v11 =	vld [tilespmem:s0+$0xFFFFFF40]  }
0xad: {  	s30 =	simm.s32 $0xB700;
	v12 =	vld [tilespmem:s0+$0xFFFFFF60]  }
0xae: {  	v9 =	vld [tilespmem:s30+$0x20]  }
0xaf: {  	v14 =	vld [tilespmem:s0+$0xFFFFFFB0]  }
0xb0: {  	v15 =	vld [tilespmem:s0+$0xFFFFFF80]  }
0xb1: {  	v17 =	vld [tilespmem:s0+$0x0]  }
0xb2: {  	v16 =	vld [tilespmem:s0+$0xFFFFFF70]  }
0xb3: {  	v18 =	vld [tilespmem:s0+$0xFFFFFFD0]  }
0xb4: {  	s3 =	sand.u32 $0x30, s1;
	v20 =	vld [tilespmem:s0+$0xFFFFFFF0]  }
0xb5: {  	v13 =	vld [tilespmem:s3+$0x1940]  }
0xb6: {  	v21 =	vld [tilespmem:s0+$0xFFFFFF30]  }
0xb7: {  	v22 =	vld [tilespmem:s0+$0xFFFFFF20]  }
0xb8: {  	v23 =	vld [tilespmem:s0+$0xFFFFFF10]  }
0xb9: {  	v24 =	vld [tilespmem:s30+$0xFFFFFFF0]  }
0xba: {  	v26 =	vld [tilespmem:s30+$0xFFFFFFE0]  }
0xbb: {  	v27 =	vld [tilespmem:s30+$0xFFFFFFB0]  }
0xbc: {  	s31 =	sand.u32 $0xE, s1;
	s1 =	sand.u32 $0xF, s1;
	v29 =	vld [tilespmem:s30+$0xFFFFFFA0]  }
0xbd: {  	s1 =	sadd.s32 $0x1, s1;
	v30 =	vld [tilespmem:s30+$0xFFFFFF90]  }
0xbe: {  	v19 =	vmov s31;
	v25 =	vmov s1;
	v57 =	vld [tilespmem:s30+$0xFFFFFF80]  }
0xbf: {  	v36 =	vld [tilespmem:s30+$0x60];
	v19 =	vperm.xlane v13, v19;
	v13 =	vperm.xlane v13, v25;
	v14 =	vadd.f32 v14, v9  }
0xc0: {  	v37 =	vld [tilespmem:s30+$0x40];
	v24 =	vadd.f32 v15, v24;
	v26 =	vadd.f32 v16, v26  }
0xc1: {  	v39 =	vld [tilespmem:s30+$0x70];
	v27 =	vadd.f32 v11, v27;
	v28 =	vcvt.s32.f32 v19;
	v13 =	vcvt.s32.f32 v13  }
0xc2: {  	v25 =	vld [tilespmem:s30+$0xFFFFFFD0];
	v29 =	vadd.f32 v21, v29;
	v21 =	vadd.f32 v22, v30  }
0xc3: {  	v30 =	vadd.f32 v23, v57;
	v9 =	vmul.f32 v28, v4;
	v15 =	vmul.f32 v13, v3  }
0xc4: {  	v8 =	vld [tilespmem:s30+$0x50];
	v60 =	vadd.f32 v20, v36;
	v31 =	vmul.f32 v28, v6;
	v56 =	vmul.f32 v28, v7  }
0xc5: {  	v10 =	vld [tilespmem:s0+$0xFFFFFF50];
	v18 =	vadd.f32 v18, v37;
	v34 =	vmul.f32 v28, v5;
	v16 =	vmul.f32 v13, v1  }
0xc6: {  	v23 =	vld [tilespmem:s0+$0xFFFFFFA0];
	v62 =	vadd.f32 v17, v39;
	v35 =	vmul.f32 v28, v3;
	v38 =	vmul.f32 v13, v2  }
0xc7: {  	v19 =	vld [tilespmem:s30+$0xFFFFFFC0];
	v58 =	vmul.f32 v28, v2;
	v61 =	vmul.f32 v13, v6;
	v25 =	vadd.f32 v12, v25  }
0xc8: {  	v22 =	vld [tilespmem:s0+$0xFFFFFF90];
	v20 =	vmul.f32 v13, v4;
	v12 =	vadd.f32 v24, v56;
	v11 =	vadd.f32 v26, v31  }
0xc9: {  	v63 =	vmul.f32 v13, v7;
	v24 =	vld [tilespmem:s0+$0xFFFFFFE0];
	v59 =	vadd.f32 v27, v35;
	v32 =	vadd.f32 v29, v58  }
0xca: {  	v31 =	vmul.f32 v28, v0;
	v26 =	vld [tilespmem:s0+$0xFFFFFFC0];
	v27 =	vadd.f32 v14, v38;
	v18 =	vadd.f32 v18, v20  }
0xcb: {  	v29 =	vld [tilespmem:s30+$0x30];
	v28 =	vmul.f32 v28, v1;
	v17 =	vadd.f32 v60, v61;
	v33 =	vadd.f32 v62, v63  }
0xcc: {  	s5 =	simm.s32 $0x2;
	v10 =	vadd.f32 v10, v19;
	v19 =	vmul.f32 v13, v5;
	v14 =	vadd.f32 v30, v31;
	v31 =	vld [tilespmem:s30+$0x10]  }
0xcd: {  	s4 =	simm.s32 $0xB800;
	s1 =	simm.s32 $0x15700;
	s3 =	simm.s32 $0x15800;
	v25 =	vadd.f32 v25, v34;
	v12 =	vmax.f32 v12, $-1.000000000e+00;
	v20 =	vmax.f32 v59, $-1.000000000e+00;
	v30 =	vld [tilespmem:s30+$0x0]  }
.LBB2_4:
0xce: {  	s2 =	sand.u32 $0x30, s5  }
0xcf: {  	v34 =	vld [tilespmem:s4+$0x50];
	v21 =	vadd.f32 v21, v28;
	v28 =	vmax.f32 v32, $-1.000000000e+00;
	v27 =	vmax.f32 v27, $-1.000000000e+00;
	s0 =	sadd.s32 $0x100, s0;
	s7 =	smov.u32 s5;
	s6 =	sadd.s32 $0x2, s5  }
0xd0: {  	p0 =	slt.u32 s5, $0x3E;
	v8 =	vadd.f32 v24, v8;
	v32 =	vld [tilespmem:s0+$0xFFFFFF40];
	v28 =	vmin.f32 v28, $1.000000000e+00;
	v24 =	vmax.f32 v33, $-1.000000000e+00  }
0xd1: {  	v25 =	vmax.f32 v25, $-1.000000000e+00;
	v33 =	vld [tilespmem:s0+$0xFFFFFF50];
	v26 =	vadd.f32 v26, v29;
	v24 =	vmin.f32 v24, $1.000000000e+00  }
0xd2: {  	v25 =	vmin.f32 v25, $1.000000000e+00;
	v29 =	vld [tilespmem:s0+$0xFFFFFF60];
	v23 =	vadd.f32 v23, v31;
	v31 =	vadd.f32 v8, v19;
	[tilespmem:s1+$0x70] =	vst v24  }
0xd3: {  	v13 =	vmul.f32 v13, v0;
	s5 =	sand.u32 $0xE, s7;
	v19 =	vld [tilespmem:s4+$0x20];
	[tilespmem:s1+$0xFFFFFFA0] =	vst v28;
	v22 =	vadd.f32 v22, v30;
	v15 =	vadd.f32 v26, v15  }
0xd4: {  	v24 =	vmov s5;
	s5 =	sand.u32 $0xF, s7;
	v26 =	vld [tilespmem:s0+$0xFFFFFFB0];
	[tilespmem:s1+$0xFFFFFFD0] =	vst v25;
	v16 =	vadd.f32 v23, v16;
	v23 =	vmax.f32 v31, $-1.000000000e+00;
	v8 =	vmovc v34  }
0xd5: {  	s5 =	sadd.s32 $0x1, s5;
	v25 =	vld [tilespmem:s0+$0xFFFFFF80];
	v13 =	vadd.f32 v22, v13;
	v15 =	vmax.f32 v15, $-1.000000000e+00;
	v22 =	vmin.f32 v23, $1.000000000e+00  }
0xd6: {  	v23 =	vmov s5;
	v30 =	vld [tilespmem:s0+$0x0];
	v16 =	vmax.f32 v16, $-1.000000000e+00;
	v15 =	vmin.f32 v15, $1.000000000e+00;
	[tilespmem:s1+$0x50] =	vst v22  }
0xd7: {  	v20 =	vmin.f32 v20, $1.000000000e+00;
	v22 =	vld [tilespmem:s0+$0xFFFFFF70];
	v13 =	vmax.f32 v13, $-1.000000000e+00;
	v16 =	vmin.f32 v16, $1.000000000e+00;
	[tilespmem:s1+$0x30] =	vst v15  }
0xd8: {  	v11 =	vmax.f32 v11, $-1.000000000e+00;
	v15 =	vmax.f32 v21, $-1.000000000e+00;
	v31 =	vld [tilespmem:s0+$0xFFFFFFD0];
	v13 =	vmin.f32 v13, $1.000000000e+00;
	[tilespmem:s1+$0x10] =	vst v16  }
0xd9: {  	v11 =	vmin.f32 v11, $1.000000000e+00;
	v15 =	vmin.f32 v15, $1.000000000e+00;
	v34 =	vld [tilespmem:s0+$0xFFFFFFF0];
	v35 =	vadd.f32 v26, v19;
	[tilespmem:s1+$0x0] =	vst v13  }
0xda: {  	v9 =	vadd.f32 v10, v9;
	v10 =	vmin.f32 v12, $1.000000000e+00;
	v12 =	vmin.f32 v27, $1.000000000e+00;
	v13 =	vld [tilespmem:s2+$0x1940];
	[tilespmem:s1+$0xFFFFFF90] =	vst v15  }
0xdb: {  	v21 =	vld [tilespmem:s0+$0xFFFFFF30];
	[tilespmem:s1+$0x20] =	vst v12;
	v12 =	vmax.f32 v18, $-1.000000000e+00  }
0xdc: {  	v9 =	vmax.f32 v9, $-1.000000000e+00;
	v15 =	vmax.f32 v17, $-1.000000000e+00;
	v18 =	vld [tilespmem:s0+$0xFFFFFF20];
	[tilespmem:s1+$0xFFFFFFB0] =	vst v20;
	v12 =	vmin.f32 v12, $1.000000000e+00  }
0xdd: {  	v9 =	vmin.f32 v9, $1.000000000e+00;
	v17 =	vld [tilespmem:s0+$0xFFFFFF10];
	[tilespmem:s1+$0xFFFFFFF0] =	vst v10;
	v10 =	vmin.f32 v15, $1.000000000e+00  }
0xde: {  	v14 =	vmax.f32 v14, $-1.000000000e+00;
	v15 =	vld [tilespmem:s4+$0xFFFFFFF0];
	[tilespmem:s1+$0xFFFFFFC0] =	vst v9  }
0xdf: {  	v14 =	vmin.f32 v14, $1.000000000e+00;
	v9 =	vperm.xlane v13, v24;
	v16 =	vld [tilespmem:s4+$0xFFFFFFE0];
	v13 =	vperm.xlane v13, v23;
	[tilespmem:s1+$0x40] =	vst v12  }
0xe0: {  	v12 =	vld [tilespmem:s4+$0xFFFFFFD0];
	[tilespmem:s1+$0xFFFFFFE0] =	vst v11  }
0xe1: {  	v20 =	vcvt.s32.f32 v9;
	v11 =	vld [tilespmem:s4+$0xFFFFFFC0];
	v13 =	vcvt.s32.f32 v13;
	[tilespmem:s1+$0xFFFFFF80] =	vst v14  }
0xe2: {  	v14 =	vld [tilespmem:s4+$0xFFFFFFB0];
	[tilespmem:s1+$0x60] =	vst v10;
	s1 =	smov.u32 s3  }
0xe3: {  	v23 =	vld [tilespmem:s4+$0xFFFFFFA0];
	v9 =	vmul.f32 v20, v4;
	v19 =	vadd.f32 v25, v15;
	v15 =	vmul.f32 v13, v3  }
0xe4: {  	v25 =	vmul.f32 v20, v6;
	v26 =	vmul.f32 v20, v7;
	v24 =	vld [tilespmem:s4+$0xFFFFFF90];
	v22 =	vadd.f32 v22, v16  }
0xe5: {  	v36 =	vmul.f32 v20, v5;
	v16 =	vmul.f32 v13, v1;
	v27 =	vld [tilespmem:s4+$0xFFFFFF80];
	v29 =	vadd.f32 v29, v12  }
0xe6: {  	v37 =	vmul.f32 v20, v3;
	v12 =	vadd.f32 v19, v26;
	v10 =	vadd.f32 v33, v11;
	v33 =	vld [tilespmem:s4+$0x60]  }
0xe7: {  	v39 =	vmul.f32 v13, v2;
	v19 =	vmul.f32 v13, v5;
	v14 =	vadd.f32 v32, v14;
	v38 =	vld [tilespmem:s4+$0x40]  }
0xe8: {  	v40 =	vmul.f32 v20, v2;
	v11 =	vadd.f32 v22, v25;
	v32 =	vadd.f32 v21, v23;
	v41 =	vld [tilespmem:s4+$0x70]  }
0xe9: {  	v42 =	vmul.f32 v20, v0;
	v12 =	vmax.f32 v12, $-1.000000000e+00;
	v21 =	vadd.f32 v18, v24;
	v24 =	vld [tilespmem:s0+$0xFFFFFFE0]  }
0xea: {  	v28 =	vmul.f32 v20, v1;
	v25 =	vadd.f32 v29, v36;
	v17 =	vadd.f32 v17, v27;
	v26 =	vld [tilespmem:s0+$0xFFFFFFC0]  }
.Ltmp3:
0xeb: {  	v20 =	vadd.f32 v14, v37;
	v23 =	vld [tilespmem:s0+$0xFFFFFFA0];
	v33 =	vadd.f32 v34, v33;
	v34 =	vmul.f32 v13, v6;
	(pc) =	sbr.rel @p0 .LBB2_4-.Ltmp3, $4  }
0xec: {  	v36 =	vmul.f32 v13, v4;
	v32 =	vadd.f32 v32, v40;
	v22 =	vld [tilespmem:s0+$0xFFFFFF90];
	v18 =	vadd.f32 v31, v38  }
0xed: {  	v37 =	vmul.f32 v13, v7;
	v27 =	vadd.f32 v35, v39;
	v29 =	vld [tilespmem:s4+$0x30];
	v35 =	vadd.f32 v30, v41  }
0xee: {  	v14 =	vadd.f32 v17, v42;
	v31 =	vld [tilespmem:s4+$0x10];
	v18 =	vadd.f32 v18, v36  }
0xef: {  	s5 =	smov.u32 s6;
	s3 =	sadd.s32 $0x100, s3;
	v20 =	vmax.f32 v20, $-1.000000000e+00;
	v17 =	vadd.f32 v33, v34;
	v30 =	vld [tilespmem:s4+$0x0];
	v33 =	vadd.f32 v35, v37;
	s4 =	sadd.s32 $0x100, s4  }
0xf0: {  	_ = 	snop  }
0xf1: {  	v32 =	vmax.f32 v32, $-1.000000000e+00;
	v8 =	vadd.f32 v24, v8;
	v25 =	vmax.f32 v25, $-1.000000000e+00  }
0xf2: {  	v13 =	vmul.f32 v13, v0;
	v32 =	vmin.f32 v32, $1.000000000e+00;
	v26 =	vadd.f32 v26, v29  }
0xf3: {  	v24 =	vmax.f32 v33, $-1.000000000e+00;
	v8 =	vadd.f32 v8, v19;
	v23 =	vadd.f32 v23, v31  }
0xf4: {  	v24 =	vmin.f32 v24, $1.000000000e+00;
	[tilespmem:s1+$0xFFFFFFA0] =	vst v32;
	v19 =	vadd.f32 v22, v30;
	v15 =	vadd.f32 v26, v15  }
0xf5: {  	[tilespmem:s1+$0x70] =	vst v24;
	v22 =	vmin.f32 v25, $1.000000000e+00;
	v8 =	vmax.f32 v8, $-1.000000000e+00;
	v16 =	vadd.f32 v23, v16  }
0xf6: {  	[tilespmem:s1+$0xFFFFFFD0] =	vst v22;
	v8 =	vmin.f32 v8, $1.000000000e+00;
	v13 =	vadd.f32 v19, v13;
	v15 =	vmax.f32 v15, $-1.000000000e+00  }
0xf7: {  	v19 =	vadd.f32 v21, v28;
	[tilespmem:s1+$0x50] =	vst v8;
	v16 =	vmax.f32 v16, $-1.000000000e+00;
	v15 =	vmin.f32 v15, $1.000000000e+00  }
0xf8: {  	v8 =	vmax.f32 v13, $-1.000000000e+00;
	v13 =	vmin.f32 v16, $1.000000000e+00;
	[tilespmem:s1+$0x30] =	vst v15  }
0xf9: {  	v15 =	vmax.f32 v19, $-1.000000000e+00;
	v8 =	vmin.f32 v8, $1.000000000e+00;
	[tilespmem:s1+$0x10] =	vst v13  }
0xfa: {  	v13 =	vmax.f32 v27, $-1.000000000e+00;
	v15 =	vmin.f32 v15, $1.000000000e+00;
	[tilespmem:s1+$0x0] =	vst v8  }
0xfb: {  	[tilespmem:s1+$0xFFFFFF90] =	vst v15;
	v8 =	vadd.f32 v10, v9;
	v9 =	vmin.f32 v13, $1.000000000e+00  }
0xfc: {  	v10 =	vmin.f32 v20, $1.000000000e+00;
	[tilespmem:s1+$0x20] =	vst v9  }
0xfd: {  	v9 =	vmin.f32 v12, $1.000000000e+00;
	[tilespmem:s1+$0xFFFFFFB0] =	vst v10;
	v10 =	vmax.f32 v18, $-1.000000000e+00  }
0xfe: {  	v8 =	vmax.f32 v8, $-1.000000000e+00;
	[tilespmem:s1+$0xFFFFFFF0] =	vst v9;
	v10 =	vmin.f32 v10, $1.000000000e+00  }
0xff: {  	v9 =	vmax.f32 v11, $-1.000000000e+00;
	v8 =	vmin.f32 v8, $1.000000000e+00;
	[tilespmem:s1+$0x40] =	vst v10  }
0x100: {  	[tilespmem:s1+$0xFFFFFFC0] =	vst v8;
	v8 =	vmin.f32 v9, $1.000000000e+00;
	v9 =	vmax.f32 v14, $-1.000000000e+00  }
0x101: {  	v10 =	vmax.f32 v17, $-1.000000000e+00;
	v9 =	vmin.f32 v9, $1.000000000e+00;
	[tilespmem:s1+$0xFFFFFFE0] =	vst v8  }
0x102: {  	v8 =	vmin.f32 v10, $1.000000000e+00;
	[tilespmem:s1+$0xFFFFFF80] =	vst v9  }
0x103: {  	[tilespmem:s1+$0x60] =	vst v8  }
0x104: {  	s2 =	simm.s32 $0x15680;
	s1 =	simm.s32 $0x0;
	s0 =	rddreg [dreg:$0xa]  }
0x105: {  	[hbm4b:s0+s1] =	stream.linear.scatter [tilespmem:s2], [sflag:$0x7], $0x2000, $0x38;
	[tilespmem:$0x1D680] =	vst v63  }
0x106: {  	s25 =	simm.s32 $0x40;
	s26 =	simm.s32 $0x180;
	s29 =	simm.s32 $0x3  }
0x107: {  	[tilespmem:s9], [sflag:$0x2] =	stream.indirect.gather [hbm4b:s28+s25], $0x80, s26, s25, $0xb8;
	[tilespmem:$0x1D680] =	vst v63  }
0x108: {  	_ =	swait.ge [sflag:s29], $0x2000  }
0x109: {  	[sflag:s29] =	ssyncset.done $0x0  }
0x10a: {  	s30 =	sand.u32 $0x30, s1;
	[sflag:s29] =	ssyncadd.s32 $0xFFFFE000  }
0x10b: {  	s0 =	simm.s32 $0x0;
	v8 =	vld [tilespmem:s30+$0x1980]  }
0x10c: {  	v9 =	vld [tilespmem:s0+$0xD770]  }
0x10d: {  	v10 =	vld [tilespmem:s0+$0x72F0]  }
0x10e: {  	v11 =	vld [tilespmem:s0+$0xD680]  }
0x10f: {  	v15 =	vld [tilespmem:s0+$0xD690]  }
0x110: {  	v16 =	vld [tilespmem:s0+$0xD6A0]  }
0x111: {  	v19 =	vld [tilespmem:s0+$0xD6C0]  }
0x112: {  	v21 =	vld [tilespmem:s0+$0xD6D0]  }
0x113: {  	v22 =	vld [tilespmem:s0+$0xD6E0]  }
0x114: {  	v23 =	vld [tilespmem:s0+$0xD6F0]  }
0x115: {  	s31 =	sand.u32 $0xF, s1;
	s3 =	sand.u32 $0xE, s1;
	v18 =	vld [tilespmem:s0+$0x7200]  }
0x116: {  	s2 =	sadd.s32 $0x1, s31;
	v12 =	vmov s3;
	v24 =	vld [tilespmem:s0+$0x7210]  }
0x117: {  	v13 =	vmov s2;
	v27 =	vld [tilespmem:s0+$0x7220];
	v12 =	vperm.xlane v8, v12  }
0x118: {  	v63 =	vld [tilespmem:s0+$0x7240];
	v8 =	vperm.xlane v8, v13  }
0x119: {  	v35 =	vld [tilespmem:s0+$0x7250];
	v12 =	vcvt.s32.f32 v12  }
0x11a: {  	v36 =	vld [tilespmem:s0+$0x7260];
	v9 =	vadd.f32 v10, v9;
	v8 =	vcvt.s32.f32 v8  }
0x11b: {  	v37 =	vld [tilespmem:s0+$0x7270];
	v18 =	vadd.f32 v18, v11;
	v24 =	vadd.f32 v24, v15;
	v20 =	vmul.f32 v12, v0  }
0x11c: {  	v17 =	vld [tilespmem:s0+$0xD6B0];
	v16 =	vadd.f32 v27, v16;
	v10 =	vmul.f32 v8, v7;
	v25 =	vmul.f32 v12, v1  }
0x11d: {  	v30 =	vld [tilespmem:s0+$0x7230];
	v19 =	vadd.f32 v63, v19;
	v26 =	vmul.f32 v12, v2;
	v28 =	vmul.f32 v12, v3  }
0x11e: {  	v27 =	vadd.f32 v35, v21;
	v29 =	vmul.f32 v12, v4;
	v31 =	vmul.f32 v12, v5  }
0x11f: {  	v22 =	vadd.f32 v36, v22;
	v62 =	vmul.f32 v12, v6;
	v34 =	vmul.f32 v12, v7  }
0x120: {  	v23 =	vadd.f32 v37, v23;
	v14 =	vmul.f32 v8, v0;
	v13 =	vmul.f32 v8, v1  }
0x121: {  	v15 =	vld [tilespmem:s0+$0xD700];
	v12 =	vmul.f32 v8, v2;
	v9 =	vadd.f32 v9, v10;
	v20 =	vadd.f32 v18, v20  }
0x122: {  	v21 =	vld [tilespmem:s0+$0xD740];
	v11 =	vmul.f32 v8, v3;
	v24 =	vadd.f32 v24, v25;
	v25 =	vadd.f32 v30, v17  }
0x123: {  	v10 =	vmul.f32 v8, v4;
	v18 =	vld [tilespmem:s0+$0xD710];
	v16 =	vadd.f32 v16, v26;
	v29 =	vadd.f32 v19, v29  }
0x124: {  	v17 =	vld [tilespmem:s0+$0xD720];
	v23 =	vadd.f32 v23, v34;
	v9 =	vmax.f32 v9, $-1.000000000e+00;
	v26 =	vmax.f32 v20, $-1.000000000e+00  }
0x125: {  	v24 =	vmax.f32 v24, $-1.000000000e+00;
	v25 =	vadd.f32 v25, v28;
	v20 =	vld [tilespmem:s0+$0xD730];
	v9 =	vmin.f32 v9, $1.000000000e+00  }
0x126: {  	v28 =	vmax.f32 v16, $-1.000000000e+00;
	v16 =	vld [tilespmem:s0+$0xD750];
	v30 =	vmax.f32 v23, $-1.000000000e+00;
	v19 =	vmin.f32 v26, $1.000000000e+00;
	[tilespmem:s0+$0x17770] =	vst v9  }
0x127: {  	v23 =	vld [tilespmem:s0+$0x72A0];
	v26 =	vadd.f32 v27, v31;
	v24 =	vmin.f32 v24, $1.000000000e+00;
	v27 =	vadd.f32 v22, v62;
	[tilespmem:s0+$0x17680] =	vst v19  }
0x128: {  	v22 =	vld [tilespmem:s0+$0x7280];
	v9 =	vmul.f32 v8, v5;
	v25 =	vmax.f32 v25, $-1.000000000e+00;
	[tilespmem:s0+$0x17690] =	vst v24;
	v24 =	vmin.f32 v28, $1.000000000e+00  }
0x129: {  	v8 =	vmul.f32 v8, v6;
	v28 =	vmax.f32 v29, $-1.000000000e+00;
	v25 =	vmin.f32 v25, $1.000000000e+00;
	[tilespmem:s0+$0x176A0] =	vst v24;
	v24 =	vld [tilespmem:s0+$0x7290]  }
0x12a: {  	v19 =	vld [tilespmem:s0+$0xD760];
	v26 =	vmax.f32 v26, $-1.000000000e+00;
	v27 =	vmax.f32 v27, $-1.000000000e+00;
	v29 =	vmin.f32 v28, $1.000000000e+00;
	[tilespmem:s0+$0x176B0] =	vst v25  }
0x12b: {  	s3 =	simm.s32 $0x2;
	v28 =	vmin.f32 v26, $1.000000000e+00;
	v27 =	vmin.f32 v27, $1.000000000e+00;
	v26 =	vmin.f32 v30, $1.000000000e+00;
	[tilespmem:s0+$0x176C0] =	vst v29;
	v25 =	vld [tilespmem:s0+$0x72B0]  }
.LBB2_6:
0x12c: {  	s2 =	sand.u32 $0x30, s3;
	p0 =	slt.u32 s3, $0x3E;
	[tilespmem:s0+$0x176D0] =	vst v28;
	v28 =	vld [tilespmem:s0+$0x72C0]  }
0x12d: {  	v29 =	vld [tilespmem:s2+$0x1980];
	[tilespmem:s0+$0x176E0] =	vst v27;
	v15 =	vadd.f32 v22, v15  }
0x12e: {  	s1 =	sadd.s32 $0x400, s1;
	[tilespmem:s0+$0x176F0] =	vst v26;
	v22 =	vld [tilespmem:s0+$0x72D0];
	v18 =	vadd.f32 v24, v18  }
0x12f: {  	s5 =	sand.u32 $0xF, s3;
	s2 =	sand.u32 $0xE, s3;
	s4 =	sshra.s32 s1, $0x2;
	v24 =	vld [tilespmem:s0+$0x72E0];
	v14 =	vadd.f32 v15, v14;
	v15 =	vadd.f32 v23, v17  }
0x130: {  	v17 =	vmov s2;
	s2 =	sadd.s32 $0x1, s5;
	v23 =	vld [tilespmem:s4+$0xD770];
	v13 =	vadd.f32 v18, v13;
	v18 =	vadd.f32 v25, v20  }
0x131: {  	v20 =	vmov s2;
	v25 =	vld [tilespmem:s4+$0x72F0];
	v12 =	vadd.f32 v15, v12;
	v15 =	vadd.f32 v28, v21  }
0x132: {  	v17 =	vperm.xlane v29, v17;
	v21 =	vld [tilespmem:s4+$0xD680];
	v20 =	vperm.xlane v29, v20;
	v11 =	vadd.f32 v18, v11  }
0x133: {  	v26 =	vmax.f32 v14, $-1.000000000e+00;
	v18 =	vld [tilespmem:s4+$0xD690];
	v15 =	vadd.f32 v15, v10;
	v10 =	vadd.f32 v22, v16  }
0x134: {  	v14 =	vcvt.s32.f32 v17;
	v16 =	vld [tilespmem:s4+$0xD6A0];
	v17 =	vcvt.s32.f32 v20;
	v19 =	vadd.f32 v24, v19  }
0x135: {  	v22 =	vmax.f32 v13, $-1.000000000e+00;
	v24 =	vmax.f32 v12, $-1.000000000e+00;
	v20 =	vld [tilespmem:s4+$0xD6B0];
	v27 =	vadd.f32 v10, v9  }
0x136: {  	v28 =	vld [tilespmem:s4+$0xD6C0];
	v29 =	vmul.f32 v14, v0;
	v9 =	vadd.f32 v25, v23;
	v10 =	vmul.f32 v17, v7  }
0x137: {  	v25 =	vmul.f32 v14, v1;
	v30 =	vmul.f32 v14, v2;
	v19 =	vadd.f32 v19, v8;
	v23 =	vld [tilespmem:s4+$0xD6D0]  }
0x138: {  	v32 =	vmul.f32 v14, v3;
	v33 =	vmul.f32 v14, v4;
	v31 =	vld [tilespmem:s4+$0xD6E0];
	v8 =	vadd.f32 v9, v10  }
0x139: {  	v37 =	vmax.f32 v11, $-1.000000000e+00;
	v35 =	vmul.f32 v14, v5;
	v36 =	vmul.f32 v14, v6;
	v34 =	vld [tilespmem:s4+$0xD6F0]  }
0x13a: {  	v39 =	vmul.f32 v14, v7;
	v14 =	vmul.f32 v17, v0;
	v38 =	vld [tilespmem:s4+$0x7200];
	v8 =	vmax.f32 v8, $-1.000000000e+00  }
0x13b: {  	v13 =	vmul.f32 v17, v1;
	v12 =	vmul.f32 v17, v2;
	v40 =	vld [tilespmem:s4+$0x7210];
	v8 =	vmin.f32 v8, $1.000000000e+00  }
0x13c: {  	v15 =	vmax.f32 v15, $-1.000000000e+00;
	v11 =	vmul.f32 v17, v3;
	v10 =	vmul.f32 v17, v4;
	v41 =	vld [tilespmem:s4+$0x7220];
	[tilespmem:s4+$0x17770] =	vst v8  }
0x13d: {  	v9 =	vmul.f32 v17, v5;
	v8 =	vmul.f32 v17, v6;
	v17 =	vmax.f32 v27, $-1.000000000e+00;
	v42 =	vld [tilespmem:s4+$0x7230]  }
0x13e: {  	v26 =	vmin.f32 v26, $1.000000000e+00;
	v22 =	vmin.f32 v22, $1.000000000e+00;
	v19 =	vmax.f32 v19, $-1.000000000e+00;
	v27 =	vld [tilespmem:s4+$0x7240]  }
0x13f: {  	v24 =	vmin.f32 v24, $1.000000000e+00;
	v43 =	vld [tilespmem:s4+$0x7250];
	v21 =	vadd.f32 v38, v21;
	[tilespmem:s0+$0x17700] =	vst v26;
	v26 =	vmin.f32 v37, $1.000000000e+00  }
0x140: {  	v38 =	vmin.f32 v17, $1.000000000e+00;
	v37 =	vld [tilespmem:s4+$0x7260];
	v18 =	vadd.f32 v40, v18;
	[tilespmem:s0+$0x17710] =	vst v22;
	v22 =	vmin.f32 v15, $1.000000000e+00  }
0x141: {  	v19 =	vmin.f32 v19, $1.000000000e+00;
	v40 =	vld [tilespmem:s4+$0x7270];
	v17 =	vadd.f32 v21, v29;
	v16 =	vadd.f32 v41, v16;
	[tilespmem:s0+$0x17720] =	vst v24  }
0x142: {  	v21 =	vadd.f32 v18, v25;
	v20 =	vadd.f32 v42, v20;
	v15 =	vld [tilespmem:s4+$0xD700];
	[tilespmem:s0+$0x17730] =	vst v26  }
0x143: {  	v24 =	vmax.f32 v17, $-1.000000000e+00;
	v16 =	vadd.f32 v16, v30;
	v25 =	vadd.f32 v27, v28;
	v18 =	vld [tilespmem:s4+$0xD710];
	[tilespmem:s0+$0x17740] =	vst v22  }
0x144: {  	v22 =	vmax.f32 v21, $-1.000000000e+00;
	v21 =	vadd.f32 v20, v32;
	v23 =	vadd.f32 v43, v23;
	v17 =	vld [tilespmem:s4+$0xD720];
	[tilespmem:s0+$0x17750] =	vst v38  }
0x145: {  	v26 =	vmax.f32 v16, $-1.000000000e+00;
	v16 =	vadd.f32 v25, v33;
	v25 =	vadd.f32 v37, v31;
	v20 =	vld [tilespmem:s4+$0xD730];
	[tilespmem:s0+$0x17760] =	vst v19;
	s0 =	smov.u32 s4  }
0x146: {  	v27 =	vmax.f32 v21, $-1.000000000e+00;
	v19 =	vadd.f32 v23, v35;
	v23 =	vadd.f32 v40, v34;
	v21 =	vld [tilespmem:s0+$0xD740]  }
0x147: {  	v24 =	vmin.f32 v24, $1.000000000e+00;
	v28 =	vmax.f32 v16, $-1.000000000e+00;
	v25 =	vadd.f32 v25, v36;
	v16 =	vld [tilespmem:s0+$0xD750]  }
.Ltmp4:
0x148: {  	v22 =	vmin.f32 v22, $1.000000000e+00;
	[tilespmem:s0+$0x17680] =	vst v24;
	v24 =	vmax.f32 v19, $-1.000000000e+00;
	v23 =	vadd.f32 v23, v39;
	v19 =	vld [tilespmem:s0+$0xD760];
	(pc) =	sbr.rel @p0 .LBB2_6-.Ltmp4, $4  }
0x149: {  	v26 =	vmin.f32 v26, $1.000000000e+00;
	v27 =	vmin.f32 v27, $1.000000000e+00;
	[tilespmem:s0+$0x17690] =	vst v22;
	v25 =	vmax.f32 v25, $-1.000000000e+00;
	v22 =	vld [tilespmem:s0+$0x7280]  }
0x14a: {  	v29 =	vmin.f32 v28, $1.000000000e+00;
	v28 =	vmin.f32 v24, $1.000000000e+00;
	[tilespmem:s0+$0x176A0] =	vst v26;
	v23 =	vmax.f32 v23, $-1.000000000e+00;
	v24 =	vld [tilespmem:s0+$0x7290]  }
0x14b: {  	[tilespmem:s0+$0x176B0] =	vst v27;
	v27 =	vmin.f32 v25, $1.000000000e+00;
	v26 =	vmin.f32 v23, $1.000000000e+00;
	v23 =	vld [tilespmem:s0+$0x72A0]  }
0x14c: {  	s3 =	sadd.s32 $0x2, s3;
	[tilespmem:s0+$0x176C0] =	vst v29;
	v25 =	vld [tilespmem:s0+$0x72B0]  }
0x14d: {  	v29 =	vld [tilespmem:s0+$0x72C0]  }
0x14e: {  	v15 =	vadd.f32 v22, v15;
	v22 =	vld [tilespmem:s0+$0x72D0]  }
0x14f: {  	v18 =	vadd.f32 v24, v18  }
0x150: {  	v24 =	vld [tilespmem:s0+$0x72E0];
	v14 =	vadd.f32 v15, v14;
	v15 =	vadd.f32 v23, v17  }
0x151: {  	v17 =	vadd.f32 v25, v20;
	v13 =	vadd.f32 v18, v13  }
0x152: {  	[tilespmem:s0+$0x176D0] =	vst v28;
	v20 =	vadd.f32 v29, v21;
	v12 =	vadd.f32 v15, v12  }
0x153: {  	[tilespmem:s0+$0x176E0] =	vst v27;
	v14 =	vmax.f32 v14, $-1.000000000e+00;
	v11 =	vadd.f32 v17, v11;
	v15 =	vadd.f32 v22, v16  }
0x154: {  	[tilespmem:s0+$0x176F0] =	vst v26;
	v13 =	vmax.f32 v13, $-1.000000000e+00;
	v14 =	vmin.f32 v14, $1.000000000e+00;
	v10 =	vadd.f32 v20, v10  }
0x155: {  	v16 =	vadd.f32 v24, v19;
	v12 =	vmax.f32 v12, $-1.000000000e+00;
	v13 =	vmin.f32 v13, $1.000000000e+00;
	[tilespmem:s0+$0x17700] =	vst v14  }
0x156: {  	v9 =	vadd.f32 v15, v9;
	v11 =	vmax.f32 v11, $-1.000000000e+00;
	v12 =	vmin.f32 v12, $1.000000000e+00;
	[tilespmem:s0+$0x17710] =	vst v13  }
0x157: {  	v8 =	vadd.f32 v16, v8;
	v10 =	vmax.f32 v10, $-1.000000000e+00;
	v11 =	vmin.f32 v11, $1.000000000e+00;
	[tilespmem:s0+$0x17720] =	vst v12  }
0x158: {  	v9 =	vmax.f32 v9, $-1.000000000e+00;
	v10 =	vmin.f32 v10, $1.000000000e+00;
	[tilespmem:s0+$0x17730] =	vst v11  }
0x159: {  	v8 =	vmax.f32 v8, $-1.000000000e+00;
	v9 =	vmin.f32 v9, $1.000000000e+00;
	[tilespmem:s0+$0x17740] =	vst v10  }
0x15a: {  	v8 =	vmin.f32 v8, $1.000000000e+00;
	[tilespmem:s0+$0x17750] =	vst v9  }
0x15b: {  	[tilespmem:s0+$0x17760] =	vst v8  }
0x15c: {  	s2 =	simm.s32 $0x0;
	s1 =	simm.s32 $0x17680;
	s0 =	rddreg [dreg:$0xb]  }
0x15d: {  	[hbm4b:s0+s2] =	stream.linear.scatter [tilespmem:s1], [sflag:$0x8], $0x2000, $0x38;
	[tilespmem:$0x1D680] =	vst v63  }
0x15e: {  	s23 =	simm.s32 $0x40;
	s24 =	simm.s32 $0x1C0;
	s25 =	simm.s32 $0x4  }
0x15f: {  	[tilespmem:s10], [sflag:$0x3] =	stream.indirect.gather [hbm4b:s28+s23], $0x80, s24, s23, $0xb8;
	[tilespmem:$0x1D680] =	vst v63  }
0x160: {  	_ =	swait.ge [sflag:s25], $0x2000  }
0x161: {  	[sflag:s25] =	ssyncset.done $0x0  }
0x162: {  	s26 =	simm.s32 $0xF700;
	[sflag:s25] =	ssyncadd.s32 $0xFFFFE000  }
0x163: {  	v8 =	vld [tilespmem:s26+$0xFFFFFFF0]  }
0x164: {  	v10 =	vld [tilespmem:s26+$0xFFFFFF90]  }
0x165: {  	v19 =	vld [tilespmem:s26+$0x70]  }
0x166: {  	v21 =	vld [tilespmem:s26+$0x60]  }
0x167: {  	v13 =	vld [tilespmem:s26+$0x30]  }
0x168: {  	v16 =	vld [tilespmem:s26+$0xFFFFFFA0]  }
0x169: {  	v11 =	vld [tilespmem:s26+$0xFFFFFFB0]  }
0x16a: {  	s3 =	simm.s32 $0xC1;
	v12 =	vld [tilespmem:s26+$0x40]  }
0x16b: {  	s4 =	simm.s32 $0x7FFFF9;
	p0 =	por $0x0, $0x0;
	s5 =	simm.s32 $0xC0;
	v14 =	vld [tilespmem:s26+$0x10]  }
0x16c: {  	p1 =	por $0x0, $0x0;
	s3 =	smov.u32 @p0 s4;
	s0 =	simm.s32 $0x0;
	v20 =	vld [tilespmem:s26+$0x0]  }
0x16d: {  	s6 =	simm.s32 $0x7FFFF8;
	s3 =	sshll.u32 s3, $0x9;
	s29 =	sand.u32 $0x30, s0;
	v18 =	vld [tilespmem:s26+$0xFFFFFFC0]  }
0x16e: {  	s5 =	smov.u32 @p1 s6;
	s3 =	sshra.s32 s3, $0x2;
	v9 =	vld [tilespmem:s29+$0x19C0]  }
0x16f: {  	s30 =	sshll.u32 s5, $0x9;
	v15 =	vld [tilespmem:s3+$0x3240]  }
0x170: {  	s4 =	sshra.s32 s30, $0x2;
	v23 =	vld [tilespmem:s3+$0x3210]  }
0x171: {  	s2 =	sand.u32 $0xFFFFFFF0, s2;
	v24 =	vld [tilespmem:s4+$0x3210]  }
0x172: {  	s2 =	ssub.s32 $0x0, s2;
	v26 =	vld [tilespmem:s4+$0x3200]  }
0x173: {  	s2 =	sadd.s32 $0x1, s2;
	v27 =	vld [tilespmem:s4+$0x3240]  }
0x174: {  	s31 =	sand.u32 $0xE, s0;
	v17 =	vmov s2;
	v28 =	vld [tilespmem:s26+$0xFFFFFF80]  }
0x175: {  	v22 =	vmov s31;
	v62 =	vld [tilespmem:s3+$0x3230];
	v17 =	vperm.xlane v9, v17  }
0x176: {  	v35 =	vld [tilespmem:s3+$0x3270];
	v22 =	vperm.xlane v9, v22  }
0x177: {  	v37 =	vld [tilespmem:s3+$0x3260];
	v30 =	vadd.f32 v15, v12;
	v9 =	vcvt.s32.f32 v17  }
0x178: {  	v34 =	vld [tilespmem:s26+$0x20];
	v14 =	vadd.f32 v23, v14;
	v18 =	vadd.f32 v27, v18;
	v22 =	vcvt.s32.f32 v22  }
0x179: {  	v31 =	vld [tilespmem:s4+$0x3230];
	v10 =	vadd.f32 v24, v10;
	v26 =	vadd.f32 v26, v28;
	v17 =	vmul.f32 v9, v1  }
0x17a: {  	v33 =	vld [tilespmem:s4+$0x3220];
	v13 =	vadd.f32 v62, v13;
	v32 =	vmul.f32 v9, v4;
	v15 =	vmul.f32 v22, v5  }
0x17b: {  	v29 =	vld [tilespmem:s3+$0x3200];
	v19 =	vadd.f32 v35, v19;
	v12 =	vmul.f32 v22, v6;
	v23 =	vmul.f32 v22, v4  }
0x17c: {  	v25 =	vld [tilespmem:s4+$0x3260];
	v21 =	vadd.f32 v37, v21;
	v24 =	vmul.f32 v22, v1;
	v63 =	vmul.f32 v22, v2  }
0x17d: {  	v36 =	vld [tilespmem:s3+$0x3220];
	v27 =	vadd.f32 v30, v32;
	v30 =	vmul.f32 v22, v0;
	v28 =	vadd.f32 v18, v23  }
0x17e: {  	v23 =	vld [tilespmem:s3+$0x3250];
	v18 =	vadd.f32 v10, v24;
	v10 =	vadd.f32 v31, v11;
	v24 =	vmul.f32 v22, v3  }
0x17f: {  	v31 =	vadd.f32 v33, v16;
	v33 =	vmul.f32 v9, v0;
	v30 =	vadd.f32 v26, v30;
	v26 =	vld [tilespmem:s26+$0xFFFFFFE0]  }
0x180: {  	v27 =	vmax.f32 v27, $-1.000000000e+00;
	v11 =	vmax.f32 v28, $-1.000000000e+00;
	v16 =	vadd.f32 v10, v24;
	v28 =	vld [tilespmem:s26+$0xFFFFFFD0]  }
0x181: {  	v32 =	vadd.f32 v31, v63;
	v24 =	vld [tilespmem:s4+$0x3270];
	v10 =	vmax.f32 v30, $-1.000000000e+00;
	v30 =	vmul.f32 v9, v3  }
0x182: {  	s1 =	simm.s32 $0x19700;
	v31 =	vadd.f32 v29, v20;
	v29 =	vld [tilespmem:s4+$0x3250];
	v20 =	vadd.f32 v36, v34;
	v38 =	vmin.f32 v27, $1.000000000e+00  }
0x183: {  	s6 =	simm.s32 $0x19800;
	s3 =	simm.s32 $0x2;
	v34 =	vmul.f32 v9, v2;
	s4 =	simm.s32 $0xF800;
	v27 =	vld [tilespmem:s26+$0x50];
	[tilespmem:s1+$0x40] =	vst v38;
	v13 =	vadd.f32 v13, v30;
	v30 =	vmul.f32 v9, v6  }
.LBB2_8:
0x184: {  	s5 =	sadd.s32 $0xC2, s0  }
0x185: {  	v35 =	vld [tilespmem:s4+$0xFFFFFFF0];
	s7 =	sadd.s32 $0xC3, s0;
	v32 =	vmax.f32 v32, $-1.000000000e+00;
	v25 =	vadd.f32 v25, v26;
	v31 =	vadd.f32 v31, v33;
	s8 =	smov.u32 s0;
	s0 =	sadd.s32 $0x2, s0  }
0x186: {  	p1 =	sgt.u32 s5, $0xC7;
	s2 =	sand.u32 $0x30, s0;
	v26 =	vld [tilespmem:s4+$0xFFFFFF90];
	s9 =	sadd.s32 $0x7FFFFB, s8;
	v32 =	vmin.f32 v32, $1.000000000e+00;
	v33 =	vadd.f32 v20, v34;
	v30 =	vadd.f32 v21, v30  }
0x187: {  	v22 =	vmul.f32 v22, v7;
	v14 =	vadd.f32 v14, v17;
	s8 =	sadd.s32 $0x7FFFFA, s8;
	p2 =	sgt.u32 s7, $0xC7;
	p0 =	slt.u32 s0, $0x3E;
	v20 =	vld [tilespmem:s4+$0x70];
	[tilespmem:s1+$0xFFFFFFA0] =	vst v32;
	v31 =	vmax.f32 v31, $-1.000000000e+00  }
0x188: {  	s5 =	smov.u32 @p1 s8;
	s7 =	smov.u32 @p2 s9;
	v21 =	vld [tilespmem:s4+$0x60];
	v32 =	vadd.f32 v24, v8;
	v17 =	vmax.f32 v33, $-1.000000000e+00;
	v30 =	vmax.f32 v30, $-1.000000000e+00  }
0x189: {  	s5 =	sshll.u32 s5, $0x9;
	s7 =	sshll.u32 s7, $0x9;
	v24 =	vld [tilespmem:s4+$0x30];
	v28 =	vadd.f32 v29, v28;
	v17 =	vmin.f32 v17, $1.000000000e+00;
	v29 =	vmin.f32 v30, $1.000000000e+00  }
0x18a: {  	s8 =	sand.u32 $0xE, s0;
	v31 =	vmin.f32 v31, $1.000000000e+00;
	s7 =	sshra.s32 s7, $0x2;
	v30 =	vld [tilespmem:s4+$0xFFFFFFA0];
	v22 =	vadd.f32 v32, v22;
	[tilespmem:s1+$0x20] =	vst v17;
	v17 =	vmul.f32 v9, v5;
	v8 =	vmovc v35  }
0x18b: {  	v23 =	vadd.f32 v23, v27;
	v32 =	vmov s8;
	v33 =	vld [tilespmem:s4+$0xFFFFFFB0];
	v15 =	vadd.f32 v28, v15;
	[tilespmem:s1+$0x60] =	vst v29  }
0x18c: {  	v18 =	vmax.f32 v18, $-1.000000000e+00;
	v12 =	vadd.f32 v25, v12;
	v27 =	vld [tilespmem:s4+$0x40];
	v22 =	vmax.f32 v22, $-1.000000000e+00;
	[tilespmem:s1+$0x0] =	vst v31  }
0x18d: {  	v17 =	vadd.f32 v23, v17;
	v28 =	vld [tilespmem:s4+$0x10];
	v15 =	vmax.f32 v15, $-1.000000000e+00;
	v22 =	vmin.f32 v22, $1.000000000e+00  }
0x18e: {  	v14 =	vmax.f32 v14, $-1.000000000e+00;
	v12 =	vmax.f32 v12, $-1.000000000e+00;
	v29 =	vld [tilespmem:s4+$0x0];
	v15 =	vmin.f32 v15, $1.000000000e+00;
	[tilespmem:s1+$0xFFFFFFF0] =	vst v22  }
0x18f: {  	v14 =	vmin.f32 v14, $1.000000000e+00;
	s8 =	sand.u32 $0xFFFFFFF0, s3;
	v12 =	vmin.f32 v12, $1.000000000e+00;
	v23 =	vld [tilespmem:s4+$0xFFFFFFC0];
	[tilespmem:s1+$0xFFFFFFD0] =	vst v15;
	v15 =	vmax.f32 v17, $-1.000000000e+00  }
0x190: {  	v9 =	vmul.f32 v9, v7;
	s9 =	ssub.s32 s0, s8;
	v34 =	vld [tilespmem:s4+$0x20];
	[tilespmem:s1+$0xFFFFFFE0] =	vst v12;
	v12 =	vmin.f32 v15, $1.000000000e+00  }
0x191: {  	v16 =	vmax.f32 v16, $-1.000000000e+00;
	v11 =	vmin.f32 v11, $1.000000000e+00;
	s8 =	sshra.s32 s5, $0x2;
	v15 =	vld [tilespmem:s2+$0x19C0];
	s2 =	sadd.s32 $0x1, s9;
	[tilespmem:s1+$0x50] =	vst v12  }
0x192: {  	v16 =	vmin.f32 v16, $1.000000000e+00;
	v9 =	vadd.f32 v19, v9;
	v12 =	vmov s2;
	v17 =	vld [tilespmem:s7+$0x3240];
	[tilespmem:s1+$0xFFFFFFC0] =	vst v11  }
0x193: {  	v18 =	vmin.f32 v18, $1.000000000e+00;
	v11 =	vld [tilespmem:s7+$0x3210];
	[tilespmem:s1+$0xFFFFFFB0] =	vst v16  }
0x194: {  	v10 =	vmin.f32 v10, $1.000000000e+00;
	v13 =	vmax.f32 v13, $-1.000000000e+00;
	v9 =	vmax.f32 v9, $-1.000000000e+00;
	v16 =	vld [tilespmem:s8+$0x3210];
	[tilespmem:s1+$0xFFFFFF90] =	vst v18  }
0x195: {  	v19 =	vld [tilespmem:s7+$0x3200];
	[tilespmem:s1+$0xFFFFFF80] =	vst v10;
	v10 =	vmin.f32 v13, $1.000000000e+00;
	v13 =	vmin.f32 v9, $1.000000000e+00  }
0x196: {  	v9 =	vperm.xlane v15, v32;
	v18 =	vld [tilespmem:s8+$0x3200];
	v12 =	vperm.xlane v15, v12;
	[tilespmem:s1+$0x10] =	vst v14  }
0x197: {  	v31 =	vld [tilespmem:s8+$0x3240];
	v27 =	vadd.f32 v17, v27;
	[tilespmem:s1+$0x30] =	vst v10  }
0x198: {  	v22 =	vcvt.s32.f32 v9;
	v25 =	vld [tilespmem:s8+$0x3260];
	v9 =	vcvt.s32.f32 v12;
	v14 =	vadd.f32 v11, v28;
	[tilespmem:s1+$0x70] =	vst v13;
	s1 =	smov.u32 s6  }
0x199: {  	v10 =	vld [tilespmem:s4+$0xFFFFFF80]  }
0x19a: {  	v11 =	vld [tilespmem:s8+$0x3230];
	v17 =	vmul.f32 v9, v1;
	v13 =	vmul.f32 v9, v4  }
0x19b: {  	v15 =	vmul.f32 v22, v5;
	v12 =	vmul.f32 v22, v6;
	v28 =	vld [tilespmem:s8+$0x3220]  }
0x19c: {  	v23 =	vadd.f32 v31, v23;
	v31 =	vmul.f32 v22, v4;
	v35 =	vld [tilespmem:s7+$0x3270];
	v13 =	vadd.f32 v27, v13  }
0x19d: {  	v16 =	vadd.f32 v16, v26;
	v26 =	vmul.f32 v22, v1;
	v27 =	vmul.f32 v22, v0;
	v32 =	vld [tilespmem:s7+$0x3230]  }
0x19e: {  	v10 =	vadd.f32 v18, v10;
	v31 =	vadd.f32 v23, v31;
	v23 =	vld [tilespmem:s7+$0x3250];
	v13 =	vmax.f32 v13, $-1.000000000e+00  }
0x19f: {  	v18 =	vadd.f32 v16, v26;
	v16 =	vadd.f32 v11, v33;
	v33 =	vmul.f32 v22, v3;
	v36 =	vld [tilespmem:s7+$0x3220]  }
0x1a0: {  	v38 =	vmin.f32 v13, $1.000000000e+00;
	v10 =	vadd.f32 v10, v27;
	v11 =	vmax.f32 v31, $-1.000000000e+00;
	v37 =	vld [tilespmem:s7+$0x3260]  }
.Ltmp5:
0x1a1: {  	v13 =	vadd.f32 v28, v30;
	v30 =	vmul.f32 v22, v2;
	v26 =	vld [tilespmem:s4+$0xFFFFFFE0];
	v16 =	vadd.f32 v16, v33;
	(pc) =	sbr.rel @p0 .LBB2_8-.Ltmp5, $4  }
0x1a2: {  	v40 =	vmul.f32 v9, v3;
	v10 =	vmax.f32 v10, $-1.000000000e+00;
	v27 =	vld [tilespmem:s4+$0x50];
	v39 =	vadd.f32 v32, v24  }
0x1a3: {  	v31 =	vadd.f32 v19, v29;
	v33 =	vmul.f32 v9, v0;
	v32 =	vadd.f32 v13, v30;
	v28 =	vld [tilespmem:s4+$0xFFFFFFD0]  }
0x1a4: {  	v19 =	vadd.f32 v35, v20;
	v30 =	vmul.f32 v9, v6;
	v24 =	vld [tilespmem:s8+$0x3270];
	v13 =	vadd.f32 v39, v40;
	[tilespmem:s6+$0x40] =	vst v38  }
0x1a5: {  	s3 =	sadd.s32 $0x2, s3;
	s4 =	sadd.s32 $0x100, s4;
	v20 =	vadd.f32 v36, v34;
	v34 =	vmul.f32 v9, v2;
	s6 =	sadd.s32 $0x100, s6;
	v29 =	vld [tilespmem:s8+$0x3250];
	v21 =	vadd.f32 v37, v21  }
0x1a6: {  	v32 =	vmax.f32 v32, $-1.000000000e+00;
	v25 =	vadd.f32 v25, v26  }
0x1a7: {  	v26 =	vadd.f32 v31, v33;
	v22 =	vmul.f32 v22, v7;
	v11 =	vmin.f32 v11, $1.000000000e+00  }
0x1a8: {  	v10 =	vmin.f32 v10, $1.000000000e+00;
	v20 =	vadd.f32 v20, v34;
	v21 =	vadd.f32 v21, v30  }
0x1a9: {  	v31 =	vmin.f32 v32, $1.000000000e+00;
	[tilespmem:s1+$0xFFFFFFC0] =	vst v11;
	v26 =	vmax.f32 v26, $-1.000000000e+00;
	v8 =	vadd.f32 v24, v8  }
0x1aa: {  	[tilespmem:s1+$0xFFFFFF80] =	vst v10;
	v20 =	vmax.f32 v20, $-1.000000000e+00;
	v21 =	vmax.f32 v21, $-1.000000000e+00;
	v24 =	vadd.f32 v29, v28  }
0x1ab: {  	[tilespmem:s1+$0xFFFFFFA0] =	vst v31;
	v20 =	vmin.f32 v20, $1.000000000e+00;
	v21 =	vmin.f32 v21, $1.000000000e+00;
	v8 =	vadd.f32 v8, v22  }
0x1ac: {  	[tilespmem:s1+$0x20] =	vst v20;
	v20 =	vmul.f32 v9, v5;
	v22 =	vadd.f32 v23, v27;
	v15 =	vadd.f32 v24, v15  }
0x1ad: {  	v12 =	vadd.f32 v25, v12;
	v23 =	vmin.f32 v26, $1.000000000e+00;
	[tilespmem:s1+$0x60] =	vst v21;
	v8 =	vmax.f32 v8, $-1.000000000e+00  }
0x1ae: {  	[tilespmem:s1+$0x0] =	vst v23;
	v20 =	vadd.f32 v22, v20;
	v15 =	vmax.f32 v15, $-1.000000000e+00;
	v8 =	vmin.f32 v8, $1.000000000e+00  }
0x1af: {  	v12 =	vmax.f32 v12, $-1.000000000e+00;
	v15 =	vmin.f32 v15, $1.000000000e+00;
	[tilespmem:s1+$0xFFFFFFF0] =	vst v8  }
0x1b0: {  	v9 =	vmul.f32 v9, v7;
	v8 =	vmin.f32 v12, $1.000000000e+00;
	v12 =	vmax.f32 v20, $-1.000000000e+00;
	[tilespmem:s1+$0xFFFFFFD0] =	vst v15  }
0x1b1: {  	[tilespmem:s1+$0xFFFFFFE0] =	vst v8;
	v8 =	vmin.f32 v12, $1.000000000e+00;
	v12 =	vadd.f32 v14, v17;
	v14 =	vmax.f32 v16, $-1.000000000e+00  }
0x1b2: {  	[tilespmem:s1+$0x50] =	vst v8;
	v8 =	vmax.f32 v18, $-1.000000000e+00;
	v14 =	vmin.f32 v14, $1.000000000e+00  }
0x1b3: {  	v9 =	vadd.f32 v19, v9;
	v8 =	vmin.f32 v8, $1.000000000e+00;
	[tilespmem:s1+$0xFFFFFFB0] =	vst v14;
	v11 =	vmax.f32 v12, $-1.000000000e+00  }
0x1b4: {  	[tilespmem:s1+$0xFFFFFF90] =	vst v8;
	v8 =	vmin.f32 v11, $1.000000000e+00;
	v11 =	vmax.f32 v13, $-1.000000000e+00  }
0x1b5: {  	v9 =	vmax.f32 v9, $-1.000000000e+00;
	v10 =	vmin.f32 v11, $1.000000000e+00;
	[tilespmem:s1+$0x10] =	vst v8  }
0x1b6: {  	v8 =	vmin.f32 v9, $1.000000000e+00;
	[tilespmem:s1+$0x30] =	vst v10  }
0x1b7: {  	[tilespmem:s1+$0x70] =	vst v8  }
0x1b8: {  	s24 =	simm.s32 $0x0;
	s2 =	simm.s32 $0x19680;
	s0 =	rddreg [dreg:$0xc]  }
0x1b9: {  	[hbm4b:s0+s24] =	stream.linear.scatter [tilespmem:s2], [sflag:$0x9], $0x2000, $0x38;
	[tilespmem:$0x1D680] =	vst v63  }
0x1ba: {  	s25 =	simm.s32 $0x40;
	s26 =	simm.s32 $0x200;
	s29 =	simm.s32 $0x5  }
0x1bb: {  	[tilespmem:s11], [sflag:$0x4] =	stream.indirect.gather [hbm4b:s28+s25], $0x80, s26, s25, $0xb8;
	[tilespmem:$0x1D680] =	vst v63  }
0x1bc: {  	_ =	swait.ge [sflag:s29], $0x2000  }
0x1bd: {  	[sflag:s29] =	ssyncset.done $0x0  }
0x1be: {  	s0 =	simm.s32 $0x4EF0;
	[sflag:s29] =	ssyncadd.s32 $0xFFFFE000  }
0x1bf: {  	v11 =	vld [tilespmem:s0+$0xFFFFFF40]  }
0x1c0: {  	s30 =	simm.s32 $0x11700;
	v12 =	vld [tilespmem:s0+$0xFFFFFF60]  }
0x1c1: {  	v9 =	vld [tilespmem:s30+$0x20]  }
0x1c2: {  	v14 =	vld [tilespmem:s0+$0xFFFFFFB0]  }
0x1c3: {  	v15 =	vld [tilespmem:s0+$0xFFFFFF80]  }
0x1c4: {  	v17 =	vld [tilespmem:s0+$0x0]  }
0x1c5: {  	v16 =	vld [tilespmem:s0+$0xFFFFFF70]  }
0x1c6: {  	v18 =	vld [tilespmem:s0+$0xFFFFFFD0]  }
0x1c7: {  	s3 =	sand.u32 $0x30, s24;
	v20 =	vld [tilespmem:s0+$0xFFFFFFF0]  }
0x1c8: {  	v13 =	vld [tilespmem:s3+$0x1A00]  }
0x1c9: {  	v21 =	vld [tilespmem:s0+$0xFFFFFF30]  }
0x1ca: {  	v22 =	vld [tilespmem:s0+$0xFFFFFF20]  }
0x1cb: {  	v23 =	vld [tilespmem:s0+$0xFFFFFF10]  }
0x1cc: {  	v24 =	vld [tilespmem:s30+$0xFFFFFFF0]  }
0x1cd: {  	v26 =	vld [tilespmem:s30+$0xFFFFFFE0]  }
0x1ce: {  	v27 =	vld [tilespmem:s30+$0xFFFFFFB0]  }
0x1cf: {  	s1 =	sand.u32 $0xF, s24;
	v29 =	vld [tilespmem:s30+$0xFFFFFFA0]  }
0x1d0: {  	s31 =	sand.u32 $0xE, s24;
	s1 =	sadd.s32 $0x1, s1;
	v30 =	vld [tilespmem:s30+$0xFFFFFF90]  }
0x1d1: {  	v19 =	vmov s31;
	v25 =	vmov s1;
	v56 =	vld [tilespmem:s30+$0xFFFFFF80]  }
0x1d2: {  	v36 =	vld [tilespmem:s30+$0x60];
	v19 =	vperm.xlane v13, v19;
	v13 =	vperm.xlane v13, v25;
	v14 =	vadd.f32 v14, v9  }
0x1d3: {  	v37 =	vld [tilespmem:s30+$0x40];
	v24 =	vadd.f32 v15, v24;
	v26 =	vadd.f32 v16, v26  }
0x1d4: {  	v39 =	vld [tilespmem:s30+$0x70];
	v27 =	vadd.f32 v11, v27;
	v28 =	vcvt.s32.f32 v19;
	v13 =	vcvt.s32.f32 v13  }
0x1d5: {  	v25 =	vld [tilespmem:s30+$0xFFFFFFD0];
	v29 =	vadd.f32 v21, v29;
	v21 =	vadd.f32 v22, v30  }
0x1d6: {  	v30 =	vadd.f32 v23, v56;
	v9 =	vmul.f32 v28, v4;
	v15 =	vmul.f32 v13, v3  }
0x1d7: {  	v8 =	vld [tilespmem:s30+$0x50];
	v60 =	vadd.f32 v20, v36;
	v31 =	vmul.f32 v28, v6;
	v55 =	vmul.f32 v28, v7  }
0x1d8: {  	v10 =	vld [tilespmem:s0+$0xFFFFFF50];
	v18 =	vadd.f32 v18, v37;
	v57 =	vmul.f32 v28, v5;
	v16 =	vmul.f32 v13, v1  }
0x1d9: {  	v23 =	vld [tilespmem:s0+$0xFFFFFFA0];
	v62 =	vadd.f32 v17, v39;
	v35 =	vmul.f32 v28, v3;
	v38 =	vmul.f32 v13, v2  }
0x1da: {  	v19 =	vld [tilespmem:s30+$0xFFFFFFC0];
	v58 =	vmul.f32 v28, v2;
	v61 =	vmul.f32 v13, v6;
	v25 =	vadd.f32 v12, v25  }
0x1db: {  	v22 =	vld [tilespmem:s0+$0xFFFFFF90];
	v20 =	vmul.f32 v13, v4;
	v12 =	vadd.f32 v24, v55;
	v11 =	vadd.f32 v26, v31  }
0x1dc: {  	v63 =	vmul.f32 v13, v7;
	v24 =	vld [tilespmem:s0+$0xFFFFFFE0];
	v59 =	vadd.f32 v27, v35;
	v32 =	vadd.f32 v29, v58  }
0x1dd: {  	v31 =	vmul.f32 v28, v0;
	v26 =	vld [tilespmem:s0+$0xFFFFFFC0];
	v27 =	vadd.f32 v14, v38;
	v18 =	vadd.f32 v18, v20  }
0x1de: {  	v29 =	vld [tilespmem:s30+$0x30];
	v28 =	vmul.f32 v28, v1;
	v17 =	vadd.f32 v60, v61;
	v33 =	vadd.f32 v62, v63  }
0x1df: {  	s5 =	simm.s32 $0x2;
	v10 =	vadd.f32 v10, v19;
	v19 =	vmul.f32 v13, v5;
	v14 =	vadd.f32 v30, v31;
	v31 =	vld [tilespmem:s30+$0x10]  }
0x1e0: {  	s4 =	simm.s32 $0x11800;
	s1 =	simm.s32 $0x1B700;
	s3 =	simm.s32 $0x1B800;
	v25 =	vadd.f32 v25, v57;
	v12 =	vmax.f32 v12, $-1.000000000e+00;
	v20 =	vmax.f32 v59, $-1.000000000e+00;
	v30 =	vld [tilespmem:s30+$0x0]  }
.LBB2_10:
0x1e1: {  	s2 =	sand.u32 $0x30, s5  }
0x1e2: {  	v34 =	vld [tilespmem:s4+$0x50];
	v21 =	vadd.f32 v21, v28;
	v28 =	vmax.f32 v32, $-1.000000000e+00;
	v27 =	vmax.f32 v27, $-1.000000000e+00;
	s0 =	sadd.s32 $0x100, s0;
	s7 =	smov.u32 s5;
	s6 =	sadd.s32 $0x2, s5  }
0x1e3: {  	p0 =	slt.u32 s5, $0x3E;
	v8 =	vadd.f32 v24, v8;
	v32 =	vld [tilespmem:s0+$0xFFFFFF40];
	v28 =	vmin.f32 v28, $1.000000000e+00;
	v24 =	vmax.f32 v33, $-1.000000000e+00  }
0x1e4: {  	v25 =	vmax.f32 v25, $-1.000000000e+00;
	v33 =	vld [tilespmem:s0+$0xFFFFFF50];
	v26 =	vadd.f32 v26, v29;
	v24 =	vmin.f32 v24, $1.000000000e+00  }
0x1e5: {  	v25 =	vmin.f32 v25, $1.000000000e+00;
	v29 =	vld [tilespmem:s0+$0xFFFFFF60];
	v23 =	vadd.f32 v23, v31;
	v31 =	vadd.f32 v8, v19;
	[tilespmem:s1+$0x70] =	vst v24  }
0x1e6: {  	v13 =	vmul.f32 v13, v0;
	s5 =	sand.u32 $0xE, s7;
	v19 =	vld [tilespmem:s4+$0x20];
	[tilespmem:s1+$0xFFFFFFA0] =	vst v28;
	v22 =	vadd.f32 v22, v30;
	v15 =	vadd.f32 v26, v15  }
0x1e7: {  	v24 =	vmov s5;
	s5 =	sand.u32 $0xF, s7;
	v26 =	vld [tilespmem:s0+$0xFFFFFFB0];
	[tilespmem:s1+$0xFFFFFFD0] =	vst v25;
	v16 =	vadd.f32 v23, v16;
	v23 =	vmax.f32 v31, $-1.000000000e+00;
	v8 =	vmovc v34  }
0x1e8: {  	s5 =	sadd.s32 $0x1, s5;
	v25 =	vld [tilespmem:s0+$0xFFFFFF80];
	v13 =	vadd.f32 v22, v13;
	v15 =	vmax.f32 v15, $-1.000000000e+00;
	v22 =	vmin.f32 v23, $1.000000000e+00  }
0x1e9: {  	v23 =	vmov s5;
	v30 =	vld [tilespmem:s0+$0x0];
	v16 =	vmax.f32 v16, $-1.000000000e+00;
	v15 =	vmin.f32 v15, $1.000000000e+00;
	[tilespmem:s1+$0x50] =	vst v22  }
0x1ea: {  	v20 =	vmin.f32 v20, $1.000000000e+00;
	v22 =	vld [tilespmem:s0+$0xFFFFFF70];
	v13 =	vmax.f32 v13, $-1.000000000e+00;
	v16 =	vmin.f32 v16, $1.000000000e+00;
	[tilespmem:s1+$0x30] =	vst v15  }
0x1eb: {  	v11 =	vmax.f32 v11, $-1.000000000e+00;
	v15 =	vmax.f32 v21, $-1.000000000e+00;
	v31 =	vld [tilespmem:s0+$0xFFFFFFD0];
	v13 =	vmin.f32 v13, $1.000000000e+00;
	[tilespmem:s1+$0x10] =	vst v16  }
0x1ec: {  	v11 =	vmin.f32 v11, $1.000000000e+00;
	v15 =	vmin.f32 v15, $1.000000000e+00;
	v34 =	vld [tilespmem:s0+$0xFFFFFFF0];
	v35 =	vadd.f32 v26, v19;
	[tilespmem:s1+$0x0] =	vst v13  }
0x1ed: {  	v9 =	vadd.f32 v10, v9;
	v10 =	vmin.f32 v12, $1.000000000e+00;
	v12 =	vmin.f32 v27, $1.000000000e+00;
	v13 =	vld [tilespmem:s2+$0x1A00];
	[tilespmem:s1+$0xFFFFFF90] =	vst v15  }
0x1ee: {  	v21 =	vld [tilespmem:s0+$0xFFFFFF30];
	[tilespmem:s1+$0x20] =	vst v12;
	v12 =	vmax.f32 v18, $-1.000000000e+00  }
0x1ef: {  	v9 =	vmax.f32 v9, $-1.000000000e+00;
	v15 =	vmax.f32 v17, $-1.000000000e+00;
	v18 =	vld [tilespmem:s0+$0xFFFFFF20];
	[tilespmem:s1+$0xFFFFFFB0] =	vst v20;
	v12 =	vmin.f32 v12, $1.000000000e+00  }
0x1f0: {  	v9 =	vmin.f32 v9, $1.000000000e+00;
	v17 =	vld [tilespmem:s0+$0xFFFFFF10];
	[tilespmem:s1+$0xFFFFFFF0] =	vst v10;
	v10 =	vmin.f32 v15, $1.000000000e+00  }
0x1f1: {  	v14 =	vmax.f32 v14, $-1.000000000e+00;
	v15 =	vld [tilespmem:s4+$0xFFFFFFF0];
	[tilespmem:s1+$0xFFFFFFC0] =	vst v9  }
0x1f2: {  	v14 =	vmin.f32 v14, $1.000000000e+00;
	v9 =	vperm.xlane v13, v24;
	v16 =	vld [tilespmem:s4+$0xFFFFFFE0];
	v13 =	vperm.xlane v13, v23;
	[tilespmem:s1+$0x40] =	vst v12  }
0x1f3: {  	v12 =	vld [tilespmem:s4+$0xFFFFFFD0];
	[tilespmem:s1+$0xFFFFFFE0] =	vst v11  }
0x1f4: {  	v20 =	vcvt.s32.f32 v9;
	v11 =	vld [tilespmem:s4+$0xFFFFFFC0];
	v13 =	vcvt.s32.f32 v13;
	[tilespmem:s1+$0xFFFFFF80] =	vst v14  }
0x1f5: {  	v14 =	vld [tilespmem:s4+$0xFFFFFFB0];
	[tilespmem:s1+$0x60] =	vst v10;
	s1 =	smov.u32 s3  }
0x1f6: {  	v23 =	vld [tilespmem:s4+$0xFFFFFFA0];
	v9 =	vmul.f32 v20, v4;
	v19 =	vadd.f32 v25, v15;
	v15 =	vmul.f32 v13, v3  }
0x1f7: {  	v25 =	vmul.f32 v20, v6;
	v26 =	vmul.f32 v20, v7;
	v24 =	vld [tilespmem:s4+$0xFFFFFF90];
	v22 =	vadd.f32 v22, v16  }
0x1f8: {  	v36 =	vmul.f32 v20, v5;
	v16 =	vmul.f32 v13, v1;
	v27 =	vld [tilespmem:s4+$0xFFFFFF80];
	v29 =	vadd.f32 v29, v12  }
0x1f9: {  	v37 =	vmul.f32 v20, v3;
	v12 =	vadd.f32 v19, v26;
	v10 =	vadd.f32 v33, v11;
	v33 =	vld [tilespmem:s4+$0x60]  }
0x1fa: {  	v39 =	vmul.f32 v13, v2;
	v19 =	vmul.f32 v13, v5;
	v14 =	vadd.f32 v32, v14;
	v38 =	vld [tilespmem:s4+$0x40]  }
0x1fb: {  	v40 =	vmul.f32 v20, v2;
	v11 =	vadd.f32 v22, v25;
	v32 =	vadd.f32 v21, v23;
	v41 =	vld [tilespmem:s4+$0x70]  }
0x1fc: {  	v42 =	vmul.f32 v20, v0;
	v12 =	vmax.f32 v12, $-1.000000000e+00;
	v21 =	vadd.f32 v18, v24;
	v24 =	vld [tilespmem:s0+$0xFFFFFFE0]  }
0x1fd: {  	v28 =	vmul.f32 v20, v1;
	v25 =	vadd.f32 v29, v36;
	v17 =	vadd.f32 v17, v27;
	v26 =	vld [tilespmem:s0+$0xFFFFFFC0]  }
.Ltmp6:
0x1fe: {  	v20 =	vadd.f32 v14, v37;
	v23 =	vld [tilespmem:s0+$0xFFFFFFA0];
	v33 =	vadd.f32 v34, v33;
	v34 =	vmul.f32 v13, v6;
	(pc) =	sbr.rel @p0 .LBB2_10-.Ltmp6, $4  }
0x1ff: {  	v36 =	vmul.f32 v13, v4;
	v32 =	vadd.f32 v32, v40;
	v22 =	vld [tilespmem:s0+$0xFFFFFF90];
	v18 =	vadd.f32 v31, v38  }
0x200: {  	v37 =	vmul.f32 v13, v7;
	v27 =	vadd.f32 v35, v39;
	v29 =	vld [tilespmem:s4+$0x30];
	v35 =	vadd.f32 v30, v41  }
0x201: {  	v14 =	vadd.f32 v17, v42;
	v31 =	vld [tilespmem:s4+$0x10];
	v18 =	vadd.f32 v18, v36  }
0x202: {  	s5 =	smov.u32 s6;
	s3 =	sadd.s32 $0x100, s3;
	v20 =	vmax.f32 v20, $-1.000000000e+00;
	v17 =	vadd.f32 v33, v34;
	v30 =	vld [tilespmem:s4+$0x0];
	v33 =	vadd.f32 v35, v37;
	s4 =	sadd.s32 $0x100, s4  }
0x203: {  	v32 =	vmax.f32 v32, $-1.000000000e+00  }
0x204: {  	v8 =	vadd.f32 v24, v8;
	v25 =	vmax.f32 v25, $-1.000000000e+00;
	v58 =	vmin.f32 v20, $1.000000000e+00  }
0x205: {  	v13 =	vmul.f32 v13, v0;
	v56 =	vmax.f32 v27, $-1.000000000e+00;
	v59 =	vmin.f32 v12, $1.000000000e+00;
	[tilespmem:s1+$0xFFFFFFB0] =	vst v58  }
0x206: {  	v32 =	vmin.f32 v32, $1.000000000e+00;
	v50 =	vmax.f32 v33, $-1.000000000e+00;
	[tilespmem:s1+$0xFFFFFFF0] =	vst v59;
	v26 =	vadd.f32 v26, v29  }
0x207: {  	v52 =	vmin.f32 v25, $1.000000000e+00;
	v8 =	vadd.f32 v8, v19;
	[tilespmem:s1+$0xFFFFFFA0] =	vst v32;
	v23 =	vadd.f32 v23, v31  }
0x208: {  	v57 =	vmin.f32 v56, $1.000000000e+00;
	[tilespmem:s1+$0xFFFFFFD0] =	vst v52;
	v51 =	vadd.f32 v22, v30;
	v15 =	vadd.f32 v26, v15  }
0x209: {  	v24 =	vmin.f32 v50, $1.000000000e+00;
	[tilespmem:s1+$0x20] =	vst v57;
	v8 =	vmax.f32 v8, $-1.000000000e+00;
	v16 =	vadd.f32 v23, v16  }
0x20a: {  	[tilespmem:s1+$0x70] =	vst v24;
	v8 =	vmin.f32 v8, $1.000000000e+00;
	v13 =	vadd.f32 v51, v13;
	v15 =	vmax.f32 v15, $-1.000000000e+00  }
0x20b: {  	v53 =	vadd.f32 v21, v28;
	[tilespmem:s1+$0x50] =	vst v8;
	v16 =	vmax.f32 v16, $-1.000000000e+00;
	v15 =	vmin.f32 v15, $1.000000000e+00  }
0x20c: {  	v8 =	vmax.f32 v13, $-1.000000000e+00;
	v54 =	vmin.f32 v16, $1.000000000e+00;
	[tilespmem:s1+$0x30] =	vst v15  }
0x20d: {  	v55 =	vmax.f32 v53, $-1.000000000e+00;
	v8 =	vmin.f32 v8, $1.000000000e+00;
	[tilespmem:s1+$0x10] =	vst v54  }
0x20e: {  	v60 =	vmax.f32 v18, $-1.000000000e+00;
	v15 =	vmin.f32 v55, $1.000000000e+00;
	[tilespmem:s1+$0x0] =	vst v8;
	v8 =	vadd.f32 v10, v9  }
0x20f: {  	v62 =	vmax.f32 v14, $-1.000000000e+00;
	[tilespmem:s1+$0xFFFFFF90] =	vst v15;
	v10 =	vmin.f32 v60, $1.000000000e+00  }
0x210: {  	v9 =	vmin.f32 v62, $1.000000000e+00;
	[tilespmem:s1+$0x40] =	vst v10;
	v8 =	vmax.f32 v8, $-1.000000000e+00  }
0x211: {  	v61 =	vmax.f32 v11, $-1.000000000e+00;
	s2 =	simm.s32 $0x0;
	s26 =	simm.s32 $0x1B680;
	[tilespmem:s1+$0xFFFFFF80] =	vst v9;
	v8 =	vmin.f32 v8, $1.000000000e+00  }
0x212: {  	s9 =	simm.s32 $0x240;
	s29 =	simm.s32 $0x40;
	s30 =	simm.s32 $0x11680;
	v63 =	vmax.f32 v17, $-1.000000000e+00;
	[tilespmem:s1+$0xFFFFFFC0] =	vst v8;
	v8 =	vmin.f32 v61, $1.000000000e+00  }
0x213: {  	s11 =	simm.s32 $0x1;
	s4 =	simm.s32 $0xA080;
	s6 =	simm.s32 $0x180;
	[tilespmem:s1+$0xFFFFFFE0] =	vst v8;
	v8 =	vmin.f32 v63, $1.000000000e+00  }
0x214: {  	s15 =	simm.s32 $0xC080;
	s5 =	simm.s32 $0x1C0;
	s16 =	simm.s32 $0xE080;
	[tilespmem:s1+$0x60] =	vst v8  }
0x215: {  	s7 =	simm.s32 $0x200;
	s25 =	simm.s32 $0x10080;
	s0 =	rddreg [dreg:$0xd]  }
0x216: {  	[hbm4b:s0+s2] =	stream.linear.scatter [tilespmem:s26], [sflag:$0xA], $0x2000, $0x38;
	[tilespmem:$0x1D680] =	vst v63  }
0x217: {  	s31 =	simm.s32 $0x12080;
	s20 =	simm.s32 $0x0;
	s1 =	simm.s32 $0x140  }
0x218: {  	[tilespmem:s30], [sflag:$0x5] =	stream.indirect.gather [hbm4b:s28+s29], $0x80, s9, s29, $0xb8;
	[tilespmem:$0x1D680] =	vst v63  }
.LBB2_12:
0x219: {  	s2 =	simm.s32 $0x1  }
0x21a: {  	_ =	swait.ge [sflag:s2], $0x2000  }
0x21b: {  	[sflag:s2] =	ssyncset.done $0x0  }
0x21c: {  	s12 =	simm.s32 $0x6;
	[dreg:$0x10] =	wrdreg s1;
	[sflag:s2] =	ssyncadd.s32 $0xFFFFE000  }
0x21d: {  	_ =	swait.ge [sflag:s12], $0x2000  }
0x21e: {  	s8 =	smulhi.u32 $0x51EB851F, s1;
	[sflag:s12] =	ssyncset.done $0x0  }
0x21f: {  	s22 =	smul.u32 $0x140, s11;
	s30 =	simm.s32 $0x9700;
	[sflag:s12] =	ssyncadd.s32 $0xFFFFE000  }
0x220: {  	s10 =	sshrl.u32 s8, $0x6;
	v14 =	vld [tilespmem:s30+$0x0]  }
0x221: {  	s0 =	sadd.s32 $0x1900, s22;
	s1 =	smul.u32 $0xC8, s10;
	v15 =	vld [tilespmem:s30+$0x10]  }
0x222: {  	v8 =	vmov s0;
	v16 =	vld [tilespmem:s30+$0x20]  }
0x223: {  	s21 =	smul.u32 $0xFFFF9C00, s10;
	s19 =	ssub.s32 s20, s1;
	v10 =	vld [tilespmem:s30+$0x70]  }
0x224: {  	s18 =	simm.s32 $0x0;
	s14 =	sadd.s32 $0xFFFFFFFE, s19;
	v17 =	vld [tilespmem:s30+$0x30]  }
0x225: {  	s13 =	sand.u32 $0x30, s18;
	s17 =	sadd.s32 s4, s21;
	s23 =	sadd.s32 $0x143, s14;
	v18 =	vld [tilespmem:s30+$0x40]  }
0x226: {  	s2 =	sadd.s32 $0xFFFF9C00, s17;
	s3 =	smov.u32 s17;
	v20 =	vld [tilespmem:s30+$0x50];
	p0 =	sgt.u32 s23, $0xC7  }
0x227: {  	s24 =	simm.s32 $0x0;
	v9 =	vld.idx.msk [tilespmem:v8+s13+$0x0 ss:$0x1], $0xffff;
	s3 =	smov.u32 @p0 s2  }
0x228: {  	s2 =	sand.u32 $0xFFFFFFF0, s24;
	v11 =	vld [tilespmem:s3+$0x3270]  }
0x229: {  	s2 =	ssub.s32 $0x0, s2;
	v19 =	vld [tilespmem:s3+$0x3200]  }
0x22a: {  	v22 =	vld [tilespmem:s3+$0x3210];
	s2 =	sadd.s32 $0x1, s2  }
0x22b: {  	s26 =	sand.u32 $0xE, s18;
	v23 =	vld [tilespmem:s3+$0x3220];
	v12 =	vmov s2  }
0x22c: {  	v13 =	vmov s26;
	v27 =	vld [tilespmem:s3+$0x3230];
	v12 =	vperm.xlane v9, v12  }
0x22d: {  	v28 =	vld [tilespmem:s3+$0x3240];
	v9 =	vperm.xlane v9, v13  }
0x22e: {  	s0 =	sadd.s32 $0x142, s14;
	v29 =	vld [tilespmem:s3+$0x3250];
	v25 =	vcvt.s32.f32 v12  }
0x22f: {  	v24 =	vld [tilespmem:s30+$0x60];
	p0 =	sgt.u32 s0, $0xC7;
	s0 =	simm.s32 $0xFFFF9B80;
	v26 =	vcvt.s32.f32 v9;
	v9 =	vadd.f32 v11, v10;
	v14 =	vadd.f32 v19, v14  }
0x230: {  	s0 =	simm.s32 @!p0 $0xFFFFFF80;
	v30 =	vld [tilespmem:s3+$0x3260];
	v15 =	vadd.f32 v22, v15;
	v16 =	vadd.f32 v23, v16  }
0x231: {  	s0 =	sadd.s32 s0, s17;
	v17 =	vadd.f32 v27, v17;
	v10 =	vmul.f32 v25, v7;
	v13 =	vmul.f32 v26, v0  }
0x232: {  	v32 =	vld [tilespmem:s0+$0x3200];
	v28 =	vadd.f32 v28, v18;
	v12 =	vmul.f32 v26, v1;
	v11 =	vmul.f32 v26, v2  }
0x233: {  	s8 =	smulhi.u32 $0x51EB851F, s7;
	v19 =	vld [tilespmem:s0+$0x3220];
	v29 =	vadd.f32 v29, v20;
	v31 =	vmul.f32 v25, v0;
	v33 =	vmul.f32 v25, v1  }
0x234: {  	s10 =	smulhi.u32 $0x51EB851F, s5;
	v22 =	vld [tilespmem:s0+$0x3230];
	v34 =	vmul.f32 v25, v2;
	v36 =	vmul.f32 v25, v3;
	v21 =	vadd.f32 v9, v10  }
0x235: {  	s12 =	sshrl.u32 s8, $0x6;
	s14 =	smulhi.u32 $0x51EB851F, s6;
	v23 =	vld [tilespmem:s0+$0x3240];
	v30 =	vadd.f32 v30, v24;
	v37 =	vmul.f32 v25, v4;
	v27 =	vmul.f32 v25, v5  }
0x236: {  	s8 =	smul.u32 $0xFFFF9C00, s12;
	v20 =	vld [tilespmem:s0+$0x3250];
	v25 =	vmul.f32 v25, v6;
	v14 =	vadd.f32 v14, v31;
	v21 =	vmax.f32 v21, $-1.000000000e+00  }
0x237: {  	s13 =	sshrl.u32 s14, $0x6;
	s3 =	smulhi.u32 $0x51EB851F, s9;
	v10 =	vmul.f32 v26, v3;
	v28 =	vadd.f32 v28, v37;
	v35 =	vmin.f32 v21, $1.000000000e+00;
	v21 =	vld [tilespmem:s0+$0x3210];
	[dreg:$0x12] =	wrdreg s5  }
0x238: {  	s23 =	simm.s32 $0x13700;
	s28 =	smul.u32 $0xC8, s13;
	v15 =	vadd.f32 v15, v33;
	v16 =	vadd.f32 v16, v34;
	v14 =	vmax.f32 v14, $-1.000000000e+00;
	v18 =	vld [tilespmem:s0+$0x3260];
	[dreg:$0x11] =	wrdreg s6  }
0x239: {  	s17 =	smul.u32 $0xC8, s12;
	v24 =	vadd.f32 v17, v36;
	v28 =	vmax.f32 v28, $-1.000000000e+00;
	v14 =	vmin.f32 v14, $1.000000000e+00;
	[tilespmem:s23+$0x70] =	vst v35;
	v17 =	vld [tilespmem:s0+$0x3270]  }
0x23a: {  	s1 =	sshrl.u32 s3, $0x6;
	s29 =	ssub.s32 s20, s28;
	s28 =	smul.u32 $0xFFFF9C00, s13;
	v15 =	vmax.f32 v15, $-1.000000000e+00;
	v16 =	vmax.f32 v16, $-1.000000000e+00;
	v62 =	vmin.f32 v28, $1.000000000e+00;
	v31 =	vld [tilespmem:s30+$0xFFFFFF80];
	[tilespmem:s23+$0x0] =	vst v14  }
0x23b: {  	s2 =	smul.u32 $0xC8, s1;
	v14 =	vmin.f32 v15, $1.000000000e+00;
	v15 =	vadd.f32 v29, v27;
	v27 =	vmax.f32 v24, $-1.000000000e+00;
	v24 =	vld [tilespmem:s30+$0xFFFFFF90];
	[tilespmem:s23+$0x40] =	vst v62  }
0x23c: {  	s3 =	sshrl.u32 s10, $0x6;
	s26 =	smul.u32 $0xFFFF9C00, s1;
	v9 =	vmul.f32 v26, v4;
	v29 =	vadd.f32 v30, v25;
	v25 =	vld [tilespmem:s30+$0xFFFFFFA0];
	[tilespmem:s23+$0x10] =	vst v14;
	v14 =	vmin.f32 v16, $1.000000000e+00  }
0x23d: {  	s13 =	smov.u32 s4;
	s24 =	smul.u32 $0xC8, s3;
	v30 =	vmin.f32 v27, $1.000000000e+00;
	v16 =	vmul.f32 v26, v5;
	v27 =	vld [tilespmem:s30+$0xFFFFFFB0];
	[tilespmem:s23+$0x20] =	vst v14;
	v15 =	vmax.f32 v15, $-1.000000000e+00  }
0x23e: {  	s17 =	ssub.s32 s20, s17;
	s1 =	ssub.s32 s20, s2;
	s6 =	simm.s32 $0x13700;
	v28 =	vld [tilespmem:s30+$0xFFFFFFC0];
	[tilespmem:s23+$0x30] =	vst v30;
	v14 =	vmul.f32 v26, v6;
	v29 =	vmax.f32 v29, $-1.000000000e+00;
	v63 =	vmin.f32 v15, $1.000000000e+00  }
0x23f: {  	s0 =	ssub.s32 s20, s24;
	s24 =	smul.u32 $0xFFFF9C00, s3;
	s3 =	simm.s32 $0x0;
	v15 =	vmul.f32 v26, v7;
	v29 =	vmin.f32 v29, $1.000000000e+00;
	v26 =	vld [tilespmem:s30+$0xFFFFFFD0];
	[tilespmem:s23+$0x50] =	vst v63;
	v30 =	vadd.f32 v32, v31  }
.LBB2_13:
0x240: {  	v31 =	vld [tilespmem:s30+$0xFFFFFFE0];
	v21 =	vadd.f32 v21, v24;
	[tilespmem:s23+$0x60] =	vst v29;
	s2 =	smov.u32 s18;
	s18 =	sadd.s32 $0x2, s18  }
0x241: {  	s5 =	sand.u32 $0x30, s18;
	s12 =	sand.u32 $0xE, s18;
	p0 =	slt.u32 s18, $0x3E;
	v24 =	vld [tilespmem:s30+$0xFFFFFFF0];
	v13 =	vadd.f32 v30, v13;
	v19 =	vadd.f32 v19, v25  }
0x242: {  	s3 =	sadd.s32 $0x2, s3;
	s30 =	sadd.s32 $0x100, s30;
	s2 =	sadd.s32 s2, s19;
	v25 =	vld.idx.msk [tilespmem:v8+s5+$0x0 ss:$0x1], $0xffff;
	v29 =	vmov s12;
	v12 =	vadd.f32 v21, v12;
	v21 =	vadd.f32 v22, v27  }
0x243: {  	s13 =	sadd.s32 $0x100, s13;
	s5 =	sand.u32 $0xFFFFFFF0, s3;
	s14 =	sadd.s32 $0x143, s2;
	v22 =	vld [tilespmem:s30+$0x0];
	v13 =	vmax.f32 v13, $-1.000000000e+00;
	v11 =	vadd.f32 v19, v11;
	v19 =	vadd.f32 v23, v28  }
0x244: {  	s12 =	sadd.s32 s13, s21;
	p1 =	sgt.u32 s14, $0xC7;
	s5 =	ssub.s32 s18, s5;
	v23 =	vld [tilespmem:s30+$0x10];
	v12 =	vmax.f32 v12, $-1.000000000e+00;
	v10 =	vadd.f32 v21, v10;
	v20 =	vadd.f32 v20, v26  }
0x245: {  	s14 =	sadd.s32 $0xFFFF9C00, s12;
	s10 =	sadd.s32 $0x1, s5;
	s5 =	smov.u32 s12;
	v26 =	vld [tilespmem:s30+$0x20];
	v11 =	vmax.f32 v11, $-1.000000000e+00;
	v9 =	vadd.f32 v19, v9;
	v18 =	vadd.f32 v18, v31  }
0x246: {  	s2 =	sadd.s32 $0x142, s2;
	s5 =	smov.u32 @p1 s14;
	v19 =	vld [tilespmem:s30+$0x70];
	v10 =	vmax.f32 v10, $-1.000000000e+00;
	v16 =	vadd.f32 v20, v16;
	v17 =	vadd.f32 v17, v24  }
0x247: {  	p1 =	sgt.u32 s2, $0xC7;
	s2 =	simm.s32 $0xFFFF9B80;
	v20 =	vmov s10;
	v21 =	vld [tilespmem:s5+$0x3270];
	v9 =	vmax.f32 v9, $-1.000000000e+00;
	v14 =	vadd.f32 v18, v14  }
0x248: {  	s2 =	simm.s32 @!p1 $0xFFFFFF80;
	v18 =	vperm.xlane v25, v29;
	v20 =	vperm.xlane v25, v20;
	v24 =	vld [tilespmem:s30+$0x30];
	v15 =	vadd.f32 v17, v15  }
0x249: {  	v13 =	vmin.f32 v13, $1.000000000e+00;
	s2 =	sadd.s32 s2, s12;
	v25 =	vmax.f32 v16, $-1.000000000e+00;
	v17 =	vld [tilespmem:s30+$0x40];
	v27 =	vmax.f32 v14, $-1.000000000e+00  }
0x24a: {  	v18 =	vcvt.s32.f32 v18;
	v20 =	vcvt.s32.f32 v20;
	v28 =	vld [tilespmem:s30+$0x50];
	[tilespmem:s23+$0xFFFFFF80] =	vst v13;
	v29 =	vmax.f32 v15, $-1.000000000e+00  }
0x24b: {  	v12 =	vmin.f32 v12, $1.000000000e+00;
	v14 =	vmin.f32 v11, $1.000000000e+00;
	v15 =	vmin.f32 v10, $1.000000000e+00;
	v30 =	vld [tilespmem:s30+$0x60]  }
0x24c: {  	v13 =	vmul.f32 v18, v0;
	v31 =	vld [tilespmem:s5+$0x3200];
	v16 =	vadd.f32 v21, v19;
	v19 =	vmul.f32 v20, v7;
	[tilespmem:s23+$0xFFFFFF90] =	vst v12  }
0x24d: {  	v32 =	vmin.f32 v9, $1.000000000e+00;
	v11 =	vmul.f32 v18, v2;
	v12 =	vmul.f32 v18, v1;
	v21 =	vld [tilespmem:s5+$0x3210];
	[tilespmem:s23+$0xFFFFFFA0] =	vst v14  }
0x24e: {  	v10 =	vmul.f32 v18, v3;
	v9 =	vmul.f32 v18, v4;
	v33 =	vld [tilespmem:s5+$0x3220];
	v19 =	vadd.f32 v16, v19;
	[tilespmem:s23+$0xFFFFFFB0] =	vst v15  }
0x24f: {  	v25 =	vmin.f32 v25, $1.000000000e+00;
	v14 =	vmul.f32 v18, v6;
	v16 =	vmul.f32 v18, v5;
	v34 =	vld [tilespmem:s5+$0x3230];
	[tilespmem:s23+$0xFFFFFFC0] =	vst v32  }
0x250: {  	v15 =	vmul.f32 v18, v7;
	v32 =	vmul.f32 v20, v0;
	v18 =	vld [tilespmem:s5+$0x3240];
	v19 =	vmax.f32 v19, $-1.000000000e+00;
	[tilespmem:s23+$0xFFFFFFD0] =	vst v25  }
0x251: {  	v35 =	vmul.f32 v20, v1;
	v36 =	vmul.f32 v20, v2;
	s23 =	sadd.s32 $0x100, s23;
	v25 =	vld [tilespmem:s5+$0x3250];
	v19 =	vmin.f32 v19, $1.000000000e+00  }
0x252: {  	v38 =	vmul.f32 v20, v4;
	v22 =	vadd.f32 v31, v22;
	v31 =	vmul.f32 v20, v3;
	v37 =	vld [tilespmem:s5+$0x3260];
	[tilespmem:s23+$0x70] =	vst v19  }
0x253: {  	v40 =	vmul.f32 v20, v5;
	v41 =	vmul.f32 v20, v6;
	v23 =	vadd.f32 v21, v23;
	v39 =	vld [tilespmem:s2+$0x3200]  }
0x254: {  	v20 =	vadd.f32 v33, v26;
	v26 =	vmin.f32 v27, $1.000000000e+00;
	v21 =	vld [tilespmem:s2+$0x3210];
	v24 =	vadd.f32 v34, v24  }
0x255: {  	v27 =	vadd.f32 v22, v32;
	v19 =	vld [tilespmem:s2+$0x3220];
	v17 =	vadd.f32 v18, v17;
	[tilespmem:s6+$0xFFFFFFE0] =	vst v26;
	v18 =	vmin.f32 v29, $1.000000000e+00  }
0x256: {  	v26 =	vadd.f32 v23, v35;
	v22 =	vld [tilespmem:s2+$0x3230];
	v25 =	vadd.f32 v25, v28;
	[tilespmem:s6+$0xFFFFFFF0] =	vst v18;
	s6 =	smov.u32 s23  }
0x257: {  	v27 =	vmax.f32 v27, $-1.000000000e+00;
	v28 =	vadd.f32 v20, v36;
	v23 =	vld [tilespmem:s2+$0x3240];
	v29 =	vadd.f32 v37, v30  }
0x258: {  	v24 =	vadd.f32 v24, v31;
	v26 =	vmax.f32 v26, $-1.000000000e+00;
	v30 =	vadd.f32 v17, v38;
	v20 =	vld [tilespmem:s2+$0x3250]  }
0x259: {  	v28 =	vmax.f32 v28, $-1.000000000e+00;
	v25 =	vadd.f32 v25, v40;
	v18 =	vld [tilespmem:s2+$0x3260];
	v29 =	vadd.f32 v29, v41  }
0x25a: {  	v27 =	vmin.f32 v27, $1.000000000e+00;
	v31 =	vmax.f32 v24, $-1.000000000e+00;
	v30 =	vmax.f32 v30, $-1.000000000e+00;
	v17 =	vld [tilespmem:s2+$0x3270]  }
0x25b: {  	v26 =	vmin.f32 v26, $1.000000000e+00;
	v32 =	vld [tilespmem:s30+$0xFFFFFF80];
	[tilespmem:s23+$0x0] =	vst v27;
	v27 =	vmax.f32 v25, $-1.000000000e+00;
	v29 =	vmax.f32 v29, $-1.000000000e+00  }
.Ltmp7:
0x25c: {  	v30 =	vmin.f32 v30, $1.000000000e+00;
	v24 =	vld [tilespmem:s30+$0xFFFFFF90];
	[tilespmem:s23+$0x10] =	vst v26;
	v26 =	vmin.f32 v28, $1.000000000e+00;
	v28 =	vmin.f32 v31, $1.000000000e+00;
	(pc) =	sbr.rel @p0 .LBB2_13-.Ltmp7, $4  }
0x25d: {  	v31 =	vmin.f32 v27, $1.000000000e+00;
	v29 =	vmin.f32 v29, $1.000000000e+00;
	v25 =	vld [tilespmem:s30+$0xFFFFFFA0];
	[tilespmem:s23+$0x20] =	vst v26  }
0x25e: {  	v27 =	vld [tilespmem:s30+$0xFFFFFFB0];
	[tilespmem:s23+$0x30] =	vst v28  }
0x25f: {  	v28 =	vld [tilespmem:s30+$0xFFFFFFC0];
	[tilespmem:s23+$0x40] =	vst v30  }
0x260: {  	v26 =	vld [tilespmem:s30+$0xFFFFFFD0];
	v30 =	vadd.f32 v39, v32;
	[tilespmem:s23+$0x50] =	vst v31  }
0x261: {  	v8 =	vadd.f32 v21, v24  }
0x262: {  	v13 =	vadd.f32 v30, v13  }
0x263: {  	v19 =	vadd.f32 v19, v25;
	v8 =	vadd.f32 v8, v12  }
0x264: {  	v21 =	vld [tilespmem:s30+$0xFFFFFFE0];
	v12 =	vadd.f32 v22, v27;
	v13 =	vmax.f32 v13, $-1.000000000e+00  }
0x265: {  	v24 =	vld [tilespmem:s30+$0xFFFFFFF0];
	v11 =	vadd.f32 v19, v11;
	v19 =	vadd.f32 v23, v28;
	v8 =	vmax.f32 v8, $-1.000000000e+00  }
0x266: {  	[tilespmem:s23+$0x60] =	vst v29;
	v10 =	vadd.f32 v12, v10;
	v12 =	vadd.f32 v20, v26;
	v13 =	vmin.f32 v13, $1.000000000e+00  }
0x267: {  	v11 =	vmax.f32 v11, $-1.000000000e+00;
	v9 =	vadd.f32 v19, v9;
	[tilespmem:s23+$0xFFFFFF80] =	vst v13;
	v8 =	vmin.f32 v8, $1.000000000e+00  }
0x268: {  	v10 =	vmax.f32 v10, $-1.000000000e+00;
	v12 =	vadd.f32 v12, v16;
	v11 =	vmin.f32 v11, $1.000000000e+00;
	[tilespmem:s23+$0xFFFFFF90] =	vst v8  }
0x269: {  	v18 =	vadd.f32 v18, v21;
	v8 =	vmax.f32 v9, $-1.000000000e+00;
	v10 =	vmin.f32 v10, $1.000000000e+00;
	[tilespmem:s23+$0xFFFFFFA0] =	vst v11  }
0x26a: {  	v13 =	vadd.f32 v17, v24;
	v12 =	vmax.f32 v12, $-1.000000000e+00;
	v8 =	vmin.f32 v8, $1.000000000e+00;
	[tilespmem:s23+$0xFFFFFFB0] =	vst v10  }
0x26b: {  	v9 =	vadd.f32 v18, v14;
	[tilespmem:s23+$0xFFFFFFC0] =	vst v8;
	v8 =	vmin.f32 v12, $1.000000000e+00  }
0x26c: {  	v11 =	vadd.f32 v13, v15;
	[tilespmem:s23+$0xFFFFFFD0] =	vst v8  }
0x26d: {  	v9 =	vmax.f32 v9, $-1.000000000e+00;
	s2 =	rddreg [dreg:$0x4]  }
0x26e: {  	p0 =	seq.s32 s11, $0x13;
	v10 =	vmax.f32 v11, $-1.000000000e+00;
	v8 =	vmin.f32 v9, $1.000000000e+00;
	s2 =	sadd.s32 s2, s22  }
0x26f: {  	s3 =	rddreg [dreg:$0x2];
	s5 =	simm.s32 $0x0;
	[tilespmem:s6+$0xFFFFFFE0] =	vst v8;
	v8 =	vmin.f32 v10, $1.000000000e+00;
	s2 =	sshll.u32 s2, $0x4  }
0x270: {  	s19 =	simm.s32 $0x13680;
	[tilespmem:s6+$0xFFFFFFF0] =	vst v8;
	s2 =	sadd.s32 s3, s2;
	s3 =	smul.u32 @!p0 $0x500, s11  }
0x271: {  	[hbm4b:s2+s5] =	stream.linear.scatter [tilespmem:s19], [sflag:$0x6], $0x2000, $0x38;
	[tilespmem:$0x1D680] =	vst v63  }
0x272: {  	s21 =	simm.s32 $0x2;
	s6 =	rddreg [dreg:$0x1];
	s30 =	sshra.s32 @!p0 s3, $0x2  }
0x273: {  	s5 =	simm.s32 @!p0 $0x9680;
	s3 =	simm.s32 @!p0 $0x40;
	s2 =	sadd.s32 @!p0 $0x140, s30  }
0x274: {  	[tilespmem:s5], [sflag:$0x1] =	stream.indirect.gather @!p0 [hbm4b:s6+s3], $0x80, s2, s3, $0xb8;
	[tilespmem:$0x1D680] =	vst v63  }
0x275: {  	s23 =	sadd.s32 $0x1940, s22;
	_ =	swait.ge [sflag:s21], $0x2000  }
0x276: {  	v8 =	vmov s23;
	[sflag:s21] =	ssyncset.done $0x0  }
0x277: {  	s5 =	simm.s32 $0x7;
	[sflag:s21] =	ssyncadd.s32 $0xFFFFE000  }
0x278: {  	_ =	swait.ge [sflag:s5], $0x2000  }
0x279: {  	s19 =	simm.s32 $0x0;
	[sflag:s5] =	ssyncset.done $0x0  }
0x27a: {  	s6 =	sand.u32 $0x30, s19;
	[sflag:s5] =	ssyncadd.s32 $0xFFFFE000  }
0x27b: {  	s18 =	simm.s32 $0xB700;
	v9 =	vld.idx.msk [tilespmem:v8+s6+$0x0 ss:$0x1], $0xffff  }
0x27c: {  	v14 =	vld [tilespmem:s18+$0x0]  }
0x27d: {  	v15 =	vld [tilespmem:s18+$0x10]  }
0x27e: {  	v16 =	vld [tilespmem:s18+$0x20]  }
0x27f: {  	v10 =	vld [tilespmem:s18+$0x70]  }
0x280: {  	s10 =	sadd.s32 $0xFFFFFFFE, s29;
	v17 =	vld [tilespmem:s18+$0x30]  }
0x281: {  	s12 =	sadd.s32 s15, s28;
	s13 =	sadd.s32 $0x183, s10;
	v18 =	vld [tilespmem:s18+$0x40]  }
0x282: {  	p1 =	sgt.u32 s13, $0xC7;
	s5 =	sadd.s32 $0xFFFF9C00, s12;
	s6 =	smov.u32 s12;
	v19 =	vld [tilespmem:s18+$0x50]  }
0x283: {  	s21 =	simm.s32 $0x0;
	v24 =	vld [tilespmem:s18+$0x60];
	s6 =	smov.u32 @p1 s5  }
0x284: {  	s14 =	sand.u32 $0xFFFFFFF0, s21;
	v11 =	vld [tilespmem:s6+$0x3270]  }
0x285: {  	s5 =	ssub.s32 $0x0, s14;
	v20 =	vld [tilespmem:s6+$0x3200]  }
0x286: {  	s5 =	sadd.s32 $0x1, s5;
	v21 =	vld [tilespmem:s6+$0x3210]  }
0x287: {  	s23 =	sand.u32 $0xE, s19;
	v22 =	vld [tilespmem:s6+$0x3220];
	v12 =	vmov s5  }
0x288: {  	v13 =	vmov s23;
	v26 =	vld [tilespmem:s6+$0x3230];
	v12 =	vperm.xlane v9, v12  }
0x289: {  	v27 =	vld [tilespmem:s6+$0x3240];
	v9 =	vperm.xlane v9, v13  }
0x28a: {  	v28 =	vld [tilespmem:s6+$0x3250];
	v25 =	vcvt.s32.f32 v12  }
0x28b: {  	s2 =	sadd.s32 $0x182, s10;
	v30 =	vld [tilespmem:s6+$0x3260];
	v29 =	vcvt.s32.f32 v9;
	v9 =	vadd.f32 v11, v10;
	v14 =	vadd.f32 v20, v14  }
0x28c: {  	p1 =	sgt.u32 s2, $0xC7;
	s2 =	simm.s32 $0xFFFF9B80;
	v15 =	vadd.f32 v21, v15;
	v16 =	vadd.f32 v22, v16  }
0x28d: {  	s2 =	simm.s32 @!p1 $0xFFFFFF80;
	v17 =	vadd.f32 v26, v17;
	v10 =	vmul.f32 v25, v7;
	v13 =	vmul.f32 v29, v0  }
0x28e: {  	v63 =	vld [tilespmem:s18+$0xFFFFFF80];
	s2 =	sadd.s32 s2, s12;
	v27 =	vadd.f32 v27, v18;
	v12 =	vmul.f32 v29, v1;
	v11 =	vmul.f32 v29, v2  }
0x28f: {  	v32 =	vld [tilespmem:s2+$0x3200];
	v28 =	vadd.f32 v28, v19;
	v31 =	vmul.f32 v25, v0;
	v33 =	vmul.f32 v25, v1  }
0x290: {  	v20 =	vld [tilespmem:s2+$0x3220];
	v24 =	vadd.f32 v30, v24;
	v34 =	vmul.f32 v25, v2;
	v36 =	vmul.f32 v25, v3  }
0x291: {  	v21 =	vld [tilespmem:s2+$0x3230];
	v37 =	vmul.f32 v25, v4;
	v26 =	vmul.f32 v25, v5;
	v23 =	vadd.f32 v9, v10  }
0x292: {  	v22 =	vld [tilespmem:s2+$0x3240];
	v25 =	vmul.f32 v25, v6;
	v10 =	vmul.f32 v29, v3;
	v14 =	vadd.f32 v14, v31  }
0x293: {  	v19 =	vld [tilespmem:s2+$0x3250];
	v15 =	vadd.f32 v15, v33;
	v16 =	vadd.f32 v16, v34;
	v23 =	vmax.f32 v23, $-1.000000000e+00  }
0x294: {  	s23 =	simm.s32 $0x15700;
	v18 =	vld [tilespmem:s2+$0x3260];
	v30 =	vadd.f32 v17, v36;
	v14 =	vmax.f32 v14, $-1.000000000e+00;
	v35 =	vmin.f32 v23, $1.000000000e+00  }
0x295: {  	v17 =	vld [tilespmem:s2+$0x3270];
	v31 =	vadd.f32 v27, v37;
	v15 =	vmax.f32 v15, $-1.000000000e+00;
	v14 =	vmin.f32 v14, $1.000000000e+00;
	[tilespmem:s23+$0x70] =	vst v35  }
0x296: {  	v27 =	vld [tilespmem:s18+$0xFFFFFF90];
	v24 =	vadd.f32 v24, v25;
	v16 =	vmax.f32 v16, $-1.000000000e+00;
	[tilespmem:s23+$0x0] =	vst v14;
	v14 =	vmin.f32 v15, $1.000000000e+00  }
0x297: {  	v23 =	vld [tilespmem:s2+$0x3210];
	v15 =	vadd.f32 v28, v26;
	v26 =	vmax.f32 v30, $-1.000000000e+00;
	[tilespmem:s23+$0x10] =	vst v14;
	v14 =	vmin.f32 v16, $1.000000000e+00  }
0x298: {  	v9 =	vmul.f32 v29, v4;
	v25 =	vld [tilespmem:s18+$0xFFFFFFA0];
	v28 =	vmax.f32 v31, $-1.000000000e+00;
	v26 =	vmin.f32 v26, $1.000000000e+00;
	[tilespmem:s23+$0x20] =	vst v14  }
0x299: {  	v24 =	vmax.f32 v24, $-1.000000000e+00;
	v30 =	vmin.f32 v28, $1.000000000e+00;
	v28 =	vld [tilespmem:s18+$0xFFFFFFB0];
	v15 =	vmax.f32 v15, $-1.000000000e+00;
	[tilespmem:s23+$0x30] =	vst v26  }
0x29a: {  	v16 =	vmul.f32 v29, v5;
	v14 =	vmul.f32 v29, v6;
	v26 =	vld [tilespmem:s18+$0xFFFFFFC0];
	[tilespmem:s23+$0x40] =	vst v30;
	v31 =	vmin.f32 v15, $1.000000000e+00  }
0x29b: {  	s13 =	smov.u32 s15;
	s3 =	simm.s32 $0x15700;
	s6 =	sadd.s32 $0x40, s22;
	v30 =	vadd.f32 v32, v63;
	v15 =	vmul.f32 v29, v7;
	v29 =	vmin.f32 v24, $1.000000000e+00;
	v24 =	vld [tilespmem:s18+$0xFFFFFFD0];
	[tilespmem:s23+$0x50] =	vst v31  }
.LBB2_15:
0x29c: {  	v31 =	vld [tilespmem:s18+$0xFFFFFFE0];
	v23 =	vadd.f32 v23, v27;
	[tilespmem:s23+$0x60] =	vst v29;
	s2 =	smov.u32 s19;
	s19 =	sadd.s32 $0x2, s19  }
0x29d: {  	s5 =	sand.u32 $0x30, s19;
	s10 =	sand.u32 $0xE, s19;
	p1 =	slt.u32 s19, $0x3E;
	v27 =	vld [tilespmem:s18+$0xFFFFFFF0];
	v13 =	vadd.f32 v30, v13;
	v20 =	vadd.f32 v20, v25  }
0x29e: {  	s21 =	sadd.s32 $0x2, s21;
	s18 =	sadd.s32 $0x100, s18;
	s2 =	sadd.s32 s2, s29;
	v25 =	vld.idx.msk [tilespmem:v8+s5+$0x0 ss:$0x1], $0xffff;
	v29 =	vmov s10;
	v12 =	vadd.f32 v23, v12;
	v21 =	vadd.f32 v21, v28  }
0x29f: {  	s13 =	sadd.s32 $0x100, s13;
	s5 =	sand.u32 $0xFFFFFFF0, s21;
	s12 =	sadd.s32 $0x183, s2;
	v23 =	vld [tilespmem:s18+$0x0];
	v13 =	vmax.f32 v13, $-1.000000000e+00;
	v11 =	vadd.f32 v20, v11;
	v20 =	vadd.f32 v22, v26  }
0x2a0: {  	s10 =	sadd.s32 s13, s28;
	p2 =	sgt.u32 s12, $0xC7;
	s5 =	ssub.s32 s19, s5;
	v22 =	vld [tilespmem:s18+$0x10];
	v12 =	vmax.f32 v12, $-1.000000000e+00;
	v10 =	vadd.f32 v21, v10;
	v19 =	vadd.f32 v19, v24  }
0x2a1: {  	s12 =	sadd.s32 $0xFFFF9C00, s10;
	s14 =	sadd.s32 $0x1, s5;
	s5 =	smov.u32 s10;
	v21 =	vld [tilespmem:s18+$0x20];
	v11 =	vmax.f32 v11, $-1.000000000e+00;
	v9 =	vadd.f32 v20, v9;
	v18 =	vadd.f32 v18, v31  }
0x2a2: {  	s2 =	sadd.s32 $0x182, s2;
	s5 =	smov.u32 @p2 s12;
	v20 =	vld [tilespmem:s18+$0x70];
	v10 =	vmax.f32 v10, $-1.000000000e+00;
	v16 =	vadd.f32 v19, v16;
	v17 =	vadd.f32 v17, v27  }
0x2a3: {  	p2 =	sgt.u32 s2, $0xC7;
	s2 =	simm.s32 $0xFFFF9B80;
	v19 =	vmov s14;
	v24 =	vld [tilespmem:s5+$0x3270];
	v9 =	vmax.f32 v9, $-1.000000000e+00;
	v14 =	vadd.f32 v18, v14  }
0x2a4: {  	s2 =	simm.s32 @!p2 $0xFFFFFF80;
	v18 =	vperm.xlane v25, v29;
	v19 =	vperm.xlane v25, v19;
	v25 =	vld [tilespmem:s18+$0x30];
	v15 =	vadd.f32 v17, v15  }
0x2a5: {  	v13 =	vmin.f32 v13, $1.000000000e+00;
	s2 =	sadd.s32 s2, s10;
	v26 =	vmax.f32 v16, $-1.000000000e+00;
	v17 =	vld [tilespmem:s18+$0x40];
	v27 =	vmax.f32 v14, $-1.000000000e+00  }
0x2a6: {  	v18 =	vcvt.s32.f32 v18;
	v19 =	vcvt.s32.f32 v19;
	v28 =	vld [tilespmem:s18+$0x50];
	[tilespmem:s23+$0xFFFFFF80] =	vst v13;
	v29 =	vmax.f32 v15, $-1.000000000e+00  }
0x2a7: {  	v12 =	vmin.f32 v12, $1.000000000e+00;
	v14 =	vmin.f32 v11, $1.000000000e+00;
	v15 =	vmin.f32 v10, $1.000000000e+00;
	v30 =	vld [tilespmem:s18+$0x60]  }
0x2a8: {  	v13 =	vmul.f32 v18, v0;
	v31 =	vld [tilespmem:s5+$0x3200];
	v16 =	vadd.f32 v24, v20;
	v20 =	vmul.f32 v19, v7;
	[tilespmem:s23+$0xFFFFFF90] =	vst v12  }
0x2a9: {  	v32 =	vmin.f32 v9, $1.000000000e+00;
	v11 =	vmul.f32 v18, v2;
	v12 =	vmul.f32 v18, v1;
	v24 =	vld [tilespmem:s5+$0x3210];
	[tilespmem:s23+$0xFFFFFFA0] =	vst v14  }
0x2aa: {  	v10 =	vmul.f32 v18, v3;
	v9 =	vmul.f32 v18, v4;
	v33 =	vld [tilespmem:s5+$0x3220];
	v20 =	vadd.f32 v16, v20;
	[tilespmem:s23+$0xFFFFFFB0] =	vst v15  }
0x2ab: {  	v26 =	vmin.f32 v26, $1.000000000e+00;
	v14 =	vmul.f32 v18, v6;
	v16 =	vmul.f32 v18, v5;
	v34 =	vld [tilespmem:s5+$0x3230];
	[tilespmem:s23+$0xFFFFFFC0] =	vst v32  }
0x2ac: {  	v15 =	vmul.f32 v18, v7;
	v32 =	vmul.f32 v19, v0;
	v18 =	vld [tilespmem:s5+$0x3240];
	v20 =	vmax.f32 v20, $-1.000000000e+00;
	[tilespmem:s23+$0xFFFFFFD0] =	vst v26  }
0x2ad: {  	v35 =	vmul.f32 v19, v1;
	v36 =	vmul.f32 v19, v2;
	s23 =	sadd.s32 $0x100, s23;
	v26 =	vld [tilespmem:s5+$0x3250];
	v20 =	vmin.f32 v20, $1.000000000e+00  }
0x2ae: {  	v38 =	vmul.f32 v19, v3;
	v39 =	vmul.f32 v19, v4;
	v31 =	vadd.f32 v31, v23;
	v37 =	vld [tilespmem:s5+$0x3260];
	[tilespmem:s23+$0x70] =	vst v20  }
0x2af: {  	v41 =	vmul.f32 v19, v6;
	v22 =	vadd.f32 v24, v22;
	v24 =	vmul.f32 v19, v5;
	v40 =	vld [tilespmem:s2+$0x3200]  }
0x2b0: {  	v19 =	vadd.f32 v33, v21;
	v21 =	vmin.f32 v27, $1.000000000e+00;
	v23 =	vld [tilespmem:s2+$0x3210];
	v25 =	vadd.f32 v34, v25  }
0x2b1: {  	v27 =	vadd.f32 v31, v32;
	v20 =	vld [tilespmem:s2+$0x3220];
	v17 =	vadd.f32 v18, v17;
	[tilespmem:s3+$0xFFFFFFE0] =	vst v21;
	v18 =	vmin.f32 v29, $1.000000000e+00  }
0x2b2: {  	v29 =	vadd.f32 v22, v35;
	v21 =	vld [tilespmem:s2+$0x3230];
	v26 =	vadd.f32 v26, v28;
	[tilespmem:s3+$0xFFFFFFF0] =	vst v18;
	s3 =	smov.u32 s23  }
0x2b3: {  	v27 =	vmax.f32 v27, $-1.000000000e+00;
	v28 =	vadd.f32 v19, v36;
	v22 =	vld [tilespmem:s2+$0x3240];
	v30 =	vadd.f32 v37, v30  }
0x2b4: {  	v25 =	vadd.f32 v25, v38;
	v29 =	vmax.f32 v29, $-1.000000000e+00;
	v31 =	vadd.f32 v17, v39;
	v19 =	vld [tilespmem:s2+$0x3250]  }
0x2b5: {  	v28 =	vmax.f32 v28, $-1.000000000e+00;
	v24 =	vadd.f32 v26, v24;
	v18 =	vld [tilespmem:s2+$0x3260];
	v26 =	vadd.f32 v30, v41  }
0x2b6: {  	v27 =	vmin.f32 v27, $1.000000000e+00;
	v25 =	vmax.f32 v25, $-1.000000000e+00;
	v30 =	vmax.f32 v31, $-1.000000000e+00;
	v17 =	vld [tilespmem:s2+$0x3270]  }
0x2b7: {  	v29 =	vmin.f32 v29, $1.000000000e+00;
	v24 =	vmax.f32 v24, $-1.000000000e+00;
	v31 =	vld [tilespmem:s18+$0xFFFFFF80];
	[tilespmem:s23+$0x0] =	vst v27;
	v26 =	vmax.f32 v26, $-1.000000000e+00  }
.Ltmp8:
0x2b8: {  	v28 =	vmin.f32 v28, $1.000000000e+00;
	v32 =	vmin.f32 v25, $1.000000000e+00;
	v30 =	vmin.f32 v30, $1.000000000e+00;
	v27 =	vld [tilespmem:s18+$0xFFFFFF90];
	[tilespmem:s23+$0x10] =	vst v29;
	(pc) =	sbr.rel @p1 .LBB2_15-.Ltmp8, $4  }
0x2b9: {  	v33 =	vmin.f32 v24, $1.000000000e+00;
	v29 =	vmin.f32 v26, $1.000000000e+00;
	v25 =	vld [tilespmem:s18+$0xFFFFFFA0];
	[tilespmem:s23+$0x20] =	vst v28  }
0x2ba: {  	v28 =	vld [tilespmem:s18+$0xFFFFFFB0];
	[tilespmem:s23+$0x30] =	vst v32  }
0x2bb: {  	v26 =	vld [tilespmem:s18+$0xFFFFFFC0];
	[tilespmem:s23+$0x40] =	vst v30  }
0x2bc: {  	v24 =	vld [tilespmem:s18+$0xFFFFFFD0];
	v30 =	vadd.f32 v40, v31;
	[tilespmem:s23+$0x50] =	vst v33  }
0x2bd: {  	v8 =	vadd.f32 v23, v27  }
0x2be: {  	v13 =	vadd.f32 v30, v13  }
0x2bf: {  	v20 =	vadd.f32 v20, v25;
	v8 =	vadd.f32 v8, v12  }
0x2c0: {  	v23 =	vld [tilespmem:s18+$0xFFFFFFE0];
	v12 =	vadd.f32 v21, v28;
	v13 =	vmax.f32 v13, $-1.000000000e+00  }
0x2c1: {  	v25 =	vld [tilespmem:s18+$0xFFFFFFF0];
	v11 =	vadd.f32 v20, v11;
	v20 =	vadd.f32 v22, v26;
	v8 =	vmax.f32 v8, $-1.000000000e+00  }
0x2c2: {  	[tilespmem:s23+$0x60] =	vst v29;
	v10 =	vadd.f32 v12, v10;
	v12 =	vadd.f32 v19, v24;
	v13 =	vmin.f32 v13, $1.000000000e+00  }
0x2c3: {  	v11 =	vmax.f32 v11, $-1.000000000e+00;
	v9 =	vadd.f32 v20, v9;
	[tilespmem:s23+$0xFFFFFF80] =	vst v13;
	v8 =	vmin.f32 v8, $1.000000000e+00  }
0x2c4: {  	v10 =	vmax.f32 v10, $-1.000000000e+00;
	v12 =	vadd.f32 v12, v16;
	v11 =	vmin.f32 v11, $1.000000000e+00;
	[tilespmem:s23+$0xFFFFFF90] =	vst v8  }
0x2c5: {  	v18 =	vadd.f32 v18, v23;
	v8 =	vmax.f32 v9, $-1.000000000e+00;
	v10 =	vmin.f32 v10, $1.000000000e+00;
	[tilespmem:s23+$0xFFFFFFA0] =	vst v11  }
0x2c6: {  	v13 =	vadd.f32 v17, v25;
	v12 =	vmax.f32 v12, $-1.000000000e+00;
	v8 =	vmin.f32 v8, $1.000000000e+00;
	[tilespmem:s23+$0xFFFFFFB0] =	vst v10  }
0x2c7: {  	v9 =	vadd.f32 v18, v14;
	[tilespmem:s23+$0xFFFFFFC0] =	vst v8;
	v8 =	vmin.f32 v12, $1.000000000e+00  }
0x2c8: {  	v11 =	vadd.f32 v13, v15;
	[tilespmem:s23+$0xFFFFFFD0] =	vst v8  }
0x2c9: {  	v9 =	vmax.f32 v9, $-1.000000000e+00;
	s2 =	rddreg [dreg:$0x4]  }
0x2ca: {  	s29 =	rddreg [dreg:$0x2];
	v10 =	vmax.f32 v11, $-1.000000000e+00;
	v8 =	vmin.f32 v9, $1.000000000e+00;
	s2 =	sadd.s32 s2, s6  }
0x2cb: {  	s19 =	simm.s32 $0x0;
	s5 =	simm.s32 $0x15680;
	[tilespmem:s3+$0xFFFFFFE0] =	vst v8;
	v8 =	vmin.f32 v10, $1.000000000e+00;
	s2 =	sshll.u32 s2, $0x4  }
0x2cc: {  	s28 =	rddreg [dreg:$0x1];
	s21 =	simm.s32 $0x3;
	[tilespmem:s3+$0xFFFFFFF0] =	vst v8;
	s2 =	sadd.s32 s29, s2  }
0x2cd: {  	[hbm4b:s2+s19] =	stream.linear.scatter [tilespmem:s5], [sflag:$0x7], $0x2000, $0x38;
	[tilespmem:$0x1D680] =	vst v63  }
0x2ce: {  	s3 =	simm.s32 @!p0 $0x40;
	s2 =	sadd.s32 @!p0 $0x180, s30;
	s5 =	simm.s32 @!p0 $0xB680  }
0x2cf: {  	[tilespmem:s5], [sflag:$0x2] =	stream.indirect.gather @!p0 [hbm4b:s28+s3], $0x80, s2, s3, $0xb8;
	[tilespmem:$0x1D680] =	vst v63  }
0x2d0: {  	s23 =	sadd.s32 $0x1980, s22;
	_ =	swait.ge [sflag:s21], $0x2000  }
0x2d1: {  	v8 =	vmov s23;
	[sflag:s21] =	ssyncset.done $0x0  }
0x2d2: {  	s5 =	simm.s32 $0x8;
	[sflag:s21] =	ssyncadd.s32 $0xFFFFE000  }
0x2d3: {  	_ =	swait.ge [sflag:s5], $0x2000  }
0x2d4: {  	s19 =	simm.s32 $0x0;
	[sflag:s5] =	ssyncset.done $0x0  }
0x2d5: {  	s6 =	sand.u32 $0x30, s19;
	[sflag:s5] =	ssyncadd.s32 $0xFFFFE000  }
0x2d6: {  	s18 =	simm.s32 $0xD700;
	v9 =	vld.idx.msk [tilespmem:v8+s6+$0x0 ss:$0x1], $0xffff  }
0x2d7: {  	v14 =	vld [tilespmem:s18+$0x0]  }
0x2d8: {  	v15 =	vld [tilespmem:s18+$0x10]  }
0x2d9: {  	v16 =	vld [tilespmem:s18+$0x20]  }
0x2da: {  	v10 =	vld [tilespmem:s18+$0x70]  }
0x2db: {  	s10 =	sadd.s32 $0xFFFFFFFE, s0;
	v17 =	vld [tilespmem:s18+$0x30]  }
0x2dc: {  	s12 =	sadd.s32 s16, s24;
	s13 =	sadd.s32 $0x1C3, s10;
	v18 =	vld [tilespmem:s18+$0x40]  }
0x2dd: {  	p1 =	sgt.u32 s13, $0xC7;
	s5 =	sadd.s32 $0xFFFF9C00, s12;
	s6 =	smov.u32 s12;
	v19 =	vld [tilespmem:s18+$0x50]  }
0x2de: {  	s21 =	simm.s32 $0x0;
	v24 =	vld [tilespmem:s18+$0x60];
	s6 =	smov.u32 @p1 s5  }
0x2df: {  	s14 =	sand.u32 $0xFFFFFFF0, s21;
	v11 =	vld [tilespmem:s6+$0x3270]  }
0x2e0: {  	s5 =	ssub.s32 $0x0, s14;
	v20 =	vld [tilespmem:s6+$0x3200]  }
0x2e1: {  	s5 =	sadd.s32 $0x1, s5;
	v21 =	vld [tilespmem:s6+$0x3210]  }
0x2e2: {  	s23 =	sand.u32 $0xE, s19;
	v22 =	vld [tilespmem:s6+$0x3220];
	v12 =	vmov s5  }
0x2e3: {  	v13 =	vmov s23;
	v26 =	vld [tilespmem:s6+$0x3230];
	v12 =	vperm.xlane v9, v12  }
0x2e4: {  	v27 =	vld [tilespmem:s6+$0x3240];
	v9 =	vperm.xlane v9, v13  }
0x2e5: {  	v28 =	vld [tilespmem:s6+$0x3250];
	v25 =	vcvt.s32.f32 v12  }
0x2e6: {  	s2 =	sadd.s32 $0x1C2, s10;
	v30 =	vld [tilespmem:s6+$0x3260];
	v29 =	vcvt.s32.f32 v9;
	v9 =	vadd.f32 v11, v10;
	v14 =	vadd.f32 v20, v14  }
0x2e7: {  	p1 =	sgt.u32 s2, $0xC7;
	s2 =	simm.s32 $0xFFFF9B80;
	v15 =	vadd.f32 v21, v15;
	v16 =	vadd.f32 v22, v16  }
0x2e8: {  	s2 =	simm.s32 @!p1 $0xFFFFFF80;
	v17 =	vadd.f32 v26, v17;
	v10 =	vmul.f32 v25, v7;
	v13 =	vmul.f32 v29, v0  }
0x2e9: {  	v63 =	vld [tilespmem:s18+$0xFFFFFF80];
	s2 =	sadd.s32 s2, s12;
	v27 =	vadd.f32 v27, v18;
	v12 =	vmul.f32 v29, v1;
	v11 =	vmul.f32 v29, v2  }
0x2ea: {  	v32 =	vld [tilespmem:s2+$0x3200];
	v28 =	vadd.f32 v28, v19;
	v31 =	vmul.f32 v25, v0;
	v33 =	vmul.f32 v25, v1  }
0x2eb: {  	v20 =	vld [tilespmem:s2+$0x3220];
	v24 =	vadd.f32 v30, v24;
	v34 =	vmul.f32 v25, v2;
	v36 =	vmul.f32 v25, v3  }
0x2ec: {  	v21 =	vld [tilespmem:s2+$0x3230];
	v37 =	vmul.f32 v25, v4;
	v26 =	vmul.f32 v25, v5;
	v23 =	vadd.f32 v9, v10  }
0x2ed: {  	v22 =	vld [tilespmem:s2+$0x3240];
	v25 =	vmul.f32 v25, v6;
	v10 =	vmul.f32 v29, v3;
	v14 =	vadd.f32 v14, v31  }
0x2ee: {  	v19 =	vld [tilespmem:s2+$0x3250];
	v15 =	vadd.f32 v15, v33;
	v16 =	vadd.f32 v16, v34;
	v23 =	vmax.f32 v23, $-1.000000000e+00  }
0x2ef: {  	s23 =	simm.s32 $0x17700;
	v18 =	vld [tilespmem:s2+$0x3260];
	v30 =	vadd.f32 v17, v36;
	v14 =	vmax.f32 v14, $-1.000000000e+00;
	v35 =	vmin.f32 v23, $1.000000000e+00  }
0x2f0: {  	v17 =	vld [tilespmem:s2+$0x3270];
	v31 =	vadd.f32 v27, v37;
	v15 =	vmax.f32 v15, $-1.000000000e+00;
	v14 =	vmin.f32 v14, $1.000000000e+00;
	[tilespmem:s23+$0x70] =	vst v35  }
0x2f1: {  	v27 =	vld [tilespmem:s18+$0xFFFFFF90];
	v24 =	vadd.f32 v24, v25;
	v16 =	vmax.f32 v16, $-1.000000000e+00;
	[tilespmem:s23+$0x0] =	vst v14;
	v14 =	vmin.f32 v15, $1.000000000e+00  }
0x2f2: {  	v23 =	vld [tilespmem:s2+$0x3210];
	v15 =	vadd.f32 v28, v26;
	v26 =	vmax.f32 v30, $-1.000000000e+00;
	[tilespmem:s23+$0x10] =	vst v14;
	v14 =	vmin.f32 v16, $1.000000000e+00  }
0x2f3: {  	v9 =	vmul.f32 v29, v4;
	v25 =	vld [tilespmem:s18+$0xFFFFFFA0];
	v28 =	vmax.f32 v31, $-1.000000000e+00;
	v26 =	vmin.f32 v26, $1.000000000e+00;
	[tilespmem:s23+$0x20] =	vst v14  }
0x2f4: {  	v24 =	vmax.f32 v24, $-1.000000000e+00;
	v30 =	vmin.f32 v28, $1.000000000e+00;
	v28 =	vld [tilespmem:s18+$0xFFFFFFB0];
	v15 =	vmax.f32 v15, $-1.000000000e+00;
	[tilespmem:s23+$0x30] =	vst v26  }
0x2f5: {  	v16 =	vmul.f32 v29, v5;
	v14 =	vmul.f32 v29, v6;
	v26 =	vld [tilespmem:s18+$0xFFFFFFC0];
	[tilespmem:s23+$0x40] =	vst v30;
	v31 =	vmin.f32 v15, $1.000000000e+00  }
0x2f6: {  	s13 =	smov.u32 s16;
	s3 =	simm.s32 $0x17700;
	s6 =	sadd.s32 $0x80, s22;
	v30 =	vadd.f32 v32, v63;
	v15 =	vmul.f32 v29, v7;
	v29 =	vmin.f32 v24, $1.000000000e+00;
	v24 =	vld [tilespmem:s18+$0xFFFFFFD0];
	[tilespmem:s23+$0x50] =	vst v31  }
.LBB2_17:
0x2f7: {  	v31 =	vld [tilespmem:s18+$0xFFFFFFE0];
	v23 =	vadd.f32 v23, v27;
	[tilespmem:s23+$0x60] =	vst v29;
	s2 =	smov.u32 s19;
	s19 =	sadd.s32 $0x2, s19  }
0x2f8: {  	s5 =	sand.u32 $0x30, s19;
	s10 =	sand.u32 $0xE, s19;
	p1 =	slt.u32 s19, $0x3E;
	v27 =	vld [tilespmem:s18+$0xFFFFFFF0];
	v13 =	vadd.f32 v30, v13;
	v20 =	vadd.f32 v20, v25  }
0x2f9: {  	s21 =	sadd.s32 $0x2, s21;
	s18 =	sadd.s32 $0x100, s18;
	s2 =	sadd.s32 s2, s0;
	v25 =	vld.idx.msk [tilespmem:v8+s5+$0x0 ss:$0x1], $0xffff;
	v29 =	vmov s10;
	v12 =	vadd.f32 v23, v12;
	v21 =	vadd.f32 v21, v28  }
0x2fa: {  	s13 =	sadd.s32 $0x100, s13;
	s5 =	sand.u32 $0xFFFFFFF0, s21;
	s12 =	sadd.s32 $0x1C3, s2;
	v23 =	vld [tilespmem:s18+$0x0];
	v13 =	vmax.f32 v13, $-1.000000000e+00;
	v11 =	vadd.f32 v20, v11;
	v20 =	vadd.f32 v22, v26  }
0x2fb: {  	s10 =	sadd.s32 s13, s24;
	p2 =	sgt.u32 s12, $0xC7;
	s5 =	ssub.s32 s19, s5;
	v22 =	vld [tilespmem:s18+$0x10];
	v12 =	vmax.f32 v12, $-1.000000000e+00;
	v10 =	vadd.f32 v21, v10;
	v19 =	vadd.f32 v19, v24  }
0x2fc: {  	s12 =	sadd.s32 $0xFFFF9C00, s10;
	s14 =	sadd.s32 $0x1, s5;
	s5 =	smov.u32 s10;
	v21 =	vld [tilespmem:s18+$0x20];
	v11 =	vmax.f32 v11, $-1.000000000e+00;
	v9 =	vadd.f32 v20, v9;
	v18 =	vadd.f32 v18, v31  }
0x2fd: {  	s2 =	sadd.s32 $0x1C2, s2;
	s5 =	smov.u32 @p2 s12;
	v20 =	vld [tilespmem:s18+$0x70];
	v10 =	vmax.f32 v10, $-1.000000000e+00;
	v16 =	vadd.f32 v19, v16;
	v17 =	vadd.f32 v17, v27  }
0x2fe: {  	p2 =	sgt.u32 s2, $0xC7;
	s2 =	simm.s32 $0xFFFF9B80;
	v19 =	vmov s14;
	v24 =	vld [tilespmem:s5+$0x3270];
	v9 =	vmax.f32 v9, $-1.000000000e+00;
	v14 =	vadd.f32 v18, v14  }
0x2ff: {  	s2 =	simm.s32 @!p2 $0xFFFFFF80;
	v18 =	vperm.xlane v25, v29;
	v19 =	vperm.xlane v25, v19;
	v25 =	vld [tilespmem:s18+$0x30];
	v15 =	vadd.f32 v17, v15  }
0x300: {  	v13 =	vmin.f32 v13, $1.000000000e+00;
	s2 =	sadd.s32 s2, s10;
	v26 =	vmax.f32 v16, $-1.000000000e+00;
	v17 =	vld [tilespmem:s18+$0x40];
	v27 =	vmax.f32 v14, $-1.000000000e+00  }
0x301: {  	v18 =	vcvt.s32.f32 v18;
	v19 =	vcvt.s32.f32 v19;
	v28 =	vld [tilespmem:s18+$0x50];
	[tilespmem:s23+$0xFFFFFF80] =	vst v13;
	v29 =	vmax.f32 v15, $-1.000000000e+00  }
0x302: {  	v12 =	vmin.f32 v12, $1.000000000e+00;
	v14 =	vmin.f32 v11, $1.000000000e+00;
	v15 =	vmin.f32 v10, $1.000000000e+00;
	v30 =	vld [tilespmem:s18+$0x60]  }
0x303: {  	v13 =	vmul.f32 v18, v0;
	v31 =	vld [tilespmem:s5+$0x3200];
	v16 =	vadd.f32 v24, v20;
	v20 =	vmul.f32 v19, v7;
	[tilespmem:s23+$0xFFFFFF90] =	vst v12  }
0x304: {  	v32 =	vmin.f32 v9, $1.000000000e+00;
	v11 =	vmul.f32 v18, v2;
	v12 =	vmul.f32 v18, v1;
	v24 =	vld [tilespmem:s5+$0x3210];
	[tilespmem:s23+$0xFFFFFFA0] =	vst v14  }
0x305: {  	v10 =	vmul.f32 v18, v3;
	v9 =	vmul.f32 v18, v4;
	v33 =	vld [tilespmem:s5+$0x3220];
	v20 =	vadd.f32 v16, v20;
	[tilespmem:s23+$0xFFFFFFB0] =	vst v15  }
0x306: {  	v26 =	vmin.f32 v26, $1.000000000e+00;
	v14 =	vmul.f32 v18, v6;
	v16 =	vmul.f32 v18, v5;
	v34 =	vld [tilespmem:s5+$0x3230];
	[tilespmem:s23+$0xFFFFFFC0] =	vst v32  }
0x307: {  	v15 =	vmul.f32 v18, v7;
	v32 =	vmul.f32 v19, v0;
	v18 =	vld [tilespmem:s5+$0x3240];
	v20 =	vmax.f32 v20, $-1.000000000e+00;
	[tilespmem:s23+$0xFFFFFFD0] =	vst v26  }
0x308: {  	v35 =	vmul.f32 v19, v1;
	v36 =	vmul.f32 v19, v2;
	s23 =	sadd.s32 $0x100, s23;
	v26 =	vld [tilespmem:s5+$0x3250];
	v20 =	vmin.f32 v20, $1.000000000e+00  }
0x309: {  	v38 =	vmul.f32 v19, v3;
	v39 =	vmul.f32 v19, v4;
	v31 =	vadd.f32 v31, v23;
	v37 =	vld [tilespmem:s5+$0x3260];
	[tilespmem:s23+$0x70] =	vst v20  }
0x30a: {  	v41 =	vmul.f32 v19, v6;
	v22 =	vadd.f32 v24, v22;
	v24 =	vmul.f32 v19, v5;
	v40 =	vld [tilespmem:s2+$0x3200]  }
0x30b: {  	v19 =	vadd.f32 v33, v21;
	v21 =	vmin.f32 v27, $1.000000000e+00;
	v23 =	vld [tilespmem:s2+$0x3210];
	v25 =	vadd.f32 v34, v25  }
0x30c: {  	v27 =	vadd.f32 v31, v32;
	v20 =	vld [tilespmem:s2+$0x3220];
	v17 =	vadd.f32 v18, v17;
	[tilespmem:s3+$0xFFFFFFE0] =	vst v21;
	v18 =	vmin.f32 v29, $1.000000000e+00  }
0x30d: {  	v29 =	vadd.f32 v22, v35;
	v21 =	vld [tilespmem:s2+$0x3230];
	v26 =	vadd.f32 v26, v28;
	[tilespmem:s3+$0xFFFFFFF0] =	vst v18;
	s3 =	smov.u32 s23  }
0x30e: {  	v27 =	vmax.f32 v27, $-1.000000000e+00;
	v28 =	vadd.f32 v19, v36;
	v22 =	vld [tilespmem:s2+$0x3240];
	v30 =	vadd.f32 v37, v30  }
0x30f: {  	v25 =	vadd.f32 v25, v38;
	v29 =	vmax.f32 v29, $-1.000000000e+00;
	v31 =	vadd.f32 v17, v39;
	v19 =	vld [tilespmem:s2+$0x3250]  }
0x310: {  	v28 =	vmax.f32 v28, $-1.000000000e+00;
	v24 =	vadd.f32 v26, v24;
	v18 =	vld [tilespmem:s2+$0x3260];
	v26 =	vadd.f32 v30, v41  }
0x311: {  	v27 =	vmin.f32 v27, $1.000000000e+00;
	v25 =	vmax.f32 v25, $-1.000000000e+00;
	v30 =	vmax.f32 v31, $-1.000000000e+00;
	v17 =	vld [tilespmem:s2+$0x3270]  }
0x312: {  	v29 =	vmin.f32 v29, $1.000000000e+00;
	v24 =	vmax.f32 v24, $-1.000000000e+00;
	v31 =	vld [tilespmem:s18+$0xFFFFFF80];
	[tilespmem:s23+$0x0] =	vst v27;
	v26 =	vmax.f32 v26, $-1.000000000e+00  }
.Ltmp9:
0x313: {  	v28 =	vmin.f32 v28, $1.000000000e+00;
	v32 =	vmin.f32 v25, $1.000000000e+00;
	v30 =	vmin.f32 v30, $1.000000000e+00;
	v27 =	vld [tilespmem:s18+$0xFFFFFF90];
	[tilespmem:s23+$0x10] =	vst v29;
	(pc) =	sbr.rel @p1 .LBB2_17-.Ltmp9, $4  }
0x314: {  	v33 =	vmin.f32 v24, $1.000000000e+00;
	v29 =	vmin.f32 v26, $1.000000000e+00;
	v25 =	vld [tilespmem:s18+$0xFFFFFFA0];
	[tilespmem:s23+$0x20] =	vst v28  }
0x315: {  	v28 =	vld [tilespmem:s18+$0xFFFFFFB0];
	[tilespmem:s23+$0x30] =	vst v32  }
0x316: {  	v26 =	vld [tilespmem:s18+$0xFFFFFFC0];
	[tilespmem:s23+$0x40] =	vst v30  }
0x317: {  	v24 =	vld [tilespmem:s18+$0xFFFFFFD0];
	v30 =	vadd.f32 v40, v31;
	[tilespmem:s23+$0x50] =	vst v33  }
0x318: {  	v8 =	vadd.f32 v23, v27  }
0x319: {  	v13 =	vadd.f32 v30, v13  }
0x31a: {  	v20 =	vadd.f32 v20, v25;
	v8 =	vadd.f32 v8, v12  }
0x31b: {  	v23 =	vld [tilespmem:s18+$0xFFFFFFE0];
	v12 =	vadd.f32 v21, v28;
	v13 =	vmax.f32 v13, $-1.000000000e+00  }
0x31c: {  	v25 =	vld [tilespmem:s18+$0xFFFFFFF0];
	v11 =	vadd.f32 v20, v11;
	v20 =	vadd.f32 v22, v26;
	v8 =	vmax.f32 v8, $-1.000000000e+00  }
0x31d: {  	[tilespmem:s23+$0x60] =	vst v29;
	v10 =	vadd.f32 v12, v10;
	v12 =	vadd.f32 v19, v24;
	v13 =	vmin.f32 v13, $1.000000000e+00  }
0x31e: {  	v11 =	vmax.f32 v11, $-1.000000000e+00;
	v9 =	vadd.f32 v20, v9;
	[tilespmem:s23+$0xFFFFFF80] =	vst v13;
	v8 =	vmin.f32 v8, $1.000000000e+00  }
0x31f: {  	v10 =	vmax.f32 v10, $-1.000000000e+00;
	v12 =	vadd.f32 v12, v16;
	v11 =	vmin.f32 v11, $1.000000000e+00;
	[tilespmem:s23+$0xFFFFFF90] =	vst v8  }
0x320: {  	v18 =	vadd.f32 v18, v23;
	v8 =	vmax.f32 v9, $-1.000000000e+00;
	v10 =	vmin.f32 v10, $1.000000000e+00;
	[tilespmem:s23+$0xFFFFFFA0] =	vst v11  }
0x321: {  	v13 =	vadd.f32 v17, v25;
	v12 =	vmax.f32 v12, $-1.000000000e+00;
	v8 =	vmin.f32 v8, $1.000000000e+00;
	[tilespmem:s23+$0xFFFFFFB0] =	vst v10  }
0x322: {  	v9 =	vadd.f32 v18, v14;
	[tilespmem:s23+$0xFFFFFFC0] =	vst v8;
	v8 =	vmin.f32 v12, $1.000000000e+00  }
0x323: {  	v11 =	vadd.f32 v13, v15;
	[tilespmem:s23+$0xFFFFFFD0] =	vst v8  }
0x324: {  	v9 =	vmax.f32 v9, $-1.000000000e+00;
	s0 =	rddreg [dreg:$0x4]  }
0x325: {  	v10 =	vmax.f32 v11, $-1.000000000e+00;
	v8 =	vmin.f32 v9, $1.000000000e+00;
	s0 =	sadd.s32 s0, s6  }
0x326: {  	s2 =	simm.s32 $0x0;
	[tilespmem:s3+$0xFFFFFFE0] =	vst v8;
	v8 =	vmin.f32 v10, $1.000000000e+00;
	s0 =	sshll.u32 s0, $0x4  }
0x327: {  	s5 =	simm.s32 $0x17680;
	[tilespmem:s3+$0xFFFFFFF0] =	vst v8;
	s3 =	simm.s32 @!p0 $0xD680;
	s0 =	sadd.s32 s29, s0  }
0x328: {  	[hbm4b:s0+s2] =	stream.linear.scatter [tilespmem:s5], [sflag:$0x8], $0x2000, $0x38;
	[tilespmem:$0x1D680] =	vst v63  }
0x329: {  	s6 =	simm.s32 $0x4;
	s0 =	sadd.s32 @!p0 $0x1C0, s30;
	s2 =	simm.s32 @!p0 $0x40  }
0x32a: {  	[tilespmem:s3], [sflag:$0x3] =	stream.indirect.gather @!p0 [hbm4b:s28+s2], $0x80, s0, s2, $0xb8;
	[tilespmem:$0x1D680] =	vst v63  }
0x32b: {  	s10 =	sadd.s32 $0x19C0, s22;
	_ =	swait.ge [sflag:s6], $0x2000  }
0x32c: {  	v8 =	vmov s10;
	[sflag:s6] =	ssyncset.done $0x0  }
0x32d: {  	s12 =	simm.s32 $0x9;
	[sflag:s6] =	ssyncadd.s32 $0xFFFFE000  }
0x32e: {  	_ =	swait.ge [sflag:s12], $0x2000  }
0x32f: {  	s18 =	simm.s32 $0x0;
	[sflag:s12] =	ssyncset.done $0x0  }
0x330: {  	s13 =	sand.u32 $0x30, s18;
	[sflag:s12] =	ssyncadd.s32 $0xFFFFE000  }
0x331: {  	s0 =	simm.s32 $0xF700;
	v9 =	vld.idx.msk [tilespmem:v8+s13+$0x0 ss:$0x1], $0xffff  }
0x332: {  	s14 =	sadd.s32 $0xFFFFFFFE, s17;
	v14 =	vld [tilespmem:s0+$0x0]  }
0x333: {  	s21 =	sadd.s32 s25, s8;
	s5 =	sadd.s32 $0x203, s14;
	v15 =	vld [tilespmem:s0+$0x10]  }
0x334: {  	p1 =	sgt.u32 s5, $0xC7;
	s5 =	sadd.s32 $0xFFFF9C00, s21;
	s6 =	smov.u32 s21;
	v16 =	vld [tilespmem:s0+$0x20]  }
0x335: {  	s6 =	smov.u32 @p1 s5;
	v10 =	vld [tilespmem:s0+$0x70]  }
0x336: {  	v11 =	vld [tilespmem:s6+$0x3270]  }
0x337: {  	v17 =	vld [tilespmem:s0+$0x30]  }
0x338: {  	v18 =	vld [tilespmem:s0+$0x40]  }
0x339: {  	v19 =	vld [tilespmem:s0+$0x50]  }
0x33a: {  	s19 =	simm.s32 $0x0;
	v20 =	vld [tilespmem:s6+$0x3200]  }
0x33b: {  	s23 =	sand.u32 $0xFFFFFFF0, s19;
	v21 =	vld [tilespmem:s6+$0x3210]  }
0x33c: {  	s5 =	ssub.s32 $0x0, s23;
	v22 =	vld [tilespmem:s6+$0x3220]  }
0x33d: {  	s24 =	sand.u32 $0xE, s18;
	s5 =	sadd.s32 $0x1, s5;
	v26 =	vld [tilespmem:s6+$0x3230]  }
0x33e: {  	v13 =	vmov s24;
	v12 =	vmov s5;
	v24 =	vld [tilespmem:s0+$0x60]  }
0x33f: {  	v27 =	vld [tilespmem:s6+$0x3240];
	v12 =	vperm.xlane v9, v12;
	v9 =	vperm.xlane v9, v13  }
0x340: {  	s2 =	sadd.s32 $0x202, s14;
	v28 =	vld [tilespmem:s6+$0x3250];
	v14 =	vadd.f32 v20, v14  }
0x341: {  	p1 =	sgt.u32 s2, $0xC7;
	s2 =	simm.s32 $0xFFFF9B80;
	v30 =	vld [tilespmem:s6+$0x3260];
	v15 =	vadd.f32 v21, v15;
	v25 =	vcvt.s32.f32 v12;
	v29 =	vcvt.s32.f32 v9  }
0x342: {  	s2 =	simm.s32 @!p1 $0xFFFFFF80;
	v16 =	vadd.f32 v22, v16;
	v17 =	vadd.f32 v26, v17  }
0x343: {  	s2 =	sadd.s32 s2, s21;
	v9 =	vadd.f32 v11, v10;
	v10 =	vmul.f32 v25, v7;
	v13 =	vmul.f32 v29, v0  }
0x344: {  	v32 =	vld [tilespmem:s2+$0x3200];
	v27 =	vadd.f32 v27, v18;
	v12 =	vmul.f32 v29, v1;
	v11 =	vmul.f32 v29, v2  }
0x345: {  	v63 =	vld [tilespmem:s0+$0xFFFFFF80];
	v28 =	vadd.f32 v28, v19;
	v31 =	vmul.f32 v25, v0;
	v33 =	vmul.f32 v25, v1  }
0x346: {  	v20 =	vld [tilespmem:s2+$0x3220];
	v24 =	vadd.f32 v30, v24;
	v34 =	vmul.f32 v25, v2;
	v36 =	vmul.f32 v25, v3  }
0x347: {  	v21 =	vld [tilespmem:s2+$0x3230];
	v37 =	vmul.f32 v25, v4;
	v26 =	vmul.f32 v25, v5;
	v23 =	vadd.f32 v9, v10  }
0x348: {  	v22 =	vld [tilespmem:s2+$0x3240];
	v25 =	vmul.f32 v25, v6;
	v10 =	vmul.f32 v29, v3;
	v14 =	vadd.f32 v14, v31  }
0x349: {  	v19 =	vld [tilespmem:s2+$0x3250];
	v15 =	vadd.f32 v15, v33;
	v16 =	vadd.f32 v16, v34;
	v23 =	vmax.f32 v23, $-1.000000000e+00  }
0x34a: {  	s21 =	simm.s32 $0x19700;
	v18 =	vld [tilespmem:s2+$0x3260];
	v30 =	vadd.f32 v17, v36;
	v14 =	vmax.f32 v14, $-1.000000000e+00;
	v35 =	vmin.f32 v23, $1.000000000e+00  }
0x34b: {  	v17 =	vld [tilespmem:s2+$0x3270];
	v31 =	vadd.f32 v27, v37;
	v15 =	vmax.f32 v15, $-1.000000000e+00;
	v14 =	vmin.f32 v14, $1.000000000e+00;
	[tilespmem:s21+$0x70] =	vst v35  }
0x34c: {  	v27 =	vld [tilespmem:s0+$0xFFFFFF90];
	v24 =	vadd.f32 v24, v25;
	v16 =	vmax.f32 v16, $-1.000000000e+00;
	[tilespmem:s21+$0x0] =	vst v14;
	v14 =	vmin.f32 v15, $1.000000000e+00  }
0x34d: {  	v23 =	vld [tilespmem:s2+$0x3210];
	v15 =	vadd.f32 v28, v26;
	v26 =	vmax.f32 v30, $-1.000000000e+00;
	[tilespmem:s21+$0x10] =	vst v14;
	v14 =	vmin.f32 v16, $1.000000000e+00  }
0x34e: {  	v9 =	vmul.f32 v29, v4;
	v25 =	vld [tilespmem:s0+$0xFFFFFFA0];
	v28 =	vmax.f32 v31, $-1.000000000e+00;
	v26 =	vmin.f32 v26, $1.000000000e+00;
	[tilespmem:s21+$0x20] =	vst v14  }
0x34f: {  	v24 =	vmax.f32 v24, $-1.000000000e+00;
	v30 =	vmin.f32 v28, $1.000000000e+00;
	v28 =	vld [tilespmem:s0+$0xFFFFFFB0];
	v15 =	vmax.f32 v15, $-1.000000000e+00;
	[tilespmem:s21+$0x30] =	vst v26  }
0x350: {  	v16 =	vmul.f32 v29, v5;
	v14 =	vmul.f32 v29, v6;
	v26 =	vld [tilespmem:s0+$0xFFFFFFC0];
	[tilespmem:s21+$0x40] =	vst v30;
	v31 =	vmin.f32 v15, $1.000000000e+00  }
0x351: {  	s3 =	simm.s32 $0x19700;
	s6 =	sadd.s32 $0xC0, s22;
	s13 =	smov.u32 s25;
	v30 =	vadd.f32 v32, v63;
	v15 =	vmul.f32 v29, v7;
	v29 =	vmin.f32 v24, $1.000000000e+00;
	v24 =	vld [tilespmem:s0+$0xFFFFFFD0];
	[tilespmem:s21+$0x50] =	vst v31  }
.LBB2_19:
0x352: {  	v31 =	vld [tilespmem:s0+$0xFFFFFFE0];
	v23 =	vadd.f32 v23, v27;
	[tilespmem:s21+$0x60] =	vst v29;
	s2 =	smov.u32 s18;
	s18 =	sadd.s32 $0x2, s18  }
0x353: {  	s5 =	sand.u32 $0x30, s18;
	s10 =	sand.u32 $0xE, s18;
	p1 =	slt.u32 s18, $0x3E;
	v27 =	vld [tilespmem:s0+$0xFFFFFFF0];
	v13 =	vadd.f32 v30, v13;
	v20 =	vadd.f32 v20, v25  }
0x354: {  	s19 =	sadd.s32 $0x2, s19;
	s0 =	sadd.s32 $0x100, s0;
	s2 =	sadd.s32 s2, s17;
	v25 =	vld.idx.msk [tilespmem:v8+s5+$0x0 ss:$0x1], $0xffff;
	v29 =	vmov s10;
	v12 =	vadd.f32 v23, v12;
	v21 =	vadd.f32 v21, v28  }
0x355: {  	s13 =	sadd.s32 $0x100, s13;
	s5 =	sand.u32 $0xFFFFFFF0, s19;
	s12 =	sadd.s32 $0x203, s2;
	v23 =	vld [tilespmem:s0+$0x0];
	v13 =	vmax.f32 v13, $-1.000000000e+00;
	v11 =	vadd.f32 v20, v11;
	v20 =	vadd.f32 v22, v26  }
0x356: {  	s10 =	sadd.s32 s13, s8;
	p2 =	sgt.u32 s12, $0xC7;
	s5 =	ssub.s32 s18, s5;
	v22 =	vld [tilespmem:s0+$0x10];
	v12 =	vmax.f32 v12, $-1.000000000e+00;
	v10 =	vadd.f32 v21, v10;
	v19 =	vadd.f32 v19, v24  }
0x357: {  	s12 =	sadd.s32 $0xFFFF9C00, s10;
	s14 =	sadd.s32 $0x1, s5;
	s5 =	smov.u32 s10;
	v21 =	vld [tilespmem:s0+$0x20];
	v11 =	vmax.f32 v11, $-1.000000000e+00;
	v9 =	vadd.f32 v20, v9;
	v18 =	vadd.f32 v18, v31  }
0x358: {  	s2 =	sadd.s32 $0x202, s2;
	s5 =	smov.u32 @p2 s12;
	v20 =	vld [tilespmem:s0+$0x70];
	v10 =	vmax.f32 v10, $-1.000000000e+00;
	v16 =	vadd.f32 v19, v16;
	v17 =	vadd.f32 v17, v27  }
0x359: {  	p2 =	sgt.u32 s2, $0xC7;
	s2 =	simm.s32 $0xFFFF9B80;
	v19 =	vmov s14;
	v24 =	vld [tilespmem:s5+$0x3270];
	v9 =	vmax.f32 v9, $-1.000000000e+00;
	v14 =	vadd.f32 v18, v14  }
0x35a: {  	s2 =	simm.s32 @!p2 $0xFFFFFF80;
	v18 =	vperm.xlane v25, v29;
	v19 =	vperm.xlane v25, v19;
	v25 =	vld [tilespmem:s0+$0x30];
	v15 =	vadd.f32 v17, v15  }
0x35b: {  	v13 =	vmin.f32 v13, $1.000000000e+00;
	s2 =	sadd.s32 s2, s10;
	v26 =	vmax.f32 v16, $-1.000000000e+00;
	v17 =	vld [tilespmem:s0+$0x40];
	v27 =	vmax.f32 v14, $-1.000000000e+00  }
0x35c: {  	v18 =	vcvt.s32.f32 v18;
	v19 =	vcvt.s32.f32 v19;
	v28 =	vld [tilespmem:s0+$0x50];
	[tilespmem:s21+$0xFFFFFF80] =	vst v13;
	v29 =	vmax.f32 v15, $-1.000000000e+00  }
0x35d: {  	v12 =	vmin.f32 v12, $1.000000000e+00;
	v14 =	vmin.f32 v11, $1.000000000e+00;
	v15 =	vmin.f32 v10, $1.000000000e+00;
	v30 =	vld [tilespmem:s0+$0x60]  }
0x35e: {  	v13 =	vmul.f32 v18, v0;
	v31 =	vld [tilespmem:s5+$0x3200];
	v16 =	vadd.f32 v24, v20;
	v20 =	vmul.f32 v19, v7;
	[tilespmem:s21+$0xFFFFFF90] =	vst v12  }
0x35f: {  	v32 =	vmin.f32 v9, $1.000000000e+00;
	v11 =	vmul.f32 v18, v2;
	v12 =	vmul.f32 v18, v1;
	v24 =	vld [tilespmem:s5+$0x3210];
	[tilespmem:s21+$0xFFFFFFA0] =	vst v14  }
0x360: {  	v10 =	vmul.f32 v18, v3;
	v9 =	vmul.f32 v18, v4;
	v33 =	vld [tilespmem:s5+$0x3220];
	v20 =	vadd.f32 v16, v20;
	[tilespmem:s21+$0xFFFFFFB0] =	vst v15  }
0x361: {  	v26 =	vmin.f32 v26, $1.000000000e+00;
	v14 =	vmul.f32 v18, v6;
	v16 =	vmul.f32 v18, v5;
	v34 =	vld [tilespmem:s5+$0x3230];
	[tilespmem:s21+$0xFFFFFFC0] =	vst v32  }
0x362: {  	v15 =	vmul.f32 v18, v7;
	v32 =	vmul.f32 v19, v0;
	v18 =	vld [tilespmem:s5+$0x3240];
	v20 =	vmax.f32 v20, $-1.000000000e+00;
	[tilespmem:s21+$0xFFFFFFD0] =	vst v26  }
0x363: {  	v35 =	vmul.f32 v19, v1;
	v36 =	vmul.f32 v19, v2;
	s21 =	sadd.s32 $0x100, s21;
	v26 =	vld [tilespmem:s5+$0x3250];
	v20 =	vmin.f32 v20, $1.000000000e+00  }
0x364: {  	v38 =	vmul.f32 v19, v3;
	v39 =	vmul.f32 v19, v4;
	v31 =	vadd.f32 v31, v23;
	v37 =	vld [tilespmem:s5+$0x3260];
	[tilespmem:s21+$0x70] =	vst v20  }
0x365: {  	v41 =	vmul.f32 v19, v6;
	v22 =	vadd.f32 v24, v22;
	v24 =	vmul.f32 v19, v5;
	v40 =	vld [tilespmem:s2+$0x3200]  }
0x366: {  	v19 =	vadd.f32 v33, v21;
	v21 =	vmin.f32 v27, $1.000000000e+00;
	v23 =	vld [tilespmem:s2+$0x3210];
	v25 =	vadd.f32 v34, v25  }
0x367: {  	v27 =	vadd.f32 v31, v32;
	v20 =	vld [tilespmem:s2+$0x3220];
	v17 =	vadd.f32 v18, v17;
	[tilespmem:s3+$0xFFFFFFE0] =	vst v21;
	v18 =	vmin.f32 v29, $1.000000000e+00  }
0x368: {  	v29 =	vadd.f32 v22, v35;
	v21 =	vld [tilespmem:s2+$0x3230];
	v26 =	vadd.f32 v26, v28;
	[tilespmem:s3+$0xFFFFFFF0] =	vst v18;
	s3 =	smov.u32 s21  }
0x369: {  	v27 =	vmax.f32 v27, $-1.000000000e+00;
	v28 =	vadd.f32 v19, v36;
	v22 =	vld [tilespmem:s2+$0x3240];
	v30 =	vadd.f32 v37, v30  }
0x36a: {  	v25 =	vadd.f32 v25, v38;
	v29 =	vmax.f32 v29, $-1.000000000e+00;
	v31 =	vadd.f32 v17, v39;
	v19 =	vld [tilespmem:s2+$0x3250]  }
0x36b: {  	v28 =	vmax.f32 v28, $-1.000000000e+00;
	v24 =	vadd.f32 v26, v24;
	v18 =	vld [tilespmem:s2+$0x3260];
	v26 =	vadd.f32 v30, v41  }
0x36c: {  	v27 =	vmin.f32 v27, $1.000000000e+00;
	v25 =	vmax.f32 v25, $-1.000000000e+00;
	v30 =	vmax.f32 v31, $-1.000000000e+00;
	v17 =	vld [tilespmem:s2+$0x3270]  }
0x36d: {  	v29 =	vmin.f32 v29, $1.000000000e+00;
	v24 =	vmax.f32 v24, $-1.000000000e+00;
	v31 =	vld [tilespmem:s0+$0xFFFFFF80];
	[tilespmem:s21+$0x0] =	vst v27;
	v26 =	vmax.f32 v26, $-1.000000000e+00  }
.Ltmp10:
0x36e: {  	v28 =	vmin.f32 v28, $1.000000000e+00;
	v32 =	vmin.f32 v25, $1.000000000e+00;
	v30 =	vmin.f32 v30, $1.000000000e+00;
	v27 =	vld [tilespmem:s0+$0xFFFFFF90];
	[tilespmem:s21+$0x10] =	vst v29;
	(pc) =	sbr.rel @p1 .LBB2_19-.Ltmp10, $4  }
0x36f: {  	v33 =	vmin.f32 v24, $1.000000000e+00;
	v29 =	vmin.f32 v26, $1.000000000e+00;
	v25 =	vld [tilespmem:s0+$0xFFFFFFA0];
	[tilespmem:s21+$0x20] =	vst v28  }
0x370: {  	v28 =	vld [tilespmem:s0+$0xFFFFFFB0];
	[tilespmem:s21+$0x30] =	vst v32  }
0x371: {  	v26 =	vld [tilespmem:s0+$0xFFFFFFC0];
	[tilespmem:s21+$0x40] =	vst v30  }
0x372: {  	v24 =	vld [tilespmem:s0+$0xFFFFFFD0];
	v30 =	vadd.f32 v40, v31;
	[tilespmem:s21+$0x50] =	vst v33  }
0x373: {  	v8 =	vadd.f32 v23, v27  }
0x374: {  	v13 =	vadd.f32 v30, v13  }
0x375: {  	v20 =	vadd.f32 v20, v25;
	v8 =	vadd.f32 v8, v12  }
0x376: {  	v23 =	vld [tilespmem:s0+$0xFFFFFFE0];
	v12 =	vadd.f32 v21, v28;
	v13 =	vmax.f32 v13, $-1.000000000e+00  }
0x377: {  	v25 =	vld [tilespmem:s0+$0xFFFFFFF0];
	v11 =	vadd.f32 v20, v11;
	v20 =	vadd.f32 v22, v26;
	v8 =	vmax.f32 v8, $-1.000000000e+00  }
0x378: {  	[tilespmem:s21+$0x60] =	vst v29;
	v10 =	vadd.f32 v12, v10;
	v12 =	vadd.f32 v19, v24;
	v13 =	vmin.f32 v13, $1.000000000e+00  }
0x379: {  	v11 =	vmax.f32 v11, $-1.000000000e+00;
	v9 =	vadd.f32 v20, v9;
	[tilespmem:s21+$0xFFFFFF80] =	vst v13;
	v8 =	vmin.f32 v8, $1.000000000e+00  }
0x37a: {  	v10 =	vmax.f32 v10, $-1.000000000e+00;
	v12 =	vadd.f32 v12, v16;
	v11 =	vmin.f32 v11, $1.000000000e+00;
	[tilespmem:s21+$0xFFFFFF90] =	vst v8  }
0x37b: {  	v18 =	vadd.f32 v18, v23;
	v8 =	vmax.f32 v9, $-1.000000000e+00;
	v10 =	vmin.f32 v10, $1.000000000e+00;
	[tilespmem:s21+$0xFFFFFFA0] =	vst v11  }
0x37c: {  	v13 =	vadd.f32 v17, v25;
	v12 =	vmax.f32 v12, $-1.000000000e+00;
	v8 =	vmin.f32 v8, $1.000000000e+00;
	[tilespmem:s21+$0xFFFFFFB0] =	vst v10  }
0x37d: {  	v9 =	vadd.f32 v18, v14;
	[tilespmem:s21+$0xFFFFFFC0] =	vst v8;
	v8 =	vmin.f32 v12, $1.000000000e+00  }
0x37e: {  	v11 =	vadd.f32 v13, v15;
	[tilespmem:s21+$0xFFFFFFD0] =	vst v8  }
0x37f: {  	v9 =	vmax.f32 v9, $-1.000000000e+00;
	s12 =	rddreg [dreg:$0x4]  }
0x380: {  	v10 =	vmax.f32 v11, $-1.000000000e+00;
	v8 =	vmin.f32 v9, $1.000000000e+00;
	s0 =	sadd.s32 s12, s6  }
0x381: {  	s2 =	simm.s32 $0x0;
	[tilespmem:s3+$0xFFFFFFE0] =	vst v8;
	v8 =	vmin.f32 v10, $1.000000000e+00;
	s0 =	sshll.u32 s0, $0x4  }
0x382: {  	s13 =	simm.s32 $0x19680;
	s14 =	simm.s32 $0x5;
	[tilespmem:s3+$0xFFFFFFF0] =	vst v8;
	s0 =	sadd.s32 s29, s0  }
0x383: {  	[hbm4b:s0+s2] =	stream.linear.scatter [tilespmem:s13], [sflag:$0x9], $0x2000, $0x38;
	[tilespmem:$0x1D680] =	vst v63  }
0x384: {  	s3 =	simm.s32 @!p0 $0xF680;
	s0 =	sadd.s32 @!p0 $0x200, s30;
	s2 =	simm.s32 @!p0 $0x40  }
0x385: {  	[tilespmem:s3], [sflag:$0x4] =	stream.indirect.gather @!p0 [hbm4b:s28+s2], $0x80, s0, s2, $0xb8;
	[tilespmem:$0x1D680] =	vst v63  }
0x386: {  	s17 =	sadd.s32 $0x1A00, s22;
	_ =	swait.ge [sflag:s14], $0x2000  }
0x387: {  	v8 =	vmov s17;
	[sflag:s14] =	ssyncset.done $0x0  }
0x388: {  	s18 =	simm.s32 $0xA;
	[sflag:s14] =	ssyncadd.s32 $0xFFFFE000  }
0x389: {  	_ =	swait.ge [sflag:s18], $0x2000  }
0x38a: {  	s8 =	simm.s32 $0x0;
	[sflag:s18] =	ssyncset.done $0x0  }
0x38b: {  	s19 =	sand.u32 $0x30, s8;
	[sflag:s18] =	ssyncadd.s32 $0xFFFFE000  }
0x38c: {  	s0 =	simm.s32 $0x11700;
	v9 =	vld.idx.msk [tilespmem:v8+s19+$0x0 ss:$0x1], $0xffff  }
0x38d: {  	s21 =	sadd.s32 $0xFFFFFFFE, s1;
	v14 =	vld [tilespmem:s0+$0x0]  }
0x38e: {  	s23 =	sadd.s32 s31, s26;
	s5 =	sadd.s32 $0x243, s21;
	v15 =	vld [tilespmem:s0+$0x10]  }
0x38f: {  	p1 =	sgt.u32 s5, $0xC7;
	s5 =	sadd.s32 $0xFFFF9C00, s23;
	s6 =	smov.u32 s23;
	v16 =	vld [tilespmem:s0+$0x20]  }
0x390: {  	s6 =	smov.u32 @p1 s5;
	v10 =	vld [tilespmem:s0+$0x70]  }
0x391: {  	v11 =	vld [tilespmem:s6+$0x3270]  }
0x392: {  	v17 =	vld [tilespmem:s0+$0x30]  }
0x393: {  	v18 =	vld [tilespmem:s0+$0x40]  }
0x394: {  	v19 =	vld [tilespmem:s0+$0x50]  }
0x395: {  	s17 =	simm.s32 $0x0;
	v20 =	vld [tilespmem:s6+$0x3200]  }
0x396: {  	s24 =	sand.u32 $0xFFFFFFF0, s17;
	v21 =	vld [tilespmem:s6+$0x3210]  }
0x397: {  	s5 =	ssub.s32 $0x0, s24;
	v22 =	vld [tilespmem:s6+$0x3220]  }
0x398: {  	s5 =	sadd.s32 $0x1, s5;
	s30 =	sand.u32 $0xE, s8;
	v26 =	vld [tilespmem:s6+$0x3230]  }
0x399: {  	v12 =	vmov s5;
	v13 =	vmov s30;
	v24 =	vld [tilespmem:s0+$0x60]  }
0x39a: {  	v27 =	vld [tilespmem:s6+$0x3240];
	v12 =	vperm.xlane v9, v12;
	v9 =	vperm.xlane v9, v13  }
0x39b: {  	s2 =	sadd.s32 $0x242, s21;
	v28 =	vld [tilespmem:s6+$0x3250];
	v14 =	vadd.f32 v20, v14  }
0x39c: {  	p1 =	sgt.u32 s2, $0xC7;
	s2 =	simm.s32 $0xFFFF9B80;
	v30 =	vld [tilespmem:s6+$0x3260];
	v15 =	vadd.f32 v21, v15;
	v25 =	vcvt.s32.f32 v12;
	v29 =	vcvt.s32.f32 v9  }
0x39d: {  	s2 =	simm.s32 @!p1 $0xFFFFFF80;
	v16 =	vadd.f32 v22, v16;
	v17 =	vadd.f32 v26, v17  }
0x39e: {  	s2 =	sadd.s32 s2, s23;
	v9 =	vadd.f32 v11, v10;
	v10 =	vmul.f32 v25, v7;
	v13 =	vmul.f32 v29, v0  }
0x39f: {  	v32 =	vld [tilespmem:s2+$0x3200];
	v27 =	vadd.f32 v27, v18;
	v12 =	vmul.f32 v29, v1;
	v11 =	vmul.f32 v29, v2  }
0x3a0: {  	v63 =	vld [tilespmem:s0+$0xFFFFFF80];
	v28 =	vadd.f32 v28, v19;
	v31 =	vmul.f32 v25, v0;
	v33 =	vmul.f32 v25, v1  }
0x3a1: {  	v20 =	vld [tilespmem:s2+$0x3220];
	v24 =	vadd.f32 v30, v24;
	v34 =	vmul.f32 v25, v2;
	v36 =	vmul.f32 v25, v3  }
0x3a2: {  	v21 =	vld [tilespmem:s2+$0x3230];
	v37 =	vmul.f32 v25, v4;
	v26 =	vmul.f32 v25, v5;
	v23 =	vadd.f32 v9, v10  }
0x3a3: {  	v22 =	vld [tilespmem:s2+$0x3240];
	v25 =	vmul.f32 v25, v6;
	v10 =	vmul.f32 v29, v3;
	v14 =	vadd.f32 v14, v31  }
0x3a4: {  	v19 =	vld [tilespmem:s2+$0x3250];
	v15 =	vadd.f32 v15, v33;
	v16 =	vadd.f32 v16, v34;
	v23 =	vmax.f32 v23, $-1.000000000e+00  }
0x3a5: {  	s18 =	simm.s32 $0x1B700;
	v18 =	vld [tilespmem:s2+$0x3260];
	v30 =	vadd.f32 v17, v36;
	v14 =	vmax.f32 v14, $-1.000000000e+00;
	v35 =	vmin.f32 v23, $1.000000000e+00  }
0x3a6: {  	v17 =	vld [tilespmem:s2+$0x3270];
	v31 =	vadd.f32 v27, v37;
	v15 =	vmax.f32 v15, $-1.000000000e+00;
	v14 =	vmin.f32 v14, $1.000000000e+00;
	[tilespmem:s18+$0x70] =	vst v35  }
0x3a7: {  	v27 =	vld [tilespmem:s0+$0xFFFFFF90];
	v24 =	vadd.f32 v24, v25;
	v16 =	vmax.f32 v16, $-1.000000000e+00;
	[tilespmem:s18+$0x0] =	vst v14;
	v14 =	vmin.f32 v15, $1.000000000e+00  }
0x3a8: {  	v23 =	vld [tilespmem:s2+$0x3210];
	v15 =	vadd.f32 v28, v26;
	v26 =	vmax.f32 v30, $-1.000000000e+00;
	[tilespmem:s18+$0x10] =	vst v14;
	v14 =	vmin.f32 v16, $1.000000000e+00  }
0x3a9: {  	v9 =	vmul.f32 v29, v4;
	v25 =	vld [tilespmem:s0+$0xFFFFFFA0];
	v28 =	vmax.f32 v31, $-1.000000000e+00;
	v26 =	vmin.f32 v26, $1.000000000e+00;
	[tilespmem:s18+$0x20] =	vst v14  }
0x3aa: {  	v24 =	vmax.f32 v24, $-1.000000000e+00;
	v30 =	vmin.f32 v28, $1.000000000e+00;
	v28 =	vld [tilespmem:s0+$0xFFFFFFB0];
	v15 =	vmax.f32 v15, $-1.000000000e+00;
	[tilespmem:s18+$0x30] =	vst v26  }
0x3ab: {  	v16 =	vmul.f32 v29, v5;
	v14 =	vmul.f32 v29, v6;
	v26 =	vld [tilespmem:s0+$0xFFFFFFC0];
	[tilespmem:s18+$0x40] =	vst v30;
	v31 =	vmin.f32 v15, $1.000000000e+00  }
0x3ac: {  	s13 =	smov.u32 s31;
	s3 =	simm.s32 $0x1B700;
	s6 =	sadd.s32 $0x100, s22;
	v30 =	vadd.f32 v32, v63;
	v15 =	vmul.f32 v29, v7;
	v29 =	vmin.f32 v24, $1.000000000e+00;
	v24 =	vld [tilespmem:s0+$0xFFFFFFD0];
	[tilespmem:s18+$0x50] =	vst v31  }
.LBB2_21:
0x3ad: {  	v31 =	vld [tilespmem:s0+$0xFFFFFFE0];
	v23 =	vadd.f32 v23, v27;
	[tilespmem:s18+$0x60] =	vst v29;
	s2 =	smov.u32 s8;
	s8 =	sadd.s32 $0x2, s8  }
0x3ae: {  	s5 =	sand.u32 $0x30, s8;
	s10 =	sand.u32 $0xE, s8;
	p1 =	slt.u32 s8, $0x3E;
	v27 =	vld [tilespmem:s0+$0xFFFFFFF0];
	v13 =	vadd.f32 v30, v13;
	v20 =	vadd.f32 v20, v25  }
0x3af: {  	s17 =	sadd.s32 $0x2, s17;
	s0 =	sadd.s32 $0x100, s0;
	s2 =	sadd.s32 s2, s1;
	v25 =	vld.idx.msk [tilespmem:v8+s5+$0x0 ss:$0x1], $0xffff;
	v29 =	vmov s10;
	v12 =	vadd.f32 v23, v12;
	v21 =	vadd.f32 v21, v28  }
0x3b0: {  	s13 =	sadd.s32 $0x100, s13;
	s5 =	sand.u32 $0xFFFFFFF0, s17;
	s12 =	sadd.s32 $0x243, s2;
	v23 =	vld [tilespmem:s0+$0x0];
	v13 =	vmax.f32 v13, $-1.000000000e+00;
	v11 =	vadd.f32 v20, v11;
	v20 =	vadd.f32 v22, v26  }
0x3b1: {  	s10 =	sadd.s32 s13, s26;
	p2 =	sgt.u32 s12, $0xC7;
	s5 =	ssub.s32 s8, s5;
	v22 =	vld [tilespmem:s0+$0x10];
	v12 =	vmax.f32 v12, $-1.000000000e+00;
	v10 =	vadd.f32 v21, v10;
	v19 =	vadd.f32 v19, v24  }
0x3b2: {  	s12 =	sadd.s32 $0xFFFF9C00, s10;
	s14 =	sadd.s32 $0x1, s5;
	s5 =	smov.u32 s10;
	v21 =	vld [tilespmem:s0+$0x20];
	v11 =	vmax.f32 v11, $-1.000000000e+00;
	v9 =	vadd.f32 v20, v9;
	v18 =	vadd.f32 v18, v31  }
0x3b3: {  	s2 =	sadd.s32 $0x242, s2;
	s5 =	smov.u32 @p2 s12;
	v20 =	vld [tilespmem:s0+$0x70];
	v10 =	vmax.f32 v10, $-1.000000000e+00;
	v16 =	vadd.f32 v19, v16;
	v17 =	vadd.f32 v17, v27  }
0x3b4: {  	p2 =	sgt.u32 s2, $0xC7;
	s2 =	simm.s32 $0xFFFF9B80;
	v19 =	vmov s14;
	v24 =	vld [tilespmem:s5+$0x3270];
	v9 =	vmax.f32 v9, $-1.000000000e+00;
	v14 =	vadd.f32 v18, v14  }
0x3b5: {  	s2 =	simm.s32 @!p2 $0xFFFFFF80;
	v18 =	vperm.xlane v25, v29;
	v19 =	vperm.xlane v25, v19;
	v25 =	vld [tilespmem:s0+$0x30];
	v15 =	vadd.f32 v17, v15  }
0x3b6: {  	v13 =	vmin.f32 v13, $1.000000000e+00;
	s2 =	sadd.s32 s2, s10;
	v26 =	vmax.f32 v16, $-1.000000000e+00;
	v17 =	vld [tilespmem:s0+$0x40];
	v27 =	vmax.f32 v14, $-1.000000000e+00  }
0x3b7: {  	v18 =	vcvt.s32.f32 v18;
	v19 =	vcvt.s32.f32 v19;
	v28 =	vld [tilespmem:s0+$0x50];
	[tilespmem:s18+$0xFFFFFF80] =	vst v13;
	v29 =	vmax.f32 v15, $-1.000000000e+00  }
0x3b8: {  	v12 =	vmin.f32 v12, $1.000000000e+00;
	v14 =	vmin.f32 v11, $1.000000000e+00;
	v15 =	vmin.f32 v10, $1.000000000e+00;
	v30 =	vld [tilespmem:s0+$0x60]  }
0x3b9: {  	v13 =	vmul.f32 v18, v0;
	v31 =	vld [tilespmem:s5+$0x3200];
	v16 =	vadd.f32 v24, v20;
	v20 =	vmul.f32 v19, v7;
	[tilespmem:s18+$0xFFFFFF90] =	vst v12  }
0x3ba: {  	v32 =	vmin.f32 v9, $1.000000000e+00;
	v11 =	vmul.f32 v18, v2;
	v12 =	vmul.f32 v18, v1;
	v24 =	vld [tilespmem:s5+$0x3210];
	[tilespmem:s18+$0xFFFFFFA0] =	vst v14  }
0x3bb: {  	v10 =	vmul.f32 v18, v3;
	v9 =	vmul.f32 v18, v4;
	v33 =	vld [tilespmem:s5+$0x3220];
	v20 =	vadd.f32 v16, v20;
	[tilespmem:s18+$0xFFFFFFB0] =	vst v15  }
0x3bc: {  	v26 =	vmin.f32 v26, $1.000000000e+00;
	v14 =	vmul.f32 v18, v6;
	v16 =	vmul.f32 v18, v5;
	v34 =	vld [tilespmem:s5+$0x3230];
	[tilespmem:s18+$0xFFFFFFC0] =	vst v32  }
0x3bd: {  	v15 =	vmul.f32 v18, v7;
	v32 =	vmul.f32 v19, v0;
	v18 =	vld [tilespmem:s5+$0x3240];
	v20 =	vmax.f32 v20, $-1.000000000e+00;
	[tilespmem:s18+$0xFFFFFFD0] =	vst v26  }
0x3be: {  	v35 =	vmul.f32 v19, v1;
	v36 =	vmul.f32 v19, v2;
	s18 =	sadd.s32 $0x100, s18;
	v26 =	vld [tilespmem:s5+$0x3250];
	v20 =	vmin.f32 v20, $1.000000000e+00  }
0x3bf: {  	v38 =	vmul.f32 v19, v3;
	v39 =	vmul.f32 v19, v4;
	v31 =	vadd.f32 v31, v23;
	v37 =	vld [tilespmem:s5+$0x3260];
	[tilespmem:s18+$0x70] =	vst v20  }
0x3c0: {  	v41 =	vmul.f32 v19, v6;
	v22 =	vadd.f32 v24, v22;
	v24 =	vmul.f32 v19, v5;
	v40 =	vld [tilespmem:s2+$0x3200]  }
0x3c1: {  	v19 =	vadd.f32 v33, v21;
	v21 =	vmin.f32 v27, $1.000000000e+00;
	v23 =	vld [tilespmem:s2+$0x3210];
	v25 =	vadd.f32 v34, v25  }
0x3c2: {  	v27 =	vadd.f32 v31, v32;
	v20 =	vld [tilespmem:s2+$0x3220];
	v17 =	vadd.f32 v18, v17;
	[tilespmem:s3+$0xFFFFFFE0] =	vst v21;
	v18 =	vmin.f32 v29, $1.000000000e+00  }
0x3c3: {  	v29 =	vadd.f32 v22, v35;
	v21 =	vld [tilespmem:s2+$0x3230];
	v26 =	vadd.f32 v26, v28;
	[tilespmem:s3+$0xFFFFFFF0] =	vst v18;
	s3 =	smov.u32 s18  }
0x3c4: {  	v27 =	vmax.f32 v27, $-1.000000000e+00;
	v28 =	vadd.f32 v19, v36;
	v22 =	vld [tilespmem:s2+$0x3240];
	v30 =	vadd.f32 v37, v30  }
0x3c5: {  	v25 =	vadd.f32 v25, v38;
	v29 =	vmax.f32 v29, $-1.000000000e+00;
	v31 =	vadd.f32 v17, v39;
	v19 =	vld [tilespmem:s2+$0x3250]  }
0x3c6: {  	v28 =	vmax.f32 v28, $-1.000000000e+00;
	v24 =	vadd.f32 v26, v24;
	v18 =	vld [tilespmem:s2+$0x3260];
	v26 =	vadd.f32 v30, v41  }
0x3c7: {  	v27 =	vmin.f32 v27, $1.000000000e+00;
	v25 =	vmax.f32 v25, $-1.000000000e+00;
	v30 =	vmax.f32 v31, $-1.000000000e+00;
	v17 =	vld [tilespmem:s2+$0x3270]  }
0x3c8: {  	v29 =	vmin.f32 v29, $1.000000000e+00;
	v24 =	vmax.f32 v24, $-1.000000000e+00;
	v31 =	vld [tilespmem:s0+$0xFFFFFF80];
	[tilespmem:s18+$0x0] =	vst v27;
	v26 =	vmax.f32 v26, $-1.000000000e+00  }
.Ltmp11:
0x3c9: {  	v28 =	vmin.f32 v28, $1.000000000e+00;
	v32 =	vmin.f32 v25, $1.000000000e+00;
	v30 =	vmin.f32 v30, $1.000000000e+00;
	v27 =	vld [tilespmem:s0+$0xFFFFFF90];
	[tilespmem:s18+$0x10] =	vst v29;
	(pc) =	sbr.rel @p1 .LBB2_21-.Ltmp11, $4  }
0x3ca: {  	v33 =	vmin.f32 v24, $1.000000000e+00;
	v29 =	vmin.f32 v26, $1.000000000e+00;
	v25 =	vld [tilespmem:s0+$0xFFFFFFA0];
	[tilespmem:s18+$0x20] =	vst v28  }
0x3cb: {  	v28 =	vld [tilespmem:s0+$0xFFFFFFB0];
	[tilespmem:s18+$0x30] =	vst v32  }
0x3cc: {  	v26 =	vld [tilespmem:s0+$0xFFFFFFC0];
	[tilespmem:s18+$0x40] =	vst v30  }
0x3cd: {  	v24 =	vld [tilespmem:s0+$0xFFFFFFD0];
	v30 =	vadd.f32 v40, v31;
	[tilespmem:s18+$0x50] =	vst v33  }
0x3ce: {  	v8 =	vadd.f32 v23, v27  }
0x3cf: {  	v13 =	vadd.f32 v30, v13  }
0x3d0: {  	v20 =	vadd.f32 v20, v25;
	v8 =	vadd.f32 v8, v12  }
0x3d1: {  	v55 =	vld [tilespmem:s0+$0xFFFFFFE0];
	v57 =	vadd.f32 v21, v28;
	v13 =	vmax.f32 v13, $-1.000000000e+00  }
0x3d2: {  	v56 =	vld [tilespmem:s0+$0xFFFFFFF0];
	v11 =	vadd.f32 v20, v11;
	v58 =	vadd.f32 v22, v26;
	v8 =	vmax.f32 v8, $-1.000000000e+00  }
0x3d3: {  	[tilespmem:s18+$0x60] =	vst v29;
	v10 =	vadd.f32 v57, v10;
	v59 =	vadd.f32 v19, v24;
	v13 =	vmin.f32 v13, $1.000000000e+00  }
0x3d4: {  	v11 =	vmax.f32 v11, $-1.000000000e+00;
	v9 =	vadd.f32 v58, v9;
	[tilespmem:s18+$0xFFFFFF80] =	vst v13;
	v8 =	vmin.f32 v8, $1.000000000e+00  }
0x3d5: {  	v10 =	vmax.f32 v10, $-1.000000000e+00;
	v12 =	vadd.f32 v59, v16;
	v11 =	vmin.f32 v11, $1.000000000e+00;
	[tilespmem:s18+$0xFFFFFF90] =	vst v8  }
0x3d6: {  	v18 =	vadd.f32 v18, v55;
	v8 =	vmax.f32 v9, $-1.000000000e+00;
	v10 =	vmin.f32 v10, $1.000000000e+00;
	[tilespmem:s18+$0xFFFFFFA0] =	vst v11  }
0x3d7: {  	v60 =	vadd.f32 v17, v56;
	v12 =	vmax.f32 v12, $-1.000000000e+00;
	v8 =	vmin.f32 v8, $1.000000000e+00;
	[tilespmem:s18+$0xFFFFFFB0] =	vst v10  }
0x3d8: {  	v61 =	vadd.f32 v18, v14;
	[tilespmem:s18+$0xFFFFFFC0] =	vst v8;
	v8 =	vmin.f32 v12, $1.000000000e+00  }
0x3d9: {  	v62 =	vadd.f32 v60, v15;
	[tilespmem:s18+$0xFFFFFFD0] =	vst v8  }
.Ltmp12:
0x3da: {  	v9 =	vmax.f32 v61, $-1.000000000e+00;
	s30 =	rddreg [dreg:$0x4];
	(pc) =	sbr.rel @p0 .LBB2_24-.Ltmp12, $4  }
0x3db: {  	v63 =	vmax.f32 v62, $-1.000000000e+00;
	v8 =	vmin.f32 v9, $1.000000000e+00;
	s0 =	sadd.s32 s30, s6  }
0x3dc: {  	[tilespmem:s3+$0xFFFFFFE0] =	vst v8;
	v8 =	vmin.f32 v63, $1.000000000e+00;
	s0 =	sshll.u32 s0, $0x4  }
0x3dd: {  	s1 =	simm.s32 $0x0;
	s2 =	simm.s32 $0x1B680;
	[tilespmem:s3+$0xFFFFFFF0] =	vst v8;
	s0 =	sadd.s32 s29, s0  }
0x3de: {  	[hbm4b:s0+s1] =	stream.linear.scatter [tilespmem:s2], [sflag:$0xA], $0x2000, $0x38;
	[tilespmem:$0x1D680] =	vst v63  }
0x3df: {  	s0 =	smul.u32 $0x500, s11;
	s1 =	simm.s32 $0x40;
	s2 =	simm.s32 $0x11680  }
0x3e0: {  	s11 =	sadd.s32 $0x1, s11;
	s20 =	sadd.s32 $0x140, s20;
	s30 =	rddreg [dreg:$0x10]  }
0x3e1: {  	s4 =	sadd.s32 $0xA000, s4;
	s6 =	rddreg [dreg:$0x11];
	s15 =	sadd.s32 $0xA000, s15  }
.Ltmp13:
0x3e2: {  	s5 =	rddreg [dreg:$0x12];
	s16 =	sadd.s32 $0xA000, s16;
	(pc) =	sbr.rel .LBB2_12-.Ltmp13, $4  }
0x3e3: {  	s7 =	sadd.s32 $0x140, s7;
	s25 =	sadd.s32 $0xA000, s25;
	s0 =	sshra.s32 s0, $0x2  }
0x3e4: {  	s9 =	sadd.s32 $0x140, s9;
	s31 =	sadd.s32 $0xA000, s31;
	s0 =	sadd.s32 $0x240, s0  }
0x3e5: {  	[tilespmem:s2], [sflag:$0x5] =	stream.indirect.gather [hbm4b:s28+s1], $0x80, s0, s1, $0xb8;
	[tilespmem:$0x1D680] =	vst v63  }
0x3e6: {  	s6 =	sadd.s32 $0x140, s6;
	s5 =	sadd.s32 $0x140, s5;
	s1 =	sadd.s32 $0x140, s30  }
.LBB2_25:
0x3e7: {  	_ =	sfence.sel $0x180000  }
0x3e8: {  	[bflag:$0x0] =	sbarrier.arrive $0xFFFF  }
0x3e9: {  	_ =	strace $0x90000047  }
0x3ea: {  	s0 =	stileid.u32;
	[bflag:$0x2] =	sbarrier.arrive $0xFFFF  }
0x3eb: {  	p0 =	sne.s32 s0, $0x0;
	s0 =	rddreg [dreg:$0x3]  }
0x3ec: {  	s0 =	sadd.s32 @!p0 $0x100000, s0  }
0x3ed: {  	[sflag:s0] =	ssyncadd.tile.s32 @!p0 $0x1;
	_ =	shalt  }
.Lfunc_end2:
_tile_overlayer_lowered:
.L_overlay_start_2:
0x3ee: {  	(tag) =	ssettag $0x2  }
0x3ef: {  	s0 =	rddreg [dreg:$0x0];
	s2 =	stileid.u32  }
0x3f0: {  	s1 =	rddreg [dreg:$0x1];
	p0 =	sne.s32 s2, $0x0  }
0x3f1: {  	s3 =	rddreg [dreg:$0x2];
	[bflag:$0x3] =	sbarrier.arrive $0xFFFF;
	s2 =	simm.s32 @!p0 $0x1C0B  }
0x3f2: {  	[timem:s3], [sflag:s2] =	dma.local @!p0 [hbm:s0], s1  }
0x3f3: {  	s0 =	simm.s32 @!p0 $0xB  }
0x3f4: {  	_ =	swait.ge @!p0 [sflag:s0], s1  }
0x3f5: {  	s1 =	ssub.s32 @!p0 $0x0, s1;
	[sflag:s0] =	ssyncset.done @!p0 $0x0  }
0x3f6: {  	[sflag:s0] =	ssyncadd.s32 @!p0 s1  }
0x3f7: {  	[bflag:$0x3] =	sbarrier.arrive $0xFFFF  }
0x3f8: {  	_ =	shalt  }

</sc_bundles>
